<compile_context>
chip_gen: v7x
topology: tpu7x:2x2x1
jax: 0.10.2.dev20260603
libtpu: 0.0.44.dev20260713+nightly
codegen_flags: <defaults>
</compile_context>

<pallas_src>
import functools

import jax
import jax.numpy as jnp
from jax import lax
from jax.experimental import pallas as pl
from jax.experimental.pallas import tpu as pltpu
from jax.experimental.pallas import tpu_sc as plsc

N_RADIAL = 8
ENVELOPE_P = 6
CUTOFF = 1.0
AVG_NUM_NEIGHBORS = 32.0
EPS = 1.0 / (1.0 + AVG_NUM_NEIGHBORS) ** 0.5

NW = 32

_LO_PERM = [32 * g + i for g in range(4) for i in range(16)]
_HI_PERM = [32 * g + 16 + i for g in range(4) for i in range(16)]
NC = 2
NS = 16
K_EDGE = 80
LANES = 16
IDX_BITS = 14


def _edge_tc_body(vref, wloref, whiref, o0ref):
    v = vref[...]
    be = v.shape[1]
    r = jnp.sqrt(jnp.sum(v * v, axis=0, keepdims=True) + 1e-12)
    r_safe = jnp.clip(r, 1e-6, None)
    n = (lax.broadcasted_iota(jnp.int32, (N_RADIAL, be), 0) + 1
         ).astype(jnp.float32)
    sv = jnp.sin(n * (jnp.pi / CUTOFF) * r_safe)
    rb = jnp.sqrt(2.0 / CUTOFF) * sv / r_safe
    u = r / CUTOFF
    p = float(ENVELOPE_P)
    env = (1.0
           - (p + 1.0) * (p + 2.0) / 2.0 * u ** ENVELOPE_P
           + p * (p + 2.0) * u ** (ENVELOPE_P + 1)
           - p * (p + 1.0) / 2.0 * u ** (ENVELOPE_P + 2))
    env = jnp.where(u < 1.0, env, 0.0)
    rbf_t = rb * env
    dn = (((0,), (0,)), ((), ()))
    alo = lax.dot_general(rbf_t, wloref[...], dn,
                          preferred_element_type=jnp.float32)
    ahi = lax.dot_general(rbf_t, whiref[...], dn,
                          preferred_element_type=jnp.float32)
    lo = lax.bitcast_convert_type(alo.astype(jnp.bfloat16),
                                  jnp.uint16).astype(jnp.int32)
    hi = lax.bitcast_convert_type(ahi.astype(jnp.bfloat16),
                                  jnp.uint16).astype(jnp.int32)
    o0ref[...] = lo | lax.shift_left(hi, 16)


def _radial_tc(vectors_t, wlo, whi, be=3200):
    e, dh = vectors_t.shape[1], wlo.shape[1]
    return pl.pallas_call(
        _edge_tc_body,
        grid=(e // be,),
        in_specs=[
            pl.BlockSpec((3, be), lambda i: (0, i)),
            pl.BlockSpec((N_RADIAL, dh), lambda i: (0, 0)),
            pl.BlockSpec((N_RADIAL, dh), lambda i: (0, 0)),
        ],
        out_specs=pl.BlockSpec((be, dh), lambda i: (i, 0)),
        out_shape=jax.ShapeDtypeStruct((e, dh), jnp.int32),
    )(vectors_t, wlo, whi)


def _embed_tc_body(spref, tabref, oref):
    sp = spref[...]
    s = tabref.shape[0]
    bn = sp.shape[0]
    oh = (sp == lax.broadcasted_iota(jnp.int32, (bn, s), 1)).astype(jnp.float32)
    oref[...] = jnp.dot(oh, tabref[...], preferred_element_type=jnp.float32)


def _embed_tc(sp2d, table, bn=1000):
    n = sp2d.shape[0]
    s, d = table.shape
    return pl.pallas_call(
        _embed_tc_body,
        grid=(n // bn,),
        in_specs=[
            pl.BlockSpec((bn, 1), lambda i: (i, 0)),
            pl.BlockSpec((s, d), lambda i: (0, 0)),
        ],
        out_specs=pl.BlockSpec((bn, d), lambda i: (i, 0)),
        out_shape=jax.ShapeDtypeStruct((n, d), jnp.float32),
    )(sp2d, table)


def _make_sc_edge(n, d, ch):
    mesh = plsc.VectorSubcoreMesh(core_axis_name="c", subcore_axis_name="s")
    rows_full = 640
    rows_last = n - rows_full * (NS - 1)

    @functools.partial(
        pl.kernel,
        out_type=jax.ShapeDtypeStruct((NC, n, d), jnp.float32),
        mesh=mesh,
        compiler_params=pltpu.CompilerParams(needs_layout_passes=False),
        scratch_types=[
            pltpu.VMEM((K_EDGE,), jnp.int32),
            pltpu.VMEM((K_EDGE,), jnp.int32),
            pltpu.VMEM((K_EDGE,), jnp.int32),
            pltpu.VMEM((K_EDGE,), jnp.int32),
            pltpu.VMEM((K_EDGE,), jnp.int32),
            pltpu.VMEM((K_EDGE,), jnp.int32),
            pltpu.VMEM((K_EDGE, d), jnp.float32),
            pltpu.VMEM((K_EDGE, d), jnp.float32),
            pltpu.VMEM((K_EDGE, d // 2), jnp.int32),
            pltpu.VMEM((K_EDGE, d // 2), jnp.int32),
            pltpu.VMEM_SHARED((n, d), jnp.float32),
            pltpu.SemaphoreType.DMA,
            pltpu.SemaphoreType.DMA,
            pltpu.SemaphoreType.DMA,
            pltpu.SemaphoreType.DMA,
            pltpu.SemaphoreType.DMA,
            pltpu.SemaphoreType.DMA,
        ],
    )
    def sc_edge(nf_hbm, rad_hbm, idx_hbm, out_hbm,
                cidx0, cidx1, sidx0, sidx1, ridx0, ridx1, rows0, rows1,
                rad0, rad1, agg_sh, semi0, semi1, semg0, semg1, sems0, sems1):
        cid = lax.axis_index("c")
        sid = lax.axis_index("s")
        wid = sid * NC + cid
        r0 = sid * rows_full
        base_e = wid * ch * K_EDGE
        zero = jnp.zeros((LANES,), jnp.float32)
        mask = jnp.full((LANES,), (1 << IDX_BITS) - 1, jnp.int32)
        shift = jnp.full((LANES,), IDX_BITS, jnp.int32)
        bufs = ((cidx0, sidx0, ridx0, rows0, rad0, semi0, semg0, sems0),
                (cidx1, sidx1, ridx1, rows1, rad1, semi1, semg1, sems1))

        def zbody(i, _):
            for cc in range(d // LANES):
                rows0[i, pl.ds(cc * LANES, LANES)] = zero
            return 0

        lax.fori_loop(0, K_EDGE, zbody, 0)

        @pl.when(sid < NS - 1)
        def _():
            for t in range(rows_full // K_EDGE):
                pltpu.sync_copy(rows0,
                                agg_sh.at[pl.ds(r0 + t * K_EDGE, K_EDGE)])

        @pl.when(sid == NS - 1)
        def _():
            for t in range(rows_last // K_EDGE):
                pltpu.sync_copy(rows0,
                                agg_sh.at[pl.ds(r0 + t * K_EDGE, K_EDGE)])

        plsc.subcore_barrier()

        def fire_idx(j, b):
            cidx, semi = bufs[b][0], bufs[b][5]
            pltpu.make_async_copy(
                idx_hbm.at[pl.ds(base_e + j * K_EDGE, K_EDGE)], cidx,
                semi).start()

        def wait_unpack(b):
            cidx, sidx, ridx, semi = bufs[b][0], bufs[b][1], bufs[b][2], \
                bufs[b][5]
            pltpu.make_async_copy(idx_hbm.at[pl.ds(base_e, K_EDGE)], cidx,
                                  semi).wait()
            for c in range(K_EDGE // LANES):
                s = pl.ds(c * LANES, LANES)
                packed = cidx[s]
                sidx[s] = packed & mask
                ridx[s] = lax.shift_right_logical(packed, shift)

        def fire_gr(j, b):
            sidx, rows, rad, semg = bufs[b][1], bufs[b][3], bufs[b][4], \
                bufs[b][6]
            pltpu.make_async_copy(nf_hbm.at[sidx], rows, semg).start()
            pltpu.make_async_copy(
                rad_hbm.at[pl.ds(base_e + j * K_EDGE, K_EDGE)], rad,
                semg).start()

        def drain_gr(b):
            sidx, rows, rad, semg = bufs[b][1], bufs[b][3], bufs[b][4], \
                bufs[b][6]
            pltpu.make_async_copy(nf_hbm.at[sidx], rows, semg).wait()
            pltpu.make_async_copy(rad_hbm.at[pl.ds(base_e, K_EDGE)], rad,
                                  semg).wait()

        shl16 = jnp.full((LANES,), 16, jnp.int32)
        himask = jnp.full((LANES,), -65536, jnp.int32)

        def mult(b):
            rows, rad = bufs[b][3], bufs[b][4]

            def mbody(ii, _):
                for q in range(4):
                    i = ii * 4 + q
                    for cc in range(d // (2 * LANES)):
                        pv = rad[i, pl.ds(cc * LANES, LANES)]
                        a = plsc.bitcast(lax.shift_left(pv, shl16),
                                         jnp.float32)
                        bb = plsc.bitcast(pv & himask, jnp.float32)
                        s0 = pl.ds(cc * 2 * LANES, LANES)
                        s1 = pl.ds(cc * 2 * LANES + LANES, LANES)
                        rows[i, s0] = rows[i, s0] * a
                        rows[i, s1] = rows[i, s1] * bb
                return 0

            lax.fori_loop(0, K_EDGE // 4, mbody, 0)

        def fire_scatter(b):
            ridx, rows, sems = bufs[b][2], bufs[b][3], bufs[b][7]
            pltpu.async_copy(rows, agg_sh.at[ridx], sems, add=True)

        def drain_scatter(b):
            ridx, rows, sems = bufs[b][2], bufs[b][3], bufs[b][7]
            pltpu.make_async_copy(rows, agg_sh.at[ridx], sems).wait()

        fire_idx(0, 0)
        wait_unpack(0)
        fire_gr(0, 0)
        fire_idx(1, 1)

        def pair(jj, _):
            for b in range(2):
                j = jj * 2 + b
                nb = (b + 1) % 2

                @pl.when(j < ch)
                def _():
                    @pl.when(j + 2 < ch)
                    def _():
                        fire_idx(j + 2, b)

                    @pl.when(j >= 1)
                    def _():
                        drain_scatter(nb)

                    @pl.when(j + 1 < ch)
                    def _():
                        wait_unpack(nb)
                        fire_gr(j + 1, nb)

                    drain_gr(b)
                    mult(b)
                    fire_scatter(b)
            return 0

        lax.fori_loop(0, (ch + 1) // 2, pair, 0)
        drain_scatter((ch - 1) % 2)
        plsc.subcore_barrier()

        @pl.when(sid < NS - 1)
        def _():
            pltpu.sync_copy(agg_sh.at[pl.ds(r0, rows_full)],
                            out_hbm.at[cid, pl.ds(r0, rows_full)])

        @pl.when(sid == NS - 1)
        def _():
            pltpu.sync_copy(agg_sh.at[pl.ds(r0, rows_last)],
                            out_hbm.at[cid, pl.ds(r0, rows_last)])

    return sc_edge


def _silu(x):
    return x * (1.0 / (1.0 + jnp.exp(-x)))


def _msg_block(aref, wmref, wpref):
    a = aref[...]
    agg = (a[0] + a[1]) * EPS
    h = _silu(jnp.dot(agg, wmref[...], preferred_element_type=jnp.float32)) * EPS
    hh = h + h * h + h * h * h
    return jnp.dot(hh, wpref[...], preferred_element_type=jnp.float32)


def _mid_tc_body(aref, wmref, wpref, oref):
    oref[...] = _msg_block(aref, wmref, wpref)


def _mid_tc(aggp, wm, wp, n, bn=1000):
    d = wm.shape[0]
    return pl.pallas_call(
        _mid_tc_body,
        grid=(n // bn,),
        in_specs=[
            pl.BlockSpec((NC, bn, d), lambda i: (0, i, 0)),
            pl.BlockSpec((d, d), lambda i: (0, 0)),
            pl.BlockSpec((d, d), lambda i: (0, 0)),
        ],
        out_specs=pl.BlockSpec((bn, d), lambda i: (i, 0)),
        out_shape=jax.ShapeDtypeStruct((n, d), jnp.float32),
    )(aggp, wm, wp)


def _final_tc_body(aref, nfref, spref, wmref, wpref, wskref, wr0ref, wr1ref,
                   oref):
    hp = _msg_block(aref, wmref, wpref)
    nf = nfref[...]
    sp = spref[...]
    nspec = wskref.shape[0]
    sc = jnp.zeros_like(hp)
    for s in range(nspec):
        zs = jnp.dot(nf, wskref[s], preferred_element_type=jnp.float32)
        sc = sc + jnp.where(sp == s, zs, 0.0)
    nf2 = hp + sc
    oref[...] = (jnp.dot(nf, wr0ref[...], preferred_element_type=jnp.float32)
                 + jnp.dot(nf2, wr1ref[...], preferred_element_type=jnp.float32))


def _final_tc(aggp, nf1, sp2d, wm, wp, wsk, wr0, wr1, bn=1000):
    n, d = nf1.shape
    nspec = wsk.shape[0]
    return pl.pallas_call(
        _final_tc_body,
        grid=(n // bn,),
        in_specs=[
            pl.BlockSpec((NC, bn, d), lambda i: (0, i, 0)),
            pl.BlockSpec((bn, d), lambda i: (i, 0)),
            pl.BlockSpec((bn, 1), lambda i: (i, 0)),
            pl.BlockSpec((d, d), lambda i: (0, 0)),
            pl.BlockSpec((d, d), lambda i: (0, 0)),
            pl.BlockSpec((nspec, d, d), lambda i: (0, 0, 0)),
            pl.BlockSpec((d, 1), lambda i: (0, 0)),
            pl.BlockSpec((d, 1), lambda i: (0, 0)),
        ],
        out_specs=pl.BlockSpec((bn, 1), lambda i: (i, 0)),
        out_shape=jax.ShapeDtypeStruct((n, 1), jnp.float32),
    )(aggp, nf1, sp2d, wm, wp, wsk, wr0, wr1)


def kernel(vectors, embed_table, W_rbf, W_msg, W_skip, W_prod, W_readout,
           senders, receivers, node_species):
    e = vectors.shape[0]
    n, d = node_species.shape[0], embed_table.shape[1]
    ew = e // NW
    ch = ew // K_EDGE

    snd = senders.astype(jnp.int32)
    rcv = receivers.astype(jnp.int32)
    packed = snd | (rcv << IDX_BITS)
    sp2d = node_species.astype(jnp.int32).reshape(n, 1)

    vt = vectors.T
    lo_p = jnp.asarray(_LO_PERM, jnp.int32)
    hi_p = jnp.asarray(_HI_PERM, jnp.int32)
    radial0 = _radial_tc(vt, W_rbf[0][:, lo_p], W_rbf[0][:, hi_p])
    nf0 = _embed_tc(sp2d, embed_table)

    sc_edge = _make_sc_edge(n, d, ch)
    aggp0 = sc_edge(nf0, radial0, packed)
    radial1 = _radial_tc(vt, W_rbf[1][:, lo_p],
                         W_rbf[1][:, hi_p])
    nf1 = _mid_tc(aggp0, W_msg[0], W_prod[0], n)
    aggp1 = sc_edge(nf1, radial1, packed)
    out = _final_tc(aggp1, nf1, sp2d, W_msg[1], W_prod[1], W_skip[1],
                    W_readout[0], W_readout[1])
    return out

# --- scband reference (transcript-rebuilt; emitter-appended) ---
"""Pipeline reference for scband-mace-2061584302409 (READ-ONLY COPY).

The authoritative reference and input builder live on the scoring server;
editing this copy changes nothing except your own understanding.
"""

import jax, jax.numpy as jnp
import numpy as np

N = 10000
E = 320000
D = 128
NUM_SPECIES = 10
N_RADIAL = 8
NUM_LAYERS = 2
ENVELOPE_P = 6
CUTOFF = 1.0
AVG_NUM_NEIGHBORS = 32.0


def bessel_embedding(r, num_radial, cutoff, p):
    # RadialBesselLayer: bessel basis with smooth polynomial envelope
    r_safe = jnp.clip(r, 1e-6, None)
    n = jnp.arange(1, num_radial + 1, dtype=r.dtype)
    rb = jnp.sqrt(2.0 / cutoff) * jnp.sin(n * jnp.pi * r_safe[:, None] / cutoff) / r_safe[:, None]
    u = r / cutoff
    env = (1.0
           - (p + 1.0) * (p + 2.0) / 2.0 * u ** p
           + p * (p + 2.0) * u ** (p + 1)
           - p * (p + 1.0) / 2.0 * u ** (p + 2))
    env = jnp.where(u < 1.0, env, 0.0)
    return rb * env[:, None]


def setup_inputs(seed: int = 0) -> dict:
    key = jax.random.key(seed)
    ks = jax.random.split(key, 10)
    vectors = jax.random.normal(ks[0], (E, 3), jnp.float32) * 0.3
    senders = jax.random.randint(ks[1], (E,), 0, N, dtype=jnp.int32).astype(jnp.int64)
    receivers = jax.random.randint(ks[2], (E,), 0, N, dtype=jnp.int32).astype(jnp.int64)
    node_species = jax.random.randint(ks[3], (N,), 0, NUM_SPECIES, dtype=jnp.int32).astype(jnp.int64)
    embed_table = jax.random.normal(ks[4], (NUM_SPECIES, D), jnp.float32) / jnp.sqrt(D)
    W_rbf = jax.random.normal(ks[5], (NUM_LAYERS, N_RADIAL, D), jnp.float32) / jnp.sqrt(N_RADIAL)
    W_msg = jax.random.normal(ks[6], (NUM_LAYERS, D, D), jnp.float32) / jnp.sqrt(D)
    W_skip = jax.random.normal(ks[7], (NUM_LAYERS, NUM_SPECIES, D, D), jnp.float32) / jnp.sqrt(D)
    W_prod = jax.random.normal(ks[8], (NUM_LAYERS, D, D), jnp.float32) / jnp.sqrt(D)
    W_readout = jax.random.normal(ks[9], (NUM_LAYERS, D, 1), jnp.float32) / jnp.sqrt(D)
    return {
        'vectors': vectors,
        'embed_table': embed_table,
        'W_rbf': W_rbf,
        'W_msg': W_msg,
        'W_skip': W_skip,
        'W_prod': W_prod,
        'W_readout': W_readout,
        'senders': senders,
        'receivers': receivers,
        'node_species': node_species,
    }


def reference(vectors, embed_table, W_rbf, W_msg, W_skip, W_prod, W_readout, senders, receivers, node_species):
    # learned varepsilon init = sqrt(avg_num_neighbors); epsilon = 1/sqrt(1+eps^2)
    epsilon = 1.0 / jnp.sqrt(1.0 + AVG_NUM_NEIGHBORS)
    # C_LinearNodeEmbeddingLayer: per-species embedding lookup
    node_feats = jnp.take(embed_table, node_species, axis=0)
    # RadialBesselLayer on edge lengths
    r = jnp.sqrt(jnp.sum(vectors ** 2, axis=-1) + 1e-12)
    rbf = bessel_embedding(r, N_RADIAL, CUTOFF, ENVELOPE_P)
    out = jnp.zeros((N, 1), dtype=vectors.dtype)
    for l in range(NUM_LAYERS):
        # skip connection (species-indexed linear), applied for layers > 0
        if l > 0:
            all_sc = jnp.einsum('nd,sde->nse', node_feats, W_skip[l])
            sc = jnp.take_along_axis(all_sc, node_species[:, None, None], axis=1)[:, 0, :]
        else:
            sc = None
        # InteractionLayer: radial MLP weights on rbf, gather sender feats,
        # modulate, scatter-add into receivers
        radial = rbf @ W_rbf[l]                      # [E, D]
        msg = jnp.take(node_feats, senders, axis=0) * radial
        agg = jnp.zeros((N, D), dtype=vectors.dtype).at[receivers].add(msg)
        agg = agg * epsilon
        h = jax.nn.silu(agg @ W_msg[l]) * epsilon
        # EquivariantProductBasisLayer (correlation=3): symmetric power expansion
        hp = (h + h * h + h * h * h) @ W_prod[l]
        node_feats = hp + (sc if sc is not None else 0.0)
        # readout per layer, summed across interactions
        out = out + node_feats @ W_readout[l]
    return out


if False:  # reference __main__ guard neutralized (emitter)
    inp = setup_inputs()
    o = reference(**inp)
    print(o.shape, o.dtype)

if __name__ == "__main__":
    import jax
    _d = setup_inputs()
    print(jax.jit(kernel)(*tuple(_d.values())))

</pallas_src>

<mosaic_0001>
#map = affine_map<(d0, d1) -> (0, 0)>
#map1 = affine_map<(d0, d1) -> (0)>
#map2 = affine_map<(d0, d1) -> (0, 0, 0)>
module attributes {stable_mosaic.version = 14 : i64} {
  func.func @sc_edge(%arg0: i32, %arg1: i32, %arg2: memref<10000x128xf32, #tpu.memory_space<hbm>>, %arg3: memref<320000x64xi32, #tpu.memory_space<hbm>>, %arg4: memref<320000xi32, #tpu.memory_space<hbm>>, %arg5: memref<2x10000x128xf32, #tpu.memory_space<hbm>>, %arg6: memref<80xi32, #tpu.memory_space<vmem>>, %arg7: memref<80xi32, #tpu.memory_space<vmem>>, %arg8: memref<80xi32, #tpu.memory_space<vmem>>, %arg9: memref<80xi32, #tpu.memory_space<vmem>>, %arg10: memref<80xi32, #tpu.memory_space<vmem>>, %arg11: memref<80xi32, #tpu.memory_space<vmem>>, %arg12: memref<80x128xf32, #tpu.memory_space<vmem>>, %arg13: memref<80x128xf32, #tpu.memory_space<vmem>>, %arg14: memref<80x64xi32, #tpu.memory_space<vmem>>, %arg15: memref<80x64xi32, #tpu.memory_space<vmem>>, %arg16: memref<10000x128xf32, #tpu.memory_space<vmem_shared>>, %arg17: memref<!tpu.dma_semaphore, #tpu.memory_space<semaphore_mem>>, %arg18: memref<!tpu.dma_semaphore, #tpu.memory_space<semaphore_mem>>, %arg19: memref<!tpu.dma_semaphore, #tpu.memory_space<semaphore_mem>>, %arg20: memref<!tpu.dma_semaphore, #tpu.memory_space<semaphore_mem>>, %arg21: memref<!tpu.dma_semaphore, #tpu.memory_space<semaphore_mem>>, %arg22: memref<!tpu.dma_semaphore, #tpu.memory_space<semaphore_mem>>) attributes {dimension_semantics = [#tpu.dimension_semantics<core_parallel>, #tpu.dimension_semantics<subcore_parallel>], iteration_bounds = array<i64: 2, 16>, scalar_prefetch = 0 : i64, scratch_operands = 17 : i64, tpu.core_type = #tpu.core_type<sc_vector_subcore>, window_params = [{transform_indices = #map}, {transform_indices = #map}, {transform_indices = #map1}, {transform_indices = #map2}]} {
    %mul3A = arith.constant 2 : i32
    %mul3A_0 = arith.muli %arg1, %mul3A : i32
    %add3A = arith.addi %mul3A_0, %arg0 : i32
    %mul3A_1 = arith.constant 640 : i32
    %mul3A_2 = arith.muli %arg1, %mul3A_1 : i32
    %mul3A_3 = arith.constant 125 : i32
    %mul3A_4 = arith.muli %add3A, %mul3A_3 : i32
    %mul3A_5 = arith.constant 80 : i32
    %mul3A_6 = arith.muli %mul3A_4, %mul3A_5 : i32
    %broadcast_in_dim3A = arith.constant 0.000000e+00 : f32
    %broadcast_in_dim3A_7 = vector.broadcast %broadcast_in_dim3A : f32 to vector<16xf32>
    %broadcast_in_dim3A_8 = arith.constant 16383 : i32
    %broadcast_in_dim3A_9 = vector.broadcast %broadcast_in_dim3A_8 : i32 to vector<16xi32>
    %broadcast_in_dim3A_10 = arith.constant 14 : i32
    %broadcast_in_dim3A_11 = vector.broadcast %broadcast_in_dim3A_10 : i32 to vector<16xi32>
    %scan3A = arith.constant 0 : i32
    %scan3A_12 = arith.constant 0 : i32
    %scan3A_13 = arith.constant 80 : i32
    %scan3A_14 = arith.addi %scan3A_12, %scan3A_13 : i32
    %scan3A_15 = arith.constant 1 : i32
    %scan3A_16 = scf.for %scan3A_102 = %scan3A_12 to %scan3A_14 step %scan3A_15 iter_args(%scan3A_103 = %scan3A) -> (i32)  : i32 {
      %swap3A_104 = arith.index_cast %scan3A_102 : i32 to index
      %swap3A_105 = arith.constant 0 : index
      %swap3A_106 = tpu.vector_load %arg12[%swap3A_104, %swap3A_105] {strides = array<i32>} : memref<80x128xf32, #tpu.memory_space<vmem>>, vector<16xf32>,
      tpu.vector_store %arg12[%swap3A_104, %swap3A_105], %broadcast_in_dim3A_7 {strides = array<i32>} : memref<80x128xf32, #tpu.memory_space<vmem>>, vector<16xf32>,
      %swap3A_107 = arith.index_cast %scan3A_102 : i32 to index
      %swap3A_108 = arith.constant 16 : index
      %swap3A_109 = tpu.vector_load %arg12[%swap3A_107, %swap3A_108] {strides = array<i32>} : memref<80x128xf32, #tpu.memory_space<vmem>>, vector<16xf32>,
      tpu.vector_store %arg12[%swap3A_107, %swap3A_108], %broadcast_in_dim3A_7 {strides = array<i32>} : memref<80x128xf32, #tpu.memory_space<vmem>>, vector<16xf32>,
      %swap3A_110 = arith.index_cast %scan3A_102 : i32 to index
      %swap3A_111 = arith.constant 32 : index
      %swap3A_112 = tpu.vector_load %arg12[%swap3A_110, %swap3A_111] {strides = array<i32>} : memref<80x128xf32, #tpu.memory_space<vmem>>, vector<16xf32>,
      tpu.vector_store %arg12[%swap3A_110, %swap3A_111], %broadcast_in_dim3A_7 {strides = array<i32>} : memref<80x128xf32, #tpu.memory_space<vmem>>, vector<16xf32>,
      %swap3A_113 = arith.index_cast %scan3A_102 : i32 to index
      %swap3A_114 = arith.constant 48 : index
      %swap3A_115 = tpu.vector_load %arg12[%swap3A_113, %swap3A_114] {strides = array<i32>} : memref<80x128xf32, #tpu.memory_space<vmem>>, vector<16xf32>,
      tpu.vector_store %arg12[%swap3A_113, %swap3A_114], %broadcast_in_dim3A_7 {strides = array<i32>} : memref<80x128xf32, #tpu.memory_space<vmem>>, vector<16xf32>,
      %swap3A_116 = arith.index_cast %scan3A_102 : i32 to index
      %swap3A_117 = arith.constant 64 : index
      %swap3A_118 = tpu.vector_load %arg12[%swap3A_116, %swap3A_117] {strides = array<i32>} : memref<80x128xf32, #tpu.memory_space<vmem>>, vector<16xf32>,
      tpu.vector_store %arg12[%swap3A_116, %swap3A_117], %broadcast_in_dim3A_7 {strides = array<i32>} : memref<80x128xf32, #tpu.memory_space<vmem>>, vector<16xf32>,
      %swap3A_119 = arith.index_cast %scan3A_102 : i32 to index
      %swap3A_120 = arith.constant 80 : index
      %swap3A_121 = tpu.vector_load %arg12[%swap3A_119, %swap3A_120] {strides = array<i32>} : memref<80x128xf32, #tpu.memory_space<vmem>>, vector<16xf32>,
      tpu.vector_store %arg12[%swap3A_119, %swap3A_120], %broadcast_in_dim3A_7 {strides = array<i32>} : memref<80x128xf32, #tpu.memory_space<vmem>>, vector<16xf32>,
      %swap3A_122 = arith.index_cast %scan3A_102 : i32 to index
      %swap3A_123 = arith.constant 96 : index
      %swap3A_124 = tpu.vector_load %arg12[%swap3A_122, %swap3A_123] {strides = array<i32>} : memref<80x128xf32, #tpu.memory_space<vmem>>, vector<16xf32>,
      tpu.vector_store %arg12[%swap3A_122, %swap3A_123], %broadcast_in_dim3A_7 {strides = array<i32>} : memref<80x128xf32, #tpu.memory_space<vmem>>, vector<16xf32>,
      %swap3A_125 = arith.index_cast %scan3A_102 : i32 to index
      %swap3A_126 = arith.constant 112 : index
      %swap3A_127 = tpu.vector_load %arg12[%swap3A_125, %swap3A_126] {strides = array<i32>} : memref<80x128xf32, #tpu.memory_space<vmem>>, vector<16xf32>,
      tpu.vector_store %arg12[%swap3A_125, %swap3A_126], %broadcast_in_dim3A_7 {strides = array<i32>} : memref<80x128xf32, #tpu.memory_space<vmem>>, vector<16xf32>,
      %scan3A_128 = arith.constant 0 : i32
      scf.yield %scan3A_128 : i32
    }
    %scan3A_17 = arith.constant 80 : i32
    %lt3A = arith.constant 15 : i32
    %lt3A_18 = arith.cmpi slt, %arg1, %lt3A : i32
    %convert_element_type3A = arith.extui %lt3A_18 : i1 to i32
    %cond3A = arith.constant 0 : i32
    %cond3A_19 = arith.cmpi ne, %convert_element_type3A, %cond3A : i32
    scf.if %cond3A_19 {
      %add3A_102 = arith.constant 0 : i32
      %add3A_103 = arith.addi %mul3A_2, %add3A_102 : i32
      "tpu.region"() ({
        %run_scoped3A = tpu.sem_alloc : memref<!tpu.dma_semaphore, #tpu.memory_space<semaphore_mem>>
        %dma_start3A_118 = arith.constant 0 : i32
        %dma_start3A_119 = tpu.memref_slice %arg16[%add3A_103, %dma_start3A_118] : memref<10000x128xf32, #tpu.memory_space<vmem_shared>> -> memref<80x128xf32, #tpu.memory_space<vmem_shared>>
        %dma_start3A_120 = arith.constant 0 : i32
        %dma_start3A_121 = tpu.memref_slice %arg16[%add3A_103, %dma_start3A_120] : memref<10000x128xf32, #tpu.memory_space<vmem_shared>> -> memref<80x128xf32, #tpu.memory_space<vmem_shared>>
        tpu.enqueue_dma source(%arg12 : memref<80x128xf32, #tpu.memory_space<vmem>>) target(%dma_start3A_121 : memref<80x128xf32, #tpu.memory_space<vmem_shared>>) target_semaphore(%run_scoped3A : memref<!tpu.dma_semaphore, #tpu.memory_space<semaphore_mem>>)
        %dma_wait3A_122 = arith.constant 0 : i32
        %dma_wait3A_123 = tpu.memref_slice %arg16[%add3A_103, %dma_wait3A_122] : memref<10000x128xf32, #tpu.memory_space<vmem_shared>> -> memref<80x128xf32, #tpu.memory_space<vmem_shared>>
        %dma_wait3A_124 = arith.constant 0 : i32
        %dma_wait3A_125 = tpu.memref_slice %arg16[%add3A_103, %dma_wait3A_124] : memref<10000x128xf32, #tpu.memory_space<vmem_shared>> -> memref<80x128xf32, #tpu.memory_space<vmem_shared>>
        tpu.wait_dma2 semaphore(%run_scoped3A : memref<!tpu.dma_semaphore, #tpu.memory_space<semaphore_mem>>) src(%arg12 : memref<80x128xf32, #tpu.memory_space<vmem>>) dst(%dma_wait3A_125 : memref<80x128xf32, #tpu.memory_space<vmem_shared>>)
        tpu.yield
      }) : () -> ()
      %add3A_104 = arith.constant 80 : i32
      %add3A_105 = arith.addi %mul3A_2, %add3A_104 : i32
      "tpu.region"() ({
        %run_scoped3A = tpu.sem_alloc : memref<!tpu.dma_semaphore, #tpu.memory_space<semaphore_mem>>
        %dma_start3A_118 = arith.constant 0 : i32
        %dma_start3A_119 = tpu.memref_slice %arg16[%add3A_105, %dma_start3A_118] : memref<10000x128xf32, #tpu.memory_space<vmem_shared>> -> memref<80x128xf32, #tpu.memory_space<vmem_shared>>
        %dma_start3A_120 = arith.constant 0 : i32
        %dma_start3A_121 = tpu.memref_slice %arg16[%add3A_105, %dma_start3A_120] : memref<10000x128xf32, #tpu.memory_space<vmem_shared>> -> memref<80x128xf32, #tpu.memory_space<vmem_shared>>
        tpu.enqueue_dma source(%arg12 : memref<80x128xf32, #tpu.memory_space<vmem>>) target(%dma_start3A_121 : memref<80x128xf32, #tpu.memory_space<vmem_shared>>) target_semaphore(%run_scoped3A : memref<!tpu.dma_semaphore, #tpu.memory_space<semaphore_mem>>)
        %dma_wait3A_122 = arith.constant 0 : i32
        %dma_wait3A_123 = tpu.memref_slice %arg16[%add3A_105, %dma_wait3A_122] : memref<10000x128xf32, #tpu.memory_space<vmem_shared>> -> memref<80x128xf32, #tpu.memory_space<vmem_shared>>
        %dma_wait3A_124 = arith.constant 0 : i32
        %dma_wait3A_125 = tpu.memref_slice %arg16[%add3A_105, %dma_wait3A_124] : memref<10000x128xf32, #tpu.memory_space<vmem_shared>> -> memref<80x128xf32, #tpu.memory_space<vmem_shared>>
        tpu.wait_dma2 semaphore(%run_scoped3A : memref<!tpu.dma_semaphore, #tpu.memory_space<semaphore_mem>>) src(%arg12 : memref<80x128xf32, #tpu.memory_space<vmem>>) dst(%dma_wait3A_125 : memref<80x128xf32, #tpu.memory_space<vmem_shared>>)
        tpu.yield
      }) : () -> ()
      %add3A_106 = arith.constant 160 : i32
      %add3A_107 = arith.addi %mul3A_2, %add3A_106 : i32
      "tpu.region"() ({
        %run_scoped3A = tpu.sem_alloc : memref<!tpu.dma_semaphore, #tpu.memory_space<semaphore_mem>>
        %dma_start3A_118 = arith.constant 0 : i32
        %dma_start3A_119 = tpu.memref_slice %arg16[%add3A_107, %dma_start3A_118] : memref<10000x128xf32, #tpu.memory_space<vmem_shared>> -> memref<80x128xf32, #tpu.memory_space<vmem_shared>>
        %dma_start3A_120 = arith.constant 0 : i32
        %dma_start3A_121 = tpu.memref_slice %arg16[%add3A_107, %dma_start3A_120] : memref<10000x128xf32, #tpu.memory_space<vmem_shared>> -> memref<80x128xf32, #tpu.memory_space<vmem_shared>>
        tpu.enqueue_dma source(%arg12 : memref<80x128xf32, #tpu.memory_space<vmem>>) target(%dma_start3A_121 : memref<80x128xf32, #tpu.memory_space<vmem_shared>>) target_semaphore(%run_scoped3A : memref<!tpu.dma_semaphore, #tpu.memory_space<semaphore_mem>>)
        %dma_wait3A_122 = arith.constant 0 : i32
        %dma_wait3A_123 = tpu.memref_slice %arg16[%add3A_107, %dma_wait3A_122] : memref<10000x128xf32, #tpu.memory_space<vmem_shared>> -> memref<80x128xf32, #tpu.memory_space<vmem_shared>>
        %dma_wait3A_124 = arith.constant 0 : i32
        %dma_wait3A_125 = tpu.memref_slice %arg16[%add3A_107, %dma_wait3A_124] : memref<10000x128xf32, #tpu.memory_space<vmem_shared>> -> memref<80x128xf32, #tpu.memory_space<vmem_shared>>
        tpu.wait_dma2 semaphore(%run_scoped3A : memref<!tpu.dma_semaphore, #tpu.memory_space<semaphore_mem>>) src(%arg12 : memref<80x128xf32, #tpu.memory_space<vmem>>) dst(%dma_wait3A_125 : memref<80x128xf32, #tpu.memory_space<vmem_shared>>)
        tpu.yield
      }) : () -> ()
      %add3A_108 = arith.constant 240 : i32
      %add3A_109 = arith.addi %mul3A_2, %add3A_108 : i32
      "tpu.region"() ({
        %run_scoped3A = tpu.sem_alloc : memref<!tpu.dma_semaphore, #tpu.memory_space<semaphore_mem>>
        %dma_start3A_118 = arith.constant 0 : i32
        %dma_start3A_119 = tpu.memref_slice %arg16[%add3A_109, %dma_start3A_118] : memref<10000x128xf32, #tpu.memory_space<vmem_shared>> -> memref<80x128xf32, #tpu.memory_space<vmem_shared>>
        %dma_start3A_120 = arith.constant 0 : i32
        %dma_start3A_121 = tpu.memref_slice %arg16[%add3A_109, %dma_start3A_120] : memref<10000x128xf32, #tpu.memory_space<vmem_shared>> -> memref<80x128xf32, #tpu.memory_space<vmem_shared>>
        tpu.enqueue_dma source(%arg12 : memref<80x128xf32, #tpu.memory_space<vmem>>) target(%dma_start3A_121 : memref<80x128xf32, #tpu.memory_space<vmem_shared>>) target_semaphore(%run_scoped3A : memref<!tpu.dma_semaphore, #tpu.memory_space<semaphore_mem>>)
        %dma_wait3A_122 = arith.constant 0 : i32
        %dma_wait3A_123 = tpu.memref_slice %arg16[%add3A_109, %dma_wait3A_122] : memref<10000x128xf32, #tpu.memory_space<vmem_shared>> -> memref<80x128xf32, #tpu.memory_space<vmem_shared>>
        %dma_wait3A_124 = arith.constant 0 : i32
        %dma_wait3A_125 = tpu.memref_slice %arg16[%add3A_109, %dma_wait3A_124] : memref<10000x128xf32, #tpu.memory_space<vmem_shared>> -> memref<80x128xf32, #tpu.memory_space<vmem_shared>>
        tpu.wait_dma2 semaphore(%run_scoped3A : memref<!tpu.dma_semaphore, #tpu.memory_space<semaphore_mem>>) src(%arg12 : memref<80x128xf32, #tpu.memory_space<vmem>>) dst(%dma_wait3A_125 : memref<80x128xf32, #tpu.memory_space<vmem_shared>>)
        tpu.yield
      }) : () -> ()
      %add3A_110 = arith.constant 320 : i32
      %add3A_111 = arith.addi %mul3A_2, %add3A_110 : i32
      "tpu.region"() ({
        %run_scoped3A = tpu.sem_alloc : memref<!tpu.dma_semaphore, #tpu.memory_space<semaphore_mem>>
        %dma_start3A_118 = arith.constant 0 : i32
        %dma_start3A_119 = tpu.memref_slice %arg16[%add3A_111, %dma_start3A_118] : memref<10000x128xf32, #tpu.memory_space<vmem_shared>> -> memref<80x128xf32, #tpu.memory_space<vmem_shared>>
        %dma_start3A_120 = arith.constant 0 : i32
        %dma_start3A_121 = tpu.memref_slice %arg16[%add3A_111, %dma_start3A_120] : memref<10000x128xf32, #tpu.memory_space<vmem_shared>> -> memref<80x128xf32, #tpu.memory_space<vmem_shared>>
        tpu.enqueue_dma source(%arg12 : memref<80x128xf32, #tpu.memory_space<vmem>>) target(%dma_start3A_121 : memref<80x128xf32, #tpu.memory_space<vmem_shared>>) target_semaphore(%run_scoped3A : memref<!tpu.dma_semaphore, #tpu.memory_space<semaphore_mem>>)
        %dma_wait3A_122 = arith.constant 0 : i32
        %dma_wait3A_123 = tpu.memref_slice %arg16[%add3A_111, %dma_wait3A_122] : memref<10000x128xf32, #tpu.memory_space<vmem_shared>> -> memref<80x128xf32, #tpu.memory_space<vmem_shared>>
        %dma_wait3A_124 = arith.constant 0 : i32
        %dma_wait3A_125 = tpu.memref_slice %arg16[%add3A_111, %dma_wait3A_124] : memref<10000x128xf32, #tpu.memory_space<vmem_shared>> -> memref<80x128xf32, #tpu.memory_space<vmem_shared>>
        tpu.wait_dma2 semaphore(%run_scoped3A : memref<!tpu.dma_semaphore, #tpu.memory_space<semaphore_mem>>) src(%arg12 : memref<80x128xf32, #tpu.memory_space<vmem>>) dst(%dma_wait3A_125 : memref<80x128xf32, #tpu.memory_space<vmem_shared>>)
        tpu.yield
      }) : () -> ()
      %add3A_112 = arith.constant 400 : i32
      %add3A_113 = arith.addi %mul3A_2, %add3A_112 : i32
      "tpu.region"() ({
        %run_scoped3A = tpu.sem_alloc : memref<!tpu.dma_semaphore, #tpu.memory_space<semaphore_mem>>
        %dma_start3A_118 = arith.constant 0 : i32
        %dma_start3A_119 = tpu.memref_slice %arg16[%add3A_113, %dma_start3A_118] : memref<10000x128xf32, #tpu.memory_space<vmem_shared>> -> memref<80x128xf32, #tpu.memory_space<vmem_shared>>
        %dma_start3A_120 = arith.constant 0 : i32
        %dma_start3A_121 = tpu.memref_slice %arg16[%add3A_113, %dma_start3A_120] : memref<10000x128xf32, #tpu.memory_space<vmem_shared>> -> memref<80x128xf32, #tpu.memory_space<vmem_shared>>
        tpu.enqueue_dma source(%arg12 : memref<80x128xf32, #tpu.memory_space<vmem>>) target(%dma_start3A_121 : memref<80x128xf32, #tpu.memory_space<vmem_shared>>) target_semaphore(%run_scoped3A : memref<!tpu.dma_semaphore, #tpu.memory_space<semaphore_mem>>)
        %dma_wait3A_122 = arith.constant 0 : i32
        %dma_wait3A_123 = tpu.memref_slice %arg16[%add3A_113, %dma_wait3A_122] : memref<10000x128xf32, #tpu.memory_space<vmem_shared>> -> memref<80x128xf32, #tpu.memory_space<vmem_shared>>
        %dma_wait3A_124 = arith.constant 0 : i32
        %dma_wait3A_125 = tpu.memref_slice %arg16[%add3A_113, %dma_wait3A_124] : memref<10000x128xf32, #tpu.memory_space<vmem_shared>> -> memref<80x128xf32, #tpu.memory_space<vmem_shared>>
        tpu.wait_dma2 semaphore(%run_scoped3A : memref<!tpu.dma_semaphore, #tpu.memory_space<semaphore_mem>>) src(%arg12 : memref<80x128xf32, #tpu.memory_space<vmem>>) dst(%dma_wait3A_125 : memref<80x128xf32, #tpu.memory_space<vmem_shared>>)
        tpu.yield
      }) : () -> ()
      %add3A_114 = arith.constant 480 : i32
      %add3A_115 = arith.addi %mul3A_2, %add3A_114 : i32
      "tpu.region"() ({
        %run_scoped3A = tpu.sem_alloc : memref<!tpu.dma_semaphore, #tpu.memory_space<semaphore_mem>>
        %dma_start3A_118 = arith.constant 0 : i32
        %dma_start3A_119 = tpu.memref_slice %arg16[%add3A_115, %dma_start3A_118] : memref<10000x128xf32, #tpu.memory_space<vmem_shared>> -> memref<80x128xf32, #tpu.memory_space<vmem_shared>>
        %dma_start3A_120 = arith.constant 0 : i32
        %dma_start3A_121 = tpu.memref_slice %arg16[%add3A_115, %dma_start3A_120] : memref<10000x128xf32, #tpu.memory_space<vmem_shared>> -> memref<80x128xf32, #tpu.memory_space<vmem_shared>>
        tpu.enqueue_dma source(%arg12 : memref<80x128xf32, #tpu.memory_space<vmem>>) target(%dma_start3A_121 : memref<80x128xf32, #tpu.memory_space<vmem_shared>>) target_semaphore(%run_scoped3A : memref<!tpu.dma_semaphore, #tpu.memory_space<semaphore_mem>>)
        %dma_wait3A_122 = arith.constant 0 : i32
        %dma_wait3A_123 = tpu.memref_slice %arg16[%add3A_115, %dma_wait3A_122] : memref<10000x128xf32, #tpu.memory_space<vmem_shared>> -> memref<80x128xf32, #tpu.memory_space<vmem_shared>>
        %dma_wait3A_124 = arith.constant 0 : i32
        %dma_wait3A_125 = tpu.memref_slice %arg16[%add3A_115, %dma_wait3A_124] : memref<10000x128xf32, #tpu.memory_space<vmem_shared>> -> memref<80x128xf32, #tpu.memory_space<vmem_shared>>
        tpu.wait_dma2 semaphore(%run_scoped3A : memref<!tpu.dma_semaphore, #tpu.memory_space<semaphore_mem>>) src(%arg12 : memref<80x128xf32, #tpu.memory_space<vmem>>) dst(%dma_wait3A_125 : memref<80x128xf32, #tpu.memory_space<vmem_shared>>)
        tpu.yield
      }) : () -> ()
      %add3A_116 = arith.constant 560 : i32
      %add3A_117 = arith.addi %mul3A_2, %add3A_116 : i32
      "tpu.region"() ({
        %run_scoped3A = tpu.sem_alloc : memref<!tpu.dma_semaphore, #tpu.memory_space<semaphore_mem>>
        %dma_start3A_118 = arith.constant 0 : i32
        %dma_start3A_119 = tpu.memref_slice %arg16[%add3A_117, %dma_start3A_118] : memref<10000x128xf32, #tpu.memory_space<vmem_shared>> -> memref<80x128xf32, #tpu.memory_space<vmem_shared>>
        %dma_start3A_120 = arith.constant 0 : i32
        %dma_start3A_121 = tpu.memref_slice %arg16[%add3A_117, %dma_start3A_120] : memref<10000x128xf32, #tpu.memory_space<vmem_shared>> -> memref<80x128xf32, #tpu.memory_space<vmem_shared>>
        tpu.enqueue_dma source(%arg12 : memref<80x128xf32, #tpu.memory_space<vmem>>) target(%dma_start3A_121 : memref<80x128xf32, #tpu.memory_space<vmem_shared>>) target_semaphore(%run_scoped3A : memref<!tpu.dma_semaphore, #tpu.memory_space<semaphore_mem>>)
        %dma_wait3A_122 = arith.constant 0 : i32
        %dma_wait3A_123 = tpu.memref_slice %arg16[%add3A_117, %dma_wait3A_122] : memref<10000x128xf32, #tpu.memory_space<vmem_shared>> -> memref<80x128xf32, #tpu.memory_space<vmem_shared>>
        %dma_wait3A_124 = arith.constant 0 : i32
        %dma_wait3A_125 = tpu.memref_slice %arg16[%add3A_117, %dma_wait3A_124] : memref<10000x128xf32, #tpu.memory_space<vmem_shared>> -> memref<80x128xf32, #tpu.memory_space<vmem_shared>>
        tpu.wait_dma2 semaphore(%run_scoped3A : memref<!tpu.dma_semaphore, #tpu.memory_space<semaphore_mem>>) src(%arg12 : memref<80x128xf32, #tpu.memory_space<vmem>>) dst(%dma_wait3A_125 : memref<80x128xf32, #tpu.memory_space<vmem_shared>>)
        tpu.yield
      }) : () -> ()
    } else {
    }
    %eq3A = arith.constant 15 : i32
    %eq3A_20 = arith.cmpi eq, %arg1, %eq3A : i32
    %convert_element_type3A_21 = arith.extui %eq3A_20 : i1 to i32
    %cond3A_22 = arith.constant 0 : i32
    %cond3A_23 = arith.cmpi ne, %convert_element_type3A_21, %cond3A_22 : i32
    scf.if %cond3A_23 {
      %add3A_102 = arith.constant 0 : i32
      %add3A_103 = arith.addi %mul3A_2, %add3A_102 : i32
      "tpu.region"() ({
        %run_scoped3A = tpu.sem_alloc : memref<!tpu.dma_semaphore, #tpu.memory_space<semaphore_mem>>
        %dma_start3A_112 = arith.constant 0 : i32
        %dma_start3A_113 = tpu.memref_slice %arg16[%add3A_103, %dma_start3A_112] : memref<10000x128xf32, #tpu.memory_space<vmem_shared>> -> memref<80x128xf32, #tpu.memory_space<vmem_shared>>
        %dma_start3A_114 = arith.constant 0 : i32
        %dma_start3A_115 = tpu.memref_slice %arg16[%add3A_103, %dma_start3A_114] : memref<10000x128xf32, #tpu.memory_space<vmem_shared>> -> memref<80x128xf32, #tpu.memory_space<vmem_shared>>
        tpu.enqueue_dma source(%arg12 : memref<80x128xf32, #tpu.memory_space<vmem>>) target(%dma_start3A_115 : memref<80x128xf32, #tpu.memory_space<vmem_shared>>) target_semaphore(%run_scoped3A : memref<!tpu.dma_semaphore, #tpu.memory_space<semaphore_mem>>)
        %dma_wait3A_116 = arith.constant 0 : i32
        %dma_wait3A_117 = tpu.memref_slice %arg16[%add3A_103, %dma_wait3A_116] : memref<10000x128xf32, #tpu.memory_space<vmem_shared>> -> memref<80x128xf32, #tpu.memory_space<vmem_shared>>
        %dma_wait3A_118 = arith.constant 0 : i32
        %dma_wait3A_119 = tpu.memref_slice %arg16[%add3A_103, %dma_wait3A_118] : memref<10000x128xf32, #tpu.memory_space<vmem_shared>> -> memref<80x128xf32, #tpu.memory_space<vmem_shared>>
        tpu.wait_dma2 semaphore(%run_scoped3A : memref<!tpu.dma_semaphore, #tpu.memory_space<semaphore_mem>>) src(%arg12 : memref<80x128xf32, #tpu.memory_space<vmem>>) dst(%dma_wait3A_119 : memref<80x128xf32, #tpu.memory_space<vmem_shared>>)
        tpu.yield
      }) : () -> ()
      %add3A_104 = arith.constant 80 : i32
      %add3A_105 = arith.addi %mul3A_2, %add3A_104 : i32
      "tpu.region"() ({
        %run_scoped3A = tpu.sem_alloc : memref<!tpu.dma_semaphore, #tpu.memory_space<semaphore_mem>>
        %dma_start3A_112 = arith.constant 0 : i32
        %dma_start3A_113 = tpu.memref_slice %arg16[%add3A_105, %dma_start3A_112] : memref<10000x128xf32, #tpu.memory_space<vmem_shared>> -> memref<80x128xf32, #tpu.memory_space<vmem_shared>>
        %dma_start3A_114 = arith.constant 0 : i32
        %dma_start3A_115 = tpu.memref_slice %arg16[%add3A_105, %dma_start3A_114] : memref<10000x128xf32, #tpu.memory_space<vmem_shared>> -> memref<80x128xf32, #tpu.memory_space<vmem_shared>>
        tpu.enqueue_dma source(%arg12 : memref<80x128xf32, #tpu.memory_space<vmem>>) target(%dma_start3A_115 : memref<80x128xf32, #tpu.memory_space<vmem_shared>>) target_semaphore(%run_scoped3A : memref<!tpu.dma_semaphore, #tpu.memory_space<semaphore_mem>>)
        %dma_wait3A_116 = arith.constant 0 : i32
        %dma_wait3A_117 = tpu.memref_slice %arg16[%add3A_105, %dma_wait3A_116] : memref<10000x128xf32, #tpu.memory_space<vmem_shared>> -> memref<80x128xf32, #tpu.memory_space<vmem_shared>>
        %dma_wait3A_118 = arith.constant 0 : i32
        %dma_wait3A_119 = tpu.memref_slice %arg16[%add3A_105, %dma_wait3A_118] : memref<10000x128xf32, #tpu.memory_space<vmem_shared>> -> memref<80x128xf32, #tpu.memory_space<vmem_shared>>
        tpu.wait_dma2 semaphore(%run_scoped3A : memref<!tpu.dma_semaphore, #tpu.memory_space<semaphore_mem>>) src(%arg12 : memref<80x128xf32, #tpu.memory_space<vmem>>) dst(%dma_wait3A_119 : memref<80x128xf32, #tpu.memory_space<vmem_shared>>)
        tpu.yield
      }) : () -> ()
      %add3A_106 = arith.constant 160 : i32
      %add3A_107 = arith.addi %mul3A_2, %add3A_106 : i32
      "tpu.region"() ({
        %run_scoped3A = tpu.sem_alloc : memref<!tpu.dma_semaphore, #tpu.memory_space<semaphore_mem>>
        %dma_start3A_112 = arith.constant 0 : i32
        %dma_start3A_113 = tpu.memref_slice %arg16[%add3A_107, %dma_start3A_112] : memref<10000x128xf32, #tpu.memory_space<vmem_shared>> -> memref<80x128xf32, #tpu.memory_space<vmem_shared>>
        %dma_start3A_114 = arith.constant 0 : i32
        %dma_start3A_115 = tpu.memref_slice %arg16[%add3A_107, %dma_start3A_114] : memref<10000x128xf32, #tpu.memory_space<vmem_shared>> -> memref<80x128xf32, #tpu.memory_space<vmem_shared>>
        tpu.enqueue_dma source(%arg12 : memref<80x128xf32, #tpu.memory_space<vmem>>) target(%dma_start3A_115 : memref<80x128xf32, #tpu.memory_space<vmem_shared>>) target_semaphore(%run_scoped3A : memref<!tpu.dma_semaphore, #tpu.memory_space<semaphore_mem>>)
        %dma_wait3A_116 = arith.constant 0 : i32
        %dma_wait3A_117 = tpu.memref_slice %arg16[%add3A_107, %dma_wait3A_116] : memref<10000x128xf32, #tpu.memory_space<vmem_shared>> -> memref<80x128xf32, #tpu.memory_space<vmem_shared>>
        %dma_wait3A_118 = arith.constant 0 : i32
        %dma_wait3A_119 = tpu.memref_slice %arg16[%add3A_107, %dma_wait3A_118] : memref<10000x128xf32, #tpu.memory_space<vmem_shared>> -> memref<80x128xf32, #tpu.memory_space<vmem_shared>>
        tpu.wait_dma2 semaphore(%run_scoped3A : memref<!tpu.dma_semaphore, #tpu.memory_space<semaphore_mem>>) src(%arg12 : memref<80x128xf32, #tpu.memory_space<vmem>>) dst(%dma_wait3A_119 : memref<80x128xf32, #tpu.memory_space<vmem_shared>>)
        tpu.yield
      }) : () -> ()
      %add3A_108 = arith.constant 240 : i32
      %add3A_109 = arith.addi %mul3A_2, %add3A_108 : i32
      "tpu.region"() ({
        %run_scoped3A = tpu.sem_alloc : memref<!tpu.dma_semaphore, #tpu.memory_space<semaphore_mem>>
        %dma_start3A_112 = arith.constant 0 : i32
        %dma_start3A_113 = tpu.memref_slice %arg16[%add3A_109, %dma_start3A_112] : memref<10000x128xf32, #tpu.memory_space<vmem_shared>> -> memref<80x128xf32, #tpu.memory_space<vmem_shared>>
        %dma_start3A_114 = arith.constant 0 : i32
        %dma_start3A_115 = tpu.memref_slice %arg16[%add3A_109, %dma_start3A_114] : memref<10000x128xf32, #tpu.memory_space<vmem_shared>> -> memref<80x128xf32, #tpu.memory_space<vmem_shared>>
        tpu.enqueue_dma source(%arg12 : memref<80x128xf32, #tpu.memory_space<vmem>>) target(%dma_start3A_115 : memref<80x128xf32, #tpu.memory_space<vmem_shared>>) target_semaphore(%run_scoped3A : memref<!tpu.dma_semaphore, #tpu.memory_space<semaphore_mem>>)
        %dma_wait3A_116 = arith.constant 0 : i32
        %dma_wait3A_117 = tpu.memref_slice %arg16[%add3A_109, %dma_wait3A_116] : memref<10000x128xf32, #tpu.memory_space<vmem_shared>> -> memref<80x128xf32, #tpu.memory_space<vmem_shared>>
        %dma_wait3A_118 = arith.constant 0 : i32
        %dma_wait3A_119 = tpu.memref_slice %arg16[%add3A_109, %dma_wait3A_118] : memref<10000x128xf32, #tpu.memory_space<vmem_shared>> -> memref<80x128xf32, #tpu.memory_space<vmem_shared>>
        tpu.wait_dma2 semaphore(%run_scoped3A : memref<!tpu.dma_semaphore, #tpu.memory_space<semaphore_mem>>) src(%arg12 : memref<80x128xf32, #tpu.memory_space<vmem>>) dst(%dma_wait3A_119 : memref<80x128xf32, #tpu.memory_space<vmem_shared>>)
        tpu.yield
      }) : () -> ()
      %add3A_110 = arith.constant 320 : i32
      %add3A_111 = arith.addi %mul3A_2, %add3A_110 : i32
      "tpu.region"() ({
        %run_scoped3A = tpu.sem_alloc : memref<!tpu.dma_semaphore, #tpu.memory_space<semaphore_mem>>
        %dma_start3A_112 = arith.constant 0 : i32
        %dma_start3A_113 = tpu.memref_slice %arg16[%add3A_111, %dma_start3A_112] : memref<10000x128xf32, #tpu.memory_space<vmem_shared>> -> memref<80x128xf32, #tpu.memory_space<vmem_shared>>
        %dma_start3A_114 = arith.constant 0 : i32
        %dma_start3A_115 = tpu.memref_slice %arg16[%add3A_111, %dma_start3A_114] : memref<10000x128xf32, #tpu.memory_space<vmem_shared>> -> memref<80x128xf32, #tpu.memory_space<vmem_shared>>
        tpu.enqueue_dma source(%arg12 : memref<80x128xf32, #tpu.memory_space<vmem>>) target(%dma_start3A_115 : memref<80x128xf32, #tpu.memory_space<vmem_shared>>) target_semaphore(%run_scoped3A : memref<!tpu.dma_semaphore, #tpu.memory_space<semaphore_mem>>)
        %dma_wait3A_116 = arith.constant 0 : i32
        %dma_wait3A_117 = tpu.memref_slice %arg16[%add3A_111, %dma_wait3A_116] : memref<10000x128xf32, #tpu.memory_space<vmem_shared>> -> memref<80x128xf32, #tpu.memory_space<vmem_shared>>
        %dma_wait3A_118 = arith.constant 0 : i32
        %dma_wait3A_119 = tpu.memref_slice %arg16[%add3A_111, %dma_wait3A_118] : memref<10000x128xf32, #tpu.memory_space<vmem_shared>> -> memref<80x128xf32, #tpu.memory_space<vmem_shared>>
        tpu.wait_dma2 semaphore(%run_scoped3A : memref<!tpu.dma_semaphore, #tpu.memory_space<semaphore_mem>>) src(%arg12 : memref<80x128xf32, #tpu.memory_space<vmem>>) dst(%dma_wait3A_119 : memref<80x128xf32, #tpu.memory_space<vmem_shared>>)
        tpu.yield
      }) : () -> ()
    } else {
    }
    %barrier3A = arith.constant 0 : index
    tpu.barrier barrier_id(%barrier3A)
    %broadcast_in_dim3A_24 = arith.constant 16 : i32
    %broadcast_in_dim3A_25 = vector.broadcast %broadcast_in_dim3A_24 : i32 to vector<16xi32>
    %broadcast_in_dim3A_26 = arith.constant -65536 : i32
    %broadcast_in_dim3A_27 = vector.broadcast %broadcast_in_dim3A_26 : i32 to vector<16xi32>
    %add3A_28 = arith.constant 0 : i32
    %add3A_29 = arith.addi %mul3A_6, %add3A_28 : i32
    %dma_start3A = tpu.memref_slice %arg4[%add3A_29] : memref<320000xi32, #tpu.memory_space<hbm>> -> memref<80xi32, #tpu.memory_space<hbm>>
    %dma_start3A_30 = tpu.memref_slice %arg4[%add3A_29] : memref<320000xi32, #tpu.memory_space<hbm>> -> memref<80xi32, #tpu.memory_space<hbm>>
    tpu.enqueue_dma source(%dma_start3A_30 : memref<80xi32, #tpu.memory_space<hbm>>) target(%arg6 : memref<80xi32, #tpu.memory_space<vmem>>) target_semaphore(%arg17 : memref<!tpu.dma_semaphore, #tpu.memory_space<semaphore_mem>>)
    %dma_wait3A = tpu.memref_slice %arg4[%mul3A_6] : memref<320000xi32, #tpu.memory_space<hbm>> -> memref<80xi32, #tpu.memory_space<hbm>>
    %dma_wait3A_31 = tpu.memref_slice %arg4[%mul3A_6] : memref<320000xi32, #tpu.memory_space<hbm>> -> memref<80xi32, #tpu.memory_space<hbm>>
    tpu.wait_dma2 semaphore(%arg17 : memref<!tpu.dma_semaphore, #tpu.memory_space<semaphore_mem>>) src(%dma_wait3A_31 : memref<80xi32, #tpu.memory_space<hbm>>) dst(%arg6 : memref<80xi32, #tpu.memory_space<vmem>>)
    %get3A = arith.constant 0 : index
    %get3A_32 = tpu.vector_load %arg6[%get3A] {strides = array<i32>} : memref<80xi32, #tpu.memory_space<vmem>>, vector<16xi32>,
    %and3A = arith.andi %get3A_32, %broadcast_in_dim3A_9 : vector<16xi32>
    %swap3A = arith.constant 0 : index
    %swap3A_33 = tpu.vector_load %arg8[%swap3A] {strides = array<i32>} : memref<80xi32, #tpu.memory_space<vmem>>, vector<16xi32>,
    tpu.vector_store %arg8[%swap3A], %and3A {strides = array<i32>} : memref<80xi32, #tpu.memory_space<vmem>>, vector<16xi32>,
    %shift_right_logical3A = arith.shrui %get3A_32, %broadcast_in_dim3A_11 : vector<16xi32>
    %swap3A_34 = arith.constant 0 : index
    %swap3A_35 = tpu.vector_load %arg10[%swap3A_34] {strides = array<i32>} : memref<80xi32, #tpu.memory_space<vmem>>, vector<16xi32>,
    tpu.vector_store %arg10[%swap3A_34], %shift_right_logical3A {strides = array<i32>} : memref<80xi32, #tpu.memory_space<vmem>>, vector<16xi32>,
    %get3A_36 = arith.constant 16 : index
    %get3A_37 = tpu.vector_load %arg6[%get3A_36] {strides = array<i32>} : memref<80xi32, #tpu.memory_space<vmem>>, vector<16xi32>,
    %and3A_38 = arith.andi %get3A_37, %broadcast_in_dim3A_9 : vector<16xi32>
    %swap3A_39 = arith.constant 16 : index
    %swap3A_40 = tpu.vector_load %arg8[%swap3A_39] {strides = array<i32>} : memref<80xi32, #tpu.memory_space<vmem>>, vector<16xi32>,
    tpu.vector_store %arg8[%swap3A_39], %and3A_38 {strides = array<i32>} : memref<80xi32, #tpu.memory_space<vmem>>, vector<16xi32>,
    %shift_right_logical3A_41 = arith.shrui %get3A_37, %broadcast_in_dim3A_11 : vector<16xi32>
    %swap3A_42 = arith.constant 16 : index
    %swap3A_43 = tpu.vector_load %arg10[%swap3A_42] {strides = array<i32>} : memref<80xi32, #tpu.memory_space<vmem>>, vector<16xi32>,
    tpu.vector_store %arg10[%swap3A_42], %shift_right_logical3A_41 {strides = array<i32>} : memref<80xi32, #tpu.memory_space<vmem>>, vector<16xi32>,
    %get3A_44 = arith.constant 32 : index
    %get3A_45 = tpu.vector_load %arg6[%get3A_44] {strides = array<i32>} : memref<80xi32, #tpu.memory_space<vmem>>, vector<16xi32>,
    %and3A_46 = arith.andi %get3A_45, %broadcast_in_dim3A_9 : vector<16xi32>
    %swap3A_47 = arith.constant 32 : index
    %swap3A_48 = tpu.vector_load %arg8[%swap3A_47] {strides = array<i32>} : memref<80xi32, #tpu.memory_space<vmem>>, vector<16xi32>,
    tpu.vector_store %arg8[%swap3A_47], %and3A_46 {strides = array<i32>} : memref<80xi32, #tpu.memory_space<vmem>>, vector<16xi32>,
    %shift_right_logical3A_49 = arith.shrui %get3A_45, %broadcast_in_dim3A_11 : vector<16xi32>
    %swap3A_50 = arith.constant 32 : index
    %swap3A_51 = tpu.vector_load %arg10[%swap3A_50] {strides = array<i32>} : memref<80xi32, #tpu.memory_space<vmem>>, vector<16xi32>,
    tpu.vector_store %arg10[%swap3A_50], %shift_right_logical3A_49 {strides = array<i32>} : memref<80xi32, #tpu.memory_space<vmem>>, vector<16xi32>,
    %get3A_52 = arith.constant 48 : index
    %get3A_53 = tpu.vector_load %arg6[%get3A_52] {strides = array<i32>} : memref<80xi32, #tpu.memory_space<vmem>>, vector<16xi32>,
    %and3A_54 = arith.andi %get3A_53, %broadcast_in_dim3A_9 : vector<16xi32>
    %swap3A_55 = arith.constant 48 : index
    %swap3A_56 = tpu.vector_load %arg8[%swap3A_55] {strides = array<i32>} : memref<80xi32, #tpu.memory_space<vmem>>, vector<16xi32>,
    tpu.vector_store %arg8[%swap3A_55], %and3A_54 {strides = array<i32>} : memref<80xi32, #tpu.memory_space<vmem>>, vector<16xi32>,
    %shift_right_logical3A_57 = arith.shrui %get3A_53, %broadcast_in_dim3A_11 : vector<16xi32>
    %swap3A_58 = arith.constant 48 : index
    %swap3A_59 = tpu.vector_load %arg10[%swap3A_58] {strides = array<i32>} : memref<80xi32, #tpu.memory_space<vmem>>, vector<16xi32>,
    tpu.vector_store %arg10[%swap3A_58], %shift_right_logical3A_57 {strides = array<i32>} : memref<80xi32, #tpu.memory_space<vmem>>, vector<16xi32>,
    %get3A_60 = arith.constant 64 : index
    %get3A_61 = tpu.vector_load %arg6[%get3A_60] {strides = array<i32>} : memref<80xi32, #tpu.memory_space<vmem>>, vector<16xi32>,
    %and3A_62 = arith.andi %get3A_61, %broadcast_in_dim3A_9 : vector<16xi32>
    %swap3A_63 = arith.constant 64 : index
    %swap3A_64 = tpu.vector_load %arg8[%swap3A_63] {strides = array<i32>} : memref<80xi32, #tpu.memory_space<vmem>>, vector<16xi32>,
    tpu.vector_store %arg8[%swap3A_63], %and3A_62 {strides = array<i32>} : memref<80xi32, #tpu.memory_space<vmem>>, vector<16xi32>,
    %shift_right_logical3A_65 = arith.shrui %get3A_61, %broadcast_in_dim3A_11 : vector<16xi32>
    %swap3A_66 = arith.constant 64 : index
    %swap3A_67 = tpu.vector_load %arg10[%swap3A_66] {strides = array<i32>} : memref<80xi32, #tpu.memory_space<vmem>>, vector<16xi32>,
    tpu.vector_store %arg10[%swap3A_66], %shift_right_logical3A_65 {strides = array<i32>} : memref<80xi32, #tpu.memory_space<vmem>>, vector<16xi32>,
    %dma_start3A_68 = arith.constant 0 : i32
    %dma_start3A_69 = arith.constant 0 : i32
    %dma_start3A_70 = tpu.memref_slice %arg2[%dma_start3A_68, %dma_start3A_69] : memref<10000x128xf32, #tpu.memory_space<hbm>> -> memref<10000x128xf32, #tpu.memory_space<hbm>>
    tpu.enqueue_indirect_dma source(%dma_start3A_70 : memref<10000x128xf32, #tpu.memory_space<hbm>>) target(%arg12 : memref<80x128xf32, #tpu.memory_space<vmem>>) offsets(%arg8 : memref<80xi32, #tpu.memory_space<vmem>>) semaphore(%arg19 : memref<!tpu.dma_semaphore, #tpu.memory_space<semaphore_mem>>)
    %add3A_71 = arith.constant 0 : i32
    %add3A_72 = arith.addi %mul3A_6, %add3A_71 : i32
    %dma_start3A_73 = arith.constant 0 : i32
    %dma_start3A_74 = tpu.memref_slice %arg3[%add3A_72, %dma_start3A_73] : memref<320000x64xi32, #tpu.memory_space<hbm>> -> memref<80x64xi32, #tpu.memory_space<hbm>>
    %dma_start3A_75 = arith.constant 0 : i32
    %dma_start3A_76 = tpu.memref_slice %arg3[%add3A_72, %dma_start3A_75] : memref<320000x64xi32, #tpu.memory_space<hbm>> -> memref<80x64xi32, #tpu.memory_space<hbm>>
    tpu.enqueue_dma source(%dma_start3A_76 : memref<80x64xi32, #tpu.memory_space<hbm>>) target(%arg14 : memref<80x64xi32, #tpu.memory_space<vmem>>) target_semaphore(%arg19 : memref<!tpu.dma_semaphore, #tpu.memory_space<semaphore_mem>>)
    %add3A_77 = arith.constant 80 : i32
    %add3A_78 = arith.addi %mul3A_6, %add3A_77 : i32
    %dma_start3A_79 = tpu.memref_slice %arg4[%add3A_78] : memref<320000xi32, #tpu.memory_space<hbm>> -> memref<80xi32, #tpu.memory_space<hbm>>
    %dma_start3A_80 = tpu.memref_slice %arg4[%add3A_78] : memref<320000xi32, #tpu.memory_space<hbm>> -> memref<80xi32, #tpu.memory_space<hbm>>
    tpu.enqueue_dma source(%dma_start3A_80 : memref<80xi32, #tpu.memory_space<hbm>>) target(%arg7 : memref<80xi32, #tpu.memory_space<vmem>>) target_semaphore(%arg18 : memref<!tpu.dma_semaphore, #tpu.memory_space<semaphore_mem>>)
    %scan3A_81 = arith.constant 0 : i32
    %scan3A_82 = arith.constant 0 : i32
    %scan3A_83 = arith.constant 63 : i32
    %scan3A_84 = arith.addi %scan3A_82, %scan3A_83 : i32
    %scan3A_85 = arith.constant 1 : i32
    %scan3A_86 = scf.for %scan3A_102 = %scan3A_82 to %scan3A_84 step %scan3A_85 iter_args(%scan3A_103 = %scan3A_81) -> (i32)  : i32 {
      %mul3A_104 = arith.constant 2 : i32
      %mul3A_105 = arith.muli %scan3A_102, %mul3A_104 : i32
      %add3A_106 = arith.constant 0 : i32
      %add3A_107 = arith.addi %mul3A_105, %add3A_106 : i32
      %lt3A_108 = arith.constant 125 : i32
      %lt3A_109 = arith.cmpi slt, %add3A_107, %lt3A_108 : i32
      %convert_element_type3A_110 = arith.extui %lt3A_109 : i1 to i32
      %cond3A_111 = arith.constant 0 : i32
      %cond3A_112 = arith.cmpi ne, %convert_element_type3A_110, %cond3A_111 : i32
      scf.if %cond3A_112 {
        %add3A_123 = arith.constant 2 : i32
        %add3A_124 = arith.addi %add3A_107, %add3A_123 : i32
        %lt3A_125 = arith.constant 125 : i32
        %lt3A_126 = arith.cmpi slt, %add3A_124, %lt3A_125 : i32
        %convert_element_type3A_127 = arith.extui %lt3A_126 : i1 to i32
        %cond3A_128 = arith.constant 0 : i32
        %cond3A_129 = arith.cmpi ne, %convert_element_type3A_127, %cond3A_128 : i32
        scf.if %cond3A_129 {
          %add3A_158 = arith.constant 2 : i32
          %add3A_159 = arith.addi %add3A_107, %add3A_158 : i32
          %mul3A_160 = arith.constant 80 : i32
          %mul3A_161 = arith.muli %add3A_159, %mul3A_160 : i32
          %add3A_162 = arith.addi %mul3A_6, %mul3A_161 : i32
          %dma_start3A_163 = tpu.memref_slice %arg4[%add3A_162] : memref<320000xi32, #tpu.memory_space<hbm>> -> memref<80xi32, #tpu.memory_space<hbm>>
          %dma_start3A_164 = tpu.memref_slice %arg4[%add3A_162] : memref<320000xi32, #tpu.memory_space<hbm>> -> memref<80xi32, #tpu.memory_space<hbm>>
          tpu.enqueue_dma source(%dma_start3A_164 : memref<80xi32, #tpu.memory_space<hbm>>) target(%arg6 : memref<80xi32, #tpu.memory_space<vmem>>) target_semaphore(%arg17 : memref<!tpu.dma_semaphore, #tpu.memory_space<semaphore_mem>>)
        } else {
        }
        %ge3A = arith.constant 1 : i32
        %ge3A_130 = arith.cmpi sge, %add3A_107, %ge3A : i32
        %convert_element_type3A_131 = arith.extui %ge3A_130 : i1 to i32
        %cond3A_132 = arith.constant 0 : i32
        %cond3A_133 = arith.cmpi ne, %convert_element_type3A_131, %cond3A_132 : i32
        scf.if %cond3A_133 {
          %dma_wait3A_158 = arith.constant 0 : i32
          %dma_wait3A_159 = arith.constant 0 : i32
          %dma_wait3A_160 = tpu.memref_slice %arg16[%dma_wait3A_158, %dma_wait3A_159] : memref<10000x128xf32, #tpu.memory_space<vmem_shared>> -> memref<10000x128xf32, #tpu.memory_space<vmem_shared>>
          tpu.wait_indirect_dma semaphore(%arg22 : memref<!tpu.dma_semaphore, #tpu.memory_space<semaphore_mem>>) src(%arg13 : memref<80x128xf32, #tpu.memory_space<vmem>>) dst(%dma_wait3A_160 : memref<10000x128xf32, #tpu.memory_space<vmem_shared>>)
        } else {
        }
        %add3A_134 = arith.constant 1 : i32
        %add3A_135 = arith.addi %add3A_107, %add3A_134 : i32
        %lt3A_136 = arith.constant 125 : i32
        %lt3A_137 = arith.cmpi slt, %add3A_135, %lt3A_136 : i32
        %convert_element_type3A_138 = arith.extui %lt3A_137 : i1 to i32
        %cond3A_139 = arith.constant 0 : i32
        %cond3A_140 = arith.cmpi ne, %convert_element_type3A_138, %cond3A_139 : i32
        scf.if %cond3A_140 {
          %dma_wait3A_158 = tpu.memref_slice %arg4[%mul3A_6] : memref<320000xi32, #tpu.memory_space<hbm>> -> memref<80xi32, #tpu.memory_space<hbm>>
          %dma_wait3A_159 = tpu.memref_slice %arg4[%mul3A_6] : memref<320000xi32, #tpu.memory_space<hbm>> -> memref<80xi32, #tpu.memory_space<hbm>>
          tpu.wait_dma2 semaphore(%arg18 : memref<!tpu.dma_semaphore, #tpu.memory_space<semaphore_mem>>) src(%dma_wait3A_159 : memref<80xi32, #tpu.memory_space<hbm>>) dst(%arg7 : memref<80xi32, #tpu.memory_space<vmem>>)
          %get3A_160 = arith.constant 0 : index
          %get3A_161 = tpu.vector_load %arg7[%get3A_160] {strides = array<i32>} : memref<80xi32, #tpu.memory_space<vmem>>, vector<16xi32>,
          %and3A_162 = arith.andi %get3A_161, %broadcast_in_dim3A_9 : vector<16xi32>
          %swap3A_163 = arith.constant 0 : index
          %swap3A_164 = tpu.vector_load %arg9[%swap3A_163] {strides = array<i32>} : memref<80xi32, #tpu.memory_space<vmem>>, vector<16xi32>,
          tpu.vector_store %arg9[%swap3A_163], %and3A_162 {strides = array<i32>} : memref<80xi32, #tpu.memory_space<vmem>>, vector<16xi32>,
          %shift_right_logical3A_165 = arith.shrui %get3A_161, %broadcast_in_dim3A_11 : vector<16xi32>
          %swap3A_166 = arith.constant 0 : index
          %swap3A_167 = tpu.vector_load %arg11[%swap3A_166] {strides = array<i32>} : memref<80xi32, #tpu.memory_space<vmem>>, vector<16xi32>,
          tpu.vector_store %arg11[%swap3A_166], %shift_right_logical3A_165 {strides = array<i32>} : memref<80xi32, #tpu.memory_space<vmem>>, vector<16xi32>,
          %get3A_168 = arith.constant 16 : index
          %get3A_169 = tpu.vector_load %arg7[%get3A_168] {strides = array<i32>} : memref<80xi32, #tpu.memory_space<vmem>>, vector<16xi32>,
          %and3A_170 = arith.andi %get3A_169, %broadcast_in_dim3A_9 : vector<16xi32>
          %swap3A_171 = arith.constant 16 : index
          %swap3A_172 = tpu.vector_load %arg9[%swap3A_171] {strides = array<i32>} : memref<80xi32, #tpu.memory_space<vmem>>, vector<16xi32>,
          tpu.vector_store %arg9[%swap3A_171], %and3A_170 {strides = array<i32>} : memref<80xi32, #tpu.memory_space<vmem>>, vector<16xi32>,
          %shift_right_logical3A_173 = arith.shrui %get3A_169, %broadcast_in_dim3A_11 : vector<16xi32>
          %swap3A_174 = arith.constant 16 : index
          %swap3A_175 = tpu.vector_load %arg11[%swap3A_174] {strides = array<i32>} : memref<80xi32, #tpu.memory_space<vmem>>, vector<16xi32>,
          tpu.vector_store %arg11[%swap3A_174], %shift_right_logical3A_173 {strides = array<i32>} : memref<80xi32, #tpu.memory_space<vmem>>, vector<16xi32>,
          %get3A_176 = arith.constant 32 : index
          %get3A_177 = tpu.vector_load %arg7[%get3A_176] {strides = array<i32>} : memref<80xi32, #tpu.memory_space<vmem>>, vector<16xi32>,
          %and3A_178 = arith.andi %get3A_177, %broadcast_in_dim3A_9 : vector<16xi32>
          %swap3A_179 = arith.constant 32 : index
          %swap3A_180 = tpu.vector_load %arg9[%swap3A_179] {strides = array<i32>} : memref<80xi32, #tpu.memory_space<vmem>>, vector<16xi32>,
          tpu.vector_store %arg9[%swap3A_179], %and3A_178 {strides = array<i32>} : memref<80xi32, #tpu.memory_space<vmem>>, vector<16xi32>,
          %shift_right_logical3A_181 = arith.shrui %get3A_177, %broadcast_in_dim3A_11 : vector<16xi32>
          %swap3A_182 = arith.constant 32 : index
          %swap3A_183 = tpu.vector_load %arg11[%swap3A_182] {strides = array<i32>} : memref<80xi32, #tpu.memory_space<vmem>>, vector<16xi32>,
          tpu.vector_store %arg11[%swap3A_182], %shift_right_logical3A_181 {strides = array<i32>} : memref<80xi32, #tpu.memory_space<vmem>>, vector<16xi32>,
          %get3A_184 = arith.constant 48 : index
          %get3A_185 = tpu.vector_load %arg7[%get3A_184] {strides = array<i32>} : memref<80xi32, #tpu.memory_space<vmem>>, vector<16xi32>,
          %and3A_186 = arith.andi %get3A_185, %broadcast_in_dim3A_9 : vector<16xi32>
          %swap3A_187 = arith.constant 48 : index
          %swap3A_188 = tpu.vector_load %arg9[%swap3A_187] {strides = array<i32>} : memref<80xi32, #tpu.memory_space<vmem>>, vector<16xi32>,
          tpu.vector_store %arg9[%swap3A_187], %and3A_186 {strides = array<i32>} : memref<80xi32, #tpu.memory_space<vmem>>, vector<16xi32>,
          %shift_right_logical3A_189 = arith.shrui %get3A_185, %broadcast_in_dim3A_11 : vector<16xi32>
          %swap3A_190 = arith.constant 48 : index
          %swap3A_191 = tpu.vector_load %arg11[%swap3A_190] {strides = array<i32>} : memref<80xi32, #tpu.memory_space<vmem>>, vector<16xi32>,
          tpu.vector_store %arg11[%swap3A_190], %shift_right_logical3A_189 {strides = array<i32>} : memref<80xi32, #tpu.memory_space<vmem>>, vector<16xi32>,
          %get3A_192 = arith.constant 64 : index
          %get3A_193 = tpu.vector_load %arg7[%get3A_192] {strides = array<i32>} : memref<80xi32, #tpu.memory_space<vmem>>, vector<16xi32>,
          %and3A_194 = arith.andi %get3A_193, %broadcast_in_dim3A_9 : vector<16xi32>
          %swap3A_195 = arith.constant 64 : index
          %swap3A_196 = tpu.vector_load %arg9[%swap3A_195] {strides = array<i32>} : memref<80xi32, #tpu.memory_space<vmem>>, vector<16xi32>,
          tpu.vector_store %arg9[%swap3A_195], %and3A_194 {strides = array<i32>} : memref<80xi32, #tpu.memory_space<vmem>>, vector<16xi32>,
          %shift_right_logical3A_197 = arith.shrui %get3A_193, %broadcast_in_dim3A_11 : vector<16xi32>
          %swap3A_198 = arith.constant 64 : index
          %swap3A_199 = tpu.vector_load %arg11[%swap3A_198] {strides = array<i32>} : memref<80xi32, #tpu.memory_space<vmem>>, vector<16xi32>,
          tpu.vector_store %arg11[%swap3A_198], %shift_right_logical3A_197 {strides = array<i32>} : memref<80xi32, #tpu.memory_space<vmem>>, vector<16xi32>,
          %add3A_200 = arith.constant 1 : i32
          %add3A_201 = arith.addi %add3A_107, %add3A_200 : i32
          %dma_start3A_202 = arith.constant 0 : i32
          %dma_start3A_203 = arith.constant 0 : i32
          %dma_start3A_204 = tpu.memref_slice %arg2[%dma_start3A_202, %dma_start3A_203] : memref<10000x128xf32, #tpu.memory_space<hbm>> -> memref<10000x128xf32, #tpu.memory_space<hbm>>
          tpu.enqueue_indirect_dma source(%dma_start3A_204 : memref<10000x128xf32, #tpu.memory_space<hbm>>) target(%arg13 : memref<80x128xf32, #tpu.memory_space<vmem>>) offsets(%arg9 : memref<80xi32, #tpu.memory_space<vmem>>) semaphore(%arg20 : memref<!tpu.dma_semaphore, #tpu.memory_space<semaphore_mem>>)
          %mul3A_205 = arith.constant 80 : i32
          %mul3A_206 = arith.muli %add3A_201, %mul3A_205 : i32
          %add3A_207 = arith.addi %mul3A_6, %mul3A_206 : i32
          %dma_start3A_208 = arith.constant 0 : i32
          %dma_start3A_209 = tpu.memref_slice %arg3[%add3A_207, %dma_start3A_208] : memref<320000x64xi32, #tpu.memory_space<hbm>> -> memref<80x64xi32, #tpu.memory_space<hbm>>
          %dma_start3A_210 = arith.constant 0 : i32
          %dma_start3A_211 = tpu.memref_slice %arg3[%add3A_207, %dma_start3A_210] : memref<320000x64xi32, #tpu.memory_space<hbm>> -> memref<80x64xi32, #tpu.memory_space<hbm>>
          tpu.enqueue_dma source(%dma_start3A_211 : memref<80x64xi32, #tpu.memory_space<hbm>>) target(%arg15 : memref<80x64xi32, #tpu.memory_space<vmem>>) target_semaphore(%arg20 : memref<!tpu.dma_semaphore, #tpu.memory_space<semaphore_mem>>)
        } else {
        }
        %dma_wait3A_141 = arith.constant 0 : i32
        %dma_wait3A_142 = arith.constant 0 : i32
        %dma_wait3A_143 = tpu.memref_slice %arg2[%dma_wait3A_141, %dma_wait3A_142] : memref<10000x128xf32, #tpu.memory_space<hbm>> -> memref<10000x128xf32, #tpu.memory_space<hbm>>
        tpu.wait_indirect_dma semaphore(%arg19 : memref<!tpu.dma_semaphore, #tpu.memory_space<semaphore_mem>>) src(%dma_wait3A_143 : memref<10000x128xf32, #tpu.memory_space<hbm>>) dst(%arg12 : memref<80x128xf32, #tpu.memory_space<vmem>>)
        %dma_wait3A_144 = arith.constant 0 : i32
        %dma_wait3A_145 = tpu.memref_slice %arg3[%mul3A_6, %dma_wait3A_144] : memref<320000x64xi32, #tpu.memory_space<hbm>> -> memref<80x64xi32, #tpu.memory_space<hbm>>
        %dma_wait3A_146 = arith.constant 0 : i32
        %dma_wait3A_147 = tpu.memref_slice %arg3[%mul3A_6, %dma_wait3A_146] : memref<320000x64xi32, #tpu.memory_space<hbm>> -> memref<80x64xi32, #tpu.memory_space<hbm>>
        tpu.wait_dma2 semaphore(%arg19 : memref<!tpu.dma_semaphore, #tpu.memory_space<semaphore_mem>>) src(%dma_wait3A_147 : memref<80x64xi32, #tpu.memory_space<hbm>>) dst(%arg14 : memref<80x64xi32, #tpu.memory_space<vmem>>)
        %scan3A_148 = arith.constant 0 : i32
        %scan3A_149 = arith.constant 0 : i32
        %scan3A_150 = arith.constant 20 : i32
        %scan3A_151 = arith.addi %scan3A_149, %scan3A_150 : i32
        %scan3A_152 = arith.constant 1 : i32
        %scan3A_153 = scf.for %scan3A_158 = %scan3A_149 to %scan3A_151 step %scan3A_152 iter_args(%scan3A_159 = %scan3A_148) -> (i32)  : i32 {
          %mul3A_160 = arith.constant 4 : i32
          %mul3A_161 = arith.muli %scan3A_158, %mul3A_160 : i32
          %add3A_162 = arith.constant 0 : i32
          %add3A_163 = arith.addi %mul3A_161, %add3A_162 : i32
          %get3A_164 = arith.index_cast %add3A_163 : i32 to index
          %get3A_165 = arith.constant 0 : index
          %get3A_166 = tpu.vector_load %arg14[%get3A_164, %get3A_165] {strides = array<i32>} : memref<80x64xi32, #tpu.memory_space<vmem>>, vector<16xi32>,
          %shift_left3A = arith.shli %get3A_166, %broadcast_in_dim3A_25 : vector<16xi32>
          %bitcast3A = vector.bitcast %shift_left3A : vector<16xi32> to vector<16xf32>
          %and3A_167 = arith.andi %get3A_166, %broadcast_in_dim3A_27 : vector<16xi32>
          %bitcast3A_168 = vector.bitcast %and3A_167 : vector<16xi32> to vector<16xf32>
          %get3A_169 = arith.index_cast %add3A_163 : i32 to index
          %get3A_170 = arith.constant 0 : index
          %get3A_171 = tpu.vector_load %arg12[%get3A_169, %get3A_170] {strides = array<i32>} : memref<80x128xf32, #tpu.memory_space<vmem>>, vector<16xf32>,
          %mul3A_172 = arith.mulf %get3A_171, %bitcast3A : vector<16xf32>
          %swap3A_173 = arith.index_cast %add3A_163 : i32 to index
          %swap3A_174 = arith.constant 0 : index
          %swap3A_175 = tpu.vector_load %arg12[%swap3A_173, %swap3A_174] {strides = array<i32>} : memref<80x128xf32, #tpu.memory_space<vmem>>, vector<16xf32>,
          tpu.vector_store %arg12[%swap3A_173, %swap3A_174], %mul3A_172 {strides = array<i32>} : memref<80x128xf32, #tpu.memory_space<vmem>>, vector<16xf32>,
          %get3A_176 = arith.index_cast %add3A_163 : i32 to index
          %get3A_177 = arith.constant 16 : index
          %get3A_178 = tpu.vector_load %arg12[%get3A_176, %get3A_177] {strides = array<i32>} : memref<80x128xf32, #tpu.memory_space<vmem>>, vector<16xf32>,
          %mul3A_179 = arith.mulf %get3A_178, %bitcast3A_168 : vector<16xf32>
          %swap3A_180 = arith.index_cast %add3A_163 : i32 to index
          %swap3A_181 = arith.constant 16 : index
          %swap3A_182 = tpu.vector_load %arg12[%swap3A_180, %swap3A_181] {strides = array<i32>} : memref<80x128xf32, #tpu.memory_space<vmem>>, vector<16xf32>,
          tpu.vector_store %arg12[%swap3A_180, %swap3A_181], %mul3A_179 {strides = array<i32>} : memref<80x128xf32, #tpu.memory_space<vmem>>, vector<16xf32>,
          %get3A_183 = arith.index_cast %add3A_163 : i32 to index
          %get3A_184 = arith.constant 16 : index
          %get3A_185 = tpu.vector_load %arg14[%get3A_183, %get3A_184] {strides = array<i32>} : memref<80x64xi32, #tpu.memory_space<vmem>>, vector<16xi32>,
          %shift_left3A_186 = arith.shli %get3A_185, %broadcast_in_dim3A_25 : vector<16xi32>
          %bitcast3A_187 = vector.bitcast %shift_left3A_186 : vector<16xi32> to vector<16xf32>
          %and3A_188 = arith.andi %get3A_185, %broadcast_in_dim3A_27 : vector<16xi32>
          %bitcast3A_189 = vector.bitcast %and3A_188 : vector<16xi32> to vector<16xf32>
          %get3A_190 = arith.index_cast %add3A_163 : i32 to index
          %get3A_191 = arith.constant 32 : index
          %get3A_192 = tpu.vector_load %arg12[%get3A_190, %get3A_191] {strides = array<i32>} : memref<80x128xf32, #tpu.memory_space<vmem>>, vector<16xf32>,
          %mul3A_193 = arith.mulf %get3A_192, %bitcast3A_187 : vector<16xf32>
          %swap3A_194 = arith.index_cast %add3A_163 : i32 to index
          %swap3A_195 = arith.constant 32 : index
          %swap3A_196 = tpu.vector_load %arg12[%swap3A_194, %swap3A_195] {strides = array<i32>} : memref<80x128xf32, #tpu.memory_space<vmem>>, vector<16xf32>,
          tpu.vector_store %arg12[%swap3A_194, %swap3A_195], %mul3A_193 {strides = array<i32>} : memref<80x128xf32, #tpu.memory_space<vmem>>, vector<16xf32>,
          %get3A_197 = arith.index_cast %add3A_163 : i32 to index
          %get3A_198 = arith.constant 48 : index
          %get3A_199 = tpu.vector_load %arg12[%get3A_197, %get3A_198] {strides = array<i32>} : memref<80x128xf32, #tpu.memory_space<vmem>>, vector<16xf32>,
          %mul3A_200 = arith.mulf %get3A_199, %bitcast3A_189 : vector<16xf32>
          %swap3A_201 = arith.index_cast %add3A_163 : i32 to index
          %swap3A_202 = arith.constant 48 : index
          %swap3A_203 = tpu.vector_load %arg12[%swap3A_201, %swap3A_202] {strides = array<i32>} : memref<80x128xf32, #tpu.memory_space<vmem>>, vector<16xf32>,
          tpu.vector_store %arg12[%swap3A_201, %swap3A_202], %mul3A_200 {strides = array<i32>} : memref<80x128xf32, #tpu.memory_space<vmem>>, vector<16xf32>,
          %get3A_204 = arith.index_cast %add3A_163 : i32 to index
          %get3A_205 = arith.constant 32 : index
          %get3A_206 = tpu.vector_load %arg14[%get3A_204, %get3A_205] {strides = array<i32>} : memref<80x64xi32, #tpu.memory_space<vmem>>, vector<16xi32>,
          %shift_left3A_207 = arith.shli %get3A_206, %broadcast_in_dim3A_25 : vector<16xi32>
          %bitcast3A_208 = vector.bitcast %shift_left3A_207 : vector<16xi32> to vector<16xf32>
          %and3A_209 = arith.andi %get3A_206, %broadcast_in_dim3A_27 : vector<16xi32>
          %bitcast3A_210 = vector.bitcast %and3A_209 : vector<16xi32> to vector<16xf32>
          %get3A_211 = arith.index_cast %add3A_163 : i32 to index
          %get3A_212 = arith.constant 64 : index
          %get3A_213 = tpu.vector_load %arg12[%get3A_211, %get3A_212] {strides = array<i32>} : memref<80x128xf32, #tpu.memory_space<vmem>>, vector<16xf32>,
          %mul3A_214 = arith.mulf %get3A_213, %bitcast3A_208 : vector<16xf32>
          %swap3A_215 = arith.index_cast %add3A_163 : i32 to index
          %swap3A_216 = arith.constant 64 : index
          %swap3A_217 = tpu.vector_load %arg12[%swap3A_215, %swap3A_216] {strides = array<i32>} : memref<80x128xf32, #tpu.memory_space<vmem>>, vector<16xf32>,
          tpu.vector_store %arg12[%swap3A_215, %swap3A_216], %mul3A_214 {strides = array<i32>} : memref<80x128xf32, #tpu.memory_space<vmem>>, vector<16xf32>,
          %get3A_218 = arith.index_cast %add3A_163 : i32 to index
          %get3A_219 = arith.constant 80 : index
          %get3A_220 = tpu.vector_load %arg12[%get3A_218, %get3A_219] {strides = array<i32>} : memref<80x128xf32, #tpu.memory_space<vmem>>, vector<16xf32>,
          %mul3A_221 = arith.mulf %get3A_220, %bitcast3A_210 : vector<16xf32>
          %swap3A_222 = arith.index_cast %add3A_163 : i32 to index
          %swap3A_223 = arith.constant 80 : index
          %swap3A_224 = tpu.vector_load %arg12[%swap3A_222, %swap3A_223] {strides = array<i32>} : memref<80x128xf32, #tpu.memory_space<vmem>>, vector<16xf32>,
          tpu.vector_store %arg12[%swap3A_222, %swap3A_223], %mul3A_221 {strides = array<i32>} : memref<80x128xf32, #tpu.memory_space<vmem>>, vector<16xf32>,
          %get3A_225 = arith.index_cast %add3A_163 : i32 to index
          %get3A_226 = arith.constant 48 : index
          %get3A_227 = tpu.vector_load %arg14[%get3A_225, %get3A_226] {strides = array<i32>} : memref<80x64xi32, #tpu.memory_space<vmem>>, vector<16xi32>,
          %shift_left3A_228 = arith.shli %get3A_227, %broadcast_in_dim3A_25 : vector<16xi32>
          %bitcast3A_229 = vector.bitcast %shift_left3A_228 : vector<16xi32> to vector<16xf32>
          %and3A_230 = arith.andi %get3A_227, %broadcast_in_dim3A_27 : vector<16xi32>
          %bitcast3A_231 = vector.bitcast %and3A_230 : vector<16xi32> to vector<16xf32>
          %get3A_232 = arith.index_cast %add3A_163 : i32 to index
          %get3A_233 = arith.constant 96 : index
          %get3A_234 = tpu.vector_load %arg12[%get3A_232, %get3A_233] {strides = array<i32>} : memref<80x128xf32, #tpu.memory_space<vmem>>, vector<16xf32>,
          %mul3A_235 = arith.mulf %get3A_234, %bitcast3A_229 : vector<16xf32>
          %swap3A_236 = arith.index_cast %add3A_163 : i32 to index
          %swap3A_237 = arith.constant 96 : index
          %swap3A_238 = tpu.vector_load %arg12[%swap3A_236, %swap3A_237] {strides = array<i32>} : memref<80x128xf32, #tpu.memory_space<vmem>>, vector<16xf32>,
          tpu.vector_store %arg12[%swap3A_236, %swap3A_237], %mul3A_235 {strides = array<i32>} : memref<80x128xf32, #tpu.memory_space<vmem>>, vector<16xf32>,
          %get3A_239 = arith.index_cast %add3A_163 : i32 to index
          %get3A_240 = arith.constant 112 : index
          %get3A_241 = tpu.vector_load %arg12[%get3A_239, %get3A_240] {strides = array<i32>} : memref<80x128xf32, #tpu.memory_space<vmem>>, vector<16xf32>,
          %mul3A_242 = arith.mulf %get3A_241, %bitcast3A_231 : vector<16xf32>
          %swap3A_243 = arith.index_cast %add3A_163 : i32 to index
          %swap3A_244 = arith.constant 112 : index
          %swap3A_245 = tpu.vector_load %arg12[%swap3A_243, %swap3A_244] {strides = array<i32>} : memref<80x128xf32, #tpu.memory_space<vmem>>, vector<16xf32>,
          tpu.vector_store %arg12[%swap3A_243, %swap3A_244], %mul3A_242 {strides = array<i32>} : memref<80x128xf32, #tpu.memory_space<vmem>>, vector<16xf32>,
          %mul3A_246 = arith.constant 4 : i32
          %mul3A_247 = arith.muli %scan3A_158, %mul3A_246 : i32
          %add3A_248 = arith.constant 1 : i32
          %add3A_249 = arith.addi %mul3A_247, %add3A_248 : i32
          %get3A_250 = arith.index_cast %add3A_249 : i32 to index
          %get3A_251 = arith.constant 0 : index
          %get3A_252 = tpu.vector_load %arg14[%get3A_250, %get3A_251] {strides = array<i32>} : memref<80x64xi32, #tpu.memory_space<vmem>>, vector<16xi32>,
          %shift_left3A_253 = arith.shli %get3A_252, %broadcast_in_dim3A_25 : vector<16xi32>
          %bitcast3A_254 = vector.bitcast %shift_left3A_253 : vector<16xi32> to vector<16xf32>
          %and3A_255 = arith.andi %get3A_252, %broadcast_in_dim3A_27 : vector<16xi32>
          %bitcast3A_256 = vector.bitcast %and3A_255 : vector<16xi32> to vector<16xf32>
          %get3A_257 = arith.index_cast %add3A_249 : i32 to index
          %get3A_258 = arith.constant 0 : index
          %get3A_259 = tpu.vector_load %arg12[%get3A_257, %get3A_258] {strides = array<i32>} : memref<80x128xf32, #tpu.memory_space<vmem>>, vector<16xf32>,
          %mul3A_260 = arith.mulf %get3A_259, %bitcast3A_254 : vector<16xf32>
          %swap3A_261 = arith.index_cast %add3A_249 : i32 to index
          %swap3A_262 = arith.constant 0 : index
          %swap3A_263 = tpu.vector_load %arg12[%swap3A_261, %swap3A_262] {strides = array<i32>} : memref<80x128xf32, #tpu.memory_space<vmem>>, vector<16xf32>,
          tpu.vector_store %arg12[%swap3A_261, %swap3A_262], %mul3A_260 {strides = array<i32>} : memref<80x128xf32, #tpu.memory_space<vmem>>, vector<16xf32>,
          %get3A_264 = arith.index_cast %add3A_249 : i32 to index
          %get3A_265 = arith.constant 16 : index
          %get3A_266 = tpu.vector_load %arg12[%get3A_264, %get3A_265] {strides = array<i32>} : memref<80x128xf32, #tpu.memory_space<vmem>>, vector<16xf32>,
          %mul3A_267 = arith.mulf %get3A_266, %bitcast3A_256 : vector<16xf32>
          %swap3A_268 = arith.index_cast %add3A_249 : i32 to index
          %swap3A_269 = arith.constant 16 : index
          %swap3A_270 = tpu.vector_load %arg12[%swap3A_268, %swap3A_269] {strides = array<i32>} : memref<80x128xf32, #tpu.memory_space<vmem>>, vector<16xf32>,
          tpu.vector_store %arg12[%swap3A_268, %swap3A_269], %mul3A_267 {strides = array<i32>} : memref<80x128xf32, #tpu.memory_space<vmem>>, vector<16xf32>,
          %get3A_271 = arith.index_cast %add3A_249 : i32 to index
          %get3A_272 = arith.constant 16 : index
          %get3A_273 = tpu.vector_load %arg14[%get3A_271, %get3A_272] {strides = array<i32>} : memref<80x64xi32, #tpu.memory_space<vmem>>, vector<16xi32>,
          %shift_left3A_274 = arith.shli %get3A_273, %broadcast_in_dim3A_25 : vector<16xi32>
          %bitcast3A_275 = vector.bitcast %shift_left3A_274 : vector<16xi32> to vector<16xf32>
          %and3A_276 = arith.andi %get3A_273, %broadcast_in_dim3A_27 : vector<16xi32>
          %bitcast3A_277 = vector.bitcast %and3A_276 : vector<16xi32> to vector<16xf32>
          %get3A_278 = arith.index_cast %add3A_249 : i32 to index
          %get3A_279 = arith.constant 32 : index
          %get3A_280 = tpu.vector_load %arg12[%get3A_278, %get3A_279] {strides = array<i32>} : memref<80x128xf32, #tpu.memory_space<vmem>>, vector<16xf32>,
          %mul3A_281 = arith.mulf %get3A_280, %bitcast3A_275 : vector<16xf32>
          %swap3A_282 = arith.index_cast %add3A_249 : i32 to index
          %swap3A_283 = arith.constant 32 : index
          %swap3A_284 = tpu.vector_load %arg12[%swap3A_282, %swap3A_283] {strides = array<i32>} : memref<80x128xf32, #tpu.memory_space<vmem>>, vector<16xf32>,
          tpu.vector_store %arg12[%swap3A_282, %swap3A_283], %mul3A_281 {strides = array<i32>} : memref<80x128xf32, #tpu.memory_space<vmem>>, vector<16xf32>,
          %get3A_285 = arith.index_cast %add3A_249 : i32 to index
          %get3A_286 = arith.constant 48 : index
          %get3A_287 = tpu.vector_load %arg12[%get3A_285, %get3A_286] {strides = array<i32>} : memref<80x128xf32, #tpu.memory_space<vmem>>, vector<16xf32>,
          %mul3A_288 = arith.mulf %get3A_287, %bitcast3A_277 : vector<16xf32>
          %swap3A_289 = arith.index_cast %add3A_249 : i32 to index
          %swap3A_290 = arith.constant 48 : index
          %swap3A_291 = tpu.vector_load %arg12[%swap3A_289, %swap3A_290] {strides = array<i32>} : memref<80x128xf32, #tpu.memory_space<vmem>>, vector<16xf32>,
          tpu.vector_store %arg12[%swap3A_289, %swap3A_290], %mul3A_288 {strides = array<i32>} : memref<80x128xf32, #tpu.memory_space<vmem>>, vector<16xf32>,
          %get3A_292 = arith.index_cast %add3A_249 : i32 to index
          %get3A_293 = arith.constant 32 : index
          %get3A_294 = tpu.vector_load %arg14[%get3A_292, %get3A_293] {strides = array<i32>} : memref<80x64xi32, #tpu.memory_space<vmem>>, vector<16xi32>,
          %shift_left3A_295 = arith.shli %get3A_294, %broadcast_in_dim3A_25 : vector<16xi32>
          %bitcast3A_296 = vector.bitcast %shift_left3A_295 : vector<16xi32> to vector<16xf32>
          %and3A_297 = arith.andi %get3A_294, %broadcast_in_dim3A_27 : vector<16xi32>
          %bitcast3A_298 = vector.bitcast %and3A_297 : vector<16xi32> to vector<16xf32>
          %get3A_299 = arith.index_cast %add3A_249 : i32 to index
          %get3A_300 = arith.constant 64 : index
          %get3A_301 = tpu.vector_load %arg12[%get3A_299, %get3A_300] {strides = array<i32>} : memref<80x128xf32, #tpu.memory_space<vmem>>, vector<16xf32>,
          %mul3A_302 = arith.mulf %get3A_301, %bitcast3A_296 : vector<16xf32>
          %swap3A_303 = arith.index_cast %add3A_249 : i32 to index
          %swap3A_304 = arith.constant 64 : index
          %swap3A_305 = tpu.vector_load %arg12[%swap3A_303, %swap3A_304] {strides = array<i32>} : memref<80x128xf32, #tpu.memory_space<vmem>>, vector<16xf32>,
          tpu.vector_store %arg12[%swap3A_303, %swap3A_304], %mul3A_302 {strides = array<i32>} : memref<80x128xf32, #tpu.memory_space<vmem>>, vector<16xf32>,
          %get3A_306 = arith.index_cast %add3A_249 : i32 to index
          %get3A_307 = arith.constant 80 : index
          %get3A_308 = tpu.vector_load %arg12[%get3A_306, %get3A_307] {strides = array<i32>} : memref<80x128xf32, #tpu.memory_space<vmem>>, vector<16xf32>,
          %mul3A_309 = arith.mulf %get3A_308, %bitcast3A_298 : vector<16xf32>
          %swap3A_310 = arith.index_cast %add3A_249 : i32 to index
          %swap3A_311 = arith.constant 80 : index
          %swap3A_312 = tpu.vector_load %arg12[%swap3A_310, %swap3A_311] {strides = array<i32>} : memref<80x128xf32, #tpu.memory_space<vmem>>, vector<16xf32>,
          tpu.vector_store %arg12[%swap3A_310, %swap3A_311], %mul3A_309 {strides = array<i32>} : memref<80x128xf32, #tpu.memory_space<vmem>>, vector<16xf32>,
          %get3A_313 = arith.index_cast %add3A_249 : i32 to index
          %get3A_314 = arith.constant 48 : index
          %get3A_315 = tpu.vector_load %arg14[%get3A_313, %get3A_314] {strides = array<i32>} : memref<80x64xi32, #tpu.memory_space<vmem>>, vector<16xi32>,
          %shift_left3A_316 = arith.shli %get3A_315, %broadcast_in_dim3A_25 : vector<16xi32>
          %bitcast3A_317 = vector.bitcast %shift_left3A_316 : vector<16xi32> to vector<16xf32>
          %and3A_318 = arith.andi %get3A_315, %broadcast_in_dim3A_27 : vector<16xi32>
          %bitcast3A_319 = vector.bitcast %and3A_318 : vector<16xi32> to vector<16xf32>
          %get3A_320 = arith.index_cast %add3A_249 : i32 to index
          %get3A_321 = arith.constant 96 : index
          %get3A_322 = tpu.vector_load %arg12[%get3A_320, %get3A_321] {strides = array<i32>} : memref<80x128xf32, #tpu.memory_space<vmem>>, vector<16xf32>,
          %mul3A_323 = arith.mulf %get3A_322, %bitcast3A_317 : vector<16xf32>
          %swap3A_324 = arith.index_cast %add3A_249 : i32 to index
          %swap3A_325 = arith.constant 96 : index
          %swap3A_326 = tpu.vector_load %arg12[%swap3A_324, %swap3A_325] {strides = array<i32>} : memref<80x128xf32, #tpu.memory_space<vmem>>, vector<16xf32>,
          tpu.vector_store %arg12[%swap3A_324, %swap3A_325], %mul3A_323 {strides = array<i32>} : memref<80x128xf32, #tpu.memory_space<vmem>>, vector<16xf32>,
          %get3A_327 = arith.index_cast %add3A_249 : i32 to index
          %get3A_328 = arith.constant 112 : index
          %get3A_329 = tpu.vector_load %arg12[%get3A_327, %get3A_328] {strides = array<i32>} : memref<80x128xf32, #tpu.memory_space<vmem>>, vector<16xf32>,
          %mul3A_330 = arith.mulf %get3A_329, %bitcast3A_319 : vector<16xf32>
          %swap3A_331 = arith.index_cast %add3A_249 : i32 to index
          %swap3A_332 = arith.constant 112 : index
          %swap3A_333 = tpu.vector_load %arg12[%swap3A_331, %swap3A_332] {strides = array<i32>} : memref<80x128xf32, #tpu.memory_space<vmem>>, vector<16xf32>,
          tpu.vector_store %arg12[%swap3A_331, %swap3A_332], %mul3A_330 {strides = array<i32>} : memref<80x128xf32, #tpu.memory_space<vmem>>, vector<16xf32>,
          %mul3A_334 = arith.constant 4 : i32
          %mul3A_335 = arith.muli %scan3A_158, %mul3A_334 : i32
          %add3A_336 = arith.constant 2 : i32
          %add3A_337 = arith.addi %mul3A_335, %add3A_336 : i32
          %get3A_338 = arith.index_cast %add3A_337 : i32 to index
          %get3A_339 = arith.constant 0 : index
          %get3A_340 = tpu.vector_load %arg14[%get3A_338, %get3A_339] {strides = array<i32>} : memref<80x64xi32, #tpu.memory_space<vmem>>, vector<16xi32>,
          %shift_left3A_341 = arith.shli %get3A_340, %broadcast_in_dim3A_25 : vector<16xi32>
          %bitcast3A_342 = vector.bitcast %shift_left3A_341 : vector<16xi32> to vector<16xf32>
          %and3A_343 = arith.andi %get3A_340, %broadcast_in_dim3A_27 : vector<16xi32>
          %bitcast3A_344 = vector.bitcast %and3A_343 : vector<16xi32> to vector<16xf32>
          %get3A_345 = arith.index_cast %add3A_337 : i32 to index
          %get3A_346 = arith.constant 0 : index
          %get3A_347 = tpu.vector_load %arg12[%get3A_345, %get3A_346] {strides = array<i32>} : memref<80x128xf32, #tpu.memory_space<vmem>>, vector<16xf32>,
          %mul3A_348 = arith.mulf %get3A_347, %bitcast3A_342 : vector<16xf32>
          %swap3A_349 = arith.index_cast %add3A_337 : i32 to index
          %swap3A_350 = arith.constant 0 : index
          %swap3A_351 = tpu.vector_load %arg12[%swap3A_349, %swap3A_350] {strides = array<i32>} : memref<80x128xf32, #tpu.memory_space<vmem>>, vector<16xf32>,
          tpu.vector_store %arg12[%swap3A_349, %swap3A_350], %mul3A_348 {strides = array<i32>} : memref<80x128xf32, #tpu.memory_space<vmem>>, vector<16xf32>,
          %get3A_352 = arith.index_cast %add3A_337 : i32 to index
          %get3A_353 = arith.constant 16 : index
          %get3A_354 = tpu.vector_load %arg12[%get3A_352, %get3A_353] {strides = array<i32>} : memref<80x128xf32, #tpu.memory_space<vmem>>, vector<16xf32>,
          %mul3A_355 = arith.mulf %get3A_354, %bitcast3A_344 : vector<16xf32>
          %swap3A_356 = arith.index_cast %add3A_337 : i32 to index
          %swap3A_357 = arith.constant 16 : index
          %swap3A_358 = tpu.vector_load %arg12[%swap3A_356, %swap3A_357] {strides = array<i32>} : memref<80x128xf32, #tpu.memory_space<vmem>>, vector<16xf32>,
          tpu.vector_store %arg12[%swap3A_356, %swap3A_357], %mul3A_355 {strides = array<i32>} : memref<80x128xf32, #tpu.memory_space<vmem>>, vector<16xf32>,
          %get3A_359 = arith.index_cast %add3A_337 : i32 to index
          %get3A_360 = arith.constant 16 : index
          %get3A_361 = tpu.vector_load %arg14[%get3A_359, %get3A_360] {strides = array<i32>} : memref<80x64xi32, #tpu.memory_space<vmem>>, vector<16xi32>,
          %shift_left3A_362 = arith.shli %get3A_361, %broadcast_in_dim3A_25 : vector<16xi32>
          %bitcast3A_363 = vector.bitcast %shift_left3A_362 : vector<16xi32> to vector<16xf32>
          %and3A_364 = arith.andi %get3A_361, %broadcast_in_dim3A_27 : vector<16xi32>
          %bitcast3A_365 = vector.bitcast %and3A_364 : vector<16xi32> to vector<16xf32>
          %get3A_366 = arith.index_cast %add3A_337 : i32 to index
          %get3A_367 = arith.constant 32 : index
          %get3A_368 = tpu.vector_load %arg12[%get3A_366, %get3A_367] {strides = array<i32>} : memref<80x128xf32, #tpu.memory_space<vmem>>, vector<16xf32>,
          %mul3A_369 = arith.mulf %get3A_368, %bitcast3A_363 : vector<16xf32>
          %swap3A_370 = arith.index_cast %add3A_337 : i32 to index
          %swap3A_371 = arith.constant 32 : index
          %swap3A_372 = tpu.vector_load %arg12[%swap3A_370, %swap3A_371] {strides = array<i32>} : memref<80x128xf32, #tpu.memory_space<vmem>>, vector<16xf32>,
          tpu.vector_store %arg12[%swap3A_370, %swap3A_371], %mul3A_369 {strides = array<i32>} : memref<80x128xf32, #tpu.memory_space<vmem>>, vector<16xf32>,
          %get3A_373 = arith.index_cast %add3A_337 : i32 to index
          %get3A_374 = arith.constant 48 : index
          %get3A_375 = tpu.vector_load %arg12[%get3A_373, %get3A_374] {strides = array<i32>} : memref<80x128xf32, #tpu.memory_space<vmem>>, vector<16xf32>,
          %mul3A_376 = arith.mulf %get3A_375, %bitcast3A_365 : vector<16xf32>
          %swap3A_377 = arith.index_cast %add3A_337 : i32 to index
          %swap3A_378 = arith.constant 48 : index
          %swap3A_379 = tpu.vector_load %arg12[%swap3A_377, %swap3A_378] {strides = array<i32>} : memref<80x128xf32, #tpu.memory_space<vmem>>, vector<16xf32>,
          tpu.vector_store %arg12[%swap3A_377, %swap3A_378], %mul3A_376 {strides = array<i32>} : memref<80x128xf32, #tpu.memory_space<vmem>>, vector<16xf32>,
          %get3A_380 = arith.index_cast %add3A_337 : i32 to index
          %get3A_381 = arith.constant 32 : index
          %get3A_382 = tpu.vector_load %arg14[%get3A_380, %get3A_381] {strides = array<i32>} : memref<80x64xi32, #tpu.memory_space<vmem>>, vector<16xi32>,
          %shift_left3A_383 = arith.shli %get3A_382, %broadcast_in_dim3A_25 : vector<16xi32>
          %bitcast3A_384 = vector.bitcast %shift_left3A_383 : vector<16xi32> to vector<16xf32>
          %and3A_385 = arith.andi %get3A_382, %broadcast_in_dim3A_27 : vector<16xi32>
          %bitcast3A_386 = vector.bitcast %and3A_385 : vector<16xi32> to vector<16xf32>
          %get3A_387 = arith.index_cast %add3A_337 : i32 to index
          %get3A_388 = arith.constant 64 : index
          %get3A_389 = tpu.vector_load %arg12[%get3A_387, %get3A_388] {strides = array<i32>} : memref<80x128xf32, #tpu.memory_space<vmem>>, vector<16xf32>,
          %mul3A_390 = arith.mulf %get3A_389, %bitcast3A_384 : vector<16xf32>
          %swap3A_391 = arith.index_cast %add3A_337 : i32 to index
          %swap3A_392 = arith.constant 64 : index
          %swap3A_393 = tpu.vector_load %arg12[%swap3A_391, %swap3A_392] {strides = array<i32>} : memref<80x128xf32, #tpu.memory_space<vmem>>, vector<16xf32>,
          tpu.vector_store %arg12[%swap3A_391, %swap3A_392], %mul3A_390 {strides = array<i32>} : memref<80x128xf32, #tpu.memory_space<vmem>>, vector<16xf32>,
          %get3A_394 = arith.index_cast %add3A_337 : i32 to index
          %get3A_395 = arith.constant 80 : index
          %get3A_396 = tpu.vector_load %arg12[%get3A_394, %get3A_395] {strides = array<i32>} : memref<80x128xf32, #tpu.memory_space<vmem>>, vector<16xf32>,
          %mul3A_397 = arith.mulf %get3A_396, %bitcast3A_386 : vector<16xf32>
          %swap3A_398 = arith.index_cast %add3A_337 : i32 to index
          %swap3A_399 = arith.constant 80 : index
          %swap3A_400 = tpu.vector_load %arg12[%swap3A_398, %swap3A_399] {strides = array<i32>} : memref<80x128xf32, #tpu.memory_space<vmem>>, vector<16xf32>,
          tpu.vector_store %arg12[%swap3A_398, %swap3A_399], %mul3A_397 {strides = array<i32>} : memref<80x128xf32, #tpu.memory_space<vmem>>, vector<16xf32>,
          %get3A_401 = arith.index_cast %add3A_337 : i32 to index
          %get3A_402 = arith.constant 48 : index
          %get3A_403 = tpu.vector_load %arg14[%get3A_401, %get3A_402] {strides = array<i32>} : memref<80x64xi32, #tpu.memory_space<vmem>>, vector<16xi32>,
          %shift_left3A_404 = arith.shli %get3A_403, %broadcast_in_dim3A_25 : vector<16xi32>
          %bitcast3A_405 = vector.bitcast %shift_left3A_404 : vector<16xi32> to vector<16xf32>
          %and3A_406 = arith.andi %get3A_403, %broadcast_in_dim3A_27 : vector<16xi32>
          %bitcast3A_407 = vector.bitcast %and3A_406 : vector<16xi32> to vector<16xf32>
          %get3A_408 = arith.index_cast %add3A_337 : i32 to index
          %get3A_409 = arith.constant 96 : index
          %get3A_410 = tpu.vector_load %arg12[%get3A_408, %get3A_409] {strides = array<i32>} : memref<80x128xf32, #tpu.memory_space<vmem>>, vector<16xf32>,
          %mul3A_411 = arith.mulf %get3A_410, %bitcast3A_405 : vector<16xf32>
          %swap3A_412 = arith.index_cast %add3A_337 : i32 to index
          %swap3A_413 = arith.constant 96 : index
          %swap3A_414 = tpu.vector_load %arg12[%swap3A_412, %swap3A_413] {strides = array<i32>} : memref<80x128xf32, #tpu.memory_space<vmem>>, vector<16xf32>,
          tpu.vector_store %arg12[%swap3A_412, %swap3A_413], %mul3A_411 {strides = array<i32>} : memref<80x128xf32, #tpu.memory_space<vmem>>, vector<16xf32>,
          %get3A_415 = arith.index_cast %add3A_337 : i32 to index
          %get3A_416 = arith.constant 112 : index
          %get3A_417 = tpu.vector_load %arg12[%get3A_415, %get3A_416] {strides = array<i32>} : memref<80x128xf32, #tpu.memory_space<vmem>>, vector<16xf32>,
          %mul3A_418 = arith.mulf %get3A_417, %bitcast3A_407 : vector<16xf32>
          %swap3A_419 = arith.index_cast %add3A_337 : i32 to index
          %swap3A_420 = arith.constant 112 : index
          %swap3A_421 = tpu.vector_load %arg12[%swap3A_419, %swap3A_420] {strides = array<i32>} : memref<80x128xf32, #tpu.memory_space<vmem>>, vector<16xf32>,
          tpu.vector_store %arg12[%swap3A_419, %swap3A_420], %mul3A_418 {strides = array<i32>} : memref<80x128xf32, #tpu.memory_space<vmem>>, vector<16xf32>,
          %mul3A_422 = arith.constant 4 : i32
          %mul3A_423 = arith.muli %scan3A_158, %mul3A_422 : i32
          %add3A_424 = arith.constant 3 : i32
          %add3A_425 = arith.addi %mul3A_423, %add3A_424 : i32
          %get3A_426 = arith.index_cast %add3A_425 : i32 to index
          %get3A_427 = arith.constant 0 : index
          %get3A_428 = tpu.vector_load %arg14[%get3A_426, %get3A_427] {strides = array<i32>} : memref<80x64xi32, #tpu.memory_space<vmem>>, vector<16xi32>,
          %shift_left3A_429 = arith.shli %get3A_428, %broadcast_in_dim3A_25 : vector<16xi32>
          %bitcast3A_430 = vector.bitcast %shift_left3A_429 : vector<16xi32> to vector<16xf32>
          %and3A_431 = arith.andi %get3A_428, %broadcast_in_dim3A_27 : vector<16xi32>
          %bitcast3A_432 = vector.bitcast %and3A_431 : vector<16xi32> to vector<16xf32>
          %get3A_433 = arith.index_cast %add3A_425 : i32 to index
          %get3A_434 = arith.constant 0 : index
          %get3A_435 = tpu.vector_load %arg12[%get3A_433, %get3A_434] {strides = array<i32>} : memref<80x128xf32, #tpu.memory_space<vmem>>, vector<16xf32>,
          %mul3A_436 = arith.mulf %get3A_435, %bitcast3A_430 : vector<16xf32>
          %swap3A_437 = arith.index_cast %add3A_425 : i32 to index
          %swap3A_438 = arith.constant 0 : index
          %swap3A_439 = tpu.vector_load %arg12[%swap3A_437, %swap3A_438] {strides = array<i32>} : memref<80x128xf32, #tpu.memory_space<vmem>>, vector<16xf32>,
          tpu.vector_store %arg12[%swap3A_437, %swap3A_438], %mul3A_436 {strides = array<i32>} : memref<80x128xf32, #tpu.memory_space<vmem>>, vector<16xf32>,
          %get3A_440 = arith.index_cast %add3A_425 : i32 to index
          %get3A_441 = arith.constant 16 : index
          %get3A_442 = tpu.vector_load %arg12[%get3A_440, %get3A_441] {strides = array<i32>} : memref<80x128xf32, #tpu.memory_space<vmem>>, vector<16xf32>,
          %mul3A_443 = arith.mulf %get3A_442, %bitcast3A_432 : vector<16xf32>
          %swap3A_444 = arith.index_cast %add3A_425 : i32 to index
          %swap3A_445 = arith.constant 16 : index
          %swap3A_446 = tpu.vector_load %arg12[%swap3A_444, %swap3A_445] {strides = array<i32>} : memref<80x128xf32, #tpu.memory_space<vmem>>, vector<16xf32>,
          tpu.vector_store %arg12[%swap3A_444, %swap3A_445], %mul3A_443 {strides = array<i32>} : memref<80x128xf32, #tpu.memory_space<vmem>>, vector<16xf32>,
          %get3A_447 = arith.index_cast %add3A_425 : i32 to index
          %get3A_448 = arith.constant 16 : index
          %get3A_449 = tpu.vector_load %arg14[%get3A_447, %get3A_448] {strides = array<i32>} : memref<80x64xi32, #tpu.memory_space<vmem>>, vector<16xi32>,
          %shift_left3A_450 = arith.shli %get3A_449, %broadcast_in_dim3A_25 : vector<16xi32>
          %bitcast3A_451 = vector.bitcast %shift_left3A_450 : vector<16xi32> to vector<16xf32>
          %and3A_452 = arith.andi %get3A_449, %broadcast_in_dim3A_27 : vector<16xi32>
          %bitcast3A_453 = vector.bitcast %and3A_452 : vector<16xi32> to vector<16xf32>
          %get3A_454 = arith.index_cast %add3A_425 : i32 to index
          %get3A_455 = arith.constant 32 : index
          %get3A_456 = tpu.vector_load %arg12[%get3A_454, %get3A_455] {strides = array<i32>} : memref<80x128xf32, #tpu.memory_space<vmem>>, vector<16xf32>,
          %mul3A_457 = arith.mulf %get3A_456, %bitcast3A_451 : vector<16xf32>
          %swap3A_458 = arith.index_cast %add3A_425 : i32 to index
          %swap3A_459 = arith.constant 32 : index
          %swap3A_460 = tpu.vector_load %arg12[%swap3A_458, %swap3A_459] {strides = array<i32>} : memref<80x128xf32, #tpu.memory_space<vmem>>, vector<16xf32>,
          tpu.vector_store %arg12[%swap3A_458, %swap3A_459], %mul3A_457 {strides = array<i32>} : memref<80x128xf32, #tpu.memory_space<vmem>>, vector<16xf32>,
          %get3A_461 = arith.index_cast %add3A_425 : i32 to index
          %get3A_462 = arith.constant 48 : index
          %get3A_463 = tpu.vector_load %arg12[%get3A_461, %get3A_462] {strides = array<i32>} : memref<80x128xf32, #tpu.memory_space<vmem>>, vector<16xf32>,
          %mul3A_464 = arith.mulf %get3A_463, %bitcast3A_453 : vector<16xf32>
          %swap3A_465 = arith.index_cast %add3A_425 : i32 to index
          %swap3A_466 = arith.constant 48 : index
          %swap3A_467 = tpu.vector_load %arg12[%swap3A_465, %swap3A_466] {strides = array<i32>} : memref<80x128xf32, #tpu.memory_space<vmem>>, vector<16xf32>,
          tpu.vector_store %arg12[%swap3A_465, %swap3A_466], %mul3A_464 {strides = array<i32>} : memref<80x128xf32, #tpu.memory_space<vmem>>, vector<16xf32>,
          %get3A_468 = arith.index_cast %add3A_425 : i32 to index
          %get3A_469 = arith.constant 32 : index
          %get3A_470 = tpu.vector_load %arg14[%get3A_468, %get3A_469] {strides = array<i32>} : memref<80x64xi32, #tpu.memory_space<vmem>>, vector<16xi32>,
          %shift_left3A_471 = arith.shli %get3A_470, %broadcast_in_dim3A_25 : vector<16xi32>
          %bitcast3A_472 = vector.bitcast %shift_left3A_471 : vector<16xi32> to vector<16xf32>
          %and3A_473 = arith.andi %get3A_470, %broadcast_in_dim3A_27 : vector<16xi32>
          %bitcast3A_474 = vector.bitcast %and3A_473 : vector<16xi32> to vector<16xf32>
          %get3A_475 = arith.index_cast %add3A_425 : i32 to index
          %get3A_476 = arith.constant 64 : index
          %get3A_477 = tpu.vector_load %arg12[%get3A_475, %get3A_476] {strides = array<i32>} : memref<80x128xf32, #tpu.memory_space<vmem>>, vector<16xf32>,
          %mul3A_478 = arith.mulf %get3A_477, %bitcast3A_472 : vector<16xf32>
          %swap3A_479 = arith.index_cast %add3A_425 : i32 to index
          %swap3A_480 = arith.constant 64 : index
          %swap3A_481 = tpu.vector_load %arg12[%swap3A_479, %swap3A_480] {strides = array<i32>} : memref<80x128xf32, #tpu.memory_space<vmem>>, vector<16xf32>,
          tpu.vector_store %arg12[%swap3A_479, %swap3A_480], %mul3A_478 {strides = array<i32>} : memref<80x128xf32, #tpu.memory_space<vmem>>, vector<16xf32>,
          %get3A_482 = arith.index_cast %add3A_425 : i32 to index
          %get3A_483 = arith.constant 80 : index
          %get3A_484 = tpu.vector_load %arg12[%get3A_482, %get3A_483] {strides = array<i32>} : memref<80x128xf32, #tpu.memory_space<vmem>>, vector<16xf32>,
          %mul3A_485 = arith.mulf %get3A_484, %bitcast3A_474 : vector<16xf32>
          %swap3A_486 = arith.index_cast %add3A_425 : i32 to index
          %swap3A_487 = arith.constant 80 : index
          %swap3A_488 = tpu.vector_load %arg12[%swap3A_486, %swap3A_487] {strides = array<i32>} : memref<80x128xf32, #tpu.memory_space<vmem>>, vector<16xf32>,
          tpu.vector_store %arg12[%swap3A_486, %swap3A_487], %mul3A_485 {strides = array<i32>} : memref<80x128xf32, #tpu.memory_space<vmem>>, vector<16xf32>,
          %get3A_489 = arith.index_cast %add3A_425 : i32 to index
          %get3A_490 = arith.constant 48 : index
          %get3A_491 = tpu.vector_load %arg14[%get3A_489, %get3A_490] {strides = array<i32>} : memref<80x64xi32, #tpu.memory_space<vmem>>, vector<16xi32>,
          %shift_left3A_492 = arith.shli %get3A_491, %broadcast_in_dim3A_25 : vector<16xi32>
          %bitcast3A_493 = vector.bitcast %shift_left3A_492 : vector<16xi32> to vector<16xf32>
          %and3A_494 = arith.andi %get3A_491, %broadcast_in_dim3A_27 : vector<16xi32>
          %bitcast3A_495 = vector.bitcast %and3A_494 : vector<16xi32> to vector<16xf32>
          %get3A_496 = arith.index_cast %add3A_425 : i32 to index
          %get3A_497 = arith.constant 96 : index
          %get3A_498 = tpu.vector_load %arg12[%get3A_496, %get3A_497] {strides = array<i32>} : memref<80x128xf32, #tpu.memory_space<vmem>>, vector<16xf32>,
          %mul3A_499 = arith.mulf %get3A_498, %bitcast3A_493 : vector<16xf32>
          %swap3A_500 = arith.index_cast %add3A_425 : i32 to index
          %swap3A_501 = arith.constant 96 : index
          %swap3A_502 = tpu.vector_load %arg12[%swap3A_500, %swap3A_501] {strides = array<i32>} : memref<80x128xf32, #tpu.memory_space<vmem>>, vector<16xf32>,
          tpu.vector_store %arg12[%swap3A_500, %swap3A_501], %mul3A_499 {strides = array<i32>} : memref<80x128xf32, #tpu.memory_space<vmem>>, vector<16xf32>,
          %get3A_503 = arith.index_cast %add3A_425 : i32 to index
          %get3A_504 = arith.constant 112 : index
          %get3A_505 = tpu.vector_load %arg12[%get3A_503, %get3A_504] {strides = array<i32>} : memref<80x128xf32, #tpu.memory_space<vmem>>, vector<16xf32>,
          %mul3A_506 = arith.mulf %get3A_505, %bitcast3A_495 : vector<16xf32>
          %swap3A_507 = arith.index_cast %add3A_425 : i32 to index
          %swap3A_508 = arith.constant 112 : index
          %swap3A_509 = tpu.vector_load %arg12[%swap3A_507, %swap3A_508] {strides = array<i32>} : memref<80x128xf32, #tpu.memory_space<vmem>>, vector<16xf32>,
          tpu.vector_store %arg12[%swap3A_507, %swap3A_508], %mul3A_506 {strides = array<i32>} : memref<80x128xf32, #tpu.memory_space<vmem>>, vector<16xf32>,
          %scan3A_510 = arith.constant 0 : i32
          scf.yield %scan3A_510 : i32
        }
        %scan3A_154 = arith.constant 20 : i32
        %dma_start3A_155 = arith.constant 0 : i32
        %dma_start3A_156 = arith.constant 0 : i32
        %dma_start3A_157 = tpu.memref_slice %arg16[%dma_start3A_155, %dma_start3A_156] : memref<10000x128xf32, #tpu.memory_space<vmem_shared>> -> memref<10000x128xf32, #tpu.memory_space<vmem_shared>>
        tpu.enqueue_indirect_dma source(%arg12 : memref<80x128xf32, #tpu.memory_space<vmem>>) target(%dma_start3A_157 : memref<10000x128xf32, #tpu.memory_space<vmem_shared>>) offsets(%arg10 : memref<80xi32, #tpu.memory_space<vmem>>) semaphore(%arg21 : memref<!tpu.dma_semaphore, #tpu.memory_space<semaphore_mem>>) {add = true}
      } else {
      }
      %mul3A_113 = arith.constant 2 : i32
      %mul3A_114 = arith.muli %scan3A_102, %mul3A_113 : i32
      %add3A_115 = arith.constant 1 : i32
      %add3A_116 = arith.addi %mul3A_114, %add3A_115 : i32
      %lt3A_117 = arith.constant 125 : i32
      %lt3A_118 = arith.cmpi slt, %add3A_116, %lt3A_117 : i32
      %convert_element_type3A_119 = arith.extui %lt3A_118 : i1 to i32
      %cond3A_120 = arith.constant 0 : i32
      %cond3A_121 = arith.cmpi ne, %convert_element_type3A_119, %cond3A_120 : i32
      scf.if %cond3A_121 {
        %add3A_123 = arith.constant 2 : i32
        %add3A_124 = arith.addi %add3A_116, %add3A_123 : i32
        %lt3A_125 = arith.constant 125 : i32
        %lt3A_126 = arith.cmpi slt, %add3A_124, %lt3A_125 : i32
        %convert_element_type3A_127 = arith.extui %lt3A_126 : i1 to i32
        %cond3A_128 = arith.constant 0 : i32
        %cond3A_129 = arith.cmpi ne, %convert_element_type3A_127, %cond3A_128 : i32
        scf.if %cond3A_129 {
          %add3A_158 = arith.constant 2 : i32
          %add3A_159 = arith.addi %add3A_116, %add3A_158 : i32
          %mul3A_160 = arith.constant 80 : i32
          %mul3A_161 = arith.muli %add3A_159, %mul3A_160 : i32
          %add3A_162 = arith.addi %mul3A_6, %mul3A_161 : i32
          %dma_start3A_163 = tpu.memref_slice %arg4[%add3A_162] : memref<320000xi32, #tpu.memory_space<hbm>> -> memref<80xi32, #tpu.memory_space<hbm>>
          %dma_start3A_164 = tpu.memref_slice %arg4[%add3A_162] : memref<320000xi32, #tpu.memory_space<hbm>> -> memref<80xi32, #tpu.memory_space<hbm>>
          tpu.enqueue_dma source(%dma_start3A_164 : memref<80xi32, #tpu.memory_space<hbm>>) target(%arg7 : memref<80xi32, #tpu.memory_space<vmem>>) target_semaphore(%arg18 : memref<!tpu.dma_semaphore, #tpu.memory_space<semaphore_mem>>)
        } else {
        }
        %ge3A = arith.constant 1 : i32
        %ge3A_130 = arith.cmpi sge, %add3A_116, %ge3A : i32
        %convert_element_type3A_131 = arith.extui %ge3A_130 : i1 to i32
        %cond3A_132 = arith.constant 0 : i32
        %cond3A_133 = arith.cmpi ne, %convert_element_type3A_131, %cond3A_132 : i32
        scf.if %cond3A_133 {
          %dma_wait3A_158 = arith.constant 0 : i32
          %dma_wait3A_159 = arith.constant 0 : i32
          %dma_wait3A_160 = tpu.memref_slice %arg16[%dma_wait3A_158, %dma_wait3A_159] : memref<10000x128xf32, #tpu.memory_space<vmem_shared>> -> memref<10000x128xf32, #tpu.memory_space<vmem_shared>>
          tpu.wait_indirect_dma semaphore(%arg21 : memref<!tpu.dma_semaphore, #tpu.memory_space<semaphore_mem>>) src(%arg12 : memref<80x128xf32, #tpu.memory_space<vmem>>) dst(%dma_wait3A_160 : memref<10000x128xf32, #tpu.memory_space<vmem_shared>>)
        } else {
        }
        %add3A_134 = arith.constant 1 : i32
        %add3A_135 = arith.addi %add3A_116, %add3A_134 : i32
        %lt3A_136 = arith.constant 125 : i32
        %lt3A_137 = arith.cmpi slt, %add3A_135, %lt3A_136 : i32
        %convert_element_type3A_138 = arith.extui %lt3A_137 : i1 to i32
        %cond3A_139 = arith.constant 0 : i32
        %cond3A_140 = arith.cmpi ne, %convert_element_type3A_138, %cond3A_139 : i32
        scf.if %cond3A_140 {
          %dma_wait3A_158 = tpu.memref_slice %arg4[%mul3A_6] : memref<320000xi32, #tpu.memory_space<hbm>> -> memref<80xi32, #tpu.memory_space<hbm>>
          %dma_wait3A_159 = tpu.memref_slice %arg4[%mul3A_6] : memref<320000xi32, #tpu.memory_space<hbm>> -> memref<80xi32, #tpu.memory_space<hbm>>
          tpu.wait_dma2 semaphore(%arg17 : memref<!tpu.dma_semaphore, #tpu.memory_space<semaphore_mem>>) src(%dma_wait3A_159 : memref<80xi32, #tpu.memory_space<hbm>>) dst(%arg6 : memref<80xi32, #tpu.memory_space<vmem>>)
          %get3A_160 = arith.constant 0 : index
          %get3A_161 = tpu.vector_load %arg6[%get3A_160] {strides = array<i32>} : memref<80xi32, #tpu.memory_space<vmem>>, vector<16xi32>,
          %and3A_162 = arith.andi %get3A_161, %broadcast_in_dim3A_9 : vector<16xi32>
          %swap3A_163 = arith.constant 0 : index
          %swap3A_164 = tpu.vector_load %arg8[%swap3A_163] {strides = array<i32>} : memref<80xi32, #tpu.memory_space<vmem>>, vector<16xi32>,
          tpu.vector_store %arg8[%swap3A_163], %and3A_162 {strides = array<i32>} : memref<80xi32, #tpu.memory_space<vmem>>, vector<16xi32>,
          %shift_right_logical3A_165 = arith.shrui %get3A_161, %broadcast_in_dim3A_11 : vector<16xi32>
          %swap3A_166 = arith.constant 0 : index
          %swap3A_167 = tpu.vector_load %arg10[%swap3A_166] {strides = array<i32>} : memref<80xi32, #tpu.memory_space<vmem>>, vector<16xi32>,
          tpu.vector_store %arg10[%swap3A_166], %shift_right_logical3A_165 {strides = array<i32>} : memref<80xi32, #tpu.memory_space<vmem>>, vector<16xi32>,
          %get3A_168 = arith.constant 16 : index
          %get3A_169 = tpu.vector_load %arg6[%get3A_168] {strides = array<i32>} : memref<80xi32, #tpu.memory_space<vmem>>, vector<16xi32>,
          %and3A_170 = arith.andi %get3A_169, %broadcast_in_dim3A_9 : vector<16xi32>
          %swap3A_171 = arith.constant 16 : index
          %swap3A_172 = tpu.vector_load %arg8[%swap3A_171] {strides = array<i32>} : memref<80xi32, #tpu.memory_space<vmem>>, vector<16xi32>,
          tpu.vector_store %arg8[%swap3A_171], %and3A_170 {strides = array<i32>} : memref<80xi32, #tpu.memory_space<vmem>>, vector<16xi32>,
          %shift_right_logical3A_173 = arith.shrui %get3A_169, %broadcast_in_dim3A_11 : vector<16xi32>
          %swap3A_174 = arith.constant 16 : index
          %swap3A_175 = tpu.vector_load %arg10[%swap3A_174] {strides = array<i32>} : memref<80xi32, #tpu.memory_space<vmem>>, vector<16xi32>,
          tpu.vector_store %arg10[%swap3A_174], %shift_right_logical3A_173 {strides = array<i32>} : memref<80xi32, #tpu.memory_space<vmem>>, vector<16xi32>,
          %get3A_176 = arith.constant 32 : index
          %get3A_177 = tpu.vector_load %arg6[%get3A_176] {strides = array<i32>} : memref<80xi32, #tpu.memory_space<vmem>>, vector<16xi32>,
          %and3A_178 = arith.andi %get3A_177, %broadcast_in_dim3A_9 : vector<16xi32>
          %swap3A_179 = arith.constant 32 : index
          %swap3A_180 = tpu.vector_load %arg8[%swap3A_179] {strides = array<i32>} : memref<80xi32, #tpu.memory_space<vmem>>, vector<16xi32>,
          tpu.vector_store %arg8[%swap3A_179], %and3A_178 {strides = array<i32>} : memref<80xi32, #tpu.memory_space<vmem>>, vector<16xi32>,
          %shift_right_logical3A_181 = arith.shrui %get3A_177, %broadcast_in_dim3A_11 : vector<16xi32>
          %swap3A_182 = arith.constant 32 : index
          %swap3A_183 = tpu.vector_load %arg10[%swap3A_182] {strides = array<i32>} : memref<80xi32, #tpu.memory_space<vmem>>, vector<16xi32>,
          tpu.vector_store %arg10[%swap3A_182], %shift_right_logical3A_181 {strides = array<i32>} : memref<80xi32, #tpu.memory_space<vmem>>, vector<16xi32>,
          %get3A_184 = arith.constant 48 : index
          %get3A_185 = tpu.vector_load %arg6[%get3A_184] {strides = array<i32>} : memref<80xi32, #tpu.memory_space<vmem>>, vector<16xi32>,
          %and3A_186 = arith.andi %get3A_185, %broadcast_in_dim3A_9 : vector<16xi32>
          %swap3A_187 = arith.constant 48 : index
          %swap3A_188 = tpu.vector_load %arg8[%swap3A_187] {strides = array<i32>} : memref<80xi32, #tpu.memory_space<vmem>>, vector<16xi32>,
          tpu.vector_store %arg8[%swap3A_187], %and3A_186 {strides = array<i32>} : memref<80xi32, #tpu.memory_space<vmem>>, vector<16xi32>,
          %shift_right_logical3A_189 = arith.shrui %get3A_185, %broadcast_in_dim3A_11 : vector<16xi32>
          %swap3A_190 = arith.constant 48 : index
          %swap3A_191 = tpu.vector_load %arg10[%swap3A_190] {strides = array<i32>} : memref<80xi32, #tpu.memory_space<vmem>>, vector<16xi32>,
          tpu.vector_store %arg10[%swap3A_190], %shift_right_logical3A_189 {strides = array<i32>} : memref<80xi32, #tpu.memory_space<vmem>>, vector<16xi32>,
          %get3A_192 = arith.constant 64 : index
          %get3A_193 = tpu.vector_load %arg6[%get3A_192] {strides = array<i32>} : memref<80xi32, #tpu.memory_space<vmem>>, vector<16xi32>,
          %and3A_194 = arith.andi %get3A_193, %broadcast_in_dim3A_9 : vector<16xi32>
          %swap3A_195 = arith.constant 64 : index
          %swap3A_196 = tpu.vector_load %arg8[%swap3A_195] {strides = array<i32>} : memref<80xi32, #tpu.memory_space<vmem>>, vector<16xi32>,
          tpu.vector_store %arg8[%swap3A_195], %and3A_194 {strides = array<i32>} : memref<80xi32, #tpu.memory_space<vmem>>, vector<16xi32>,
          %shift_right_logical3A_197 = arith.shrui %get3A_193, %broadcast_in_dim3A_11 : vector<16xi32>
          %swap3A_198 = arith.constant 64 : index
          %swap3A_199 = tpu.vector_load %arg10[%swap3A_198] {strides = array<i32>} : memref<80xi32, #tpu.memory_space<vmem>>, vector<16xi32>,
          tpu.vector_store %arg10[%swap3A_198], %shift_right_logical3A_197 {strides = array<i32>} : memref<80xi32, #tpu.memory_space<vmem>>, vector<16xi32>,
          %add3A_200 = arith.constant 1 : i32
          %add3A_201 = arith.addi %add3A_116, %add3A_200 : i32
          %dma_start3A_202 = arith.constant 0 : i32
          %dma_start3A_203 = arith.constant 0 : i32
          %dma_start3A_204 = tpu.memref_slice %arg2[%dma_start3A_202, %dma_start3A_203] : memref<10000x128xf32, #tpu.memory_space<hbm>> -> memref<10000x128xf32, #tpu.memory_space<hbm>>
          tpu.enqueue_indirect_dma source(%dma_start3A_204 : memref<10000x128xf32, #tpu.memory_space<hbm>>) target(%arg12 : memref<80x128xf32, #tpu.memory_space<vmem>>) offsets(%arg8 : memref<80xi32, #tpu.memory_space<vmem>>) semaphore(%arg19 : memref<!tpu.dma_semaphore, #tpu.memory_space<semaphore_mem>>)
          %mul3A_205 = arith.constant 80 : i32
          %mul3A_206 = arith.muli %add3A_201, %mul3A_205 : i32
          %add3A_207 = arith.addi %mul3A_6, %mul3A_206 : i32
          %dma_start3A_208 = arith.constant 0 : i32
          %dma_start3A_209 = tpu.memref_slice %arg3[%add3A_207, %dma_start3A_208] : memref<320000x64xi32, #tpu.memory_space<hbm>> -> memref<80x64xi32, #tpu.memory_space<hbm>>
          %dma_start3A_210 = arith.constant 0 : i32
          %dma_start3A_211 = tpu.memref_slice %arg3[%add3A_207, %dma_start3A_210] : memref<320000x64xi32, #tpu.memory_space<hbm>> -> memref<80x64xi32, #tpu.memory_space<hbm>>
          tpu.enqueue_dma source(%dma_start3A_211 : memref<80x64xi32, #tpu.memory_space<hbm>>) target(%arg14 : memref<80x64xi32, #tpu.memory_space<vmem>>) target_semaphore(%arg19 : memref<!tpu.dma_semaphore, #tpu.memory_space<semaphore_mem>>)
        } else {
        }
        %dma_wait3A_141 = arith.constant 0 : i32
        %dma_wait3A_142 = arith.constant 0 : i32
        %dma_wait3A_143 = tpu.memref_slice %arg2[%dma_wait3A_141, %dma_wait3A_142] : memref<10000x128xf32, #tpu.memory_space<hbm>> -> memref<10000x128xf32, #tpu.memory_space<hbm>>
        tpu.wait_indirect_dma semaphore(%arg20 : memref<!tpu.dma_semaphore, #tpu.memory_space<semaphore_mem>>) src(%dma_wait3A_143 : memref<10000x128xf32, #tpu.memory_space<hbm>>) dst(%arg13 : memref<80x128xf32, #tpu.memory_space<vmem>>)
        %dma_wait3A_144 = arith.constant 0 : i32
        %dma_wait3A_145 = tpu.memref_slice %arg3[%mul3A_6, %dma_wait3A_144] : memref<320000x64xi32, #tpu.memory_space<hbm>> -> memref<80x64xi32, #tpu.memory_space<hbm>>
        %dma_wait3A_146 = arith.constant 0 : i32
        %dma_wait3A_147 = tpu.memref_slice %arg3[%mul3A_6, %dma_wait3A_146] : memref<320000x64xi32, #tpu.memory_space<hbm>> -> memref<80x64xi32, #tpu.memory_space<hbm>>
        tpu.wait_dma2 semaphore(%arg20 : memref<!tpu.dma_semaphore, #tpu.memory_space<semaphore_mem>>) src(%dma_wait3A_147 : memref<80x64xi32, #tpu.memory_space<hbm>>) dst(%arg15 : memref<80x64xi32, #tpu.memory_space<vmem>>)
        %scan3A_148 = arith.constant 0 : i32
        %scan3A_149 = arith.constant 0 : i32
        %scan3A_150 = arith.constant 20 : i32
        %scan3A_151 = arith.addi %scan3A_149, %scan3A_150 : i32
        %scan3A_152 = arith.constant 1 : i32
        %scan3A_153 = scf.for %scan3A_158 = %scan3A_149 to %scan3A_151 step %scan3A_152 iter_args(%scan3A_159 = %scan3A_148) -> (i32)  : i32 {
          %mul3A_160 = arith.constant 4 : i32
          %mul3A_161 = arith.muli %scan3A_158, %mul3A_160 : i32
          %add3A_162 = arith.constant 0 : i32
          %add3A_163 = arith.addi %mul3A_161, %add3A_162 : i32
          %get3A_164 = arith.index_cast %add3A_163 : i32 to index
          %get3A_165 = arith.constant 0 : index
          %get3A_166 = tpu.vector_load %arg15[%get3A_164, %get3A_165] {strides = array<i32>} : memref<80x64xi32, #tpu.memory_space<vmem>>, vector<16xi32>,
          %shift_left3A = arith.shli %get3A_166, %broadcast_in_dim3A_25 : vector<16xi32>
          %bitcast3A = vector.bitcast %shift_left3A : vector<16xi32> to vector<16xf32>
          %and3A_167 = arith.andi %get3A_166, %broadcast_in_dim3A_27 : vector<16xi32>
          %bitcast3A_168 = vector.bitcast %and3A_167 : vector<16xi32> to vector<16xf32>
          %get3A_169 = arith.index_cast %add3A_163 : i32 to index
          %get3A_170 = arith.constant 0 : index
          %get3A_171 = tpu.vector_load %arg13[%get3A_169, %get3A_170] {strides = array<i32>} : memref<80x128xf32, #tpu.memory_space<vmem>>, vector<16xf32>,
          %mul3A_172 = arith.mulf %get3A_171, %bitcast3A : vector<16xf32>
          %swap3A_173 = arith.index_cast %add3A_163 : i32 to index
          %swap3A_174 = arith.constant 0 : index
          %swap3A_175 = tpu.vector_load %arg13[%swap3A_173, %swap3A_174] {strides = array<i32>} : memref<80x128xf32, #tpu.memory_space<vmem>>, vector<16xf32>,
          tpu.vector_store %arg13[%swap3A_173, %swap3A_174], %mul3A_172 {strides = array<i32>} : memref<80x128xf32, #tpu.memory_space<vmem>>, vector<16xf32>,
          %get3A_176 = arith.index_cast %add3A_163 : i32 to index
          %get3A_177 = arith.constant 16 : index
          %get3A_178 = tpu.vector_load %arg13[%get3A_176, %get3A_177] {strides = array<i32>} : memref<80x128xf32, #tpu.memory_space<vmem>>, vector<16xf32>,
          %mul3A_179 = arith.mulf %get3A_178, %bitcast3A_168 : vector<16xf32>
          %swap3A_180 = arith.index_cast %add3A_163 : i32 to index
          %swap3A_181 = arith.constant 16 : index
          %swap3A_182 = tpu.vector_load %arg13[%swap3A_180, %swap3A_181] {strides = array<i32>} : memref<80x128xf32, #tpu.memory_space<vmem>>, vector<16xf32>,
          tpu.vector_store %arg13[%swap3A_180, %swap3A_181], %mul3A_179 {strides = array<i32>} : memref<80x128xf32, #tpu.memory_space<vmem>>, vector<16xf32>,
          %get3A_183 = arith.index_cast %add3A_163 : i32 to index
          %get3A_184 = arith.constant 16 : index
          %get3A_185 = tpu.vector_load %arg15[%get3A_183, %get3A_184] {strides = array<i32>} : memref<80x64xi32, #tpu.memory_space<vmem>>, vector<16xi32>,
          %shift_left3A_186 = arith.shli %get3A_185, %broadcast_in_dim3A_25 : vector<16xi32>
          %bitcast3A_187 = vector.bitcast %shift_left3A_186 : vector<16xi32> to vector<16xf32>
          %and3A_188 = arith.andi %get3A_185, %broadcast_in_dim3A_27 : vector<16xi32>
          %bitcast3A_189 = vector.bitcast %and3A_188 : vector<16xi32> to vector<16xf32>
          %get3A_190 = arith.index_cast %add3A_163 : i32 to index
          %get3A_191 = arith.constant 32 : index
          %get3A_192 = tpu.vector_load %arg13[%get3A_190, %get3A_191] {strides = array<i32>} : memref<80x128xf32, #tpu.memory_space<vmem>>, vector<16xf32>,
          %mul3A_193 = arith.mulf %get3A_192, %bitcast3A_187 : vector<16xf32>
          %swap3A_194 = arith.index_cast %add3A_163 : i32 to index
          %swap3A_195 = arith.constant 32 : index
          %swap3A_196 = tpu.vector_load %arg13[%swap3A_194, %swap3A_195] {strides = array<i32>} : memref<80x128xf32, #tpu.memory_space<vmem>>, vector<16xf32>,
          tpu.vector_store %arg13[%swap3A_194, %swap3A_195], %mul3A_193 {strides = array<i32>} : memref<80x128xf32, #tpu.memory_space<vmem>>, vector<16xf32>,
          %get3A_197 = arith.index_cast %add3A_163 : i32 to index
          %get3A_198 = arith.constant 48 : index
          %get3A_199 = tpu.vector_load %arg13[%get3A_197, %get3A_198] {strides = array<i32>} : memref<80x128xf32, #tpu.memory_space<vmem>>, vector<16xf32>,
          %mul3A_200 = arith.mulf %get3A_199, %bitcast3A_189 : vector<16xf32>
          %swap3A_201 = arith.index_cast %add3A_163 : i32 to index
          %swap3A_202 = arith.constant 48 : index
          %swap3A_203 = tpu.vector_load %arg13[%swap3A_201, %swap3A_202] {strides = array<i32>} : memref<80x128xf32, #tpu.memory_space<vmem>>, vector<16xf32>,
          tpu.vector_store %arg13[%swap3A_201, %swap3A_202], %mul3A_200 {strides = array<i32>} : memref<80x128xf32, #tpu.memory_space<vmem>>, vector<16xf32>,
          %get3A_204 = arith.index_cast %add3A_163 : i32 to index
          %get3A_205 = arith.constant 32 : index
          %get3A_206 = tpu.vector_load %arg15[%get3A_204, %get3A_205] {strides = array<i32>} : memref<80x64xi32, #tpu.memory_space<vmem>>, vector<16xi32>,
          %shift_left3A_207 = arith.shli %get3A_206, %broadcast_in_dim3A_25 : vector<16xi32>
          %bitcast3A_208 = vector.bitcast %shift_left3A_207 : vector<16xi32> to vector<16xf32>
          %and3A_209 = arith.andi %get3A_206, %broadcast_in_dim3A_27 : vector<16xi32>
          %bitcast3A_210 = vector.bitcast %and3A_209 : vector<16xi32> to vector<16xf32>
          %get3A_211 = arith.index_cast %add3A_163 : i32 to index
          %get3A_212 = arith.constant 64 : index
          %get3A_213 = tpu.vector_load %arg13[%get3A_211, %get3A_212] {strides = array<i32>} : memref<80x128xf32, #tpu.memory_space<vmem>>, vector<16xf32>,
          %mul3A_214 = arith.mulf %get3A_213, %bitcast3A_208 : vector<16xf32>
          %swap3A_215 = arith.index_cast %add3A_163 : i32 to index
          %swap3A_216 = arith.constant 64 : index
          %swap3A_217 = tpu.vector_load %arg13[%swap3A_215, %swap3A_216] {strides = array<i32>} : memref<80x128xf32, #tpu.memory_space<vmem>>, vector<16xf32>,
          tpu.vector_store %arg13[%swap3A_215, %swap3A_216], %mul3A_214 {strides = array<i32>} : memref<80x128xf32, #tpu.memory_space<vmem>>, vector<16xf32>,
          %get3A_218 = arith.index_cast %add3A_163 : i32 to index
          %get3A_219 = arith.constant 80 : index
          %get3A_220 = tpu.vector_load %arg13[%get3A_218, %get3A_219] {strides = array<i32>} : memref<80x128xf32, #tpu.memory_space<vmem>>, vector<16xf32>,
          %mul3A_221 = arith.mulf %get3A_220, %bitcast3A_210 : vector<16xf32>
          %swap3A_222 = arith.index_cast %add3A_163 : i32 to index
          %swap3A_223 = arith.constant 80 : index
          %swap3A_224 = tpu.vector_load %arg13[%swap3A_222, %swap3A_223] {strides = array<i32>} : memref<80x128xf32, #tpu.memory_space<vmem>>, vector<16xf32>,
          tpu.vector_store %arg13[%swap3A_222, %swap3A_223], %mul3A_221 {strides = array<i32>} : memref<80x128xf32, #tpu.memory_space<vmem>>, vector<16xf32>,
          %get3A_225 = arith.index_cast %add3A_163 : i32 to index
          %get3A_226 = arith.constant 48 : index
          %get3A_227 = tpu.vector_load %arg15[%get3A_225, %get3A_226] {strides = array<i32>} : memref<80x64xi32, #tpu.memory_space<vmem>>, vector<16xi32>,
          %shift_left3A_228 = arith.shli %get3A_227, %broadcast_in_dim3A_25 : vector<16xi32>
          %bitcast3A_229 = vector.bitcast %shift_left3A_228 : vector<16xi32> to vector<16xf32>
          %and3A_230 = arith.andi %get3A_227, %broadcast_in_dim3A_27 : vector<16xi32>
          %bitcast3A_231 = vector.bitcast %and3A_230 : vector<16xi32> to vector<16xf32>
          %get3A_232 = arith.index_cast %add3A_163 : i32 to index
          %get3A_233 = arith.constant 96 : index
          %get3A_234 = tpu.vector_load %arg13[%get3A_232, %get3A_233] {strides = array<i32>} : memref<80x128xf32, #tpu.memory_space<vmem>>, vector<16xf32>,
          %mul3A_235 = arith.mulf %get3A_234, %bitcast3A_229 : vector<16xf32>
          %swap3A_236 = arith.index_cast %add3A_163 : i32 to index
          %swap3A_237 = arith.constant 96 : index
          %swap3A_238 = tpu.vector_load %arg13[%swap3A_236, %swap3A_237] {strides = array<i32>} : memref<80x128xf32, #tpu.memory_space<vmem>>, vector<16xf32>,
          tpu.vector_store %arg13[%swap3A_236, %swap3A_237], %mul3A_235 {strides = array<i32>} : memref<80x128xf32, #tpu.memory_space<vmem>>, vector<16xf32>,
          %get3A_239 = arith.index_cast %add3A_163 : i32 to index
          %get3A_240 = arith.constant 112 : index
          %get3A_241 = tpu.vector_load %arg13[%get3A_239, %get3A_240] {strides = array<i32>} : memref<80x128xf32, #tpu.memory_space<vmem>>, vector<16xf32>,
          %mul3A_242 = arith.mulf %get3A_241, %bitcast3A_231 : vector<16xf32>
          %swap3A_243 = arith.index_cast %add3A_163 : i32 to index
          %swap3A_244 = arith.constant 112 : index
          %swap3A_245 = tpu.vector_load %arg13[%swap3A_243, %swap3A_244] {strides = array<i32>} : memref<80x128xf32, #tpu.memory_space<vmem>>, vector<16xf32>,
          tpu.vector_store %arg13[%swap3A_243, %swap3A_244], %mul3A_242 {strides = array<i32>} : memref<80x128xf32, #tpu.memory_space<vmem>>, vector<16xf32>,
          %mul3A_246 = arith.constant 4 : i32
          %mul3A_247 = arith.muli %scan3A_158, %mul3A_246 : i32
          %add3A_248 = arith.constant 1 : i32
          %add3A_249 = arith.addi %mul3A_247, %add3A_248 : i32
          %get3A_250 = arith.index_cast %add3A_249 : i32 to index
          %get3A_251 = arith.constant 0 : index
          %get3A_252 = tpu.vector_load %arg15[%get3A_250, %get3A_251] {strides = array<i32>} : memref<80x64xi32, #tpu.memory_space<vmem>>, vector<16xi32>,
          %shift_left3A_253 = arith.shli %get3A_252, %broadcast_in_dim3A_25 : vector<16xi32>
          %bitcast3A_254 = vector.bitcast %shift_left3A_253 : vector<16xi32> to vector<16xf32>
          %and3A_255 = arith.andi %get3A_252, %broadcast_in_dim3A_27 : vector<16xi32>
          %bitcast3A_256 = vector.bitcast %and3A_255 : vector<16xi32> to vector<16xf32>
          %get3A_257 = arith.index_cast %add3A_249 : i32 to index
          %get3A_258 = arith.constant 0 : index
          %get3A_259 = tpu.vector_load %arg13[%get3A_257, %get3A_258] {strides = array<i32>} : memref<80x128xf32, #tpu.memory_space<vmem>>, vector<16xf32>,
          %mul3A_260 = arith.mulf %get3A_259, %bitcast3A_254 : vector<16xf32>
          %swap3A_261 = arith.index_cast %add3A_249 : i32 to index
          %swap3A_262 = arith.constant 0 : index
          %swap3A_263 = tpu.vector_load %arg13[%swap3A_261, %swap3A_262] {strides = array<i32>} : memref<80x128xf32, #tpu.memory_space<vmem>>, vector<16xf32>,
          tpu.vector_store %arg13[%swap3A_261, %swap3A_262], %mul3A_260 {strides = array<i32>} : memref<80x128xf32, #tpu.memory_space<vmem>>, vector<16xf32>,
          %get3A_264 = arith.index_cast %add3A_249 : i32 to index
          %get3A_265 = arith.constant 16 : index
          %get3A_266 = tpu.vector_load %arg13[%get3A_264, %get3A_265] {strides = array<i32>} : memref<80x128xf32, #tpu.memory_space<vmem>>, vector<16xf32>,
          %mul3A_267 = arith.mulf %get3A_266, %bitcast3A_256 : vector<16xf32>
          %swap3A_268 = arith.index_cast %add3A_249 : i32 to index
          %swap3A_269 = arith.constant 16 : index
          %swap3A_270 = tpu.vector_load %arg13[%swap3A_268, %swap3A_269] {strides = array<i32>} : memref<80x128xf32, #tpu.memory_space<vmem>>, vector<16xf32>,
          tpu.vector_store %arg13[%swap3A_268, %swap3A_269], %mul3A_267 {strides = array<i32>} : memref<80x128xf32, #tpu.memory_space<vmem>>, vector<16xf32>,
          %get3A_271 = arith.index_cast %add3A_249 : i32 to index
          %get3A_272 = arith.constant 16 : index
          %get3A_273 = tpu.vector_load %arg15[%get3A_271, %get3A_272] {strides = array<i32>} : memref<80x64xi32, #tpu.memory_space<vmem>>, vector<16xi32>,
          %shift_left3A_274 = arith.shli %get3A_273, %broadcast_in_dim3A_25 : vector<16xi32>
          %bitcast3A_275 = vector.bitcast %shift_left3A_274 : vector<16xi32> to vector<16xf32>
          %and3A_276 = arith.andi %get3A_273, %broadcast_in_dim3A_27 : vector<16xi32>
          %bitcast3A_277 = vector.bitcast %and3A_276 : vector<16xi32> to vector<16xf32>
          %get3A_278 = arith.index_cast %add3A_249 : i32 to index
          %get3A_279 = arith.constant 32 : index
          %get3A_280 = tpu.vector_load %arg13[%get3A_278, %get3A_279] {strides = array<i32>} : memref<80x128xf32, #tpu.memory_space<vmem>>, vector<16xf32>,
          %mul3A_281 = arith.mulf %get3A_280, %bitcast3A_275 : vector<16xf32>
          %swap3A_282 = arith.index_cast %add3A_249 : i32 to index
          %swap3A_283 = arith.constant 32 : index
          %swap3A_284 = tpu.vector_load %arg13[%swap3A_282, %swap3A_283] {strides = array<i32>} : memref<80x128xf32, #tpu.memory_space<vmem>>, vector<16xf32>,
          tpu.vector_store %arg13[%swap3A_282, %swap3A_283], %mul3A_281 {strides = array<i32>} : memref<80x128xf32, #tpu.memory_space<vmem>>, vector<16xf32>,
          %get3A_285 = arith.index_cast %add3A_249 : i32 to index
          %get3A_286 = arith.constant 48 : index
          %get3A_287 = tpu.vector_load %arg13[%get3A_285, %get3A_286] {strides = array<i32>} : memref<80x128xf32, #tpu.memory_space<vmem>>, vector<16xf32>,
          %mul3A_288 = arith.mulf %get3A_287, %bitcast3A_277 : vector<16xf32>
          %swap3A_289 = arith.index_cast %add3A_249 : i32 to index
          %swap3A_290 = arith.constant 48 : index
          %swap3A_291 = tpu.vector_load %arg13[%swap3A_289, %swap3A_290] {strides = array<i32>} : memref<80x128xf32, #tpu.memory_space<vmem>>, vector<16xf32>,
          tpu.vector_store %arg13[%swap3A_289, %swap3A_290], %mul3A_288 {strides = array<i32>} : memref<80x128xf32, #tpu.memory_space<vmem>>, vector<16xf32>,
          %get3A_292 = arith.index_cast %add3A_249 : i32 to index
          %get3A_293 = arith.constant 32 : index
          %get3A_294 = tpu.vector_load %arg15[%get3A_292, %get3A_293] {strides = array<i32>} : memref<80x64xi32, #tpu.memory_space<vmem>>, vector<16xi32>,
          %shift_left3A_295 = arith.shli %get3A_294, %broadcast_in_dim3A_25 : vector<16xi32>
          %bitcast3A_296 = vector.bitcast %shift_left3A_295 : vector<16xi32> to vector<16xf32>
          %and3A_297 = arith.andi %get3A_294, %broadcast_in_dim3A_27 : vector<16xi32>
          %bitcast3A_298 = vector.bitcast %and3A_297 : vector<16xi32> to vector<16xf32>
          %get3A_299 = arith.index_cast %add3A_249 : i32 to index
          %get3A_300 = arith.constant 64 : index
          %get3A_301 = tpu.vector_load %arg13[%get3A_299, %get3A_300] {strides = array<i32>} : memref<80x128xf32, #tpu.memory_space<vmem>>, vector<16xf32>,
          %mul3A_302 = arith.mulf %get3A_301, %bitcast3A_296 : vector<16xf32>
          %swap3A_303 = arith.index_cast %add3A_249 : i32 to index
          %swap3A_304 = arith.constant 64 : index
          %swap3A_305 = tpu.vector_load %arg13[%swap3A_303, %swap3A_304] {strides = array<i32>} : memref<80x128xf32, #tpu.memory_space<vmem>>, vector<16xf32>,
          tpu.vector_store %arg13[%swap3A_303, %swap3A_304], %mul3A_302 {strides = array<i32>} : memref<80x128xf32, #tpu.memory_space<vmem>>, vector<16xf32>,
          %get3A_306 = arith.index_cast %add3A_249 : i32 to index
          %get3A_307 = arith.constant 80 : index
          %get3A_308 = tpu.vector_load %arg13[%get3A_306, %get3A_307] {strides = array<i32>} : memref<80x128xf32, #tpu.memory_space<vmem>>, vector<16xf32>,
          %mul3A_309 = arith.mulf %get3A_308, %bitcast3A_298 : vector<16xf32>
          %swap3A_310 = arith.index_cast %add3A_249 : i32 to index
          %swap3A_311 = arith.constant 80 : index
          %swap3A_312 = tpu.vector_load %arg13[%swap3A_310, %swap3A_311] {strides = array<i32>} : memref<80x128xf32, #tpu.memory_space<vmem>>, vector<16xf32>,
          tpu.vector_store %arg13[%swap3A_310, %swap3A_311], %mul3A_309 {strides = array<i32>} : memref<80x128xf32, #tpu.memory_space<vmem>>, vector<16xf32>,
          %get3A_313 = arith.index_cast %add3A_249 : i32 to index
          %get3A_314 = arith.constant 48 : index
          %get3A_315 = tpu.vector_load %arg15[%get3A_313, %get3A_314] {strides = array<i32>} : memref<80x64xi32, #tpu.memory_space<vmem>>, vector<16xi32>,
          %shift_left3A_316 = arith.shli %get3A_315, %broadcast_in_dim3A_25 : vector<16xi32>
          %bitcast3A_317 = vector.bitcast %shift_left3A_316 : vector<16xi32> to vector<16xf32>
          %and3A_318 = arith.andi %get3A_315, %broadcast_in_dim3A_27 : vector<16xi32>
          %bitcast3A_319 = vector.bitcast %and3A_318 : vector<16xi32> to vector<16xf32>
          %get3A_320 = arith.index_cast %add3A_249 : i32 to index
          %get3A_321 = arith.constant 96 : index
          %get3A_322 = tpu.vector_load %arg13[%get3A_320, %get3A_321] {strides = array<i32>} : memref<80x128xf32, #tpu.memory_space<vmem>>, vector<16xf32>,
          %mul3A_323 = arith.mulf %get3A_322, %bitcast3A_317 : vector<16xf32>
          %swap3A_324 = arith.index_cast %add3A_249 : i32 to index
          %swap3A_325 = arith.constant 96 : index
          %swap3A_326 = tpu.vector_load %arg13[%swap3A_324, %swap3A_325] {strides = array<i32>} : memref<80x128xf32, #tpu.memory_space<vmem>>, vector<16xf32>,
          tpu.vector_store %arg13[%swap3A_324, %swap3A_325], %mul3A_323 {strides = array<i32>} : memref<80x128xf32, #tpu.memory_space<vmem>>, vector<16xf32>,
          %get3A_327 = arith.index_cast %add3A_249 : i32 to index
          %get3A_328 = arith.constant 112 : index
          %get3A_329 = tpu.vector_load %arg13[%get3A_327, %get3A_328] {strides = array<i32>} : memref<80x128xf32, #tpu.memory_space<vmem>>, vector<16xf32>,
          %mul3A_330 = arith.mulf %get3A_329, %bitcast3A_319 : vector<16xf32>
          %swap3A_331 = arith.index_cast %add3A_249 : i32 to index
          %swap3A_332 = arith.constant 112 : index
          %swap3A_333 = tpu.vector_load %arg13[%swap3A_331, %swap3A_332] {strides = array<i32>} : memref<80x128xf32, #tpu.memory_space<vmem>>, vector<16xf32>,
          tpu.vector_store %arg13[%swap3A_331, %swap3A_332], %mul3A_330 {strides = array<i32>} : memref<80x128xf32, #tpu.memory_space<vmem>>, vector<16xf32>,
          %mul3A_334 = arith.constant 4 : i32
          %mul3A_335 = arith.muli %scan3A_158, %mul3A_334 : i32
          %add3A_336 = arith.constant 2 : i32
          %add3A_337 = arith.addi %mul3A_335, %add3A_336 : i32
          %get3A_338 = arith.index_cast %add3A_337 : i32 to index
          %get3A_339 = arith.constant 0 : index
          %get3A_340 = tpu.vector_load %arg15[%get3A_338, %get3A_339] {strides = array<i32>} : memref<80x64xi32, #tpu.memory_space<vmem>>, vector<16xi32>,
          %shift_left3A_341 = arith.shli %get3A_340, %broadcast_in_dim3A_25 : vector<16xi32>
          %bitcast3A_342 = vector.bitcast %shift_left3A_341 : vector<16xi32> to vector<16xf32>
          %and3A_343 = arith.andi %get3A_340, %broadcast_in_dim3A_27 : vector<16xi32>
          %bitcast3A_344 = vector.bitcast %and3A_343 : vector<16xi32> to vector<16xf32>
          %get3A_345 = arith.index_cast %add3A_337 : i32 to index
          %get3A_346 = arith.constant 0 : index
          %get3A_347 = tpu.vector_load %arg13[%get3A_345, %get3A_346] {strides = array<i32>} : memref<80x128xf32, #tpu.memory_space<vmem>>, vector<16xf32>,
          %mul3A_348 = arith.mulf %get3A_347, %bitcast3A_342 : vector<16xf32>
          %swap3A_349 = arith.index_cast %add3A_337 : i32 to index
          %swap3A_350 = arith.constant 0 : index
          %swap3A_351 = tpu.vector_load %arg13[%swap3A_349, %swap3A_350] {strides = array<i32>} : memref<80x128xf32, #tpu.memory_space<vmem>>, vector<16xf32>,
          tpu.vector_store %arg13[%swap3A_349, %swap3A_350], %mul3A_348 {strides = array<i32>} : memref<80x128xf32, #tpu.memory_space<vmem>>, vector<16xf32>,
          %get3A_352 = arith.index_cast %add3A_337 : i32 to index
          %get3A_353 = arith.constant 16 : index
          %get3A_354 = tpu.vector_load %arg13[%get3A_352, %get3A_353] {strides = array<i32>} : memref<80x128xf32, #tpu.memory_space<vmem>>, vector<16xf32>,
          %mul3A_355 = arith.mulf %get3A_354, %bitcast3A_344 : vector<16xf32>
          %swap3A_356 = arith.index_cast %add3A_337 : i32 to index
          %swap3A_357 = arith.constant 16 : index
          %swap3A_358 = tpu.vector_load %arg13[%swap3A_356, %swap3A_357] {strides = array<i32>} : memref<80x128xf32, #tpu.memory_space<vmem>>, vector<16xf32>,
          tpu.vector_store %arg13[%swap3A_356, %swap3A_357], %mul3A_355 {strides = array<i32>} : memref<80x128xf32, #tpu.memory_space<vmem>>, vector<16xf32>,
          %get3A_359 = arith.index_cast %add3A_337 : i32 to index
          %get3A_360 = arith.constant 16 : index
          %get3A_361 = tpu.vector_load %arg15[%get3A_359, %get3A_360] {strides = array<i32>} : memref<80x64xi32, #tpu.memory_space<vmem>>, vector<16xi32>,
          %shift_left3A_362 = arith.shli %get3A_361, %broadcast_in_dim3A_25 : vector<16xi32>
          %bitcast3A_363 = vector.bitcast %shift_left3A_362 : vector<16xi32> to vector<16xf32>
          %and3A_364 = arith.andi %get3A_361, %broadcast_in_dim3A_27 : vector<16xi32>
          %bitcast3A_365 = vector.bitcast %and3A_364 : vector<16xi32> to vector<16xf32>
          %get3A_366 = arith.index_cast %add3A_337 : i32 to index
          %get3A_367 = arith.constant 32 : index
          %get3A_368 = tpu.vector_load %arg13[%get3A_366, %get3A_367] {strides = array<i32>} : memref<80x128xf32, #tpu.memory_space<vmem>>, vector<16xf32>,
          %mul3A_369 = arith.mulf %get3A_368, %bitcast3A_363 : vector<16xf32>
          %swap3A_370 = arith.index_cast %add3A_337 : i32 to index
          %swap3A_371 = arith.constant 32 : index
          %swap3A_372 = tpu.vector_load %arg13[%swap3A_370, %swap3A_371] {strides = array<i32>} : memref<80x128xf32, #tpu.memory_space<vmem>>, vector<16xf32>,
          tpu.vector_store %arg13[%swap3A_370, %swap3A_371], %mul3A_369 {strides = array<i32>} : memref<80x128xf32, #tpu.memory_space<vmem>>, vector<16xf32>,
          %get3A_373 = arith.index_cast %add3A_337 : i32 to index
          %get3A_374 = arith.constant 48 : index
          %get3A_375 = tpu.vector_load %arg13[%get3A_373, %get3A_374] {strides = array<i32>} : memref<80x128xf32, #tpu.memory_space<vmem>>, vector<16xf32>,
          %mul3A_376 = arith.mulf %get3A_375, %bitcast3A_365 : vector<16xf32>
          %swap3A_377 = arith.index_cast %add3A_337 : i32 to index
          %swap3A_378 = arith.constant 48 : index
          %swap3A_379 = tpu.vector_load %arg13[%swap3A_377, %swap3A_378] {strides = array<i32>} : memref<80x128xf32, #tpu.memory_space<vmem>>, vector<16xf32>,
          tpu.vector_store %arg13[%swap3A_377, %swap3A_378], %mul3A_376 {strides = array<i32>} : memref<80x128xf32, #tpu.memory_space<vmem>>, vector<16xf32>,
          %get3A_380 = arith.index_cast %add3A_337 : i32 to index
          %get3A_381 = arith.constant 32 : index
          %get3A_382 = tpu.vector_load %arg15[%get3A_380, %get3A_381] {strides = array<i32>} : memref<80x64xi32, #tpu.memory_space<vmem>>, vector<16xi32>,
          %shift_left3A_383 = arith.shli %get3A_382, %broadcast_in_dim3A_25 : vector<16xi32>
          %bitcast3A_384 = vector.bitcast %shift_left3A_383 : vector<16xi32> to vector<16xf32>
          %and3A_385 = arith.andi %get3A_382, %broadcast_in_dim3A_27 : vector<16xi32>
          %bitcast3A_386 = vector.bitcast %and3A_385 : vector<16xi32> to vector<16xf32>
          %get3A_387 = arith.index_cast %add3A_337 : i32 to index
          %get3A_388 = arith.constant 64 : index
          %get3A_389 = tpu.vector_load %arg13[%get3A_387, %get3A_388] {strides = array<i32>} : memref<80x128xf32, #tpu.memory_space<vmem>>, vector<16xf32>,
          %mul3A_390 = arith.mulf %get3A_389, %bitcast3A_384 : vector<16xf32>
          %swap3A_391 = arith.index_cast %add3A_337 : i32 to index
          %swap3A_392 = arith.constant 64 : index
          %swap3A_393 = tpu.vector_load %arg13[%swap3A_391, %swap3A_392] {strides = array<i32>} : memref<80x128xf32, #tpu.memory_space<vmem>>, vector<16xf32>,
          tpu.vector_store %arg13[%swap3A_391, %swap3A_392], %mul3A_390 {strides = array<i32>} : memref<80x128xf32, #tpu.memory_space<vmem>>, vector<16xf32>,
          %get3A_394 = arith.index_cast %add3A_337 : i32 to index
          %get3A_395 = arith.constant 80 : index
          %get3A_396 = tpu.vector_load %arg13[%get3A_394, %get3A_395] {strides = array<i32>} : memref<80x128xf32, #tpu.memory_space<vmem>>, vector<16xf32>,
          %mul3A_397 = arith.mulf %get3A_396, %bitcast3A_386 : vector<16xf32>
          %swap3A_398 = arith.index_cast %add3A_337 : i32 to index
          %swap3A_399 = arith.constant 80 : index
          %swap3A_400 = tpu.vector_load %arg13[%swap3A_398, %swap3A_399] {strides = array<i32>} : memref<80x128xf32, #tpu.memory_space<vmem>>, vector<16xf32>,
          tpu.vector_store %arg13[%swap3A_398, %swap3A_399], %mul3A_397 {strides = array<i32>} : memref<80x128xf32, #tpu.memory_space<vmem>>, vector<16xf32>,
          %get3A_401 = arith.index_cast %add3A_337 : i32 to index
          %get3A_402 = arith.constant 48 : index
          %get3A_403 = tpu.vector_load %arg15[%get3A_401, %get3A_402] {strides = array<i32>} : memref<80x64xi32, #tpu.memory_space<vmem>>, vector<16xi32>,
          %shift_left3A_404 = arith.shli %get3A_403, %broadcast_in_dim3A_25 : vector<16xi32>
          %bitcast3A_405 = vector.bitcast %shift_left3A_404 : vector<16xi32> to vector<16xf32>
          %and3A_406 = arith.andi %get3A_403, %broadcast_in_dim3A_27 : vector<16xi32>
          %bitcast3A_407 = vector.bitcast %and3A_406 : vector<16xi32> to vector<16xf32>
          %get3A_408 = arith.index_cast %add3A_337 : i32 to index
          %get3A_409 = arith.constant 96 : index
          %get3A_410 = tpu.vector_load %arg13[%get3A_408, %get3A_409] {strides = array<i32>} : memref<80x128xf32, #tpu.memory_space<vmem>>, vector<16xf32>,
          %mul3A_411 = arith.mulf %get3A_410, %bitcast3A_405 : vector<16xf32>
          %swap3A_412 = arith.index_cast %add3A_337 : i32 to index
          %swap3A_413 = arith.constant 96 : index
          %swap3A_414 = tpu.vector_load %arg13[%swap3A_412, %swap3A_413] {strides = array<i32>} : memref<80x128xf32, #tpu.memory_space<vmem>>, vector<16xf32>,
          tpu.vector_store %arg13[%swap3A_412, %swap3A_413], %mul3A_411 {strides = array<i32>} : memref<80x128xf32, #tpu.memory_space<vmem>>, vector<16xf32>,
          %get3A_415 = arith.index_cast %add3A_337 : i32 to index
          %get3A_416 = arith.constant 112 : index
          %get3A_417 = tpu.vector_load %arg13[%get3A_415, %get3A_416] {strides = array<i32>} : memref<80x128xf32, #tpu.memory_space<vmem>>, vector<16xf32>,
          %mul3A_418 = arith.mulf %get3A_417, %bitcast3A_407 : vector<16xf32>
          %swap3A_419 = arith.index_cast %add3A_337 : i32 to index
          %swap3A_420 = arith.constant 112 : index
          %swap3A_421 = tpu.vector_load %arg13[%swap3A_419, %swap3A_420] {strides = array<i32>} : memref<80x128xf32, #tpu.memory_space<vmem>>, vector<16xf32>,
          tpu.vector_store %arg13[%swap3A_419, %swap3A_420], %mul3A_418 {strides = array<i32>} : memref<80x128xf32, #tpu.memory_space<vmem>>, vector<16xf32>,
          %mul3A_422 = arith.constant 4 : i32
          %mul3A_423 = arith.muli %scan3A_158, %mul3A_422 : i32
          %add3A_424 = arith.constant 3 : i32
          %add3A_425 = arith.addi %mul3A_423, %add3A_424 : i32
          %get3A_426 = arith.index_cast %add3A_425 : i32 to index
          %get3A_427 = arith.constant 0 : index
          %get3A_428 = tpu.vector_load %arg15[%get3A_426, %get3A_427] {strides = array<i32>} : memref<80x64xi32, #tpu.memory_space<vmem>>, vector<16xi32>,
          %shift_left3A_429 = arith.shli %get3A_428, %broadcast_in_dim3A_25 : vector<16xi32>
          %bitcast3A_430 = vector.bitcast %shift_left3A_429 : vector<16xi32> to vector<16xf32>
          %and3A_431 = arith.andi %get3A_428, %broadcast_in_dim3A_27 : vector<16xi32>
          %bitcast3A_432 = vector.bitcast %and3A_431 : vector<16xi32> to vector<16xf32>
          %get3A_433 = arith.index_cast %add3A_425 : i32 to index
          %get3A_434 = arith.constant 0 : index
          %get3A_435 = tpu.vector_load %arg13[%get3A_433, %get3A_434] {strides = array<i32>} : memref<80x128xf32, #tpu.memory_space<vmem>>, vector<16xf32>,
          %mul3A_436 = arith.mulf %get3A_435, %bitcast3A_430 : vector<16xf32>
          %swap3A_437 = arith.index_cast %add3A_425 : i32 to index
          %swap3A_438 = arith.constant 0 : index
          %swap3A_439 = tpu.vector_load %arg13[%swap3A_437, %swap3A_438] {strides = array<i32>} : memref<80x128xf32, #tpu.memory_space<vmem>>, vector<16xf32>,
          tpu.vector_store %arg13[%swap3A_437, %swap3A_438], %mul3A_436 {strides = array<i32>} : memref<80x128xf32, #tpu.memory_space<vmem>>, vector<16xf32>,
          %get3A_440 = arith.index_cast %add3A_425 : i32 to index
          %get3A_441 = arith.constant 16 : index
          %get3A_442 = tpu.vector_load %arg13[%get3A_440, %get3A_441] {strides = array<i32>} : memref<80x128xf32, #tpu.memory_space<vmem>>, vector<16xf32>,
          %mul3A_443 = arith.mulf %get3A_442, %bitcast3A_432 : vector<16xf32>
          %swap3A_444 = arith.index_cast %add3A_425 : i32 to index
          %swap3A_445 = arith.constant 16 : index
          %swap3A_446 = tpu.vector_load %arg13[%swap3A_444, %swap3A_445] {strides = array<i32>} : memref<80x128xf32, #tpu.memory_space<vmem>>, vector<16xf32>,
          tpu.vector_store %arg13[%swap3A_444, %swap3A_445], %mul3A_443 {strides = array<i32>} : memref<80x128xf32, #tpu.memory_space<vmem>>, vector<16xf32>,
          %get3A_447 = arith.index_cast %add3A_425 : i32 to index
          %get3A_448 = arith.constant 16 : index
          %get3A_449 = tpu.vector_load %arg15[%get3A_447, %get3A_448] {strides = array<i32>} : memref<80x64xi32, #tpu.memory_space<vmem>>, vector<16xi32>,
          %shift_left3A_450 = arith.shli %get3A_449, %broadcast_in_dim3A_25 : vector<16xi32>
          %bitcast3A_451 = vector.bitcast %shift_left3A_450 : vector<16xi32> to vector<16xf32>
          %and3A_452 = arith.andi %get3A_449, %broadcast_in_dim3A_27 : vector<16xi32>
          %bitcast3A_453 = vector.bitcast %and3A_452 : vector<16xi32> to vector<16xf32>
          %get3A_454 = arith.index_cast %add3A_425 : i32 to index
          %get3A_455 = arith.constant 32 : index
          %get3A_456 = tpu.vector_load %arg13[%get3A_454, %get3A_455] {strides = array<i32>} : memref<80x128xf32, #tpu.memory_space<vmem>>, vector<16xf32>,
          %mul3A_457 = arith.mulf %get3A_456, %bitcast3A_451 : vector<16xf32>
          %swap3A_458 = arith.index_cast %add3A_425 : i32 to index
          %swap3A_459 = arith.constant 32 : index
          %swap3A_460 = tpu.vector_load %arg13[%swap3A_458, %swap3A_459] {strides = array<i32>} : memref<80x128xf32, #tpu.memory_space<vmem>>, vector<16xf32>,
          tpu.vector_store %arg13[%swap3A_458, %swap3A_459], %mul3A_457 {strides = array<i32>} : memref<80x128xf32, #tpu.memory_space<vmem>>, vector<16xf32>,
          %get3A_461 = arith.index_cast %add3A_425 : i32 to index
          %get3A_462 = arith.constant 48 : index
          %get3A_463 = tpu.vector_load %arg13[%get3A_461, %get3A_462] {strides = array<i32>} : memref<80x128xf32, #tpu.memory_space<vmem>>, vector<16xf32>,
          %mul3A_464 = arith.mulf %get3A_463, %bitcast3A_453 : vector<16xf32>
          %swap3A_465 = arith.index_cast %add3A_425 : i32 to index
          %swap3A_466 = arith.constant 48 : index
          %swap3A_467 = tpu.vector_load %arg13[%swap3A_465, %swap3A_466] {strides = array<i32>} : memref<80x128xf32, #tpu.memory_space<vmem>>, vector<16xf32>,
          tpu.vector_store %arg13[%swap3A_465, %swap3A_466], %mul3A_464 {strides = array<i32>} : memref<80x128xf32, #tpu.memory_space<vmem>>, vector<16xf32>,
          %get3A_468 = arith.index_cast %add3A_425 : i32 to index
          %get3A_469 = arith.constant 32 : index
          %get3A_470 = tpu.vector_load %arg15[%get3A_468, %get3A_469] {strides = array<i32>} : memref<80x64xi32, #tpu.memory_space<vmem>>, vector<16xi32>,
          %shift_left3A_471 = arith.shli %get3A_470, %broadcast_in_dim3A_25 : vector<16xi32>
          %bitcast3A_472 = vector.bitcast %shift_left3A_471 : vector<16xi32> to vector<16xf32>
          %and3A_473 = arith.andi %get3A_470, %broadcast_in_dim3A_27 : vector<16xi32>
          %bitcast3A_474 = vector.bitcast %and3A_473 : vector<16xi32> to vector<16xf32>
          %get3A_475 = arith.index_cast %add3A_425 : i32 to index
          %get3A_476 = arith.constant 64 : index
          %get3A_477 = tpu.vector_load %arg13[%get3A_475, %get3A_476] {strides = array<i32>} : memref<80x128xf32, #tpu.memory_space<vmem>>, vector<16xf32>,
          %mul3A_478 = arith.mulf %get3A_477, %bitcast3A_472 : vector<16xf32>
          %swap3A_479 = arith.index_cast %add3A_425 : i32 to index
          %swap3A_480 = arith.constant 64 : index
          %swap3A_481 = tpu.vector_load %arg13[%swap3A_479, %swap3A_480] {strides = array<i32>} : memref<80x128xf32, #tpu.memory_space<vmem>>, vector<16xf32>,
          tpu.vector_store %arg13[%swap3A_479, %swap3A_480], %mul3A_478 {strides = array<i32>} : memref<80x128xf32, #tpu.memory_space<vmem>>, vector<16xf32>,
          %get3A_482 = arith.index_cast %add3A_425 : i32 to index
          %get3A_483 = arith.constant 80 : index
          %get3A_484 = tpu.vector_load %arg13[%get3A_482, %get3A_483] {strides = array<i32>} : memref<80x128xf32, #tpu.memory_space<vmem>>, vector<16xf32>,
          %mul3A_485 = arith.mulf %get3A_484, %bitcast3A_474 : vector<16xf32>
          %swap3A_486 = arith.index_cast %add3A_425 : i32 to index
          %swap3A_487 = arith.constant 80 : index
          %swap3A_488 = tpu.vector_load %arg13[%swap3A_486, %swap3A_487] {strides = array<i32>} : memref<80x128xf32, #tpu.memory_space<vmem>>, vector<16xf32>,
          tpu.vector_store %arg13[%swap3A_486, %swap3A_487], %mul3A_485 {strides = array<i32>} : memref<80x128xf32, #tpu.memory_space<vmem>>, vector<16xf32>,
          %get3A_489 = arith.index_cast %add3A_425 : i32 to index
          %get3A_490 = arith.constant 48 : index
          %get3A_491 = tpu.vector_load %arg15[%get3A_489, %get3A_490] {strides = array<i32>} : memref<80x64xi32, #tpu.memory_space<vmem>>, vector<16xi32>,
          %shift_left3A_492 = arith.shli %get3A_491, %broadcast_in_dim3A_25 : vector<16xi32>
          %bitcast3A_493 = vector.bitcast %shift_left3A_492 : vector<16xi32> to vector<16xf32>
          %and3A_494 = arith.andi %get3A_491, %broadcast_in_dim3A_27 : vector<16xi32>
          %bitcast3A_495 = vector.bitcast %and3A_494 : vector<16xi32> to vector<16xf32>
          %get3A_496 = arith.index_cast %add3A_425 : i32 to index
          %get3A_497 = arith.constant 96 : index
          %get3A_498 = tpu.vector_load %arg13[%get3A_496, %get3A_497] {strides = array<i32>} : memref<80x128xf32, #tpu.memory_space<vmem>>, vector<16xf32>,
          %mul3A_499 = arith.mulf %get3A_498, %bitcast3A_493 : vector<16xf32>
          %swap3A_500 = arith.index_cast %add3A_425 : i32 to index
          %swap3A_501 = arith.constant 96 : index
          %swap3A_502 = tpu.vector_load %arg13[%swap3A_500, %swap3A_501] {strides = array<i32>} : memref<80x128xf32, #tpu.memory_space<vmem>>, vector<16xf32>,
          tpu.vector_store %arg13[%swap3A_500, %swap3A_501], %mul3A_499 {strides = array<i32>} : memref<80x128xf32, #tpu.memory_space<vmem>>, vector<16xf32>,
          %get3A_503 = arith.index_cast %add3A_425 : i32 to index
          %get3A_504 = arith.constant 112 : index
          %get3A_505 = tpu.vector_load %arg13[%get3A_503, %get3A_504] {strides = array<i32>} : memref<80x128xf32, #tpu.memory_space<vmem>>, vector<16xf32>,
          %mul3A_506 = arith.mulf %get3A_505, %bitcast3A_495 : vector<16xf32>
          %swap3A_507 = arith.index_cast %add3A_425 : i32 to index
          %swap3A_508 = arith.constant 112 : index
          %swap3A_509 = tpu.vector_load %arg13[%swap3A_507, %swap3A_508] {strides = array<i32>} : memref<80x128xf32, #tpu.memory_space<vmem>>, vector<16xf32>,
          tpu.vector_store %arg13[%swap3A_507, %swap3A_508], %mul3A_506 {strides = array<i32>} : memref<80x128xf32, #tpu.memory_space<vmem>>, vector<16xf32>,
          %scan3A_510 = arith.constant 0 : i32
          scf.yield %scan3A_510 : i32
        }
        %scan3A_154 = arith.constant 20 : i32
        %dma_start3A_155 = arith.constant 0 : i32
        %dma_start3A_156 = arith.constant 0 : i32
        %dma_start3A_157 = tpu.memref_slice %arg16[%dma_start3A_155, %dma_start3A_156] : memref<10000x128xf32, #tpu.memory_space<vmem_shared>> -> memref<10000x128xf32, #tpu.memory_space<vmem_shared>>
        tpu.enqueue_indirect_dma source(%arg13 : memref<80x128xf32, #tpu.memory_space<vmem>>) target(%dma_start3A_157 : memref<10000x128xf32, #tpu.memory_space<vmem_shared>>) offsets(%arg11 : memref<80xi32, #tpu.memory_space<vmem>>) semaphore(%arg22 : memref<!tpu.dma_semaphore, #tpu.memory_space<semaphore_mem>>) {add = true}
      } else {
      }
      %scan3A_122 = arith.constant 0 : i32
      scf.yield %scan3A_122 : i32
    }
    %scan3A_87 = arith.constant 63 : i32
    %dma_wait3A_88 = arith.constant 0 : i32
    %dma_wait3A_89 = arith.constant 0 : i32
    %dma_wait3A_90 = tpu.memref_slice %arg16[%dma_wait3A_88, %dma_wait3A_89] : memref<10000x128xf32, #tpu.memory_space<vmem_shared>> -> memref<10000x128xf32, #tpu.memory_space<vmem_shared>>
    tpu.wait_indirect_dma semaphore(%arg21 : memref<!tpu.dma_semaphore, #tpu.memory_space<semaphore_mem>>) src(%arg12 : memref<80x128xf32, #tpu.memory_space<vmem>>) dst(%dma_wait3A_90 : memref<10000x128xf32, #tpu.memory_space<vmem_shared>>)
    %barrier3A_91 = arith.constant 0 : index
    tpu.barrier barrier_id(%barrier3A_91)
    %lt3A_92 = arith.constant 15 : i32
    %lt3A_93 = arith.cmpi slt, %arg1, %lt3A_92 : i32
    %convert_element_type3A_94 = arith.extui %lt3A_93 : i1 to i32
    %cond3A_95 = arith.constant 0 : i32
    %cond3A_96 = arith.cmpi ne, %convert_element_type3A_94, %cond3A_95 : i32
    scf.if %cond3A_96 {
      "tpu.region"() ({
        %run_scoped3A = tpu.sem_alloc : memref<!tpu.dma_semaphore, #tpu.memory_space<semaphore_mem>>
        %dma_start3A_102 = arith.constant 0 : i32
        %dma_start3A_103 = tpu.memref_slice %arg5[%arg0, %mul3A_2, %dma_start3A_102] : memref<2x10000x128xf32, #tpu.memory_space<hbm>> -> memref<1x640x128xf32, #tpu.memory_space<hbm>>
        %dma_start3A_104 = tpu.memref_squeeze %dma_start3A_103 : memref<1x640x128xf32, #tpu.memory_space<hbm>> -> memref<640x128xf32, #tpu.memory_space<hbm>>
        %dma_start3A_105 = arith.constant 0 : i32
        %dma_start3A_106 = tpu.memref_slice %arg16[%mul3A_2, %dma_start3A_105] : memref<10000x128xf32, #tpu.memory_space<vmem_shared>> -> memref<640x128xf32, #tpu.memory_space<vmem_shared>>
        tpu.enqueue_dma source(%dma_start3A_106 : memref<640x128xf32, #tpu.memory_space<vmem_shared>>) target(%dma_start3A_104 : memref<640x128xf32, #tpu.memory_space<hbm>>) target_semaphore(%run_scoped3A : memref<!tpu.dma_semaphore, #tpu.memory_space<semaphore_mem>>)
        %dma_wait3A_107 = arith.constant 0 : i32
        %dma_wait3A_108 = tpu.memref_slice %arg5[%arg0, %mul3A_2, %dma_wait3A_107] : memref<2x10000x128xf32, #tpu.memory_space<hbm>> -> memref<1x640x128xf32, #tpu.memory_space<hbm>>
        %dma_wait3A_109 = tpu.memref_squeeze %dma_wait3A_108 : memref<1x640x128xf32, #tpu.memory_space<hbm>> -> memref<640x128xf32, #tpu.memory_space<hbm>>
        %dma_wait3A_110 = arith.constant 0 : i32
        %dma_wait3A_111 = tpu.memref_slice %arg16[%mul3A_2, %dma_wait3A_110] : memref<10000x128xf32, #tpu.memory_space<vmem_shared>> -> memref<640x128xf32, #tpu.memory_space<vmem_shared>>
        tpu.wait_dma2 semaphore(%run_scoped3A : memref<!tpu.dma_semaphore, #tpu.memory_space<semaphore_mem>>) src(%dma_wait3A_111 : memref<640x128xf32, #tpu.memory_space<vmem_shared>>) dst(%dma_wait3A_109 : memref<640x128xf32, #tpu.memory_space<hbm>>)
        tpu.yield
      }) : () -> ()
    } else {
    }
    %eq3A_97 = arith.constant 15 : i32
    %eq3A_98 = arith.cmpi eq, %arg1, %eq3A_97 : i32
    %convert_element_type3A_99 = arith.extui %eq3A_98 : i1 to i32
    %cond3A_100 = arith.constant 0 : i32
    %cond3A_101 = arith.cmpi ne, %convert_element_type3A_99, %cond3A_100 : i32
    scf.if %cond3A_101 {
      "tpu.region"() ({
        %run_scoped3A = tpu.sem_alloc : memref<!tpu.dma_semaphore, #tpu.memory_space<semaphore_mem>>
        %dma_start3A_102 = arith.constant 0 : i32
        %dma_start3A_103 = tpu.memref_slice %arg5[%arg0, %mul3A_2, %dma_start3A_102] : memref<2x10000x128xf32, #tpu.memory_space<hbm>> -> memref<1x400x128xf32, #tpu.memory_space<hbm>>
        %dma_start3A_104 = tpu.memref_squeeze %dma_start3A_103 : memref<1x400x128xf32, #tpu.memory_space<hbm>> -> memref<400x128xf32, #tpu.memory_space<hbm>>
        %dma_start3A_105 = arith.constant 0 : i32
        %dma_start3A_106 = tpu.memref_slice %arg16[%mul3A_2, %dma_start3A_105] : memref<10000x128xf32, #tpu.memory_space<vmem_shared>> -> memref<400x128xf32, #tpu.memory_space<vmem_shared>>
        tpu.enqueue_dma source(%dma_start3A_106 : memref<400x128xf32, #tpu.memory_space<vmem_shared>>) target(%dma_start3A_104 : memref<400x128xf32, #tpu.memory_space<hbm>>) target_semaphore(%run_scoped3A : memref<!tpu.dma_semaphore, #tpu.memory_space<semaphore_mem>>)
        %dma_wait3A_107 = arith.constant 0 : i32
        %dma_wait3A_108 = tpu.memref_slice %arg5[%arg0, %mul3A_2, %dma_wait3A_107] : memref<2x10000x128xf32, #tpu.memory_space<hbm>> -> memref<1x400x128xf32, #tpu.memory_space<hbm>>
        %dma_wait3A_109 = tpu.memref_squeeze %dma_wait3A_108 : memref<1x400x128xf32, #tpu.memory_space<hbm>> -> memref<400x128xf32, #tpu.memory_space<hbm>>
        %dma_wait3A_110 = arith.constant 0 : i32
        %dma_wait3A_111 = tpu.memref_slice %arg16[%mul3A_2, %dma_wait3A_110] : memref<10000x128xf32, #tpu.memory_space<vmem_shared>> -> memref<400x128xf32, #tpu.memory_space<vmem_shared>>
        tpu.wait_dma2 semaphore(%run_scoped3A : memref<!tpu.dma_semaphore, #tpu.memory_space<semaphore_mem>>) src(%dma_wait3A_111 : memref<400x128xf32, #tpu.memory_space<vmem_shared>>) dst(%dma_wait3A_109 : memref<400x128xf32, #tpu.memory_space<hbm>>)
        tpu.yield
      }) : () -> ()
    } else {
    }
    return
  }
}

#map = affine_map<(d0, d1) -> (0, 0)>
#map1 = affine_map<(d0, d1) -> (0)>
#map2 = affine_map<(d0, d1) -> (0, 0, 0)>
module attributes {stable_mosaic.version = 14 : i64} {
  func.func @sc_edge(%arg0: i32, %arg1: i32, %arg2: memref<10000x128xf32, #tpu.memory_space<hbm>>, %arg3: memref<320000x64xi32, #tpu.memory_space<hbm>>, %arg4: memref<320000xi32, #tpu.memory_space<hbm>>, %arg5: memref<2x10000x128xf32, #tpu.memory_space<hbm>>, %arg6: memref<80xi32, #tpu.memory_space<vmem>>, %arg7: memref<80xi32, #tpu.memory_space<vmem>>, %arg8: memref<80xi32, #tpu.memory_space<vmem>>, %arg9: memref<80xi32, #tpu.memory_space<vmem>>, %arg10: memref<80xi32, #tpu.memory_space<vmem>>, %arg11: memref<80xi32, #tpu.memory_space<vmem>>, %arg12: memref<80x128xf32, #tpu.memory_space<vmem>>, %arg13: memref<80x128xf32, #tpu.memory_space<vmem>>, %arg14: memref<80x64xi32, #tpu.memory_space<vmem>>, %arg15: memref<80x64xi32, #tpu.memory_space<vmem>>, %arg16: memref<10000x128xf32, #tpu.memory_space<vmem_shared>>, %arg17: memref<!tpu.dma_semaphore, #tpu.memory_space<semaphore_mem>>, %arg18: memref<!tpu.dma_semaphore, #tpu.memory_space<semaphore_mem>>, %arg19: memref<!tpu.dma_semaphore, #tpu.memory_space<semaphore_mem>>, %arg20: memref<!tpu.dma_semaphore, #tpu.memory_space<semaphore_mem>>, %arg21: memref<!tpu.dma_semaphore, #tpu.memory_space<semaphore_mem>>, %arg22: memref<!tpu.dma_semaphore, #tpu.memory_space<semaphore_mem>>) attributes {dimension_semantics = [#tpu.dimension_semantics<core_parallel>, #tpu.dimension_semantics<subcore_parallel>], iteration_bounds = array<i64: 2, 16>, scalar_prefetch = 0 : i64, scratch_operands = 17 : i64, tpu.core_type = #tpu.core_type<sc_vector_subcore>, window_params = [{transform_indices = #map}, {transform_indices = #map}, {transform_indices = #map1}, {transform_indices = #map2}]} {
    %mul3A = arith.constant 2 : i32
    %mul3A_0 = arith.muli %arg1, %mul3A : i32
    %add3A = arith.addi %mul3A_0, %arg0 : i32
    %mul3A_1 = arith.constant 640 : i32
    %mul3A_2 = arith.muli %arg1, %mul3A_1 : i32
    %mul3A_3 = arith.constant 125 : i32
    %mul3A_4 = arith.muli %add3A, %mul3A_3 : i32
    %mul3A_5 = arith.constant 80 : i32
    %mul3A_6 = arith.muli %mul3A_4, %mul3A_5 : i32
    %broadcast_in_dim3A = arith.constant 0.000000e+00 : f32
    %broadcast_in_dim3A_7 = vector.broadcast %broadcast_in_dim3A : f32 to vector<16xf32>
    %broadcast_in_dim3A_8 = arith.constant 16383 : i32
    %broadcast_in_dim3A_9 = vector.broadcast %broadcast_in_dim3A_8 : i32 to vector<16xi32>
    %broadcast_in_dim3A_10 = arith.constant 14 : i32
    %broadcast_in_dim3A_11 = vector.broadcast %broadcast_in_dim3A_10 : i32 to vector<16xi32>
    %scan3A = arith.constant 0 : i32
    %scan3A_12 = arith.constant 0 : i32
    %scan3A_13 = arith.constant 80 : i32
    %scan3A_14 = arith.addi %scan3A_12, %scan3A_13 : i32
    %scan3A_15 = arith.constant 1 : i32
    %scan3A_16 = scf.for %scan3A_102 = %scan3A_12 to %scan3A_14 step %scan3A_15 iter_args(%scan3A_103 = %scan3A) -> (i32)  : i32 {
      %swap3A_104 = arith.index_cast %scan3A_102 : i32 to index
      %swap3A_105 = arith.constant 0 : index
      %swap3A_106 = tpu.vector_load %arg12[%swap3A_104, %swap3A_105] {strides = array<i32>} : memref<80x128xf32, #tpu.memory_space<vmem>>, vector<16xf32>,
      tpu.vector_store %arg12[%swap3A_104, %swap3A_105], %broadcast_in_dim3A_7 {strides = array<i32>} : memref<80x128xf32, #tpu.memory_space<vmem>>, vector<16xf32>,
      %swap3A_107 = arith.index_cast %scan3A_102 : i32 to index
      %swap3A_108 = arith.constant 16 : index
      %swap3A_109 = tpu.vector_load %arg12[%swap3A_107, %swap3A_108] {strides = array<i32>} : memref<80x128xf32, #tpu.memory_space<vmem>>, vector<16xf32>,
      tpu.vector_store %arg12[%swap3A_107, %swap3A_108], %broadcast_in_dim3A_7 {strides = array<i32>} : memref<80x128xf32, #tpu.memory_space<vmem>>, vector<16xf32>,
      %swap3A_110 = arith.index_cast %scan3A_102 : i32 to index
      %swap3A_111 = arith.constant 32 : index
      %swap3A_112 = tpu.vector_load %arg12[%swap3A_110, %swap3A_111] {strides = array<i32>} : memref<80x128xf32, #tpu.memory_space<vmem>>, vector<16xf32>,
      tpu.vector_store %arg12[%swap3A_110, %swap3A_111], %broadcast_in_dim3A_7 {strides = array<i32>} : memref<80x128xf32, #tpu.memory_space<vmem>>, vector<16xf32>,
      %swap3A_113 = arith.index_cast %scan3A_102 : i32 to index
      %swap3A_114 = arith.constant 48 : index
      %swap3A_115 = tpu.vector_load %arg12[%swap3A_113, %swap3A_114] {strides = array<i32>} : memref<80x128xf32, #tpu.memory_space<vmem>>, vector<16xf32>,
      tpu.vector_store %arg12[%swap3A_113, %swap3A_114], %broadcast_in_dim3A_7 {strides = array<i32>} : memref<80x128xf32, #tpu.memory_space<vmem>>, vector<16xf32>,
      %swap3A_116 = arith.index_cast %scan3A_102 : i32 to index
      %swap3A_117 = arith.constant 64 : index
      %swap3A_118 = tpu.vector_load %arg12[%swap3A_116, %swap3A_117] {strides = array<i32>} : memref<80x128xf32, #tpu.memory_space<vmem>>, vector<16xf32>,
      tpu.vector_store %arg12[%swap3A_116, %swap3A_117], %broadcast_in_dim3A_7 {strides = array<i32>} : memref<80x128xf32, #tpu.memory_space<vmem>>, vector<16xf32>,
      %swap3A_119 = arith.index_cast %scan3A_102 : i32 to index
      %swap3A_120 = arith.constant 80 : index
      %swap3A_121 = tpu.vector_load %arg12[%swap3A_119, %swap3A_120] {strides = array<i32>} : memref<80x128xf32, #tpu.memory_space<vmem>>, vector<16xf32>,
      tpu.vector_store %arg12[%swap3A_119, %swap3A_120], %broadcast_in_dim3A_7 {strides = array<i32>} : memref<80x128xf32, #tpu.memory_space<vmem>>, vector<16xf32>,
      %swap3A_122 = arith.index_cast %scan3A_102 : i32 to index
      %swap3A_123 = arith.constant 96 : index
      %swap3A_124 = tpu.vector_load %arg12[%swap3A_122, %swap3A_123] {strides = array<i32>} : memref<80x128xf32, #tpu.memory_space<vmem>>, vector<16xf32>,
      tpu.vector_store %arg12[%swap3A_122, %swap3A_123], %broadcast_in_dim3A_7 {strides = array<i32>} : memref<80x128xf32, #tpu.memory_space<vmem>>, vector<16xf32>,
      %swap3A_125 = arith.index_cast %scan3A_102 : i32 to index
      %swap3A_126 = arith.constant 112 : index
      %swap3A_127 = tpu.vector_load %arg12[%swap3A_125, %swap3A_126] {strides = array<i32>} : memref<80x128xf32, #tpu.memory_space<vmem>>, vector<16xf32>,
      tpu.vector_store %arg12[%swap3A_125, %swap3A_126], %broadcast_in_dim3A_7 {strides = array<i32>} : memref<80x128xf32, #tpu.memory_space<vmem>>, vector<16xf32>,
      %scan3A_128 = arith.constant 0 : i32
      scf.yield %scan3A_128 : i32
    }
    %scan3A_17 = arith.constant 80 : i32
    %lt3A = arith.constant 15 : i32
    %lt3A_18 = arith.cmpi slt, %arg1, %lt3A : i32
    %convert_element_type3A = arith.extui %lt3A_18 : i1 to i32
    %cond3A = arith.constant 0 : i32
    %cond3A_19 = arith.cmpi ne, %convert_element_type3A, %cond3A : i32
    scf.if %cond3A_19 {
      %add3A_102 = arith.constant 0 : i32
      %add3A_103 = arith.addi %mul3A_2, %add3A_102 : i32
      "tpu.region"() ({
        %run_scoped3A = tpu.sem_alloc : memref<!tpu.dma_semaphore, #tpu.memory_space<semaphore_mem>>
        %dma_start3A_118 = arith.constant 0 : i32
        %dma_start3A_119 = tpu.memref_slice %arg16[%add3A_103, %dma_start3A_118] : memref<10000x128xf32, #tpu.memory_space<vmem_shared>> -> memref<80x128xf32, #tpu.memory_space<vmem_shared>>
        %dma_start3A_120 = arith.constant 0 : i32
        %dma_start3A_121 = tpu.memref_slice %arg16[%add3A_103, %dma_start3A_120] : memref<10000x128xf32, #tpu.memory_space<vmem_shared>> -> memref<80x128xf32, #tpu.memory_space<vmem_shared>>
        tpu.enqueue_dma source(%arg12 : memref<80x128xf32, #tpu.memory_space<vmem>>) target(%dma_start3A_121 : memref<80x128xf32, #tpu.memory_space<vmem_shared>>) target_semaphore(%run_scoped3A : memref<!tpu.dma_semaphore, #tpu.memory_space<semaphore_mem>>)
        %dma_wait3A_122 = arith.constant 0 : i32
        %dma_wait3A_123 = tpu.memref_slice %arg16[%add3A_103, %dma_wait3A_122] : memref<10000x128xf32, #tpu.memory_space<vmem_shared>> -> memref<80x128xf32, #tpu.memory_space<vmem_shared>>
        %dma_wait3A_124 = arith.constant 0 : i32
        %dma_wait3A_125 = tpu.memref_slice %arg16[%add3A_103, %dma_wait3A_124] : memref<10000x128xf32, #tpu.memory_space<vmem_shared>> -> memref<80x128xf32, #tpu.memory_space<vmem_shared>>
        tpu.wait_dma2 semaphore(%run_scoped3A : memref<!tpu.dma_semaphore, #tpu.memory_space<semaphore_mem>>) src(%arg12 : memref<80x128xf32, #tpu.memory_space<vmem>>) dst(%dma_wait3A_125 : memref<80x128xf32, #tpu.memory_space<vmem_shared>>)
        tpu.yield
      }) : () -> ()
      %add3A_104 = arith.constant 80 : i32
      %add3A_105 = arith.addi %mul3A_2, %add3A_104 : i32
      "tpu.region"() ({
        %run_scoped3A = tpu.sem_alloc : memref<!tpu.dma_semaphore, #tpu.memory_space<semaphore_mem>>
        %dma_start3A_118 = arith.constant 0 : i32
        %dma_start3A_119 = tpu.memref_slice %arg16[%add3A_105, %dma_start3A_118] : memref<10000x128xf32, #tpu.memory_space<vmem_shared>> -> memref<80x128xf32, #tpu.memory_space<vmem_shared>>
        %dma_start3A_120 = arith.constant 0 : i32
        %dma_start3A_121 = tpu.memref_slice %arg16[%add3A_105, %dma_start3A_120] : memref<10000x128xf32, #tpu.memory_space<vmem_shared>> -> memref<80x128xf32, #tpu.memory_space<vmem_shared>>
        tpu.enqueue_dma source(%arg12 : memref<80x128xf32, #tpu.memory_space<vmem>>) target(%dma_start3A_121 : memref<80x128xf32, #tpu.memory_space<vmem_shared>>) target_semaphore(%run_scoped3A : memref<!tpu.dma_semaphore, #tpu.memory_space<semaphore_mem>>)
        %dma_wait3A_122 = arith.constant 0 : i32
        %dma_wait3A_123 = tpu.memref_slice %arg16[%add3A_105, %dma_wait3A_122] : memref<10000x128xf32, #tpu.memory_space<vmem_shared>> -> memref<80x128xf32, #tpu.memory_space<vmem_shared>>
        %dma_wait3A_124 = arith.constant 0 : i32
        %dma_wait3A_125 = tpu.memref_slice %arg16[%add3A_105, %dma_wait3A_124] : memref<10000x128xf32, #tpu.memory_space<vmem_shared>> -> memref<80x128xf32, #tpu.memory_space<vmem_shared>>
        tpu.wait_dma2 semaphore(%run_scoped3A : memref<!tpu.dma_semaphore, #tpu.memory_space<semaphore_mem>>) src(%arg12 : memref<80x128xf32, #tpu.memory_space<vmem>>) dst(%dma_wait3A_125 : memref<80x128xf32, #tpu.memory_space<vmem_shared>>)
        tpu.yield
      }) : () -> ()
      %add3A_106 = arith.constant 160 : i32
      %add3A_107 = arith.addi %mul3A_2, %add3A_106 : i32
      "tpu.region"() ({
        %run_scoped3A = tpu.sem_alloc : memref<!tpu.dma_semaphore, #tpu.memory_space<semaphore_mem>>
        %dma_start3A_118 = arith.constant 0 : i32
        %dma_start3A_119 = tpu.memref_slice %arg16[%add3A_107, %dma_start3A_118] : memref<10000x128xf32, #tpu.memory_space<vmem_shared>> -> memref<80x128xf32, #tpu.memory_space<vmem_shared>>
        %dma_start3A_120 = arith.constant 0 : i32
        %dma_start3A_121 = tpu.memref_slice %arg16[%add3A_107, %dma_start3A_120] : memref<10000x128xf32, #tpu.memory_space<vmem_shared>> -> memref<80x128xf32, #tpu.memory_space<vmem_shared>>
        tpu.enqueue_dma source(%arg12 : memref<80x128xf32, #tpu.memory_space<vmem>>) target(%dma_start3A_121 : memref<80x128xf32, #tpu.memory_space<vmem_shared>>) target_semaphore(%run_scoped3A : memref<!tpu.dma_semaphore, #tpu.memory_space<semaphore_mem>>)
        %dma_wait3A_122 = arith.constant 0 : i32
        %dma_wait3A_123 = tpu.memref_slice %arg16[%add3A_107, %dma_wait3A_122] : memref<10000x128xf32, #tpu.memory_space<vmem_shared>> -> memref<80x128xf32, #tpu.memory_space<vmem_shared>>
        %dma_wait3A_124 = arith.constant 0 : i32
        %dma_wait3A_125 = tpu.memref_slice %arg16[%add3A_107, %dma_wait3A_124] : memref<10000x128xf32, #tpu.memory_space<vmem_shared>> -> memref<80x128xf32, #tpu.memory_space<vmem_shared>>
        tpu.wait_dma2 semaphore(%run_scoped3A : memref<!tpu.dma_semaphore, #tpu.memory_space<semaphore_mem>>) src(%arg12 : memref<80x128xf32, #tpu.memory_space<vmem>>) dst(%dma_wait3A_125 : memref<80x128xf32, #tpu.memory_space<vmem_shared>>)
        tpu.yield
      }) : () -> ()
      %add3A_108 = arith.constant 240 : i32
      %add3A_109 = arith.addi %mul3A_2, %add3A_108 : i32
      "tpu.region"() ({
        %run_scoped3A = tpu.sem_alloc : memref<!tpu.dma_semaphore, #tpu.memory_space<semaphore_mem>>
        %dma_start3A_118 = arith.constant 0 : i32
        %dma_start3A_119 = tpu.memref_slice %arg16[%add3A_109, %dma_start3A_118] : memref<10000x128xf32, #tpu.memory_space<vmem_shared>> -> memref<80x128xf32, #tpu.memory_space<vmem_shared>>
        %dma_start3A_120 = arith.constant 0 : i32
        %dma_start3A_121 = tpu.memref_slice %arg16[%add3A_109, %dma_start3A_120] : memref<10000x128xf32, #tpu.memory_space<vmem_shared>> -> memref<80x128xf32, #tpu.memory_space<vmem_shared>>
        tpu.enqueue_dma source(%arg12 : memref<80x128xf32, #tpu.memory_space<vmem>>) target(%dma_start3A_121 : memref<80x128xf32, #tpu.memory_space<vmem_shared>>) target_semaphore(%run_scoped3A : memref<!tpu.dma_semaphore, #tpu.memory_space<semaphore_mem>>)
        %dma_wait3A_122 = arith.constant 0 : i32
        %dma_wait3A_123 = tpu.memref_slice %arg16[%add3A_109, %dma_wait3A_122] : memref<10000x128xf32, #tpu.memory_space<vmem_shared>> -> memref<80x128xf32, #tpu.memory_space<vmem_shared>>
        %dma_wait3A_124 = arith.constant 0 : i32
        %dma_wait3A_125 = tpu.memref_slice %arg16[%add3A_109, %dma_wait3A_124] : memref<10000x128xf32, #tpu.memory_space<vmem_shared>> -> memref<80x128xf32, #tpu.memory_space<vmem_shared>>
        tpu.wait_dma2 semaphore(%run_scoped3A : memref<!tpu.dma_semaphore, #tpu.memory_space<semaphore_mem>>) src(%arg12 : memref<80x128xf32, #tpu.memory_space<vmem>>) dst(%dma_wait3A_125 : memref<80x128xf32, #tpu.memory_space<vmem_shared>>)
        tpu.yield
      }) : () -> ()
      %add3A_110 = arith.constant 320 : i32
      %add3A_111 = arith.addi %mul3A_2, %add3A_110 : i32
      "tpu.region"() ({
        %run_scoped3A = tpu.sem_alloc : memref<!tpu.dma_semaphore, #tpu.memory_space<semaphore_mem>>
        %dma_start3A_118 = arith.constant 0 : i32
        %dma_start3A_119 = tpu.memref_slice %arg16[%add3A_111, %dma_start3A_118] : memref<10000x128xf32, #tpu.memory_space<vmem_shared>> -> memref<80x128xf32, #tpu.memory_space<vmem_shared>>
        %dma_start3A_120 = arith.constant 0 : i32
        %dma_start3A_121 = tpu.memref_slice %arg16[%add3A_111, %dma_start3A_120] : memref<10000x128xf32, #tpu.memory_space<vmem_shared>> -> memref<80x128xf32, #tpu.memory_space<vmem_shared>>
        tpu.enqueue_dma source(%arg12 : memref<80x128xf32, #tpu.memory_space<vmem>>) target(%dma_start3A_121 : memref<80x128xf32, #tpu.memory_space<vmem_shared>>) target_semaphore(%run_scoped3A : memref<!tpu.dma_semaphore, #tpu.memory_space<semaphore_mem>>)
        %dma_wait3A_122 = arith.constant 0 : i32
        %dma_wait3A_123 = tpu.memref_slice %arg16[%add3A_111, %dma_wait3A_122] : memref<10000x128xf32, #tpu.memory_space<vmem_shared>> -> memref<80x128xf32, #tpu.memory_space<vmem_shared>>
        %dma_wait3A_124 = arith.constant 0 : i32
        %dma_wait3A_125 = tpu.memref_slice %arg16[%add3A_111, %dma_wait3A_124] : memref<10000x128xf32, #tpu.memory_space<vmem_shared>> -> memref<80x128xf32, #tpu.memory_space<vmem_shared>>
        tpu.wait_dma2 semaphore(%run_scoped3A : memref<!tpu.dma_semaphore, #tpu.memory_space<semaphore_mem>>) src(%arg12 : memref<80x128xf32, #tpu.memory_space<vmem>>) dst(%dma_wait3A_125 : memref<80x128xf32, #tpu.memory_space<vmem_shared>>)
        tpu.yield
      }) : () -> ()
      %add3A_112 = arith.constant 400 : i32
      %add3A_113 = arith.addi %mul3A_2, %add3A_112 : i32
      "tpu.region"() ({
        %run_scoped3A = tpu.sem_alloc : memref<!tpu.dma_semaphore, #tpu.memory_space<semaphore_mem>>
        %dma_start3A_118 = arith.constant 0 : i32
        %dma_start3A_119 = tpu.memref_slice %arg16[%add3A_113, %dma_start3A_118] : memref<10000x128xf32, #tpu.memory_space<vmem_shared>> -> memref<80x128xf32, #tpu.memory_space<vmem_shared>>
        %dma_start3A_120 = arith.constant 0 : i32
        %dma_start3A_121 = tpu.memref_slice %arg16[%add3A_113, %dma_start3A_120] : memref<10000x128xf32, #tpu.memory_space<vmem_shared>> -> memref<80x128xf32, #tpu.memory_space<vmem_shared>>
        tpu.enqueue_dma source(%arg12 : memref<80x128xf32, #tpu.memory_space<vmem>>) target(%dma_start3A_121 : memref<80x128xf32, #tpu.memory_space<vmem_shared>>) target_semaphore(%run_scoped3A : memref<!tpu.dma_semaphore, #tpu.memory_space<semaphore_mem>>)
        %dma_wait3A_122 = arith.constant 0 : i32
        %dma_wait3A_123 = tpu.memref_slice %arg16[%add3A_113, %dma_wait3A_122] : memref<10000x128xf32, #tpu.memory_space<vmem_shared>> -> memref<80x128xf32, #tpu.memory_space<vmem_shared>>
        %dma_wait3A_124 = arith.constant 0 : i32
        %dma_wait3A_125 = tpu.memref_slice %arg16[%add3A_113, %dma_wait3A_124] : memref<10000x128xf32, #tpu.memory_space<vmem_shared>> -> memref<80x128xf32, #tpu.memory_space<vmem_shared>>
        tpu.wait_dma2 semaphore(%run_scoped3A : memref<!tpu.dma_semaphore, #tpu.memory_space<semaphore_mem>>) src(%arg12 : memref<80x128xf32, #tpu.memory_space<vmem>>) dst(%dma_wait3A_125 : memref<80x128xf32, #tpu.memory_space<vmem_shared>>)
        tpu.yield
      }) : () -> ()
      %add3A_114 = arith.constant 480 : i32
      %add3A_115 = arith.addi %mul3A_2, %add3A_114 : i32
      "tpu.region"() ({
        %run_scoped3A = tpu.sem_alloc : memref<!tpu.dma_semaphore, #tpu.memory_space<semaphore_mem>>
        %dma_start3A_118 = arith.constant 0 : i32
        %dma_start3A_119 = tpu.memref_slice %arg16[%add3A_115, %dma_start3A_118] : memref<10000x128xf32, #tpu.memory_space<vmem_shared>> -> memref<80x128xf32, #tpu.memory_space<vmem_shared>>
        %dma_start3A_120 = arith.constant 0 : i32
        %dma_start3A_121 = tpu.memref_slice %arg16[%add3A_115, %dma_start3A_120] : memref<10000x128xf32, #tpu.memory_space<vmem_shared>> -> memref<80x128xf32, #tpu.memory_space<vmem_shared>>
        tpu.enqueue_dma source(%arg12 : memref<80x128xf32, #tpu.memory_space<vmem>>) target(%dma_start3A_121 : memref<80x128xf32, #tpu.memory_space<vmem_shared>>) target_semaphore(%run_scoped3A : memref<!tpu.dma_semaphore, #tpu.memory_space<semaphore_mem>>)
        %dma_wait3A_122 = arith.constant 0 : i32
        %dma_wait3A_123 = tpu.memref_slice %arg16[%add3A_115, %dma_wait3A_122] : memref<10000x128xf32, #tpu.memory_space<vmem_shared>> -> memref<80x128xf32, #tpu.memory_space<vmem_shared>>
        %dma_wait3A_124 = arith.constant 0 : i32
        %dma_wait3A_125 = tpu.memref_slice %arg16[%add3A_115, %dma_wait3A_124] : memref<10000x128xf32, #tpu.memory_space<vmem_shared>> -> memref<80x128xf32, #tpu.memory_space<vmem_shared>>
        tpu.wait_dma2 semaphore(%run_scoped3A : memref<!tpu.dma_semaphore, #tpu.memory_space<semaphore_mem>>) src(%arg12 : memref<80x128xf32, #tpu.memory_space<vmem>>) dst(%dma_wait3A_125 : memref<80x128xf32, #tpu.memory_space<vmem_shared>>)
        tpu.yield
      }) : () -> ()
      %add3A_116 = arith.constant 560 : i32
      %add3A_117 = arith.addi %mul3A_2, %add3A_116 : i32
      "tpu.region"() ({
        %run_scoped3A = tpu.sem_alloc : memref<!tpu.dma_semaphore, #tpu.memory_space<semaphore_mem>>
        %dma_start3A_118 = arith.constant 0 : i32
        %dma_start3A_119 = tpu.memref_slice %arg16[%add3A_117, %dma_start3A_118] : memref<10000x128xf32, #tpu.memory_space<vmem_shared>> -> memref<80x128xf32, #tpu.memory_space<vmem_shared>>
        %dma_start3A_120 = arith.constant 0 : i32
        %dma_start3A_121 = tpu.memref_slice %arg16[%add3A_117, %dma_start3A_120] : memref<10000x128xf32, #tpu.memory_space<vmem_shared>> -> memref<80x128xf32, #tpu.memory_space<vmem_shared>>
        tpu.enqueue_dma source(%arg12 : memref<80x128xf32, #tpu.memory_space<vmem>>) target(%dma_start3A_121 : memref<80x128xf32, #tpu.memory_space<vmem_shared>>) target_semaphore(%run_scoped3A : memref<!tpu.dma_semaphore, #tpu.memory_space<semaphore_mem>>)
        %dma_wait3A_122 = arith.constant 0 : i32
        %dma_wait3A_123 = tpu.memref_slice %arg16[%add3A_117, %dma_wait3A_122] : memref<10000x128xf32, #tpu.memory_space<vmem_shared>> -> memref<80x128xf32, #tpu.memory_space<vmem_shared>>
        %dma_wait3A_124 = arith.constant 0 : i32
        %dma_wait3A_125 = tpu.memref_slice %arg16[%add3A_117, %dma_wait3A_124] : memref<10000x128xf32, #tpu.memory_space<vmem_shared>> -> memref<80x128xf32, #tpu.memory_space<vmem_shared>>
        tpu.wait_dma2 semaphore(%run_scoped3A : memref<!tpu.dma_semaphore, #tpu.memory_space<semaphore_mem>>) src(%arg12 : memref<80x128xf32, #tpu.memory_space<vmem>>) dst(%dma_wait3A_125 : memref<80x128xf32, #tpu.memory_space<vmem_shared>>)
        tpu.yield
      }) : () -> ()
    } else {
    }
    %eq3A = arith.constant 15 : i32
    %eq3A_20 = arith.cmpi eq, %arg1, %eq3A : i32
    %convert_element_type3A_21 = arith.extui %eq3A_20 : i1 to i32
    %cond3A_22 = arith.constant 0 : i32
    %cond3A_23 = arith.cmpi ne, %convert_element_type3A_21, %cond3A_22 : i32
    scf.if %cond3A_23 {
      %add3A_102 = arith.constant 0 : i32
      %add3A_103 = arith.addi %mul3A_2, %add3A_102 : i32
      "tpu.region"() ({
        %run_scoped3A = tpu.sem_alloc : memref<!tpu.dma_semaphore, #tpu.memory_space<semaphore_mem>>
        %dma_start3A_112 = arith.constant 0 : i32
        %dma_start3A_113 = tpu.memref_slice %arg16[%add3A_103, %dma_start3A_112] : memref<10000x128xf32, #tpu.memory_space<vmem_shared>> -> memref<80x128xf32, #tpu.memory_space<vmem_shared>>
        %dma_start3A_114 = arith.constant 0 : i32
        %dma_start3A_115 = tpu.memref_slice %arg16[%add3A_103, %dma_start3A_114] : memref<10000x128xf32, #tpu.memory_space<vmem_shared>> -> memref<80x128xf32, #tpu.memory_space<vmem_shared>>
        tpu.enqueue_dma source(%arg12 : memref<80x128xf32, #tpu.memory_space<vmem>>) target(%dma_start3A_115 : memref<80x128xf32, #tpu.memory_space<vmem_shared>>) target_semaphore(%run_scoped3A : memref<!tpu.dma_semaphore, #tpu.memory_space<semaphore_mem>>)
        %dma_wait3A_116 = arith.constant 0 : i32
        %dma_wait3A_117 = tpu.memref_slice %arg16[%add3A_103, %dma_wait3A_116] : memref<10000x128xf32, #tpu.memory_space<vmem_shared>> -> memref<80x128xf32, #tpu.memory_space<vmem_shared>>
        %dma_wait3A_118 = arith.constant 0 : i32
        %dma_wait3A_119 = tpu.memref_slice %arg16[%add3A_103, %dma_wait3A_118] : memref<10000x128xf32, #tpu.memory_space<vmem_shared>> -> memref<80x128xf32, #tpu.memory_space<vmem_shared>>
        tpu.wait_dma2 semaphore(%run_scoped3A : memref<!tpu.dma_semaphore, #tpu.memory_space<semaphore_mem>>) src(%arg12 : memref<80x128xf32, #tpu.memory_space<vmem>>) dst(%dma_wait3A_119 : memref<80x128xf32, #tpu.memory_space<vmem_shared>>)
        tpu.yield
      }) : () -> ()
      %add3A_104 = arith.constant 80 : i32
      %add3A_105 = arith.addi %mul3A_2, %add3A_104 : i32
      "tpu.region"() ({
        %run_scoped3A = tpu.sem_alloc : memref<!tpu.dma_semaphore, #tpu.memory_space<semaphore_mem>>
        %dma_start3A_112 = arith.constant 0 : i32
        %dma_start3A_113 = tpu.memref_slice %arg16[%add3A_105, %dma_start3A_112] : memref<10000x128xf32, #tpu.memory_space<vmem_shared>> -> memref<80x128xf32, #tpu.memory_space<vmem_shared>>
        %dma_start3A_114 = arith.constant 0 : i32
        %dma_start3A_115 = tpu.memref_slice %arg16[%add3A_105, %dma_start3A_114] : memref<10000x128xf32, #tpu.memory_space<vmem_shared>> -> memref<80x128xf32, #tpu.memory_space<vmem_shared>>
        tpu.enqueue_dma source(%arg12 : memref<80x128xf32, #tpu.memory_space<vmem>>) target(%dma_start3A_115 : memref<80x128xf32, #tpu.memory_space<vmem_shared>>) target_semaphore(%run_scoped3A : memref<!tpu.dma_semaphore, #tpu.memory_space<semaphore_mem>>)
        %dma_wait3A_116 = arith.constant 0 : i32
        %dma_wait3A_117 = tpu.memref_slice %arg16[%add3A_105, %dma_wait3A_116] : memref<10000x128xf32, #tpu.memory_space<vmem_shared>> -> memref<80x128xf32, #tpu.memory_space<vmem_shared>>
        %dma_wait3A_118 = arith.constant 0 : i32
        %dma_wait3A_119 = tpu.memref_slice %arg16[%add3A_105, %dma_wait3A_118] : memref<10000x128xf32, #tpu.memory_space<vmem_shared>> -> memref<80x128xf32, #tpu.memory_space<vmem_shared>>
        tpu.wait_dma2 semaphore(%run_scoped3A : memref<!tpu.dma_semaphore, #tpu.memory_space<semaphore_mem>>) src(%arg12 : memref<80x128xf32, #tpu.memory_space<vmem>>) dst(%dma_wait3A_119 : memref<80x128xf32, #tpu.memory_space<vmem_shared>>)
        tpu.yield
      }) : () -> ()
      %add3A_106 = arith.constant 160 : i32
      %add3A_107 = arith.addi %mul3A_2, %add3A_106 : i32
      "tpu.region"() ({
        %run_scoped3A = tpu.sem_alloc : memref<!tpu.dma_semaphore, #tpu.memory_space<semaphore_mem>>
        %dma_start3A_112 = arith.constant 0 : i32
        %dma_start3A_113 = tpu.memref_slice %arg16[%add3A_107, %dma_start3A_112] : memref<10000x128xf32, #tpu.memory_space<vmem_shared>> -> memref<80x128xf32, #tpu.memory_space<vmem_shared>>
        %dma_start3A_114 = arith.constant 0 : i32
        %dma_start3A_115 = tpu.memref_slice %arg16[%add3A_107, %dma_start3A_114] : memref<10000x128xf32, #tpu.memory_space<vmem_shared>> -> memref<80x128xf32, #tpu.memory_space<vmem_shared>>
        tpu.enqueue_dma source(%arg12 : memref<80x128xf32, #tpu.memory_space<vmem>>) target(%dma_start3A_115 : memref<80x128xf32, #tpu.memory_space<vmem_shared>>) target_semaphore(%run_scoped3A : memref<!tpu.dma_semaphore, #tpu.memory_space<semaphore_mem>>)
        %dma_wait3A_116 = arith.constant 0 : i32
        %dma_wait3A_117 = tpu.memref_slice %arg16[%add3A_107, %dma_wait3A_116] : memref<10000x128xf32, #tpu.memory_space<vmem_shared>> -> memref<80x128xf32, #tpu.memory_space<vmem_shared>>
        %dma_wait3A_118 = arith.constant 0 : i32
        %dma_wait3A_119 = tpu.memref_slice %arg16[%add3A_107, %dma_wait3A_118] : memref<10000x128xf32, #tpu.memory_space<vmem_shared>> -> memref<80x128xf32, #tpu.memory_space<vmem_shared>>
        tpu.wait_dma2 semaphore(%run_scoped3A : memref<!tpu.dma_semaphore, #tpu.memory_space<semaphore_mem>>) src(%arg12 : memref<80x128xf32, #tpu.memory_space<vmem>>) dst(%dma_wait3A_119 : memref<80x128xf32, #tpu.memory_space<vmem_shared>>)
        tpu.yield
      }) : () -> ()
      %add3A_108 = arith.constant 240 : i32
      %add3A_109 = arith.addi %mul3A_2, %add3A_108 : i32
      "tpu.region"() ({
        %run_scoped3A = tpu.sem_alloc : memref<!tpu.dma_semaphore, #tpu.memory_space<semaphore_mem>>
        %dma_start3A_112 = arith.constant 0 : i32
        %dma_start3A_113 = tpu.memref_slice %arg16[%add3A_109, %dma_start3A_112] : memref<10000x128xf32, #tpu.memory_space<vmem_shared>> -> memref<80x128xf32, #tpu.memory_space<vmem_shared>>
        %dma_start3A_114 = arith.constant 0 : i32
        %dma_start3A_115 = tpu.memref_slice %arg16[%add3A_109, %dma_start3A_114] : memref<10000x128xf32, #tpu.memory_space<vmem_shared>> -> memref<80x128xf32, #tpu.memory_space<vmem_shared>>
        tpu.enqueue_dma source(%arg12 : memref<80x128xf32, #tpu.memory_space<vmem>>) target(%dma_start3A_115 : memref<80x128xf32, #tpu.memory_space<vmem_shared>>) target_semaphore(%run_scoped3A : memref<!tpu.dma_semaphore, #tpu.memory_space<semaphore_mem>>)
        %dma_wait3A_116 = arith.constant 0 : i32
        %dma_wait3A_117 = tpu.memref_slice %arg16[%add3A_109, %dma_wait3A_116] : memref<10000x128xf32, #tpu.memory_space<vmem_shared>> -> memref<80x128xf32, #tpu.memory_space<vmem_shared>>
        %dma_wait3A_118 = arith.constant 0 : i32
        %dma_wait3A_119 = tpu.memref_slice %arg16[%add3A_109, %dma_wait3A_118] : memref<10000x128xf32, #tpu.memory_space<vmem_shared>> -> memref<80x128xf32, #tpu.memory_space<vmem_shared>>
        tpu.wait_dma2 semaphore(%run_scoped3A : memref<!tpu.dma_semaphore, #tpu.memory_space<semaphore_mem>>) src(%arg12 : memref<80x128xf32, #tpu.memory_space<vmem>>) dst(%dma_wait3A_119 : memref<80x128xf32, #tpu.memory_space<vmem_shared>>)
        tpu.yield
      }) : () -> ()
      %add3A_110 = arith.constant 320 : i32
      %add3A_111 = arith.addi %mul3A_2, %add3A_110 : i32
      "tpu.region"() ({
        %run_scoped3A = tpu.sem_alloc : memref<!tpu.dma_semaphore, #tpu.memory_space<semaphore_mem>>
        %dma_start3A_112 = arith.constant 0 : i32
        %dma_start3A_113 = tpu.memref_slice %arg16[%add3A_111, %dma_start3A_112] : memref<10000x128xf32, #tpu.memory_space<vmem_shared>> -> memref<80x128xf32, #tpu.memory_space<vmem_shared>>
        %dma_start3A_114 = arith.constant 0 : i32
        %dma_start3A_115 = tpu.memref_slice %arg16[%add3A_111, %dma_start3A_114] : memref<10000x128xf32, #tpu.memory_space<vmem_shared>> -> memref<80x128xf32, #tpu.memory_space<vmem_shared>>
        tpu.enqueue_dma source(%arg12 : memref<80x128xf32, #tpu.memory_space<vmem>>) target(%dma_start3A_115 : memref<80x128xf32, #tpu.memory_space<vmem_shared>>) target_semaphore(%run_scoped3A : memref<!tpu.dma_semaphore, #tpu.memory_space<semaphore_mem>>)
        %dma_wait3A_116 = arith.constant 0 : i32
        %dma_wait3A_117 = tpu.memref_slice %arg16[%add3A_111, %dma_wait3A_116] : memref<10000x128xf32, #tpu.memory_space<vmem_shared>> -> memref<80x128xf32, #tpu.memory_space<vmem_shared>>
        %dma_wait3A_118 = arith.constant 0 : i32
        %dma_wait3A_119 = tpu.memref_slice %arg16[%add3A_111, %dma_wait3A_118] : memref<10000x128xf32, #tpu.memory_space<vmem_shared>> -> memref<80x128xf32, #tpu.memory_space<vmem_shared>>
        tpu.wait_dma2 semaphore(%run_scoped3A : memref<!tpu.dma_semaphore, #tpu.memory_space<semaphore_mem>>) src(%arg12 : memref<80x128xf32, #tpu.memory_space<vmem>>) dst(%dma_wait3A_119 : memref<80x128xf32, #tpu.memory_space<vmem_shared>>)
        tpu.yield
      }) : () -> ()
    } else {
    }
    %barrier3A = arith.constant 0 : index
    tpu.barrier barrier_id(%barrier3A)
    %broadcast_in_dim3A_24 = arith.constant 16 : i32
    %broadcast_in_dim3A_25 = vector.broadcast %broadcast_in_dim3A_24 : i32 to vector<16xi32>
    %broadcast_in_dim3A_26 = arith.constant -65536 : i32
    %broadcast_in_dim3A_27 = vector.broadcast %broadcast_in_dim3A_26 : i32 to vector<16xi32>
    %add3A_28 = arith.constant 0 : i32
    %add3A_29 = arith.addi %mul3A_6, %add3A_28 : i32
    %dma_start3A = tpu.memref_slice %arg4[%add3A_29] : memref<320000xi32, #tpu.memory_space<hbm>> -> memref<80xi32, #tpu.memory_space<hbm>>
    %dma_start3A_30 = tpu.memref_slice %arg4[%add3A_29] : memref<320000xi32, #tpu.memory_space<hbm>> -> memref<80xi32, #tpu.memory_space<hbm>>
    tpu.enqueue_dma source(%dma_start3A_30 : memref<80xi32, #tpu.memory_space<hbm>>) target(%arg6 : memref<80xi32, #tpu.memory_space<vmem>>) target_semaphore(%arg17 : memref<!tpu.dma_semaphore, #tpu.memory_space<semaphore_mem>>)
    %dma_wait3A = tpu.memref_slice %arg4[%mul3A_6] : memref<320000xi32, #tpu.memory_space<hbm>> -> memref<80xi32, #tpu.memory_space<hbm>>
    %dma_wait3A_31 = tpu.memref_slice %arg4[%mul3A_6] : memref<320000xi32, #tpu.memory_space<hbm>> -> memref<80xi32, #tpu.memory_space<hbm>>
    tpu.wait_dma2 semaphore(%arg17 : memref<!tpu.dma_semaphore, #tpu.memory_space<semaphore_mem>>) src(%dma_wait3A_31 : memref<80xi32, #tpu.memory_space<hbm>>) dst(%arg6 : memref<80xi32, #tpu.memory_space<vmem>>)
    %get3A = arith.constant 0 : index
    %get3A_32 = tpu.vector_load %arg6[%get3A] {strides = array<i32>} : memref<80xi32, #tpu.memory_space<vmem>>, vector<16xi32>,
    %and3A = arith.andi %get3A_32, %broadcast_in_dim3A_9 : vector<16xi32>
    %swap3A = arith.constant 0 : index
    %swap3A_33 = tpu.vector_load %arg8[%swap3A] {strides = array<i32>} : memref<80xi32, #tpu.memory_space<vmem>>, vector<16xi32>,
    tpu.vector_store %arg8[%swap3A], %and3A {strides = array<i32>} : memref<80xi32, #tpu.memory_space<vmem>>, vector<16xi32>,
    %shift_right_logical3A = arith.shrui %get3A_32, %broadcast_in_dim3A_11 : vector<16xi32>
    %swap3A_34 = arith.constant 0 : index
    %swap3A_35 = tpu.vector_load %arg10[%swap3A_34] {strides = array<i32>} : memref<80xi32, #tpu.memory_space<vmem>>, vector<16xi32>,
    tpu.vector_store %arg10[%swap3A_34], %shift_right_logical3A {strides = array<i32>} : memref<80xi32, #tpu.memory_space<vmem>>, vector<16xi32>,
    %get3A_36 = arith.constant 16 : index
    %get3A_37 = tpu.vector_load %arg6[%get3A_36] {strides = array<i32>} : memref<80xi32, #tpu.memory_space<vmem>>, vector<16xi32>,
    %and3A_38 = arith.andi %get3A_37, %broadcast_in_dim3A_9 : vector<16xi32>
    %swap3A_39 = arith.constant 16 : index
    %swap3A_40 = tpu.vector_load %arg8[%swap3A_39] {strides = array<i32>} : memref<80xi32, #tpu.memory_space<vmem>>, vector<16xi32>,
    tpu.vector_store %arg8[%swap3A_39], %and3A_38 {strides = array<i32>} : memref<80xi32, #tpu.memory_space<vmem>>, vector<16xi32>,
    %shift_right_logical3A_41 = arith.shrui %get3A_37, %broadcast_in_dim3A_11 : vector<16xi32>
    %swap3A_42 = arith.constant 16 : index
    %swap3A_43 = tpu.vector_load %arg10[%swap3A_42] {strides = array<i32>} : memref<80xi32, #tpu.memory_space<vmem>>, vector<16xi32>,
    tpu.vector_store %arg10[%swap3A_42], %shift_right_logical3A_41 {strides = array<i32>} : memref<80xi32, #tpu.memory_space<vmem>>, vector<16xi32>,
    %get3A_44 = arith.constant 32 : index
    %get3A_45 = tpu.vector_load %arg6[%get3A_44] {strides = array<i32>} : memref<80xi32, #tpu.memory_space<vmem>>, vector<16xi32>,
    %and3A_46 = arith.andi %get3A_45, %broadcast_in_dim3A_9 : vector<16xi32>
    %swap3A_47 = arith.constant 32 : index
    %swap3A_48 = tpu.vector_load %arg8[%swap3A_47] {strides = array<i32>} : memref<80xi32, #tpu.memory_space<vmem>>, vector<16xi32>,
    tpu.vector_store %arg8[%swap3A_47], %and3A_46 {strides = array<i32>} : memref<80xi32, #tpu.memory_space<vmem>>, vector<16xi32>,
    %shift_right_logical3A_49 = arith.shrui %get3A_45, %broadcast_in_dim3A_11 : vector<16xi32>
    %swap3A_50 = arith.constant 32 : index
    %swap3A_51 = tpu.vector_load %arg10[%swap3A_50] {strides = array<i32>} : memref<80xi32, #tpu.memory_space<vmem>>, vector<16xi32>,
    tpu.vector_store %arg10[%swap3A_50], %shift_right_logical3A_49 {strides = array<i32>} : memref<80xi32, #tpu.memory_space<vmem>>, vector<16xi32>,
    %get3A_52 = arith.constant 48 : index
    %get3A_53 = tpu.vector_load %arg6[%get3A_52] {strides = array<i32>} : memref<80xi32, #tpu.memory_space<vmem>>, vector<16xi32>,
    %and3A_54 = arith.andi %get3A_53, %broadcast_in_dim3A_9 : vector<16xi32>
    %swap3A_55 = arith.constant 48 : index
    %swap3A_56 = tpu.vector_load %arg8[%swap3A_55] {strides = array<i32>} : memref<80xi32, #tpu.memory_space<vmem>>, vector<16xi32>,
    tpu.vector_store %arg8[%swap3A_55], %and3A_54 {strides = array<i32>} : memref<80xi32, #tpu.memory_space<vmem>>, vector<16xi32>,
    %shift_right_logical3A_57 = arith.shrui %get3A_53, %broadcast_in_dim3A_11 : vector<16xi32>
    %swap3A_58 = arith.constant 48 : index
    %swap3A_59 = tpu.vector_load %arg10[%swap3A_58] {strides = array<i32>} : memref<80xi32, #tpu.memory_space<vmem>>, vector<16xi32>,
    tpu.vector_store %arg10[%swap3A_58], %shift_right_logical3A_57 {strides = array<i32>} : memref<80xi32, #tpu.memory_space<vmem>>, vector<16xi32>,
    %get3A_60 = arith.constant 64 : index
    %get3A_61 = tpu.vector_load %arg6[%get3A_60] {strides = array<i32>} : memref<80xi32, #tpu.memory_space<vmem>>, vector<16xi32>,
    %and3A_62 = arith.andi %get3A_61, %broadcast_in_dim3A_9 : vector<16xi32>
    %swap3A_63 = arith.constant 64 : index
    %swap3A_64 = tpu.vector_load %arg8[%swap3A_63] {strides = array<i32>} : memref<80xi32, #tpu.memory_space<vmem>>, vector<16xi32>,
    tpu.vector_store %arg8[%swap3A_63], %and3A_62 {strides = array<i32>} : memref<80xi32, #tpu.memory_space<vmem>>, vector<16xi32>,
    %shift_right_logical3A_65 = arith.shrui %get3A_61, %broadcast_in_dim3A_11 : vector<16xi32>
    %swap3A_66 = arith.constant 64 : index
    %swap3A_67 = tpu.vector_load %arg10[%swap3A_66] {strides = array<i32>} : memref<80xi32, #tpu.memory_space<vmem>>, vector<16xi32>,
    tpu.vector_store %arg10[%swap3A_66], %shift_right_logical3A_65 {strides = array<i32>} : memref<80xi32, #tpu.memory_space<vmem>>, vector<16xi32>,
    %dma_start3A_68 = arith.constant 0 : i32
    %dma_start3A_69 = arith.constant 0 : i32
    %dma_start3A_70 = tpu.memref_slice %arg2[%dma_start3A_68, %dma_start3A_69] : memref<10000x128xf32, #tpu.memory_space<hbm>> -> memref<10000x128xf32, #tpu.memory_space<hbm>>
    tpu.enqueue_indirect_dma source(%dma_start3A_70 : memref<10000x128xf32, #tpu.memory_space<hbm>>) target(%arg12 : memref<80x128xf32, #tpu.memory_space<vmem>>) offsets(%arg8 : memref<80xi32, #tpu.memory_space<vmem>>) semaphore(%arg19 : memref<!tpu.dma_semaphore, #tpu.memory_space<semaphore_mem>>)
    %add3A_71 = arith.constant 0 : i32
    %add3A_72 = arith.addi %mul3A_6, %add3A_71 : i32
    %dma_start3A_73 = arith.constant 0 : i32
    %dma_start3A_74 = tpu.memref_slice %arg3[%add3A_72, %dma_start3A_73] : memref<320000x64xi32, #tpu.memory_space<hbm>> -> memref<80x64xi32, #tpu.memory_space<hbm>>
    %dma_start3A_75 = arith.constant 0 : i32
    %dma_start3A_76 = tpu.memref_slice %arg3[%add3A_72, %dma_start3A_75] : memref<320000x64xi32, #tpu.memory_space<hbm>> -> memref<80x64xi32, #tpu.memory_space<hbm>>
    tpu.enqueue_dma source(%dma_start3A_76 : memref<80x64xi32, #tpu.memory_space<hbm>>) target(%arg14 : memref<80x64xi32, #tpu.memory_space<vmem>>) target_semaphore(%arg19 : memref<!tpu.dma_semaphore, #tpu.memory_space<semaphore_mem>>)
    %add3A_77 = arith.constant 80 : i32
    %add3A_78 = arith.addi %mul3A_6, %add3A_77 : i32
    %dma_start3A_79 = tpu.memref_slice %arg4[%add3A_78] : memref<320000xi32, #tpu.memory_space<hbm>> -> memref<80xi32, #tpu.memory_space<hbm>>
    %dma_start3A_80 = tpu.memref_slice %arg4[%add3A_78] : memref<320000xi32, #tpu.memory_space<hbm>> -> memref<80xi32, #tpu.memory_space<hbm>>
    tpu.enqueue_dma source(%dma_start3A_80 : memref<80xi32, #tpu.memory_space<hbm>>) target(%arg7 : memref<80xi32, #tpu.memory_space<vmem>>) target_semaphore(%arg18 : memref<!tpu.dma_semaphore, #tpu.memory_space<semaphore_mem>>)
    %scan3A_81 = arith.constant 0 : i32
    %scan3A_82 = arith.constant 0 : i32
    %scan3A_83 = arith.constant 63 : i32
    %scan3A_84 = arith.addi %scan3A_82, %scan3A_83 : i32
    %scan3A_85 = arith.constant 1 : i32
    %scan3A_86 = scf.for %scan3A_102 = %scan3A_82 to %scan3A_84 step %scan3A_85 iter_args(%scan3A_103 = %scan3A_81) -> (i32)  : i32 {
      %mul3A_104 = arith.constant 2 : i32
      %mul3A_105 = arith.muli %scan3A_102, %mul3A_104 : i32
      %add3A_106 = arith.constant 0 : i32
      %add3A_107 = arith.addi %mul3A_105, %add3A_106 : i32
      %lt3A_108 = arith.constant 125 : i32
      %lt3A_109 = arith.cmpi slt, %add3A_107, %lt3A_108 : i32
      %convert_element_type3A_110 = arith.extui %lt3A_109 : i1 to i32
      %cond3A_111 = arith.constant 0 : i32
      %cond3A_112 = arith.cmpi ne, %convert_element_type3A_110, %cond3A_111 : i32
      scf.if %cond3A_112 {
        %add3A_123 = arith.constant 2 : i32
        %add3A_124 = arith.addi %add3A_107, %add3A_123 : i32
        %lt3A_125 = arith.constant 125 : i32
        %lt3A_126 = arith.cmpi slt, %add3A_124, %lt3A_125 : i32
        %convert_element_type3A_127 = arith.extui %lt3A_126 : i1 to i32
        %cond3A_128 = arith.constant 0 : i32
        %cond3A_129 = arith.cmpi ne, %convert_element_type3A_127, %cond3A_128 : i32
        scf.if %cond3A_129 {
          %add3A_158 = arith.constant 2 : i32
          %add3A_159 = arith.addi %add3A_107, %add3A_158 : i32
          %mul3A_160 = arith.constant 80 : i32
          %mul3A_161 = arith.muli %add3A_159, %mul3A_160 : i32
          %add3A_162 = arith.addi %mul3A_6, %mul3A_161 : i32
          %dma_start3A_163 = tpu.memref_slice %arg4[%add3A_162] : memref<320000xi32, #tpu.memory_space<hbm>> -> memref<80xi32, #tpu.memory_space<hbm>>
          %dma_start3A_164 = tpu.memref_slice %arg4[%add3A_162] : memref<320000xi32, #tpu.memory_space<hbm>> -> memref<80xi32, #tpu.memory_space<hbm>>
          tpu.enqueue_dma source(%dma_start3A_164 : memref<80xi32, #tpu.memory_space<hbm>>) target(%arg6 : memref<80xi32, #tpu.memory_space<vmem>>) target_semaphore(%arg17 : memref<!tpu.dma_semaphore, #tpu.memory_space<semaphore_mem>>)
        } else {
        }
        %ge3A = arith.constant 1 : i32
        %ge3A_130 = arith.cmpi sge, %add3A_107, %ge3A : i32
        %convert_element_type3A_131 = arith.extui %ge3A_130 : i1 to i32
        %cond3A_132 = arith.constant 0 : i32
        %cond3A_133 = arith.cmpi ne, %convert_element_type3A_131, %cond3A_132 : i32
        scf.if %cond3A_133 {
          %dma_wait3A_158 = arith.constant 0 : i32
          %dma_wait3A_159 = arith.constant 0 : i32
          %dma_wait3A_160 = tpu.memref_slice %arg16[%dma_wait3A_158, %dma_wait3A_159] : memref<10000x128xf32, #tpu.memory_space<vmem_shared>> -> memref<10000x128xf32, #tpu.memory_space<vmem_shared>>
          tpu.wait_indirect_dma semaphore(%arg22 : memref<!tpu.dma_semaphore, #tpu.memory_space<semaphore_mem>>) src(%arg13 : memref<80x128xf32, #tpu.memory_space<vmem>>) dst(%dma_wait3A_160 : memref<10000x128xf32, #tpu.memory_space<vmem_shared>>)
        } else {
        }
        %add3A_134 = arith.constant 1 : i32
        %add3A_135 = arith.addi %add3A_107, %add3A_134 : i32
        %lt3A_136 = arith.constant 125 : i32
        %lt3A_137 = arith.cmpi slt, %add3A_135, %lt3A_136 : i32
        %convert_element_type3A_138 = arith.extui %lt3A_137 : i1 to i32
        %cond3A_139 = arith.constant 0 : i32
        %cond3A_140 = arith.cmpi ne, %convert_element_type3A_138, %cond3A_139 : i32
        scf.if %cond3A_140 {
          %dma_wait3A_158 = tpu.memref_slice %arg4[%mul3A_6] : memref<320000xi32, #tpu.memory_space<hbm>> -> memref<80xi32, #tpu.memory_space<hbm>>
          %dma_wait3A_159 = tpu.memref_slice %arg4[%mul3A_6] : memref<320000xi32, #tpu.memory_space<hbm>> -> memref<80xi32, #tpu.memory_space<hbm>>
          tpu.wait_dma2 semaphore(%arg18 : memref<!tpu.dma_semaphore, #tpu.memory_space<semaphore_mem>>) src(%dma_wait3A_159 : memref<80xi32, #tpu.memory_space<hbm>>) dst(%arg7 : memref<80xi32, #tpu.memory_space<vmem>>)
          %get3A_160 = arith.constant 0 : index
          %get3A_161 = tpu.vector_load %arg7[%get3A_160] {strides = array<i32>} : memref<80xi32, #tpu.memory_space<vmem>>, vector<16xi32>,
          %and3A_162 = arith.andi %get3A_161, %broadcast_in_dim3A_9 : vector<16xi32>
          %swap3A_163 = arith.constant 0 : index
          %swap3A_164 = tpu.vector_load %arg9[%swap3A_163] {strides = array<i32>} : memref<80xi32, #tpu.memory_space<vmem>>, vector<16xi32>,
          tpu.vector_store %arg9[%swap3A_163], %and3A_162 {strides = array<i32>} : memref<80xi32, #tpu.memory_space<vmem>>, vector<16xi32>,
          %shift_right_logical3A_165 = arith.shrui %get3A_161, %broadcast_in_dim3A_11 : vector<16xi32>
          %swap3A_166 = arith.constant 0 : index
          %swap3A_167 = tpu.vector_load %arg11[%swap3A_166] {strides = array<i32>} : memref<80xi32, #tpu.memory_space<vmem>>, vector<16xi32>,
          tpu.vector_store %arg11[%swap3A_166], %shift_right_logical3A_165 {strides = array<i32>} : memref<80xi32, #tpu.memory_space<vmem>>, vector<16xi32>,
          %get3A_168 = arith.constant 16 : index
          %get3A_169 = tpu.vector_load %arg7[%get3A_168] {strides = array<i32>} : memref<80xi32, #tpu.memory_space<vmem>>, vector<16xi32>,
          %and3A_170 = arith.andi %get3A_169, %broadcast_in_dim3A_9 : vector<16xi32>
          %swap3A_171 = arith.constant 16 : index
          %swap3A_172 = tpu.vector_load %arg9[%swap3A_171] {strides = array<i32>} : memref<80xi32, #tpu.memory_space<vmem>>, vector<16xi32>,
          tpu.vector_store %arg9[%swap3A_171], %and3A_170 {strides = array<i32>} : memref<80xi32, #tpu.memory_space<vmem>>, vector<16xi32>,
          %shift_right_logical3A_173 = arith.shrui %get3A_169, %broadcast_in_dim3A_11 : vector<16xi32>
          %swap3A_174 = arith.constant 16 : index
          %swap3A_175 = tpu.vector_load %arg11[%swap3A_174] {strides = array<i32>} : memref<80xi32, #tpu.memory_space<vmem>>, vector<16xi32>,
          tpu.vector_store %arg11[%swap3A_174], %shift_right_logical3A_173 {strides = array<i32>} : memref<80xi32, #tpu.memory_space<vmem>>, vector<16xi32>,
          %get3A_176 = arith.constant 32 : index
          %get3A_177 = tpu.vector_load %arg7[%get3A_176] {strides = array<i32>} : memref<80xi32, #tpu.memory_space<vmem>>, vector<16xi32>,
          %and3A_178 = arith.andi %get3A_177, %broadcast_in_dim3A_9 : vector<16xi32>
          %swap3A_179 = arith.constant 32 : index
          %swap3A_180 = tpu.vector_load %arg9[%swap3A_179] {strides = array<i32>} : memref<80xi32, #tpu.memory_space<vmem>>, vector<16xi32>,
          tpu.vector_store %arg9[%swap3A_179], %and3A_178 {strides = array<i32>} : memref<80xi32, #tpu.memory_space<vmem>>, vector<16xi32>,
          %shift_right_logical3A_181 = arith.shrui %get3A_177, %broadcast_in_dim3A_11 : vector<16xi32>
          %swap3A_182 = arith.constant 32 : index
          %swap3A_183 = tpu.vector_load %arg11[%swap3A_182] {strides = array<i32>} : memref<80xi32, #tpu.memory_space<vmem>>, vector<16xi32>,
          tpu.vector_store %arg11[%swap3A_182], %shift_right_logical3A_181 {strides = array<i32>} : memref<80xi32, #tpu.memory_space<vmem>>, vector<16xi32>,
          %get3A_184 = arith.constant 48 : index
          %get3A_185 = tpu.vector_load %arg7[%get3A_184] {strides = array<i32>} : memref<80xi32, #tpu.memory_space<vmem>>, vector<16xi32>,
          %and3A_186 = arith.andi %get3A_185, %broadcast_in_dim3A_9 : vector<16xi32>
          %swap3A_187 = arith.constant 48 : index
          %swap3A_188 = tpu.vector_load %arg9[%swap3A_187] {strides = array<i32>} : memref<80xi32, #tpu.memory_space<vmem>>, vector<16xi32>,
          tpu.vector_store %arg9[%swap3A_187], %and3A_186 {strides = array<i32>} : memref<80xi32, #tpu.memory_space<vmem>>, vector<16xi32>,
          %shift_right_logical3A_189 = arith.shrui %get3A_185, %broadcast_in_dim3A_11 : vector<16xi32>
          %swap3A_190 = arith.constant 48 : index
          %swap3A_191 = tpu.vector_load %arg11[%swap3A_190] {strides = array<i32>} : memref<80xi32, #tpu.memory_space<vmem>>, vector<16xi32>,
          tpu.vector_store %arg11[%swap3A_190], %shift_right_logical3A_189 {strides = array<i32>} : memref<80xi32, #tpu.memory_space<vmem>>, vector<16xi32>,
          %get3A_192 = arith.constant 64 : index
          %get3A_193 = tpu.vector_load %arg7[%get3A_192] {strides = array<i32>} : memref<80xi32, #tpu.memory_space<vmem>>, vector<16xi32>,
          %and3A_194 = arith.andi %get3A_193, %broadcast_in_dim3A_9 : vector<16xi32>
          %swap3A_195 = arith.constant 64 : index
          %swap3A_196 = tpu.vector_load %arg9[%swap3A_195] {strides = array<i32>} : memref<80xi32, #tpu.memory_space<vmem>>, vector<16xi32>,
          tpu.vector_store %arg9[%swap3A_195], %and3A_194 {strides = array<i32>} : memref<80xi32, #tpu.memory_space<vmem>>, vector<16xi32>,
          %shift_right_logical3A_197 = arith.shrui %get3A_193, %broadcast_in_dim3A_11 : vector<16xi32>
          %swap3A_198 = arith.constant 64 : index
          %swap3A_199 = tpu.vector_load %arg11[%swap3A_198] {strides = array<i32>} : memref<80xi32, #tpu.memory_space<vmem>>, vector<16xi32>,
          tpu.vector_store %arg11[%swap3A_198], %shift_right_logical3A_197 {strides = array<i32>} : memref<80xi32, #tpu.memory_space<vmem>>, vector<16xi32>,
          %add3A_200 = arith.constant 1 : i32
          %add3A_201 = arith.addi %add3A_107, %add3A_200 : i32
          %dma_start3A_202 = arith.constant 0 : i32
          %dma_start3A_203 = arith.constant 0 : i32
          %dma_start3A_204 = tpu.memref_slice %arg2[%dma_start3A_202, %dma_start3A_203] : memref<10000x128xf32, #tpu.memory_space<hbm>> -> memref<10000x128xf32, #tpu.memory_space<hbm>>
          tpu.enqueue_indirect_dma source(%dma_start3A_204 : memref<10000x128xf32, #tpu.memory_space<hbm>>) target(%arg13 : memref<80x128xf32, #tpu.memory_space<vmem>>) offsets(%arg9 : memref<80xi32, #tpu.memory_space<vmem>>) semaphore(%arg20 : memref<!tpu.dma_semaphore, #tpu.memory_space<semaphore_mem>>)
          %mul3A_205 = arith.constant 80 : i32
          %mul3A_206 = arith.muli %add3A_201, %mul3A_205 : i32
          %add3A_207 = arith.addi %mul3A_6, %mul3A_206 : i32
          %dma_start3A_208 = arith.constant 0 : i32
          %dma_start3A_209 = tpu.memref_slice %arg3[%add3A_207, %dma_start3A_208] : memref<320000x64xi32, #tpu.memory_space<hbm>> -> memref<80x64xi32, #tpu.memory_space<hbm>>
          %dma_start3A_210 = arith.constant 0 : i32
          %dma_start3A_211 = tpu.memref_slice %arg3[%add3A_207, %dma_start3A_210] : memref<320000x64xi32, #tpu.memory_space<hbm>> -> memref<80x64xi32, #tpu.memory_space<hbm>>
          tpu.enqueue_dma source(%dma_start3A_211 : memref<80x64xi32, #tpu.memory_space<hbm>>) target(%arg15 : memref<80x64xi32, #tpu.memory_space<vmem>>) target_semaphore(%arg20 : memref<!tpu.dma_semaphore, #tpu.memory_space<semaphore_mem>>)
        } else {
        }
        %dma_wait3A_141 = arith.constant 0 : i32
        %dma_wait3A_142 = arith.constant 0 : i32
        %dma_wait3A_143 = tpu.memref_slice %arg2[%dma_wait3A_141, %dma_wait3A_142] : memref<10000x128xf32, #tpu.memory_space<hbm>> -> memref<10000x128xf32, #tpu.memory_space<hbm>>
        tpu.wait_indirect_dma semaphore(%arg19 : memref<!tpu.dma_semaphore, #tpu.memory_space<semaphore_mem>>) src(%dma_wait3A_143 : memref<10000x128xf32, #tpu.memory_space<hbm>>) dst(%arg12 : memref<80x128xf32, #tpu.memory_space<vmem>>)
        %dma_wait3A_144 = arith.constant 0 : i32
        %dma_wait3A_145 = tpu.memref_slice %arg3[%mul3A_6, %dma_wait3A_144] : memref<320000x64xi32, #tpu.memory_space<hbm>> -> memref<80x64xi32, #tpu.memory_space<hbm>>
        %dma_wait3A_146 = arith.constant 0 : i32
        %dma_wait3A_147 = tpu.memref_slice %arg3[%mul3A_6, %dma_wait3A_146] : memref<320000x64xi32, #tpu.memory_space<hbm>> -> memref<80x64xi32, #tpu.memory_space<hbm>>
        tpu.wait_dma2 semaphore(%arg19 : memref<!tpu.dma_semaphore, #tpu.memory_space<semaphore_mem>>) src(%dma_wait3A_147 : memref<80x64xi32, #tpu.memory_space<hbm>>) dst(%arg14 : memref<80x64xi32, #tpu.memory_space<vmem>>)
        %scan3A_148 = arith.constant 0 : i32
        %scan3A_149 = arith.constant 0 : i32
        %scan3A_150 = arith.constant 20 : i32
        %scan3A_151 = arith.addi %scan3A_149, %scan3A_150 : i32
        %scan3A_152 = arith.constant 1 : i32
        %scan3A_153 = scf.for %scan3A_158 = %scan3A_149 to %scan3A_151 step %scan3A_152 iter_args(%scan3A_159 = %scan3A_148) -> (i32)  : i32 {
          %mul3A_160 = arith.constant 4 : i32
          %mul3A_161 = arith.muli %scan3A_158, %mul3A_160 : i32
          %add3A_162 = arith.constant 0 : i32
          %add3A_163 = arith.addi %mul3A_161, %add3A_162 : i32
          %get3A_164 = arith.index_cast %add3A_163 : i32 to index
          %get3A_165 = arith.constant 0 : index
          %get3A_166 = tpu.vector_load %arg14[%get3A_164, %get3A_165] {strides = array<i32>} : memref<80x64xi32, #tpu.memory_space<vmem>>, vector<16xi32>,
          %shift_left3A = arith.shli %get3A_166, %broadcast_in_dim3A_25 : vector<16xi32>
          %bitcast3A = vector.bitcast %shift_left3A : vector<16xi32> to vector<16xf32>
          %and3A_167 = arith.andi %get3A_166, %broadcast_in_dim3A_27 : vector<16xi32>
          %bitcast3A_168 = vector.bitcast %and3A_167 : vector<16xi32> to vector<16xf32>
          %get3A_169 = arith.index_cast %add3A_163 : i32 to index
          %get3A_170 = arith.constant 0 : index
          %get3A_171 = tpu.vector_load %arg12[%get3A_169, %get3A_170] {strides = array<i32>} : memref<80x128xf32, #tpu.memory_space<vmem>>, vector<16xf32>,
          %mul3A_172 = arith.mulf %get3A_171, %bitcast3A : vector<16xf32>
          %swap3A_173 = arith.index_cast %add3A_163 : i32 to index
          %swap3A_174 = arith.constant 0 : index
          %swap3A_175 = tpu.vector_load %arg12[%swap3A_173, %swap3A_174] {strides = array<i32>} : memref<80x128xf32, #tpu.memory_space<vmem>>, vector<16xf32>,
          tpu.vector_store %arg12[%swap3A_173, %swap3A_174], %mul3A_172 {strides = array<i32>} : memref<80x128xf32, #tpu.memory_space<vmem>>, vector<16xf32>,
          %get3A_176 = arith.index_cast %add3A_163 : i32 to index
          %get3A_177 = arith.constant 16 : index
          %get3A_178 = tpu.vector_load %arg12[%get3A_176, %get3A_177] {strides = array<i32>} : memref<80x128xf32, #tpu.memory_space<vmem>>, vector<16xf32>,
          %mul3A_179 = arith.mulf %get3A_178, %bitcast3A_168 : vector<16xf32>
          %swap3A_180 = arith.index_cast %add3A_163 : i32 to index
          %swap3A_181 = arith.constant 16 : index
          %swap3A_182 = tpu.vector_load %arg12[%swap3A_180, %swap3A_181] {strides = array<i32>} : memref<80x128xf32, #tpu.memory_space<vmem>>, vector<16xf32>,
          tpu.vector_store %arg12[%swap3A_180, %swap3A_181], %mul3A_179 {strides = array<i32>} : memref<80x128xf32, #tpu.memory_space<vmem>>, vector<16xf32>,
          %get3A_183 = arith.index_cast %add3A_163 : i32 to index
          %get3A_184 = arith.constant 16 : index
          %get3A_185 = tpu.vector_load %arg14[%get3A_183, %get3A_184] {strides = array<i32>} : memref<80x64xi32, #tpu.memory_space<vmem>>, vector<16xi32>,
          %shift_left3A_186 = arith.shli %get3A_185, %broadcast_in_dim3A_25 : vector<16xi32>
          %bitcast3A_187 = vector.bitcast %shift_left3A_186 : vector<16xi32> to vector<16xf32>
          %and3A_188 = arith.andi %get3A_185, %broadcast_in_dim3A_27 : vector<16xi32>
          %bitcast3A_189 = vector.bitcast %and3A_188 : vector<16xi32> to vector<16xf32>
          %get3A_190 = arith.index_cast %add3A_163 : i32 to index
          %get3A_191 = arith.constant 32 : index
          %get3A_192 = tpu.vector_load %arg12[%get3A_190, %get3A_191] {strides = array<i32>} : memref<80x128xf32, #tpu.memory_space<vmem>>, vector<16xf32>,
          %mul3A_193 = arith.mulf %get3A_192, %bitcast3A_187 : vector<16xf32>
          %swap3A_194 = arith.index_cast %add3A_163 : i32 to index
          %swap3A_195 = arith.constant 32 : index
          %swap3A_196 = tpu.vector_load %arg12[%swap3A_194, %swap3A_195] {strides = array<i32>} : memref<80x128xf32, #tpu.memory_space<vmem>>, vector<16xf32>,
          tpu.vector_store %arg12[%swap3A_194, %swap3A_195], %mul3A_193 {strides = array<i32>} : memref<80x128xf32, #tpu.memory_space<vmem>>, vector<16xf32>,
          %get3A_197 = arith.index_cast %add3A_163 : i32 to index
          %get3A_198 = arith.constant 48 : index
          %get3A_199 = tpu.vector_load %arg12[%get3A_197, %get3A_198] {strides = array<i32>} : memref<80x128xf32, #tpu.memory_space<vmem>>, vector<16xf32>,
          %mul3A_200 = arith.mulf %get3A_199, %bitcast3A_189 : vector<16xf32>
          %swap3A_201 = arith.index_cast %add3A_163 : i32 to index
          %swap3A_202 = arith.constant 48 : index
          %swap3A_203 = tpu.vector_load %arg12[%swap3A_201, %swap3A_202] {strides = array<i32>} : memref<80x128xf32, #tpu.memory_space<vmem>>, vector<16xf32>,
          tpu.vector_store %arg12[%swap3A_201, %swap3A_202], %mul3A_200 {strides = array<i32>} : memref<80x128xf32, #tpu.memory_space<vmem>>, vector<16xf32>,
          %get3A_204 = arith.index_cast %add3A_163 : i32 to index
          %get3A_205 = arith.constant 32 : index
          %get3A_206 = tpu.vector_load %arg14[%get3A_204, %get3A_205] {strides = array<i32>} : memref<80x64xi32, #tpu.memory_space<vmem>>, vector<16xi32>,
          %shift_left3A_207 = arith.shli %get3A_206, %broadcast_in_dim3A_25 : vector<16xi32>
          %bitcast3A_208 = vector.bitcast %shift_left3A_207 : vector<16xi32> to vector<16xf32>
          %and3A_209 = arith.andi %get3A_206, %broadcast_in_dim3A_27 : vector<16xi32>
          %bitcast3A_210 = vector.bitcast %and3A_209 : vector<16xi32> to vector<16xf32>
          %get3A_211 = arith.index_cast %add3A_163 : i32 to index
          %get3A_212 = arith.constant 64 : index
          %get3A_213 = tpu.vector_load %arg12[%get3A_211, %get3A_212] {strides = array<i32>} : memref<80x128xf32, #tpu.memory_space<vmem>>, vector<16xf32>,
          %mul3A_214 = arith.mulf %get3A_213, %bitcast3A_208 : vector<16xf32>
          %swap3A_215 = arith.index_cast %add3A_163 : i32 to index
          %swap3A_216 = arith.constant 64 : index
          %swap3A_217 = tpu.vector_load %arg12[%swap3A_215, %swap3A_216] {strides = array<i32>} : memref<80x128xf32, #tpu.memory_space<vmem>>, vector<16xf32>,
          tpu.vector_store %arg12[%swap3A_215, %swap3A_216], %mul3A_214 {strides = array<i32>} : memref<80x128xf32, #tpu.memory_space<vmem>>, vector<16xf32>,
          %get3A_218 = arith.index_cast %add3A_163 : i32 to index
          %get3A_219 = arith.constant 80 : index
          %get3A_220 = tpu.vector_load %arg12[%get3A_218, %get3A_219] {strides = array<i32>} : memref<80x128xf32, #tpu.memory_space<vmem>>, vector<16xf32>,
          %mul3A_221 = arith.mulf %get3A_220, %bitcast3A_210 : vector<16xf32>
          %swap3A_222 = arith.index_cast %add3A_163 : i32 to index
          %swap3A_223 = arith.constant 80 : index
          %swap3A_224 = tpu.vector_load %arg12[%swap3A_222, %swap3A_223] {strides = array<i32>} : memref<80x128xf32, #tpu.memory_space<vmem>>, vector<16xf32>,
          tpu.vector_store %arg12[%swap3A_222, %swap3A_223], %mul3A_221 {strides = array<i32>} : memref<80x128xf32, #tpu.memory_space<vmem>>, vector<16xf32>,
          %get3A_225 = arith.index_cast %add3A_163 : i32 to index
          %get3A_226 = arith.constant 48 : index
          %get3A_227 = tpu.vector_load %arg14[%get3A_225, %get3A_226] {strides = array<i32>} : memref<80x64xi32, #tpu.memory_space<vmem>>, vector<16xi32>,
          %shift_left3A_228 = arith.shli %get3A_227, %broadcast_in_dim3A_25 : vector<16xi32>
          %bitcast3A_229 = vector.bitcast %shift_left3A_228 : vector<16xi32> to vector<16xf32>
          %and3A_230 = arith.andi %get3A_227, %broadcast_in_dim3A_27 : vector<16xi32>
          %bitcast3A_231 = vector.bitcast %and3A_230 : vector<16xi32> to vector<16xf32>
          %get3A_232 = arith.index_cast %add3A_163 : i32 to index
          %get3A_233 = arith.constant 96 : index
          %get3A_234 = tpu.vector_load %arg12[%get3A_232, %get3A_233] {strides = array<i32>} : memref<80x128xf32, #tpu.memory_space<vmem>>, vector<16xf32>,
          %mul3A_235 = arith.mulf %get3A_234, %bitcast3A_229 : vector<16xf32>
          %swap3A_236 = arith.index_cast %add3A_163 : i32 to index
          %swap3A_237 = arith.constant 96 : index
          %swap3A_238 = tpu.vector_load %arg12[%swap3A_236, %swap3A_237] {strides = array<i32>} : memref<80x128xf32, #tpu.memory_space<vmem>>, vector<16xf32>,
          tpu.vector_store %arg12[%swap3A_236, %swap3A_237], %mul3A_235 {strides = array<i32>} : memref<80x128xf32, #tpu.memory_space<vmem>>, vector<16xf32>,
          %get3A_239 = arith.index_cast %add3A_163 : i32 to index
          %get3A_240 = arith.constant 112 : index
          %get3A_241 = tpu.vector_load %arg12[%get3A_239, %get3A_240] {strides = array<i32>} : memref<80x128xf32, #tpu.memory_space<vmem>>, vector<16xf32>,
          %mul3A_242 = arith.mulf %get3A_241, %bitcast3A_231 : vector<16xf32>
          %swap3A_243 = arith.index_cast %add3A_163 : i32 to index
          %swap3A_244 = arith.constant 112 : index
          %swap3A_245 = tpu.vector_load %arg12[%swap3A_243, %swap3A_244] {strides = array<i32>} : memref<80x128xf32, #tpu.memory_space<vmem>>, vector<16xf32>,
          tpu.vector_store %arg12[%swap3A_243, %swap3A_244], %mul3A_242 {strides = array<i32>} : memref<80x128xf32, #tpu.memory_space<vmem>>, vector<16xf32>,
          %mul3A_246 = arith.constant 4 : i32
          %mul3A_247 = arith.muli %scan3A_158, %mul3A_246 : i32
          %add3A_248 = arith.constant 1 : i32
          %add3A_249 = arith.addi %mul3A_247, %add3A_248 : i32
          %get3A_250 = arith.index_cast %add3A_249 : i32 to index
          %get3A_251 = arith.constant 0 : index
          %get3A_252 = tpu.vector_load %arg14[%get3A_250, %get3A_251] {strides = array<i32>} : memref<80x64xi32, #tpu.memory_space<vmem>>, vector<16xi32>,
          %shift_left3A_253 = arith.shli %get3A_252, %broadcast_in_dim3A_25 : vector<16xi32>
          %bitcast3A_254 = vector.bitcast %shift_left3A_253 : vector<16xi32> to vector<16xf32>
          %and3A_255 = arith.andi %get3A_252, %broadcast_in_dim3A_27 : vector<16xi32>
          %bitcast3A_256 = vector.bitcast %and3A_255 : vector<16xi32> to vector<16xf32>
          %get3A_257 = arith.index_cast %add3A_249 : i32 to index
          %get3A_258 = arith.constant 0 : index
          %get3A_259 = tpu.vector_load %arg12[%get3A_257, %get3A_258] {strides = array<i32>} : memref<80x128xf32, #tpu.memory_space<vmem>>, vector<16xf32>,
          %mul3A_260 = arith.mulf %get3A_259, %bitcast3A_254 : vector<16xf32>
          %swap3A_261 = arith.index_cast %add3A_249 : i32 to index
          %swap3A_262 = arith.constant 0 : index
          %swap3A_263 = tpu.vector_load %arg12[%swap3A_261, %swap3A_262] {strides = array<i32>} : memref<80x128xf32, #tpu.memory_space<vmem>>, vector<16xf32>,
          tpu.vector_store %arg12[%swap3A_261, %swap3A_262], %mul3A_260 {strides = array<i32>} : memref<80x128xf32, #tpu.memory_space<vmem>>, vector<16xf32>,
          %get3A_264 = arith.index_cast %add3A_249 : i32 to index
          %get3A_265 = arith.constant 16 : index
          %get3A_266 = tpu.vector_load %arg12[%get3A_264, %get3A_265] {strides = array<i32>} : memref<80x128xf32, #tpu.memory_space<vmem>>, vector<16xf32>,
          %mul3A_267 = arith.mulf %get3A_266, %bitcast3A_256 : vector<16xf32>
          %swap3A_268 = arith.index_cast %add3A_249 : i32 to index
          %swap3A_269 = arith.constant 16 : index
          %swap3A_270 = tpu.vector_load %arg12[%swap3A_268, %swap3A_269] {strides = array<i32>} : memref<80x128xf32, #tpu.memory_space<vmem>>, vector<16xf32>,
          tpu.vector_store %arg12[%swap3A_268, %swap3A_269], %mul3A_267 {strides = array<i32>} : memref<80x128xf32, #tpu.memory_space<vmem>>, vector<16xf32>,
          %get3A_271 = arith.index_cast %add3A_249 : i32 to index
          %get3A_272 = arith.constant 16 : index
          %get3A_273 = tpu.vector_load %arg14[%get3A_271, %get3A_272] {strides = array<i32>} : memref<80x64xi32, #tpu.memory_space<vmem>>, vector<16xi32>,
          %shift_left3A_274 = arith.shli %get3A_273, %broadcast_in_dim3A_25 : vector<16xi32>
          %bitcast3A_275 = vector.bitcast %shift_left3A_274 : vector<16xi32> to vector<16xf32>
          %and3A_276 = arith.andi %get3A_273, %broadcast_in_dim3A_27 : vector<16xi32>
          %bitcast3A_277 = vector.bitcast %and3A_276 : vector<16xi32> to vector<16xf32>
          %get3A_278 = arith.index_cast %add3A_249 : i32 to index
          %get3A_279 = arith.constant 32 : index
          %get3A_280 = tpu.vector_load %arg12[%get3A_278, %get3A_279] {strides = array<i32>} : memref<80x128xf32, #tpu.memory_space<vmem>>, vector<16xf32>,
          %mul3A_281 = arith.mulf %get3A_280, %bitcast3A_275 : vector<16xf32>
          %swap3A_282 = arith.index_cast %add3A_249 : i32 to index
          %swap3A_283 = arith.constant 32 : index
          %swap3A_284 = tpu.vector_load %arg12[%swap3A_282, %swap3A_283] {strides = array<i32>} : memref<80x128xf32, #tpu.memory_space<vmem>>, vector<16xf32>,
          tpu.vector_store %arg12[%swap3A_282, %swap3A_283], %mul3A_281 {strides = array<i32>} : memref<80x128xf32, #tpu.memory_space<vmem>>, vector<16xf32>,
          %get3A_285 = arith.index_cast %add3A_249 : i32 to index
          %get3A_286 = arith.constant 48 : index
          %get3A_287 = tpu.vector_load %arg12[%get3A_285, %get3A_286] {strides = array<i32>} : memref<80x128xf32, #tpu.memory_space<vmem>>, vector<16xf32>,
          %mul3A_288 = arith.mulf %get3A_287, %bitcast3A_277 : vector<16xf32>
          %swap3A_289 = arith.index_cast %add3A_249 : i32 to index
          %swap3A_290 = arith.constant 48 : index
          %swap3A_291 = tpu.vector_load %arg12[%swap3A_289, %swap3A_290] {strides = array<i32>} : memref<80x128xf32, #tpu.memory_space<vmem>>, vector<16xf32>,
          tpu.vector_store %arg12[%swap3A_289, %swap3A_290], %mul3A_288 {strides = array<i32>} : memref<80x128xf32, #tpu.memory_space<vmem>>, vector<16xf32>,
          %get3A_292 = arith.index_cast %add3A_249 : i32 to index
          %get3A_293 = arith.constant 32 : index
          %get3A_294 = tpu.vector_load %arg14[%get3A_292, %get3A_293] {strides = array<i32>} : memref<80x64xi32, #tpu.memory_space<vmem>>, vector<16xi32>,
          %shift_left3A_295 = arith.shli %get3A_294, %broadcast_in_dim3A_25 : vector<16xi32>
          %bitcast3A_296 = vector.bitcast %shift_left3A_295 : vector<16xi32> to vector<16xf32>
          %and3A_297 = arith.andi %get3A_294, %broadcast_in_dim3A_27 : vector<16xi32>
          %bitcast3A_298 = vector.bitcast %and3A_297 : vector<16xi32> to vector<16xf32>
          %get3A_299 = arith.index_cast %add3A_249 : i32 to index
          %get3A_300 = arith.constant 64 : index
          %get3A_301 = tpu.vector_load %arg12[%get3A_299, %get3A_300] {strides = array<i32>} : memref<80x128xf32, #tpu.memory_space<vmem>>, vector<16xf32>,
          %mul3A_302 = arith.mulf %get3A_301, %bitcast3A_296 : vector<16xf32>
          %swap3A_303 = arith.index_cast %add3A_249 : i32 to index
          %swap3A_304 = arith.constant 64 : index
          %swap3A_305 = tpu.vector_load %arg12[%swap3A_303, %swap3A_304] {strides = array<i32>} : memref<80x128xf32, #tpu.memory_space<vmem>>, vector<16xf32>,
          tpu.vector_store %arg12[%swap3A_303, %swap3A_304], %mul3A_302 {strides = array<i32>} : memref<80x128xf32, #tpu.memory_space<vmem>>, vector<16xf32>,
          %get3A_306 = arith.index_cast %add3A_249 : i32 to index
          %get3A_307 = arith.constant 80 : index
          %get3A_308 = tpu.vector_load %arg12[%get3A_306, %get3A_307] {strides = array<i32>} : memref<80x128xf32, #tpu.memory_space<vmem>>, vector<16xf32>,
          %mul3A_309 = arith.mulf %get3A_308, %bitcast3A_298 : vector<16xf32>
          %swap3A_310 = arith.index_cast %add3A_249 : i32 to index
          %swap3A_311 = arith.constant 80 : index
          %swap3A_312 = tpu.vector_load %arg12[%swap3A_310, %swap3A_311] {strides = array<i32>} : memref<80x128xf32, #tpu.memory_space<vmem>>, vector<16xf32>,
          tpu.vector_store %arg12[%swap3A_310, %swap3A_311], %mul3A_309 {strides = array<i32>} : memref<80x128xf32, #tpu.memory_space<vmem>>, vector<16xf32>,
          %get3A_313 = arith.index_cast %add3A_249 : i32 to index
          %get3A_314 = arith.constant 48 : index
          %get3A_315 = tpu.vector_load %arg14[%get3A_313, %get3A_314] {strides = array<i32>} : memref<80x64xi32, #tpu.memory_space<vmem>>, vector<16xi32>,
          %shift_left3A_316 = arith.shli %get3A_315, %broadcast_in_dim3A_25 : vector<16xi32>
          %bitcast3A_317 = vector.bitcast %shift_left3A_316 : vector<16xi32> to vector<16xf32>
          %and3A_318 = arith.andi %get3A_315, %broadcast_in_dim3A_27 : vector<16xi32>
          %bitcast3A_319 = vector.bitcast %and3A_318 : vector<16xi32> to vector<16xf32>
          %get3A_320 = arith.index_cast %add3A_249 : i32 to index
          %get3A_321 = arith.constant 96 : index
          %get3A_322 = tpu.vector_load %arg12[%get3A_320, %get3A_321] {strides = array<i32>} : memref<80x128xf32, #tpu.memory_space<vmem>>, vector<16xf32>,
          %mul3A_323 = arith.mulf %get3A_322, %bitcast3A_317 : vector<16xf32>
          %swap3A_324 = arith.index_cast %add3A_249 : i32 to index
          %swap3A_325 = arith.constant 96 : index
          %swap3A_326 = tpu.vector_load %arg12[%swap3A_324, %swap3A_325] {strides = array<i32>} : memref<80x128xf32, #tpu.memory_space<vmem>>, vector<16xf32>,
          tpu.vector_store %arg12[%swap3A_324, %swap3A_325], %mul3A_323 {strides = array<i32>} : memref<80x128xf32, #tpu.memory_space<vmem>>, vector<16xf32>,
          %get3A_327 = arith.index_cast %add3A_249 : i32 to index
          %get3A_328 = arith.constant 112 : index
          %get3A_329 = tpu.vector_load %arg12[%get3A_327, %get3A_328] {strides = array<i32>} : memref<80x128xf32, #tpu.memory_space<vmem>>, vector<16xf32>,
          %mul3A_330 = arith.mulf %get3A_329, %bitcast3A_319 : vector<16xf32>
          %swap3A_331 = arith.index_cast %add3A_249 : i32 to index
          %swap3A_332 = arith.constant 112 : index
          %swap3A_333 = tpu.vector_load %arg12[%swap3A_331, %swap3A_332] {strides = array<i32>} : memref<80x128xf32, #tpu.memory_space<vmem>>, vector<16xf32>,
          tpu.vector_store %arg12[%swap3A_331, %swap3A_332], %mul3A_330 {strides = array<i32>} : memref<80x128xf32, #tpu.memory_space<vmem>>, vector<16xf32>,
          %mul3A_334 = arith.constant 4 : i32
          %mul3A_335 = arith.muli %scan3A_158, %mul3A_334 : i32
          %add3A_336 = arith.constant 2 : i32
          %add3A_337 = arith.addi %mul3A_335, %add3A_336 : i32
          %get3A_338 = arith.index_cast %add3A_337 : i32 to index
          %get3A_339 = arith.constant 0 : index
          %get3A_340 = tpu.vector_load %arg14[%get3A_338, %get3A_339] {strides = array<i32>} : memref<80x64xi32, #tpu.memory_space<vmem>>, vector<16xi32>,
          %shift_left3A_341 = arith.shli %get3A_340, %broadcast_in_dim3A_25 : vector<16xi32>
          %bitcast3A_342 = vector.bitcast %shift_left3A_341 : vector<16xi32> to vector<16xf32>
          %and3A_343 = arith.andi %get3A_340, %broadcast_in_dim3A_27 : vector<16xi32>
          %bitcast3A_344 = vector.bitcast %and3A_343 : vector<16xi32> to vector<16xf32>
          %get3A_345 = arith.index_cast %add3A_337 : i32 to index
          %get3A_346 = arith.constant 0 : index
          %get3A_347 = tpu.vector_load %arg12[%get3A_345, %get3A_346] {strides = array<i32>} : memref<80x128xf32, #tpu.memory_space<vmem>>, vector<16xf32>,
          %mul3A_348 = arith.mulf %get3A_347, %bitcast3A_342 : vector<16xf32>
          %swap3A_349 = arith.index_cast %add3A_337 : i32 to index
          %swap3A_350 = arith.constant 0 : index
          %swap3A_351 = tpu.vector_load %arg12[%swap3A_349, %swap3A_350] {strides = array<i32>} : memref<80x128xf32, #tpu.memory_space<vmem>>, vector<16xf32>,
          tpu.vector_store %arg12[%swap3A_349, %swap3A_350], %mul3A_348 {strides = array<i32>} : memref<80x128xf32, #tpu.memory_space<vmem>>, vector<16xf32>,
          %get3A_352 = arith.index_cast %add3A_337 : i32 to index
          %get3A_353 = arith.constant 16 : index
          %get3A_354 = tpu.vector_load %arg12[%get3A_352, %get3A_353] {strides = array<i32>} : memref<80x128xf32, #tpu.memory_space<vmem>>, vector<16xf32>,
          %mul3A_355 = arith.mulf %get3A_354, %bitcast3A_344 : vector<16xf32>
          %swap3A_356 = arith.index_cast %add3A_337 : i32 to index
          %swap3A_357 = arith.constant 16 : index
          %swap3A_358 = tpu.vector_load %arg12[%swap3A_356, %swap3A_357] {strides = array<i32>} : memref<80x128xf32, #tpu.memory_space<vmem>>, vector<16xf32>,
          tpu.vector_store %arg12[%swap3A_356, %swap3A_357], %mul3A_355 {strides = array<i32>} : memref<80x128xf32, #tpu.memory_space<vmem>>, vector<16xf32>,
          %get3A_359 = arith.index_cast %add3A_337 : i32 to index
          %get3A_360 = arith.constant 16 : index
          %get3A_361 = tpu.vector_load %arg14[%get3A_359, %get3A_360] {strides = array<i32>} : memref<80x64xi32, #tpu.memory_space<vmem>>, vector<16xi32>,
          %shift_left3A_362 = arith.shli %get3A_361, %broadcast_in_dim3A_25 : vector<16xi32>
          %bitcast3A_363 = vector.bitcast %shift_left3A_362 : vector<16xi32> to vector<16xf32>
          %and3A_364 = arith.andi %get3A_361, %broadcast_in_dim3A_27 : vector<16xi32>
          %bitcast3A_365 = vector.bitcast %and3A_364 : vector<16xi32> to vector<16xf32>
          %get3A_366 = arith.index_cast %add3A_337 : i32 to index
          %get3A_367 = arith.constant 32 : index
          %get3A_368 = tpu.vector_load %arg12[%get3A_366, %get3A_367] {strides = array<i32>} : memref<80x128xf32, #tpu.memory_space<vmem>>, vector<16xf32>,
          %mul3A_369 = arith.mulf %get3A_368, %bitcast3A_363 : vector<16xf32>
          %swap3A_370 = arith.index_cast %add3A_337 : i32 to index
          %swap3A_371 = arith.constant 32 : index
          %swap3A_372 = tpu.vector_load %arg12[%swap3A_370, %swap3A_371] {strides = array<i32>} : memref<80x128xf32, #tpu.memory_space<vmem>>, vector<16xf32>,
          tpu.vector_store %arg12[%swap3A_370, %swap3A_371], %mul3A_369 {strides = array<i32>} : memref<80x128xf32, #tpu.memory_space<vmem>>, vector<16xf32>,
          %get3A_373 = arith.index_cast %add3A_337 : i32 to index
          %get3A_374 = arith.constant 48 : index
          %get3A_375 = tpu.vector_load %arg12[%get3A_373, %get3A_374] {strides = array<i32>} : memref<80x128xf32, #tpu.memory_space<vmem>>, vector<16xf32>,
          %mul3A_376 = arith.mulf %get3A_375, %bitcast3A_365 : vector<16xf32>
          %swap3A_377 = arith.index_cast %add3A_337 : i32 to index
          %swap3A_378 = arith.constant 48 : index
          %swap3A_379 = tpu.vector_load %arg12[%swap3A_377, %swap3A_378] {strides = array<i32>} : memref<80x128xf32, #tpu.memory_space<vmem>>, vector<16xf32>,
          tpu.vector_store %arg12[%swap3A_377, %swap3A_378], %mul3A_376 {strides = array<i32>} : memref<80x128xf32, #tpu.memory_space<vmem>>, vector<16xf32>,
          %get3A_380 = arith.index_cast %add3A_337 : i32 to index
          %get3A_381 = arith.constant 32 : index
          %get3A_382 = tpu.vector_load %arg14[%get3A_380, %get3A_381] {strides = array<i32>} : memref<80x64xi32, #tpu.memory_space<vmem>>, vector<16xi32>,
          %shift_left3A_383 = arith.shli %get3A_382, %broadcast_in_dim3A_25 : vector<16xi32>
          %bitcast3A_384 = vector.bitcast %shift_left3A_383 : vector<16xi32> to vector<16xf32>
          %and3A_385 = arith.andi %get3A_382, %broadcast_in_dim3A_27 : vector<16xi32>
          %bitcast3A_386 = vector.bitcast %and3A_385 : vector<16xi32> to vector<16xf32>
          %get3A_387 = arith.index_cast %add3A_337 : i32 to index
          %get3A_388 = arith.constant 64 : index
          %get3A_389 = tpu.vector_load %arg12[%get3A_387, %get3A_388] {strides = array<i32>} : memref<80x128xf32, #tpu.memory_space<vmem>>, vector<16xf32>,
          %mul3A_390 = arith.mulf %get3A_389, %bitcast3A_384 : vector<16xf32>
          %swap3A_391 = arith.index_cast %add3A_337 : i32 to index
          %swap3A_392 = arith.constant 64 : index
          %swap3A_393 = tpu.vector_load %arg12[%swap3A_391, %swap3A_392] {strides = array<i32>} : memref<80x128xf32, #tpu.memory_space<vmem>>, vector<16xf32>,
          tpu.vector_store %arg12[%swap3A_391, %swap3A_392], %mul3A_390 {strides = array<i32>} : memref<80x128xf32, #tpu.memory_space<vmem>>, vector<16xf32>,
          %get3A_394 = arith.index_cast %add3A_337 : i32 to index
          %get3A_395 = arith.constant 80 : index
          %get3A_396 = tpu.vector_load %arg12[%get3A_394, %get3A_395] {strides = array<i32>} : memref<80x128xf32, #tpu.memory_space<vmem>>, vector<16xf32>,
          %mul3A_397 = arith.mulf %get3A_396, %bitcast3A_386 : vector<16xf32>
          %swap3A_398 = arith.index_cast %add3A_337 : i32 to index
          %swap3A_399 = arith.constant 80 : index
          %swap3A_400 = tpu.vector_load %arg12[%swap3A_398, %swap3A_399] {strides = array<i32>} : memref<80x128xf32, #tpu.memory_space<vmem>>, vector<16xf32>,
          tpu.vector_store %arg12[%swap3A_398, %swap3A_399], %mul3A_397 {strides = array<i32>} : memref<80x128xf32, #tpu.memory_space<vmem>>, vector<16xf32>,
          %get3A_401 = arith.index_cast %add3A_337 : i32 to index
          %get3A_402 = arith.constant 48 : index
          %get3A_403 = tpu.vector_load %arg14[%get3A_401, %get3A_402] {strides = array<i32>} : memref<80x64xi32, #tpu.memory_space<vmem>>, vector<16xi32>,
          %shift_left3A_404 = arith.shli %get3A_403, %broadcast_in_dim3A_25 : vector<16xi32>
          %bitcast3A_405 = vector.bitcast %shift_left3A_404 : vector<16xi32> to vector<16xf32>
          %and3A_406 = arith.andi %get3A_403, %broadcast_in_dim3A_27 : vector<16xi32>
          %bitcast3A_407 = vector.bitcast %and3A_406 : vector<16xi32> to vector<16xf32>
          %get3A_408 = arith.index_cast %add3A_337 : i32 to index
          %get3A_409 = arith.constant 96 : index
          %get3A_410 = tpu.vector_load %arg12[%get3A_408, %get3A_409] {strides = array<i32>} : memref<80x128xf32, #tpu.memory_space<vmem>>, vector<16xf32>,
          %mul3A_411 = arith.mulf %get3A_410, %bitcast3A_405 : vector<16xf32>
          %swap3A_412 = arith.index_cast %add3A_337 : i32 to index
          %swap3A_413 = arith.constant 96 : index
          %swap3A_414 = tpu.vector_load %arg12[%swap3A_412, %swap3A_413] {strides = array<i32>} : memref<80x128xf32, #tpu.memory_space<vmem>>, vector<16xf32>,
          tpu.vector_store %arg12[%swap3A_412, %swap3A_413], %mul3A_411 {strides = array<i32>} : memref<80x128xf32, #tpu.memory_space<vmem>>, vector<16xf32>,
          %get3A_415 = arith.index_cast %add3A_337 : i32 to index
          %get3A_416 = arith.constant 112 : index
          %get3A_417 = tpu.vector_load %arg12[%get3A_415, %get3A_416] {strides = array<i32>} : memref<80x128xf32, #tpu.memory_space<vmem>>, vector<16xf32>,
          %mul3A_418 = arith.mulf %get3A_417, %bitcast3A_407 : vector<16xf32>
          %swap3A_419 = arith.index_cast %add3A_337 : i32 to index
          %swap3A_420 = arith.constant 112 : index
          %swap3A_421 = tpu.vector_load %arg12[%swap3A_419, %swap3A_420] {strides = array<i32>} : memref<80x128xf32, #tpu.memory_space<vmem>>, vector<16xf32>,
          tpu.vector_store %arg12[%swap3A_419, %swap3A_420], %mul3A_418 {strides = array<i32>} : memref<80x128xf32, #tpu.memory_space<vmem>>, vector<16xf32>,
          %mul3A_422 = arith.constant 4 : i32
          %mul3A_423 = arith.muli %scan3A_158, %mul3A_422 : i32
          %add3A_424 = arith.constant 3 : i32
          %add3A_425 = arith.addi %mul3A_423, %add3A_424 : i32
          %get3A_426 = arith.index_cast %add3A_425 : i32 to index
          %get3A_427 = arith.constant 0 : index
          %get3A_428 = tpu.vector_load %arg14[%get3A_426, %get3A_427] {strides = array<i32>} : memref<80x64xi32, #tpu.memory_space<vmem>>, vector<16xi32>,
          %shift_left3A_429 = arith.shli %get3A_428, %broadcast_in_dim3A_25 : vector<16xi32>
          %bitcast3A_430 = vector.bitcast %shift_left3A_429 : vector<16xi32> to vector<16xf32>
          %and3A_431 = arith.andi %get3A_428, %broadcast_in_dim3A_27 : vector<16xi32>
          %bitcast3A_432 = vector.bitcast %and3A_431 : vector<16xi32> to vector<16xf32>
          %get3A_433 = arith.index_cast %add3A_425 : i32 to index
          %get3A_434 = arith.constant 0 : index
          %get3A_435 = tpu.vector_load %arg12[%get3A_433, %get3A_434] {strides = array<i32>} : memref<80x128xf32, #tpu.memory_space<vmem>>, vector<16xf32>,
          %mul3A_436 = arith.mulf %get3A_435, %bitcast3A_430 : vector<16xf32>
          %swap3A_437 = arith.index_cast %add3A_425 : i32 to index
          %swap3A_438 = arith.constant 0 : index
          %swap3A_439 = tpu.vector_load %arg12[%swap3A_437, %swap3A_438] {strides = array<i32>} : memref<80x128xf32, #tpu.memory_space<vmem>>, vector<16xf32>,
          tpu.vector_store %arg12[%swap3A_437, %swap3A_438], %mul3A_436 {strides = array<i32>} : memref<80x128xf32, #tpu.memory_space<vmem>>, vector<16xf32>,
          %get3A_440 = arith.index_cast %add3A_425 : i32 to index
          %get3A_441 = arith.constant 16 : index
          %get3A_442 = tpu.vector_load %arg12[%get3A_440, %get3A_441] {strides = array<i32>} : memref<80x128xf32, #tpu.memory_space<vmem>>, vector<16xf32>,
          %mul3A_443 = arith.mulf %get3A_442, %bitcast3A_432 : vector<16xf32>
          %swap3A_444 = arith.index_cast %add3A_425 : i32 to index
          %swap3A_445 = arith.constant 16 : index
          %swap3A_446 = tpu.vector_load %arg12[%swap3A_444, %swap3A_445] {strides = array<i32>} : memref<80x128xf32, #tpu.memory_space<vmem>>, vector<16xf32>,
          tpu.vector_store %arg12[%swap3A_444, %swap3A_445], %mul3A_443 {strides = array<i32>} : memref<80x128xf32, #tpu.memory_space<vmem>>, vector<16xf32>,
          %get3A_447 = arith.index_cast %add3A_425 : i32 to index
          %get3A_448 = arith.constant 16 : index
          %get3A_449 = tpu.vector_load %arg14[%get3A_447, %get3A_448] {strides = array<i32>} : memref<80x64xi32, #tpu.memory_space<vmem>>, vector<16xi32>,
          %shift_left3A_450 = arith.shli %get3A_449, %broadcast_in_dim3A_25 : vector<16xi32>
          %bitcast3A_451 = vector.bitcast %shift_left3A_450 : vector<16xi32> to vector<16xf32>
          %and3A_452 = arith.andi %get3A_449, %broadcast_in_dim3A_27 : vector<16xi32>
          %bitcast3A_453 = vector.bitcast %and3A_452 : vector<16xi32> to vector<16xf32>
          %get3A_454 = arith.index_cast %add3A_425 : i32 to index
          %get3A_455 = arith.constant 32 : index
          %get3A_456 = tpu.vector_load %arg12[%get3A_454, %get3A_455] {strides = array<i32>} : memref<80x128xf32, #tpu.memory_space<vmem>>, vector<16xf32>,
          %mul3A_457 = arith.mulf %get3A_456, %bitcast3A_451 : vector<16xf32>
          %swap3A_458 = arith.index_cast %add3A_425 : i32 to index
          %swap3A_459 = arith.constant 32 : index
          %swap3A_460 = tpu.vector_load %arg12[%swap3A_458, %swap3A_459] {strides = array<i32>} : memref<80x128xf32, #tpu.memory_space<vmem>>, vector<16xf32>,
          tpu.vector_store %arg12[%swap3A_458, %swap3A_459], %mul3A_457 {strides = array<i32>} : memref<80x128xf32, #tpu.memory_space<vmem>>, vector<16xf32>,
          %get3A_461 = arith.index_cast %add3A_425 : i32 to index
          %get3A_462 = arith.constant 48 : index
          %get3A_463 = tpu.vector_load %arg12[%get3A_461, %get3A_462] {strides = array<i32>} : memref<80x128xf32, #tpu.memory_space<vmem>>, vector<16xf32>,
          %mul3A_464 = arith.mulf %get3A_463, %bitcast3A_453 : vector<16xf32>
          %swap3A_465 = arith.index_cast %add3A_425 : i32 to index
          %swap3A_466 = arith.constant 48 : index
          %swap3A_467 = tpu.vector_load %arg12[%swap3A_465, %swap3A_466] {strides = array<i32>} : memref<80x128xf32, #tpu.memory_space<vmem>>, vector<16xf32>,
          tpu.vector_store %arg12[%swap3A_465, %swap3A_466], %mul3A_464 {strides = array<i32>} : memref<80x128xf32, #tpu.memory_space<vmem>>, vector<16xf32>,
          %get3A_468 = arith.index_cast %add3A_425 : i32 to index
          %get3A_469 = arith.constant 32 : index
          %get3A_470 = tpu.vector_load %arg14[%get3A_468, %get3A_469] {strides = array<i32>} : memref<80x64xi32, #tpu.memory_space<vmem>>, vector<16xi32>,
          %shift_left3A_471 = arith.shli %get3A_470, %broadcast_in_dim3A_25 : vector<16xi32>
          %bitcast3A_472 = vector.bitcast %shift_left3A_471 : vector<16xi32> to vector<16xf32>
          %and3A_473 = arith.andi %get3A_470, %broadcast_in_dim3A_27 : vector<16xi32>
          %bitcast3A_474 = vector.bitcast %and3A_473 : vector<16xi32> to vector<16xf32>
          %get3A_475 = arith.index_cast %add3A_425 : i32 to index
          %get3A_476 = arith.constant 64 : index
          %get3A_477 = tpu.vector_load %arg12[%get3A_475, %get3A_476] {strides = array<i32>} : memref<80x128xf32, #tpu.memory_space<vmem>>, vector<16xf32>,
          %mul3A_478 = arith.mulf %get3A_477, %bitcast3A_472 : vector<16xf32>
          %swap3A_479 = arith.index_cast %add3A_425 : i32 to index
          %swap3A_480 = arith.constant 64 : index
          %swap3A_481 = tpu.vector_load %arg12[%swap3A_479, %swap3A_480] {strides = array<i32>} : memref<80x128xf32, #tpu.memory_space<vmem>>, vector<16xf32>,
          tpu.vector_store %arg12[%swap3A_479, %swap3A_480], %mul3A_478 {strides = array<i32>} : memref<80x128xf32, #tpu.memory_space<vmem>>, vector<16xf32>,
          %get3A_482 = arith.index_cast %add3A_425 : i32 to index
          %get3A_483 = arith.constant 80 : index
          %get3A_484 = tpu.vector_load %arg12[%get3A_482, %get3A_483] {strides = array<i32>} : memref<80x128xf32, #tpu.memory_space<vmem>>, vector<16xf32>,
          %mul3A_485 = arith.mulf %get3A_484, %bitcast3A_474 : vector<16xf32>
          %swap3A_486 = arith.index_cast %add3A_425 : i32 to index
          %swap3A_487 = arith.constant 80 : index
          %swap3A_488 = tpu.vector_load %arg12[%swap3A_486, %swap3A_487] {strides = array<i32>} : memref<80x128xf32, #tpu.memory_space<vmem>>, vector<16xf32>,
          tpu.vector_store %arg12[%swap3A_486, %swap3A_487], %mul3A_485 {strides = array<i32>} : memref<80x128xf32, #tpu.memory_space<vmem>>, vector<16xf32>,
          %get3A_489 = arith.index_cast %add3A_425 : i32 to index
          %get3A_490 = arith.constant 48 : index
          %get3A_491 = tpu.vector_load %arg14[%get3A_489, %get3A_490] {strides = array<i32>} : memref<80x64xi32, #tpu.memory_space<vmem>>, vector<16xi32>,
          %shift_left3A_492 = arith.shli %get3A_491, %broadcast_in_dim3A_25 : vector<16xi32>
          %bitcast3A_493 = vector.bitcast %shift_left3A_492 : vector<16xi32> to vector<16xf32>
          %and3A_494 = arith.andi %get3A_491, %broadcast_in_dim3A_27 : vector<16xi32>
          %bitcast3A_495 = vector.bitcast %and3A_494 : vector<16xi32> to vector<16xf32>
          %get3A_496 = arith.index_cast %add3A_425 : i32 to index
          %get3A_497 = arith.constant 96 : index
          %get3A_498 = tpu.vector_load %arg12[%get3A_496, %get3A_497] {strides = array<i32>} : memref<80x128xf32, #tpu.memory_space<vmem>>, vector<16xf32>,
          %mul3A_499 = arith.mulf %get3A_498, %bitcast3A_493 : vector<16xf32>
          %swap3A_500 = arith.index_cast %add3A_425 : i32 to index
          %swap3A_501 = arith.constant 96 : index
          %swap3A_502 = tpu.vector_load %arg12[%swap3A_500, %swap3A_501] {strides = array<i32>} : memref<80x128xf32, #tpu.memory_space<vmem>>, vector<16xf32>,
          tpu.vector_store %arg12[%swap3A_500, %swap3A_501], %mul3A_499 {strides = array<i32>} : memref<80x128xf32, #tpu.memory_space<vmem>>, vector<16xf32>,
          %get3A_503 = arith.index_cast %add3A_425 : i32 to index
          %get3A_504 = arith.constant 112 : index
          %get3A_505 = tpu.vector_load %arg12[%get3A_503, %get3A_504] {strides = array<i32>} : memref<80x128xf32, #tpu.memory_space<vmem>>, vector<16xf32>,
          %mul3A_506 = arith.mulf %get3A_505, %bitcast3A_495 : vector<16xf32>
          %swap3A_507 = arith.index_cast %add3A_425 : i32 to index
          %swap3A_508 = arith.constant 112 : index
          %swap3A_509 = tpu.vector_load %arg12[%swap3A_507, %swap3A_508] {strides = array<i32>} : memref<80x128xf32, #tpu.memory_space<vmem>>, vector<16xf32>,
          tpu.vector_store %arg12[%swap3A_507, %swap3A_508], %mul3A_506 {strides = array<i32>} : memref<80x128xf32, #tpu.memory_space<vmem>>, vector<16xf32>,
          %scan3A_510 = arith.constant 0 : i32
          scf.yield %scan3A_510 : i32
        }
        %scan3A_154 = arith.constant 20 : i32
        %dma_start3A_155 = arith.constant 0 : i32
        %dma_start3A_156 = arith.constant 0 : i32
        %dma_start3A_157 = tpu.memref_slice %arg16[%dma_start3A_155, %dma_start3A_156] : memref<10000x128xf32, #tpu.memory_space<vmem_shared>> -> memref<10000x128xf32, #tpu.memory_space<vmem_shared>>
        tpu.enqueue_indirect_dma source(%arg12 : memref<80x128xf32, #tpu.memory_space<vmem>>) target(%dma_start3A_157 : memref<10000x128xf32, #tpu.memory_space<vmem_shared>>) offsets(%arg10 : memref<80xi32, #tpu.memory_space<vmem>>) semaphore(%arg21 : memref<!tpu.dma_semaphore, #tpu.memory_space<semaphore_mem>>) {add = true}
      } else {
      }
      %mul3A_113 = arith.constant 2 : i32
      %mul3A_114 = arith.muli %scan3A_102, %mul3A_113 : i32
      %add3A_115 = arith.constant 1 : i32
      %add3A_116 = arith.addi %mul3A_114, %add3A_115 : i32
      %lt3A_117 = arith.constant 125 : i32
      %lt3A_118 = arith.cmpi slt, %add3A_116, %lt3A_117 : i32
      %convert_element_type3A_119 = arith.extui %lt3A_118 : i1 to i32
      %cond3A_120 = arith.constant 0 : i32
      %cond3A_121 = arith.cmpi ne, %convert_element_type3A_119, %cond3A_120 : i32
      scf.if %cond3A_121 {
        %add3A_123 = arith.constant 2 : i32
        %add3A_124 = arith.addi %add3A_116, %add3A_123 : i32
        %lt3A_125 = arith.constant 125 : i32
        %lt3A_126 = arith.cmpi slt, %add3A_124, %lt3A_125 : i32
        %convert_element_type3A_127 = arith.extui %lt3A_126 : i1 to i32
        %cond3A_128 = arith.constant 0 : i32
        %cond3A_129 = arith.cmpi ne, %convert_element_type3A_127, %cond3A_128 : i32
        scf.if %cond3A_129 {
          %add3A_158 = arith.constant 2 : i32
          %add3A_159 = arith.addi %add3A_116, %add3A_158 : i32
          %mul3A_160 = arith.constant 80 : i32
          %mul3A_161 = arith.muli %add3A_159, %mul3A_160 : i32
          %add3A_162 = arith.addi %mul3A_6, %mul3A_161 : i32
          %dma_start3A_163 = tpu.memref_slice %arg4[%add3A_162] : memref<320000xi32, #tpu.memory_space<hbm>> -> memref<80xi32, #tpu.memory_space<hbm>>
          %dma_start3A_164 = tpu.memref_slice %arg4[%add3A_162] : memref<320000xi32, #tpu.memory_space<hbm>> -> memref<80xi32, #tpu.memory_space<hbm>>
          tpu.enqueue_dma source(%dma_start3A_164 : memref<80xi32, #tpu.memory_space<hbm>>) target(%arg7 : memref<80xi32, #tpu.memory_space<vmem>>) target_semaphore(%arg18 : memref<!tpu.dma_semaphore, #tpu.memory_space<semaphore_mem>>)
        } else {
        }
        %ge3A = arith.constant 1 : i32
        %ge3A_130 = arith.cmpi sge, %add3A_116, %ge3A : i32
        %convert_element_type3A_131 = arith.extui %ge3A_130 : i1 to i32
        %cond3A_132 = arith.constant 0 : i32
        %cond3A_133 = arith.cmpi ne, %convert_element_type3A_131, %cond3A_132 : i32
        scf.if %cond3A_133 {
          %dma_wait3A_158 = arith.constant 0 : i32
          %dma_wait3A_159 = arith.constant 0 : i32
          %dma_wait3A_160 = tpu.memref_slice %arg16[%dma_wait3A_158, %dma_wait3A_159] : memref<10000x128xf32, #tpu.memory_space<vmem_shared>> -> memref<10000x128xf32, #tpu.memory_space<vmem_shared>>
          tpu.wait_indirect_dma semaphore(%arg21 : memref<!tpu.dma_semaphore, #tpu.memory_space<semaphore_mem>>) src(%arg12 : memref<80x128xf32, #tpu.memory_space<vmem>>) dst(%dma_wait3A_160 : memref<10000x128xf32, #tpu.memory_space<vmem_shared>>)
        } else {
        }
        %add3A_134 = arith.constant 1 : i32
        %add3A_135 = arith.addi %add3A_116, %add3A_134 : i32
        %lt3A_136 = arith.constant 125 : i32
        %lt3A_137 = arith.cmpi slt, %add3A_135, %lt3A_136 : i32
        %convert_element_type3A_138 = arith.extui %lt3A_137 : i1 to i32
        %cond3A_139 = arith.constant 0 : i32
        %cond3A_140 = arith.cmpi ne, %convert_element_type3A_138, %cond3A_139 : i32
        scf.if %cond3A_140 {
          %dma_wait3A_158 = tpu.memref_slice %arg4[%mul3A_6] : memref<320000xi32, #tpu.memory_space<hbm>> -> memref<80xi32, #tpu.memory_space<hbm>>
          %dma_wait3A_159 = tpu.memref_slice %arg4[%mul3A_6] : memref<320000xi32, #tpu.memory_space<hbm>> -> memref<80xi32, #tpu.memory_space<hbm>>
          tpu.wait_dma2 semaphore(%arg17 : memref<!tpu.dma_semaphore, #tpu.memory_space<semaphore_mem>>) src(%dma_wait3A_159 : memref<80xi32, #tpu.memory_space<hbm>>) dst(%arg6 : memref<80xi32, #tpu.memory_space<vmem>>)
          %get3A_160 = arith.constant 0 : index
          %get3A_161 = tpu.vector_load %arg6[%get3A_160] {strides = array<i32>} : memref<80xi32, #tpu.memory_space<vmem>>, vector<16xi32>,
          %and3A_162 = arith.andi %get3A_161, %broadcast_in_dim3A_9 : vector<16xi32>
          %swap3A_163 = arith.constant 0 : index
          %swap3A_164 = tpu.vector_load %arg8[%swap3A_163] {strides = array<i32>} : memref<80xi32, #tpu.memory_space<vmem>>, vector<16xi32>,
          tpu.vector_store %arg8[%swap3A_163], %and3A_162 {strides = array<i32>} : memref<80xi32, #tpu.memory_space<vmem>>, vector<16xi32>,
          %shift_right_logical3A_165 = arith.shrui %get3A_161, %broadcast_in_dim3A_11 : vector<16xi32>
          %swap3A_166 = arith.constant 0 : index
          %swap3A_167 = tpu.vector_load %arg10[%swap3A_166] {strides = array<i32>} : memref<80xi32, #tpu.memory_space<vmem>>, vector<16xi32>,
          tpu.vector_store %arg10[%swap3A_166], %shift_right_logical3A_165 {strides = array<i32>} : memref<80xi32, #tpu.memory_space<vmem>>, vector<16xi32>,
          %get3A_168 = arith.constant 16 : index
          %get3A_169 = tpu.vector_load %arg6[%get3A_168] {strides = array<i32>} : memref<80xi32, #tpu.memory_space<vmem>>, vector<16xi32>,
          %and3A_170 = arith.andi %get3A_169, %broadcast_in_dim3A_9 : vector<16xi32>
          %swap3A_171 = arith.constant 16 : index
          %swap3A_172 = tpu.vector_load %arg8[%swap3A_171] {strides = array<i32>} : memref<80xi32, #tpu.memory_space<vmem>>, vector<16xi32>,
          tpu.vector_store %arg8[%swap3A_171], %and3A_170 {strides = array<i32>} : memref<80xi32, #tpu.memory_space<vmem>>, vector<16xi32>,
          %shift_right_logical3A_173 = arith.shrui %get3A_169, %broadcast_in_dim3A_11 : vector<16xi32>
          %swap3A_174 = arith.constant 16 : index
          %swap3A_175 = tpu.vector_load %arg10[%swap3A_174] {strides = array<i32>} : memref<80xi32, #tpu.memory_space<vmem>>, vector<16xi32>,
          tpu.vector_store %arg10[%swap3A_174], %shift_right_logical3A_173 {strides = array<i32>} : memref<80xi32, #tpu.memory_space<vmem>>, vector<16xi32>,
          %get3A_176 = arith.constant 32 : index
          %get3A_177 = tpu.vector_load %arg6[%get3A_176] {strides = array<i32>} : memref<80xi32, #tpu.memory_space<vmem>>, vector<16xi32>,
          %and3A_178 = arith.andi %get3A_177, %broadcast_in_dim3A_9 : vector<16xi32>
          %swap3A_179 = arith.constant 32 : index
          %swap3A_180 = tpu.vector_load %arg8[%swap3A_179] {strides = array<i32>} : memref<80xi32, #tpu.memory_space<vmem>>, vector<16xi32>,
          tpu.vector_store %arg8[%swap3A_179], %and3A_178 {strides = array<i32>} : memref<80xi32, #tpu.memory_space<vmem>>, vector<16xi32>,
          %shift_right_logical3A_181 = arith.shrui %get3A_177, %broadcast_in_dim3A_11 : vector<16xi32>
          %swap3A_182 = arith.constant 32 : index
          %swap3A_183 = tpu.vector_load %arg10[%swap3A_182] {strides = array<i32>} : memref<80xi32, #tpu.memory_space<vmem>>, vector<16xi32>,
          tpu.vector_store %arg10[%swap3A_182], %shift_right_logical3A_181 {strides = array<i32>} : memref<80xi32, #tpu.memory_space<vmem>>, vector<16xi32>,
          %get3A_184 = arith.constant 48 : index
          %get3A_185 = tpu.vector_load %arg6[%get3A_184] {strides = array<i32>} : memref<80xi32, #tpu.memory_space<vmem>>, vector<16xi32>,
          %and3A_186 = arith.andi %get3A_185, %broadcast_in_dim3A_9 : vector<16xi32>
          %swap3A_187 = arith.constant 48 : index
          %swap3A_188 = tpu.vector_load %arg8[%swap3A_187] {strides = array<i32>} : memref<80xi32, #tpu.memory_space<vmem>>, vector<16xi32>,
          tpu.vector_store %arg8[%swap3A_187], %and3A_186 {strides = array<i32>} : memref<80xi32, #tpu.memory_space<vmem>>, vector<16xi32>,
          %shift_right_logical3A_189 = arith.shrui %get3A_185, %broadcast_in_dim3A_11 : vector<16xi32>
          %swap3A_190 = arith.constant 48 : index
          %swap3A_191 = tpu.vector_load %arg10[%swap3A_190] {strides = array<i32>} : memref<80xi32, #tpu.memory_space<vmem>>, vector<16xi32>,
          tpu.vector_store %arg10[%swap3A_190], %shift_right_logical3A_189 {strides = array<i32>} : memref<80xi32, #tpu.memory_space<vmem>>, vector<16xi32>,
          %get3A_192 = arith.constant 64 : index
          %get3A_193 = tpu.vector_load %arg6[%get3A_192] {strides = array<i32>} : memref<80xi32, #tpu.memory_space<vmem>>, vector<16xi32>,
          %and3A_194 = arith.andi %get3A_193, %broadcast_in_dim3A_9 : vector<16xi32>
          %swap3A_195 = arith.constant 64 : index
          %swap3A_196 = tpu.vector_load %arg8[%swap3A_195] {strides = array<i32>} : memref<80xi32, #tpu.memory_space<vmem>>, vector<16xi32>,
          tpu.vector_store %arg8[%swap3A_195], %and3A_194 {strides = array<i32>} : memref<80xi32, #tpu.memory_space<vmem>>, vector<16xi32>,
          %shift_right_logical3A_197 = arith.shrui %get3A_193, %broadcast_in_dim3A_11 : vector<16xi32>
          %swap3A_198 = arith.constant 64 : index
          %swap3A_199 = tpu.vector_load %arg10[%swap3A_198] {strides = array<i32>} : memref<80xi32, #tpu.memory_space<vmem>>, vector<16xi32>,
          tpu.vector_store %arg10[%swap3A_198], %shift_right_logical3A_197 {strides = array<i32>} : memref<80xi32, #tpu.memory_space<vmem>>, vector<16xi32>,
          %add3A_200 = arith.constant 1 : i32
          %add3A_201 = arith.addi %add3A_116, %add3A_200 : i32
          %dma_start3A_202 = arith.constant 0 : i32
          %dma_start3A_203 = arith.constant 0 : i32
          %dma_start3A_204 = tpu.memref_slice %arg2[%dma_start3A_202, %dma_start3A_203] : memref<10000x128xf32, #tpu.memory_space<hbm>> -> memref<10000x128xf32, #tpu.memory_space<hbm>>
          tpu.enqueue_indirect_dma source(%dma_start3A_204 : memref<10000x128xf32, #tpu.memory_space<hbm>>) target(%arg12 : memref<80x128xf32, #tpu.memory_space<vmem>>) offsets(%arg8 : memref<80xi32, #tpu.memory_space<vmem>>) semaphore(%arg19 : memref<!tpu.dma_semaphore, #tpu.memory_space<semaphore_mem>>)
          %mul3A_205 = arith.constant 80 : i32
          %mul3A_206 = arith.muli %add3A_201, %mul3A_205 : i32
          %add3A_207 = arith.addi %mul3A_6, %mul3A_206 : i32
          %dma_start3A_208 = arith.constant 0 : i32
          %dma_start3A_209 = tpu.memref_slice %arg3[%add3A_207, %dma_start3A_208] : memref<320000x64xi32, #tpu.memory_space<hbm>> -> memref<80x64xi32, #tpu.memory_space<hbm>>
          %dma_start3A_210 = arith.constant 0 : i32
          %dma_start3A_211 = tpu.memref_slice %arg3[%add3A_207, %dma_start3A_210] : memref<320000x64xi32, #tpu.memory_space<hbm>> -> memref<80x64xi32, #tpu.memory_space<hbm>>
          tpu.enqueue_dma source(%dma_start3A_211 : memref<80x64xi32, #tpu.memory_space<hbm>>) target(%arg14 : memref<80x64xi32, #tpu.memory_space<vmem>>) target_semaphore(%arg19 : memref<!tpu.dma_semaphore, #tpu.memory_space<semaphore_mem>>)
        } else {
        }
        %dma_wait3A_141 = arith.constant 0 : i32
        %dma_wait3A_142 = arith.constant 0 : i32
        %dma_wait3A_143 = tpu.memref_slice %arg2[%dma_wait3A_141, %dma_wait3A_142] : memref<10000x128xf32, #tpu.memory_space<hbm>> -> memref<10000x128xf32, #tpu.memory_space<hbm>>
        tpu.wait_indirect_dma semaphore(%arg20 : memref<!tpu.dma_semaphore, #tpu.memory_space<semaphore_mem>>) src(%dma_wait3A_143 : memref<10000x128xf32, #tpu.memory_space<hbm>>) dst(%arg13 : memref<80x128xf32, #tpu.memory_space<vmem>>)
        %dma_wait3A_144 = arith.constant 0 : i32
        %dma_wait3A_145 = tpu.memref_slice %arg3[%mul3A_6, %dma_wait3A_144] : memref<320000x64xi32, #tpu.memory_space<hbm>> -> memref<80x64xi32, #tpu.memory_space<hbm>>
        %dma_wait3A_146 = arith.constant 0 : i32
        %dma_wait3A_147 = tpu.memref_slice %arg3[%mul3A_6, %dma_wait3A_146] : memref<320000x64xi32, #tpu.memory_space<hbm>> -> memref<80x64xi32, #tpu.memory_space<hbm>>
        tpu.wait_dma2 semaphore(%arg20 : memref<!tpu.dma_semaphore, #tpu.memory_space<semaphore_mem>>) src(%dma_wait3A_147 : memref<80x64xi32, #tpu.memory_space<hbm>>) dst(%arg15 : memref<80x64xi32, #tpu.memory_space<vmem>>)
        %scan3A_148 = arith.constant 0 : i32
        %scan3A_149 = arith.constant 0 : i32
        %scan3A_150 = arith.constant 20 : i32
        %scan3A_151 = arith.addi %scan3A_149, %scan3A_150 : i32
        %scan3A_152 = arith.constant 1 : i32
        %scan3A_153 = scf.for %scan3A_158 = %scan3A_149 to %scan3A_151 step %scan3A_152 iter_args(%scan3A_159 = %scan3A_148) -> (i32)  : i32 {
          %mul3A_160 = arith.constant 4 : i32
          %mul3A_161 = arith.muli %scan3A_158, %mul3A_160 : i32
          %add3A_162 = arith.constant 0 : i32
          %add3A_163 = arith.addi %mul3A_161, %add3A_162 : i32
          %get3A_164 = arith.index_cast %add3A_163 : i32 to index
          %get3A_165 = arith.constant 0 : index
          %get3A_166 = tpu.vector_load %arg15[%get3A_164, %get3A_165] {strides = array<i32>} : memref<80x64xi32, #tpu.memory_space<vmem>>, vector<16xi32>,
          %shift_left3A = arith.shli %get3A_166, %broadcast_in_dim3A_25 : vector<16xi32>
          %bitcast3A = vector.bitcast %shift_left3A : vector<16xi32> to vector<16xf32>
          %and3A_167 = arith.andi %get3A_166, %broadcast_in_dim3A_27 : vector<16xi32>
          %bitcast3A_168 = vector.bitcast %and3A_167 : vector<16xi32> to vector<16xf32>
          %get3A_169 = arith.index_cast %add3A_163 : i32 to index
          %get3A_170 = arith.constant 0 : index
          %get3A_171 = tpu.vector_load %arg13[%get3A_169, %get3A_170] {strides = array<i32>} : memref<80x128xf32, #tpu.memory_space<vmem>>, vector<16xf32>,
          %mul3A_172 = arith.mulf %get3A_171, %bitcast3A : vector<16xf32>
          %swap3A_173 = arith.index_cast %add3A_163 : i32 to index
          %swap3A_174 = arith.constant 0 : index
          %swap3A_175 = tpu.vector_load %arg13[%swap3A_173, %swap3A_174] {strides = array<i32>} : memref<80x128xf32, #tpu.memory_space<vmem>>, vector<16xf32>,
          tpu.vector_store %arg13[%swap3A_173, %swap3A_174], %mul3A_172 {strides = array<i32>} : memref<80x128xf32, #tpu.memory_space<vmem>>, vector<16xf32>,
          %get3A_176 = arith.index_cast %add3A_163 : i32 to index
          %get3A_177 = arith.constant 16 : index
          %get3A_178 = tpu.vector_load %arg13[%get3A_176, %get3A_177] {strides = array<i32>} : memref<80x128xf32, #tpu.memory_space<vmem>>, vector<16xf32>,
          %mul3A_179 = arith.mulf %get3A_178, %bitcast3A_168 : vector<16xf32>
          %swap3A_180 = arith.index_cast %add3A_163 : i32 to index
          %swap3A_181 = arith.constant 16 : index
          %swap3A_182 = tpu.vector_load %arg13[%swap3A_180, %swap3A_181] {strides = array<i32>} : memref<80x128xf32, #tpu.memory_space<vmem>>, vector<16xf32>,
          tpu.vector_store %arg13[%swap3A_180, %swap3A_181], %mul3A_179 {strides = array<i32>} : memref<80x128xf32, #tpu.memory_space<vmem>>, vector<16xf32>,
          %get3A_183 = arith.index_cast %add3A_163 : i32 to index
          %get3A_184 = arith.constant 16 : index
          %get3A_185 = tpu.vector_load %arg15[%get3A_183, %get3A_184] {strides = array<i32>} : memref<80x64xi32, #tpu.memory_space<vmem>>, vector<16xi32>,
          %shift_left3A_186 = arith.shli %get3A_185, %broadcast_in_dim3A_25 : vector<16xi32>
          %bitcast3A_187 = vector.bitcast %shift_left3A_186 : vector<16xi32> to vector<16xf32>
          %and3A_188 = arith.andi %get3A_185, %broadcast_in_dim3A_27 : vector<16xi32>
          %bitcast3A_189 = vector.bitcast %and3A_188 : vector<16xi32> to vector<16xf32>
          %get3A_190 = arith.index_cast %add3A_163 : i32 to index
          %get3A_191 = arith.constant 32 : index
          %get3A_192 = tpu.vector_load %arg13[%get3A_190, %get3A_191] {strides = array<i32>} : memref<80x128xf32, #tpu.memory_space<vmem>>, vector<16xf32>,
          %mul3A_193 = arith.mulf %get3A_192, %bitcast3A_187 : vector<16xf32>
          %swap3A_194 = arith.index_cast %add3A_163 : i32 to index
          %swap3A_195 = arith.constant 32 : index
          %swap3A_196 = tpu.vector_load %arg13[%swap3A_194, %swap3A_195] {strides = array<i32>} : memref<80x128xf32, #tpu.memory_space<vmem>>, vector<16xf32>,
          tpu.vector_store %arg13[%swap3A_194, %swap3A_195], %mul3A_193 {strides = array<i32>} : memref<80x128xf32, #tpu.memory_space<vmem>>, vector<16xf32>,
          %get3A_197 = arith.index_cast %add3A_163 : i32 to index
          %get3A_198 = arith.constant 48 : index
          %get3A_199 = tpu.vector_load %arg13[%get3A_197, %get3A_198] {strides = array<i32>} : memref<80x128xf32, #tpu.memory_space<vmem>>, vector<16xf32>,
          %mul3A_200 = arith.mulf %get3A_199, %bitcast3A_189 : vector<16xf32>
          %swap3A_201 = arith.index_cast %add3A_163 : i32 to index
          %swap3A_202 = arith.constant 48 : index
          %swap3A_203 = tpu.vector_load %arg13[%swap3A_201, %swap3A_202] {strides = array<i32>} : memref<80x128xf32, #tpu.memory_space<vmem>>, vector<16xf32>,
          tpu.vector_store %arg13[%swap3A_201, %swap3A_202], %mul3A_200 {strides = array<i32>} : memref<80x128xf32, #tpu.memory_space<vmem>>, vector<16xf32>,
          %get3A_204 = arith.index_cast %add3A_163 : i32 to index
          %get3A_205 = arith.constant 32 : index
          %get3A_206 = tpu.vector_load %arg15[%get3A_204, %get3A_205] {strides = array<i32>} : memref<80x64xi32, #tpu.memory_space<vmem>>, vector<16xi32>,
          %shift_left3A_207 = arith.shli %get3A_206, %broadcast_in_dim3A_25 : vector<16xi32>
          %bitcast3A_208 = vector.bitcast %shift_left3A_207 : vector<16xi32> to vector<16xf32>
          %and3A_209 = arith.andi %get3A_206, %broadcast_in_dim3A_27 : vector<16xi32>
          %bitcast3A_210 = vector.bitcast %and3A_209 : vector<16xi32> to vector<16xf32>
          %get3A_211 = arith.index_cast %add3A_163 : i32 to index
          %get3A_212 = arith.constant 64 : index
          %get3A_213 = tpu.vector_load %arg13[%get3A_211, %get3A_212] {strides = array<i32>} : memref<80x128xf32, #tpu.memory_space<vmem>>, vector<16xf32>,
          %mul3A_214 = arith.mulf %get3A_213, %bitcast3A_208 : vector<16xf32>
          %swap3A_215 = arith.index_cast %add3A_163 : i32 to index
          %swap3A_216 = arith.constant 64 : index
          %swap3A_217 = tpu.vector_load %arg13[%swap3A_215, %swap3A_216] {strides = array<i32>} : memref<80x128xf32, #tpu.memory_space<vmem>>, vector<16xf32>,
          tpu.vector_store %arg13[%swap3A_215, %swap3A_216], %mul3A_214 {strides = array<i32>} : memref<80x128xf32, #tpu.memory_space<vmem>>, vector<16xf32>,
          %get3A_218 = arith.index_cast %add3A_163 : i32 to index
          %get3A_219 = arith.constant 80 : index
          %get3A_220 = tpu.vector_load %arg13[%get3A_218, %get3A_219] {strides = array<i32>} : memref<80x128xf32, #tpu.memory_space<vmem>>, vector<16xf32>,
          %mul3A_221 = arith.mulf %get3A_220, %bitcast3A_210 : vector<16xf32>
          %swap3A_222 = arith.index_cast %add3A_163 : i32 to index
          %swap3A_223 = arith.constant 80 : index
          %swap3A_224 = tpu.vector_load %arg13[%swap3A_222, %swap3A_223] {strides = array<i32>} : memref<80x128xf32, #tpu.memory_space<vmem>>, vector<16xf32>,
          tpu.vector_store %arg13[%swap3A_222, %swap3A_223], %mul3A_221 {strides = array<i32>} : memref<80x128xf32, #tpu.memory_space<vmem>>, vector<16xf32>,
          %get3A_225 = arith.index_cast %add3A_163 : i32 to index
          %get3A_226 = arith.constant 48 : index
          %get3A_227 = tpu.vector_load %arg15[%get3A_225, %get3A_226] {strides = array<i32>} : memref<80x64xi32, #tpu.memory_space<vmem>>, vector<16xi32>,
          %shift_left3A_228 = arith.shli %get3A_227, %broadcast_in_dim3A_25 : vector<16xi32>
          %bitcast3A_229 = vector.bitcast %shift_left3A_228 : vector<16xi32> to vector<16xf32>
          %and3A_230 = arith.andi %get3A_227, %broadcast_in_dim3A_27 : vector<16xi32>
          %bitcast3A_231 = vector.bitcast %and3A_230 : vector<16xi32> to vector<16xf32>
          %get3A_232 = arith.index_cast %add3A_163 : i32 to index
          %get3A_233 = arith.constant 96 : index
          %get3A_234 = tpu.vector_load %arg13[%get3A_232, %get3A_233] {strides = array<i32>} : memref<80x128xf32, #tpu.memory_space<vmem>>, vector<16xf32>,
          %mul3A_235 = arith.mulf %get3A_234, %bitcast3A_229 : vector<16xf32>
          %swap3A_236 = arith.index_cast %add3A_163 : i32 to index
          %swap3A_237 = arith.constant 96 : index
          %swap3A_238 = tpu.vector_load %arg13[%swap3A_236, %swap3A_237] {strides = array<i32>} : memref<80x128xf32, #tpu.memory_space<vmem>>, vector<16xf32>,
          tpu.vector_store %arg13[%swap3A_236, %swap3A_237], %mul3A_235 {strides = array<i32>} : memref<80x128xf32, #tpu.memory_space<vmem>>, vector<16xf32>,
          %get3A_239 = arith.index_cast %add3A_163 : i32 to index
          %get3A_240 = arith.constant 112 : index
          %get3A_241 = tpu.vector_load %arg13[%get3A_239, %get3A_240] {strides = array<i32>} : memref<80x128xf32, #tpu.memory_space<vmem>>, vector<16xf32>,
          %mul3A_242 = arith.mulf %get3A_241, %bitcast3A_231 : vector<16xf32>
          %swap3A_243 = arith.index_cast %add3A_163 : i32 to index
          %swap3A_244 = arith.constant 112 : index
          %swap3A_245 = tpu.vector_load %arg13[%swap3A_243, %swap3A_244] {strides = array<i32>} : memref<80x128xf32, #tpu.memory_space<vmem>>, vector<16xf32>,
          tpu.vector_store %arg13[%swap3A_243, %swap3A_244], %mul3A_242 {strides = array<i32>} : memref<80x128xf32, #tpu.memory_space<vmem>>, vector<16xf32>,
          %mul3A_246 = arith.constant 4 : i32
          %mul3A_247 = arith.muli %scan3A_158, %mul3A_246 : i32
          %add3A_248 = arith.constant 1 : i32
          %add3A_249 = arith.addi %mul3A_247, %add3A_248 : i32
          %get3A_250 = arith.index_cast %add3A_249 : i32 to index
          %get3A_251 = arith.constant 0 : index
          %get3A_252 = tpu.vector_load %arg15[%get3A_250, %get3A_251] {strides = array<i32>} : memref<80x64xi32, #tpu.memory_space<vmem>>, vector<16xi32>,
          %shift_left3A_253 = arith.shli %get3A_252, %broadcast_in_dim3A_25 : vector<16xi32>
          %bitcast3A_254 = vector.bitcast %shift_left3A_253 : vector<16xi32> to vector<16xf32>
          %and3A_255 = arith.andi %get3A_252, %broadcast_in_dim3A_27 : vector<16xi32>
          %bitcast3A_256 = vector.bitcast %and3A_255 : vector<16xi32> to vector<16xf32>
          %get3A_257 = arith.index_cast %add3A_249 : i32 to index
          %get3A_258 = arith.constant 0 : index
          %get3A_259 = tpu.vector_load %arg13[%get3A_257, %get3A_258] {strides = array<i32>} : memref<80x128xf32, #tpu.memory_space<vmem>>, vector<16xf32>,
          %mul3A_260 = arith.mulf %get3A_259, %bitcast3A_254 : vector<16xf32>
          %swap3A_261 = arith.index_cast %add3A_249 : i32 to index
          %swap3A_262 = arith.constant 0 : index
          %swap3A_263 = tpu.vector_load %arg13[%swap3A_261, %swap3A_262] {strides = array<i32>} : memref<80x128xf32, #tpu.memory_space<vmem>>, vector<16xf32>,
          tpu.vector_store %arg13[%swap3A_261, %swap3A_262], %mul3A_260 {strides = array<i32>} : memref<80x128xf32, #tpu.memory_space<vmem>>, vector<16xf32>,
          %get3A_264 = arith.index_cast %add3A_249 : i32 to index
          %get3A_265 = arith.constant 16 : index
          %get3A_266 = tpu.vector_load %arg13[%get3A_264, %get3A_265] {strides = array<i32>} : memref<80x128xf32, #tpu.memory_space<vmem>>, vector<16xf32>,
          %mul3A_267 = arith.mulf %get3A_266, %bitcast3A_256 : vector<16xf32>
          %swap3A_268 = arith.index_cast %add3A_249 : i32 to index
          %swap3A_269 = arith.constant 16 : index
          %swap3A_270 = tpu.vector_load %arg13[%swap3A_268, %swap3A_269] {strides = array<i32>} : memref<80x128xf32, #tpu.memory_space<vmem>>, vector<16xf32>,
          tpu.vector_store %arg13[%swap3A_268, %swap3A_269], %mul3A_267 {strides = array<i32>} : memref<80x128xf32, #tpu.memory_space<vmem>>, vector<16xf32>,
          %get3A_271 = arith.index_cast %add3A_249 : i32 to index
          %get3A_272 = arith.constant 16 : index
          %get3A_273 = tpu.vector_load %arg15[%get3A_271, %get3A_272] {strides = array<i32>} : memref<80x64xi32, #tpu.memory_space<vmem>>, vector<16xi32>,
          %shift_left3A_274 = arith.shli %get3A_273, %broadcast_in_dim3A_25 : vector<16xi32>
          %bitcast3A_275 = vector.bitcast %shift_left3A_274 : vector<16xi32> to vector<16xf32>
          %and3A_276 = arith.andi %get3A_273, %broadcast_in_dim3A_27 : vector<16xi32>
          %bitcast3A_277 = vector.bitcast %and3A_276 : vector<16xi32> to vector<16xf32>
          %get3A_278 = arith.index_cast %add3A_249 : i32 to index
          %get3A_279 = arith.constant 32 : index
          %get3A_280 = tpu.vector_load %arg13[%get3A_278, %get3A_279] {strides = array<i32>} : memref<80x128xf32, #tpu.memory_space<vmem>>, vector<16xf32>,
          %mul3A_281 = arith.mulf %get3A_280, %bitcast3A_275 : vector<16xf32>
          %swap3A_282 = arith.index_cast %add3A_249 : i32 to index
          %swap3A_283 = arith.constant 32 : index
          %swap3A_284 = tpu.vector_load %arg13[%swap3A_282, %swap3A_283] {strides = array<i32>} : memref<80x128xf32, #tpu.memory_space<vmem>>, vector<16xf32>,
          tpu.vector_store %arg13[%swap3A_282, %swap3A_283], %mul3A_281 {strides = array<i32>} : memref<80x128xf32, #tpu.memory_space<vmem>>, vector<16xf32>,
          %get3A_285 = arith.index_cast %add3A_249 : i32 to index
          %get3A_286 = arith.constant 48 : index
          %get3A_287 = tpu.vector_load %arg13[%get3A_285, %get3A_286] {strides = array<i32>} : memref<80x128xf32, #tpu.memory_space<vmem>>, vector<16xf32>,
          %mul3A_288 = arith.mulf %get3A_287, %bitcast3A_277 : vector<16xf32>
          %swap3A_289 = arith.index_cast %add3A_249 : i32 to index
          %swap3A_290 = arith.constant 48 : index
          %swap3A_291 = tpu.vector_load %arg13[%swap3A_289, %swap3A_290] {strides = array<i32>} : memref<80x128xf32, #tpu.memory_space<vmem>>, vector<16xf32>,
          tpu.vector_store %arg13[%swap3A_289, %swap3A_290], %mul3A_288 {strides = array<i32>} : memref<80x128xf32, #tpu.memory_space<vmem>>, vector<16xf32>,
          %get3A_292 = arith.index_cast %add3A_249 : i32 to index
          %get3A_293 = arith.constant 32 : index
          %get3A_294 = tpu.vector_load %arg15[%get3A_292, %get3A_293] {strides = array<i32>} : memref<80x64xi32, #tpu.memory_space<vmem>>, vector<16xi32>,
          %shift_left3A_295 = arith.shli %get3A_294, %broadcast_in_dim3A_25 : vector<16xi32>
          %bitcast3A_296 = vector.bitcast %shift_left3A_295 : vector<16xi32> to vector<16xf32>
          %and3A_297 = arith.andi %get3A_294, %broadcast_in_dim3A_27 : vector<16xi32>
          %bitcast3A_298 = vector.bitcast %and3A_297 : vector<16xi32> to vector<16xf32>
          %get3A_299 = arith.index_cast %add3A_249 : i32 to index
          %get3A_300 = arith.constant 64 : index
          %get3A_301 = tpu.vector_load %arg13[%get3A_299, %get3A_300] {strides = array<i32>} : memref<80x128xf32, #tpu.memory_space<vmem>>, vector<16xf32>,
          %mul3A_302 = arith.mulf %get3A_301, %bitcast3A_296 : vector<16xf32>
          %swap3A_303 = arith.index_cast %add3A_249 : i32 to index
          %swap3A_304 = arith.constant 64 : index
          %swap3A_305 = tpu.vector_load %arg13[%swap3A_303, %swap3A_304] {strides = array<i32>} : memref<80x128xf32, #tpu.memory_space<vmem>>, vector<16xf32>,
          tpu.vector_store %arg13[%swap3A_303, %swap3A_304], %mul3A_302 {strides = array<i32>} : memref<80x128xf32, #tpu.memory_space<vmem>>, vector<16xf32>,
          %get3A_306 = arith.index_cast %add3A_249 : i32 to index
          %get3A_307 = arith.constant 80 : index
          %get3A_308 = tpu.vector_load %arg13[%get3A_306, %get3A_307] {strides = array<i32>} : memref<80x128xf32, #tpu.memory_space<vmem>>, vector<16xf32>,
          %mul3A_309 = arith.mulf %get3A_308, %bitcast3A_298 : vector<16xf32>
          %swap3A_310 = arith.index_cast %add3A_249 : i32 to index
          %swap3A_311 = arith.constant 80 : index
          %swap3A_312 = tpu.vector_load %arg13[%swap3A_310, %swap3A_311] {strides = array<i32>} : memref<80x128xf32, #tpu.memory_space<vmem>>, vector<16xf32>,
          tpu.vector_store %arg13[%swap3A_310, %swap3A_311], %mul3A_309 {strides = array<i32>} : memref<80x128xf32, #tpu.memory_space<vmem>>, vector<16xf32>,
          %get3A_313 = arith.index_cast %add3A_249 : i32 to index
          %get3A_314 = arith.constant 48 : index
          %get3A_315 = tpu.vector_load %arg15[%get3A_313, %get3A_314] {strides = array<i32>} : memref<80x64xi32, #tpu.memory_space<vmem>>, vector<16xi32>,
          %shift_left3A_316 = arith.shli %get3A_315, %broadcast_in_dim3A_25 : vector<16xi32>
          %bitcast3A_317 = vector.bitcast %shift_left3A_316 : vector<16xi32> to vector<16xf32>
          %and3A_318 = arith.andi %get3A_315, %broadcast_in_dim3A_27 : vector<16xi32>
          %bitcast3A_319 = vector.bitcast %and3A_318 : vector<16xi32> to vector<16xf32>
          %get3A_320 = arith.index_cast %add3A_249 : i32 to index
          %get3A_321 = arith.constant 96 : index
          %get3A_322 = tpu.vector_load %arg13[%get3A_320, %get3A_321] {strides = array<i32>} : memref<80x128xf32, #tpu.memory_space<vmem>>, vector<16xf32>,
          %mul3A_323 = arith.mulf %get3A_322, %bitcast3A_317 : vector<16xf32>
          %swap3A_324 = arith.index_cast %add3A_249 : i32 to index
          %swap3A_325 = arith.constant 96 : index
          %swap3A_326 = tpu.vector_load %arg13[%swap3A_324, %swap3A_325] {strides = array<i32>} : memref<80x128xf32, #tpu.memory_space<vmem>>, vector<16xf32>,
          tpu.vector_store %arg13[%swap3A_324, %swap3A_325], %mul3A_323 {strides = array<i32>} : memref<80x128xf32, #tpu.memory_space<vmem>>, vector<16xf32>,
          %get3A_327 = arith.index_cast %add3A_249 : i32 to index
          %get3A_328 = arith.constant 112 : index
          %get3A_329 = tpu.vector_load %arg13[%get3A_327, %get3A_328] {strides = array<i32>} : memref<80x128xf32, #tpu.memory_space<vmem>>, vector<16xf32>,
          %mul3A_330 = arith.mulf %get3A_329, %bitcast3A_319 : vector<16xf32>
          %swap3A_331 = arith.index_cast %add3A_249 : i32 to index
          %swap3A_332 = arith.constant 112 : index
          %swap3A_333 = tpu.vector_load %arg13[%swap3A_331, %swap3A_332] {strides = array<i32>} : memref<80x128xf32, #tpu.memory_space<vmem>>, vector<16xf32>,
          tpu.vector_store %arg13[%swap3A_331, %swap3A_332], %mul3A_330 {strides = array<i32>} : memref<80x128xf32, #tpu.memory_space<vmem>>, vector<16xf32>,
          %mul3A_334 = arith.constant 4 : i32
          %mul3A_335 = arith.muli %scan3A_158, %mul3A_334 : i32
          %add3A_336 = arith.constant 2 : i32
          %add3A_337 = arith.addi %mul3A_335, %add3A_336 : i32
          %get3A_338 = arith.index_cast %add3A_337 : i32 to index
          %get3A_339 = arith.constant 0 : index
          %get3A_340 = tpu.vector_load %arg15[%get3A_338, %get3A_339] {strides = array<i32>} : memref<80x64xi32, #tpu.memory_space<vmem>>, vector<16xi32>,
          %shift_left3A_341 = arith.shli %get3A_340, %broadcast_in_dim3A_25 : vector<16xi32>
          %bitcast3A_342 = vector.bitcast %shift_left3A_341 : vector<16xi32> to vector<16xf32>
          %and3A_343 = arith.andi %get3A_340, %broadcast_in_dim3A_27 : vector<16xi32>
          %bitcast3A_344 = vector.bitcast %and3A_343 : vector<16xi32> to vector<16xf32>
          %get3A_345 = arith.index_cast %add3A_337 : i32 to index
          %get3A_346 = arith.constant 0 : index
          %get3A_347 = tpu.vector_load %arg13[%get3A_345, %get3A_346] {strides = array<i32>} : memref<80x128xf32, #tpu.memory_space<vmem>>, vector<16xf32>,
          %mul3A_348 = arith.mulf %get3A_347, %bitcast3A_342 : vector<16xf32>
          %swap3A_349 = arith.index_cast %add3A_337 : i32 to index
          %swap3A_350 = arith.constant 0 : index
          %swap3A_351 = tpu.vector_load %arg13[%swap3A_349, %swap3A_350] {strides = array<i32>} : memref<80x128xf32, #tpu.memory_space<vmem>>, vector<16xf32>,
          tpu.vector_store %arg13[%swap3A_349, %swap3A_350], %mul3A_348 {strides = array<i32>} : memref<80x128xf32, #tpu.memory_space<vmem>>, vector<16xf32>,
          %get3A_352 = arith.index_cast %add3A_337 : i32 to index
          %get3A_353 = arith.constant 16 : index
          %get3A_354 = tpu.vector_load %arg13[%get3A_352, %get3A_353] {strides = array<i32>} : memref<80x128xf32, #tpu.memory_space<vmem>>, vector<16xf32>,
          %mul3A_355 = arith.mulf %get3A_354, %bitcast3A_344 : vector<16xf32>
          %swap3A_356 = arith.index_cast %add3A_337 : i32 to index
          %swap3A_357 = arith.constant 16 : index
          %swap3A_358 = tpu.vector_load %arg13[%swap3A_356, %swap3A_357] {strides = array<i32>} : memref<80x128xf32, #tpu.memory_space<vmem>>, vector<16xf32>,
          tpu.vector_store %arg13[%swap3A_356, %swap3A_357], %mul3A_355 {strides = array<i32>} : memref<80x128xf32, #tpu.memory_space<vmem>>, vector<16xf32>,
          %get3A_359 = arith.index_cast %add3A_337 : i32 to index
          %get3A_360 = arith.constant 16 : index
          %get3A_361 = tpu.vector_load %arg15[%get3A_359, %get3A_360] {strides = array<i32>} : memref<80x64xi32, #tpu.memory_space<vmem>>, vector<16xi32>,
          %shift_left3A_362 = arith.shli %get3A_361, %broadcast_in_dim3A_25 : vector<16xi32>
          %bitcast3A_363 = vector.bitcast %shift_left3A_362 : vector<16xi32> to vector<16xf32>
          %and3A_364 = arith.andi %get3A_361, %broadcast_in_dim3A_27 : vector<16xi32>
          %bitcast3A_365 = vector.bitcast %and3A_364 : vector<16xi32> to vector<16xf32>
          %get3A_366 = arith.index_cast %add3A_337 : i32 to index
          %get3A_367 = arith.constant 32 : index
          %get3A_368 = tpu.vector_load %arg13[%get3A_366, %get3A_367] {strides = array<i32>} : memref<80x128xf32, #tpu.memory_space<vmem>>, vector<16xf32>,
          %mul3A_369 = arith.mulf %get3A_368, %bitcast3A_363 : vector<16xf32>
          %swap3A_370 = arith.index_cast %add3A_337 : i32 to index
          %swap3A_371 = arith.constant 32 : index
          %swap3A_372 = tpu.vector_load %arg13[%swap3A_370, %swap3A_371] {strides = array<i32>} : memref<80x128xf32, #tpu.memory_space<vmem>>, vector<16xf32>,
          tpu.vector_store %arg13[%swap3A_370, %swap3A_371], %mul3A_369 {strides = array<i32>} : memref<80x128xf32, #tpu.memory_space<vmem>>, vector<16xf32>,
          %get3A_373 = arith.index_cast %add3A_337 : i32 to index
          %get3A_374 = arith.constant 48 : index
          %get3A_375 = tpu.vector_load %arg13[%get3A_373, %get3A_374] {strides = array<i32>} : memref<80x128xf32, #tpu.memory_space<vmem>>, vector<16xf32>,
          %mul3A_376 = arith.mulf %get3A_375, %bitcast3A_365 : vector<16xf32>
          %swap3A_377 = arith.index_cast %add3A_337 : i32 to index
          %swap3A_378 = arith.constant 48 : index
          %swap3A_379 = tpu.vector_load %arg13[%swap3A_377, %swap3A_378] {strides = array<i32>} : memref<80x128xf32, #tpu.memory_space<vmem>>, vector<16xf32>,
          tpu.vector_store %arg13[%swap3A_377, %swap3A_378], %mul3A_376 {strides = array<i32>} : memref<80x128xf32, #tpu.memory_space<vmem>>, vector<16xf32>,
          %get3A_380 = arith.index_cast %add3A_337 : i32 to index
          %get3A_381 = arith.constant 32 : index
          %get3A_382 = tpu.vector_load %arg15[%get3A_380, %get3A_381] {strides = array<i32>} : memref<80x64xi32, #tpu.memory_space<vmem>>, vector<16xi32>,
          %shift_left3A_383 = arith.shli %get3A_382, %broadcast_in_dim3A_25 : vector<16xi32>
          %bitcast3A_384 = vector.bitcast %shift_left3A_383 : vector<16xi32> to vector<16xf32>
          %and3A_385 = arith.andi %get3A_382, %broadcast_in_dim3A_27 : vector<16xi32>
          %bitcast3A_386 = vector.bitcast %and3A_385 : vector<16xi32> to vector<16xf32>
          %get3A_387 = arith.index_cast %add3A_337 : i32 to index
          %get3A_388 = arith.constant 64 : index
          %get3A_389 = tpu.vector_load %arg13[%get3A_387, %get3A_388] {strides = array<i32>} : memref<80x128xf32, #tpu.memory_space<vmem>>, vector<16xf32>,
          %mul3A_390 = arith.mulf %get3A_389, %bitcast3A_384 : vector<16xf32>
          %swap3A_391 = arith.index_cast %add3A_337 : i32 to index
          %swap3A_392 = arith.constant 64 : index
          %swap3A_393 = tpu.vector_load %arg13[%swap3A_391, %swap3A_392] {strides = array<i32>} : memref<80x128xf32, #tpu.memory_space<vmem>>, vector<16xf32>,
          tpu.vector_store %arg13[%swap3A_391, %swap3A_392], %mul3A_390 {strides = array<i32>} : memref<80x128xf32, #tpu.memory_space<vmem>>, vector<16xf32>,
          %get3A_394 = arith.index_cast %add3A_337 : i32 to index
          %get3A_395 = arith.constant 80 : index
          %get3A_396 = tpu.vector_load %arg13[%get3A_394, %get3A_395] {strides = array<i32>} : memref<80x128xf32, #tpu.memory_space<vmem>>, vector<16xf32>,
          %mul3A_397 = arith.mulf %get3A_396, %bitcast3A_386 : vector<16xf32>
          %swap3A_398 = arith.index_cast %add3A_337 : i32 to index
          %swap3A_399 = arith.constant 80 : index
          %swap3A_400 = tpu.vector_load %arg13[%swap3A_398, %swap3A_399] {strides = array<i32>} : memref<80x128xf32, #tpu.memory_space<vmem>>, vector<16xf32>,
          tpu.vector_store %arg13[%swap3A_398, %swap3A_399], %mul3A_397 {strides = array<i32>} : memref<80x128xf32, #tpu.memory_space<vmem>>, vector<16xf32>,
          %get3A_401 = arith.index_cast %add3A_337 : i32 to index
          %get3A_402 = arith.constant 48 : index
          %get3A_403 = tpu.vector_load %arg15[%get3A_401, %get3A_402] {strides = array<i32>} : memref<80x64xi32, #tpu.memory_space<vmem>>, vector<16xi32>,
          %shift_left3A_404 = arith.shli %get3A_403, %broadcast_in_dim3A_25 : vector<16xi32>
          %bitcast3A_405 = vector.bitcast %shift_left3A_404 : vector<16xi32> to vector<16xf32>
          %and3A_406 = arith.andi %get3A_403, %broadcast_in_dim3A_27 : vector<16xi32>
          %bitcast3A_407 = vector.bitcast %and3A_406 : vector<16xi32> to vector<16xf32>
          %get3A_408 = arith.index_cast %add3A_337 : i32 to index
          %get3A_409 = arith.constant 96 : index
          %get3A_410 = tpu.vector_load %arg13[%get3A_408, %get3A_409] {strides = array<i32>} : memref<80x128xf32, #tpu.memory_space<vmem>>, vector<16xf32>,
          %mul3A_411 = arith.mulf %get3A_410, %bitcast3A_405 : vector<16xf32>
          %swap3A_412 = arith.index_cast %add3A_337 : i32 to index
          %swap3A_413 = arith.constant 96 : index
          %swap3A_414 = tpu.vector_load %arg13[%swap3A_412, %swap3A_413] {strides = array<i32>} : memref<80x128xf32, #tpu.memory_space<vmem>>, vector<16xf32>,
          tpu.vector_store %arg13[%swap3A_412, %swap3A_413], %mul3A_411 {strides = array<i32>} : memref<80x128xf32, #tpu.memory_space<vmem>>, vector<16xf32>,
          %get3A_415 = arith.index_cast %add3A_337 : i32 to index
          %get3A_416 = arith.constant 112 : index
          %get3A_417 = tpu.vector_load %arg13[%get3A_415, %get3A_416] {strides = array<i32>} : memref<80x128xf32, #tpu.memory_space<vmem>>, vector<16xf32>,
          %mul3A_418 = arith.mulf %get3A_417, %bitcast3A_407 : vector<16xf32>
          %swap3A_419 = arith.index_cast %add3A_337 : i32 to index
          %swap3A_420 = arith.constant 112 : index
          %swap3A_421 = tpu.vector_load %arg13[%swap3A_419, %swap3A_420] {strides = array<i32>} : memref<80x128xf32, #tpu.memory_space<vmem>>, vector<16xf32>,
          tpu.vector_store %arg13[%swap3A_419, %swap3A_420], %mul3A_418 {strides = array<i32>} : memref<80x128xf32, #tpu.memory_space<vmem>>, vector<16xf32>,
          %mul3A_422 = arith.constant 4 : i32
          %mul3A_423 = arith.muli %scan3A_158, %mul3A_422 : i32
          %add3A_424 = arith.constant 3 : i32
          %add3A_425 = arith.addi %mul3A_423, %add3A_424 : i32
          %get3A_426 = arith.index_cast %add3A_425 : i32 to index
          %get3A_427 = arith.constant 0 : index
          %get3A_428 = tpu.vector_load %arg15[%get3A_426, %get3A_427] {strides = array<i32>} : memref<80x64xi32, #tpu.memory_space<vmem>>, vector<16xi32>,
          %shift_left3A_429 = arith.shli %get3A_428, %broadcast_in_dim3A_25 : vector<16xi32>
          %bitcast3A_430 = vector.bitcast %shift_left3A_429 : vector<16xi32> to vector<16xf32>
          %and3A_431 = arith.andi %get3A_428, %broadcast_in_dim3A_27 : vector<16xi32>
          %bitcast3A_432 = vector.bitcast %and3A_431 : vector<16xi32> to vector<16xf32>
          %get3A_433 = arith.index_cast %add3A_425 : i32 to index
          %get3A_434 = arith.constant 0 : index
          %get3A_435 = tpu.vector_load %arg13[%get3A_433, %get3A_434] {strides = array<i32>} : memref<80x128xf32, #tpu.memory_space<vmem>>, vector<16xf32>,
          %mul3A_436 = arith.mulf %get3A_435, %bitcast3A_430 : vector<16xf32>
          %swap3A_437 = arith.index_cast %add3A_425 : i32 to index
          %swap3A_438 = arith.constant 0 : index
          %swap3A_439 = tpu.vector_load %arg13[%swap3A_437, %swap3A_438] {strides = array<i32>} : memref<80x128xf32, #tpu.memory_space<vmem>>, vector<16xf32>,
          tpu.vector_store %arg13[%swap3A_437, %swap3A_438], %mul3A_436 {strides = array<i32>} : memref<80x128xf32, #tpu.memory_space<vmem>>, vector<16xf32>,
          %get3A_440 = arith.index_cast %add3A_425 : i32 to index
          %get3A_441 = arith.constant 16 : index
          %get3A_442 = tpu.vector_load %arg13[%get3A_440, %get3A_441] {strides = array<i32>} : memref<80x128xf32, #tpu.memory_space<vmem>>, vector<16xf32>,
          %mul3A_443 = arith.mulf %get3A_442, %bitcast3A_432 : vector<16xf32>
          %swap3A_444 = arith.index_cast %add3A_425 : i32 to index
          %swap3A_445 = arith.constant 16 : index
          %swap3A_446 = tpu.vector_load %arg13[%swap3A_444, %swap3A_445] {strides = array<i32>} : memref<80x128xf32, #tpu.memory_space<vmem>>, vector<16xf32>,
          tpu.vector_store %arg13[%swap3A_444, %swap3A_445], %mul3A_443 {strides = array<i32>} : memref<80x128xf32, #tpu.memory_space<vmem>>, vector<16xf32>,
          %get3A_447 = arith.index_cast %add3A_425 : i32 to index
          %get3A_448 = arith.constant 16 : index
          %get3A_449 = tpu.vector_load %arg15[%get3A_447, %get3A_448] {strides = array<i32>} : memref<80x64xi32, #tpu.memory_space<vmem>>, vector<16xi32>,
          %shift_left3A_450 = arith.shli %get3A_449, %broadcast_in_dim3A_25 : vector<16xi32>
          %bitcast3A_451 = vector.bitcast %shift_left3A_450 : vector<16xi32> to vector<16xf32>
          %and3A_452 = arith.andi %get3A_449, %broadcast_in_dim3A_27 : vector<16xi32>
          %bitcast3A_453 = vector.bitcast %and3A_452 : vector<16xi32> to vector<16xf32>
          %get3A_454 = arith.index_cast %add3A_425 : i32 to index
          %get3A_455 = arith.constant 32 : index
          %get3A_456 = tpu.vector_load %arg13[%get3A_454, %get3A_455] {strides = array<i32>} : memref<80x128xf32, #tpu.memory_space<vmem>>, vector<16xf32>,
          %mul3A_457 = arith.mulf %get3A_456, %bitcast3A_451 : vector<16xf32>
          %swap3A_458 = arith.index_cast %add3A_425 : i32 to index
          %swap3A_459 = arith.constant 32 : index
          %swap3A_460 = tpu.vector_load %arg13[%swap3A_458, %swap3A_459] {strides = array<i32>} : memref<80x128xf32, #tpu.memory_space<vmem>>, vector<16xf32>,
          tpu.vector_store %arg13[%swap3A_458, %swap3A_459], %mul3A_457 {strides = array<i32>} : memref<80x128xf32, #tpu.memory_space<vmem>>, vector<16xf32>,
          %get3A_461 = arith.index_cast %add3A_425 : i32 to index
          %get3A_462 = arith.constant 48 : index
          %get3A_463 = tpu.vector_load %arg13[%get3A_461, %get3A_462] {strides = array<i32>} : memref<80x128xf32, #tpu.memory_space<vmem>>, vector<16xf32>,
          %mul3A_464 = arith.mulf %get3A_463, %bitcast3A_453 : vector<16xf32>
          %swap3A_465 = arith.index_cast %add3A_425 : i32 to index
          %swap3A_466 = arith.constant 48 : index
          %swap3A_467 = tpu.vector_load %arg13[%swap3A_465, %swap3A_466] {strides = array<i32>} : memref<80x128xf32, #tpu.memory_space<vmem>>, vector<16xf32>,
          tpu.vector_store %arg13[%swap3A_465, %swap3A_466], %mul3A_464 {strides = array<i32>} : memref<80x128xf32, #tpu.memory_space<vmem>>, vector<16xf32>,
          %get3A_468 = arith.index_cast %add3A_425 : i32 to index
          %get3A_469 = arith.constant 32 : index
          %get3A_470 = tpu.vector_load %arg15[%get3A_468, %get3A_469] {strides = array<i32>} : memref<80x64xi32, #tpu.memory_space<vmem>>, vector<16xi32>,
          %shift_left3A_471 = arith.shli %get3A_470, %broadcast_in_dim3A_25 : vector<16xi32>
          %bitcast3A_472 = vector.bitcast %shift_left3A_471 : vector<16xi32> to vector<16xf32>
          %and3A_473 = arith.andi %get3A_470, %broadcast_in_dim3A_27 : vector<16xi32>
          %bitcast3A_474 = vector.bitcast %and3A_473 : vector<16xi32> to vector<16xf32>
          %get3A_475 = arith.index_cast %add3A_425 : i32 to index
          %get3A_476 = arith.constant 64 : index
          %get3A_477 = tpu.vector_load %arg13[%get3A_475, %get3A_476] {strides = array<i32>} : memref<80x128xf32, #tpu.memory_space<vmem>>, vector<16xf32>,
          %mul3A_478 = arith.mulf %get3A_477, %bitcast3A_472 : vector<16xf32>
          %swap3A_479 = arith.index_cast %add3A_425 : i32 to index
          %swap3A_480 = arith.constant 64 : index
          %swap3A_481 = tpu.vector_load %arg13[%swap3A_479, %swap3A_480] {strides = array<i32>} : memref<80x128xf32, #tpu.memory_space<vmem>>, vector<16xf32>,
          tpu.vector_store %arg13[%swap3A_479, %swap3A_480], %mul3A_478 {strides = array<i32>} : memref<80x128xf32, #tpu.memory_space<vmem>>, vector<16xf32>,
          %get3A_482 = arith.index_cast %add3A_425 : i32 to index
          %get3A_483 = arith.constant 80 : index
          %get3A_484 = tpu.vector_load %arg13[%get3A_482, %get3A_483] {strides = array<i32>} : memref<80x128xf32, #tpu.memory_space<vmem>>, vector<16xf32>,
          %mul3A_485 = arith.mulf %get3A_484, %bitcast3A_474 : vector<16xf32>
          %swap3A_486 = arith.index_cast %add3A_425 : i32 to index
          %swap3A_487 = arith.constant 80 : index
          %swap3A_488 = tpu.vector_load %arg13[%swap3A_486, %swap3A_487] {strides = array<i32>} : memref<80x128xf32, #tpu.memory_space<vmem>>, vector<16xf32>,
          tpu.vector_store %arg13[%swap3A_486, %swap3A_487], %mul3A_485 {strides = array<i32>} : memref<80x128xf32, #tpu.memory_space<vmem>>, vector<16xf32>,
          %get3A_489 = arith.index_cast %add3A_425 : i32 to index
          %get3A_490 = arith.constant 48 : index
          %get3A_491 = tpu.vector_load %arg15[%get3A_489, %get3A_490] {strides = array<i32>} : memref<80x64xi32, #tpu.memory_space<vmem>>, vector<16xi32>,
          %shift_left3A_492 = arith.shli %get3A_491, %broadcast_in_dim3A_25 : vector<16xi32>
          %bitcast3A_493 = vector.bitcast %shift_left3A_492 : vector<16xi32> to vector<16xf32>
          %and3A_494 = arith.andi %get3A_491, %broadcast_in_dim3A_27 : vector<16xi32>
          %bitcast3A_495 = vector.bitcast %and3A_494 : vector<16xi32> to vector<16xf32>
          %get3A_496 = arith.index_cast %add3A_425 : i32 to index
          %get3A_497 = arith.constant 96 : index
          %get3A_498 = tpu.vector_load %arg13[%get3A_496, %get3A_497] {strides = array<i32>} : memref<80x128xf32, #tpu.memory_space<vmem>>, vector<16xf32>,
          %mul3A_499 = arith.mulf %get3A_498, %bitcast3A_493 : vector<16xf32>
          %swap3A_500 = arith.index_cast %add3A_425 : i32 to index
          %swap3A_501 = arith.constant 96 : index
          %swap3A_502 = tpu.vector_load %arg13[%swap3A_500, %swap3A_501] {strides = array<i32>} : memref<80x128xf32, #tpu.memory_space<vmem>>, vector<16xf32>,
          tpu.vector_store %arg13[%swap3A_500, %swap3A_501], %mul3A_499 {strides = array<i32>} : memref<80x128xf32, #tpu.memory_space<vmem>>, vector<16xf32>,
          %get3A_503 = arith.index_cast %add3A_425 : i32 to index
          %get3A_504 = arith.constant 112 : index
          %get3A_505 = tpu.vector_load %arg13[%get3A_503, %get3A_504] {strides = array<i32>} : memref<80x128xf32, #tpu.memory_space<vmem>>, vector<16xf32>,
          %mul3A_506 = arith.mulf %get3A_505, %bitcast3A_495 : vector<16xf32>
          %swap3A_507 = arith.index_cast %add3A_425 : i32 to index
          %swap3A_508 = arith.constant 112 : index
          %swap3A_509 = tpu.vector_load %arg13[%swap3A_507, %swap3A_508] {strides = array<i32>} : memref<80x128xf32, #tpu.memory_space<vmem>>, vector<16xf32>,
          tpu.vector_store %arg13[%swap3A_507, %swap3A_508], %mul3A_506 {strides = array<i32>} : memref<80x128xf32, #tpu.memory_space<vmem>>, vector<16xf32>,
          %scan3A_510 = arith.constant 0 : i32
          scf.yield %scan3A_510 : i32
        }
        %scan3A_154 = arith.constant 20 : i32
        %dma_start3A_155 = arith.constant 0 : i32
        %dma_start3A_156 = arith.constant 0 : i32
        %dma_start3A_157 = tpu.memref_slice %arg16[%dma_start3A_155, %dma_start3A_156] : memref<10000x128xf32, #tpu.memory_space<vmem_shared>> -> memref<10000x128xf32, #tpu.memory_space<vmem_shared>>
        tpu.enqueue_indirect_dma source(%arg13 : memref<80x128xf32, #tpu.memory_space<vmem>>) target(%dma_start3A_157 : memref<10000x128xf32, #tpu.memory_space<vmem_shared>>) offsets(%arg11 : memref<80xi32, #tpu.memory_space<vmem>>) semaphore(%arg22 : memref<!tpu.dma_semaphore, #tpu.memory_space<semaphore_mem>>) {add = true}
      } else {
      }
      %scan3A_122 = arith.constant 0 : i32
      scf.yield %scan3A_122 : i32
    }
    %scan3A_87 = arith.constant 63 : i32
    %dma_wait3A_88 = arith.constant 0 : i32
    %dma_wait3A_89 = arith.constant 0 : i32
    %dma_wait3A_90 = tpu.memref_slice %arg16[%dma_wait3A_88, %dma_wait3A_89] : memref<10000x128xf32, #tpu.memory_space<vmem_shared>> -> memref<10000x128xf32, #tpu.memory_space<vmem_shared>>
    tpu.wait_indirect_dma semaphore(%arg21 : memref<!tpu.dma_semaphore, #tpu.memory_space<semaphore_mem>>) src(%arg12 : memref<80x128xf32, #tpu.memory_space<vmem>>) dst(%dma_wait3A_90 : memref<10000x128xf32, #tpu.memory_space<vmem_shared>>)
    %barrier3A_91 = arith.constant 0 : index
    tpu.barrier barrier_id(%barrier3A_91)
    %lt3A_92 = arith.constant 15 : i32
    %lt3A_93 = arith.cmpi slt, %arg1, %lt3A_92 : i32
    %convert_element_type3A_94 = arith.extui %lt3A_93 : i1 to i32
    %cond3A_95 = arith.constant 0 : i32
    %cond3A_96 = arith.cmpi ne, %convert_element_type3A_94, %cond3A_95 : i32
    scf.if %cond3A_96 {
      "tpu.region"() ({
        %run_scoped3A = tpu.sem_alloc : memref<!tpu.dma_semaphore, #tpu.memory_space<semaphore_mem>>
        %dma_start3A_102 = arith.constant 0 : i32
        %dma_start3A_103 = tpu.memref_slice %arg5[%arg0, %mul3A_2, %dma_start3A_102] : memref<2x10000x128xf32, #tpu.memory_space<hbm>> -> memref<1x640x128xf32, #tpu.memory_space<hbm>>
        %dma_start3A_104 = tpu.memref_squeeze %dma_start3A_103 : memref<1x640x128xf32, #tpu.memory_space<hbm>> -> memref<640x128xf32, #tpu.memory_space<hbm>>
        %dma_start3A_105 = arith.constant 0 : i32
        %dma_start3A_106 = tpu.memref_slice %arg16[%mul3A_2, %dma_start3A_105] : memref<10000x128xf32, #tpu.memory_space<vmem_shared>> -> memref<640x128xf32, #tpu.memory_space<vmem_shared>>
        tpu.enqueue_dma source(%dma_start3A_106 : memref<640x128xf32, #tpu.memory_space<vmem_shared>>) target(%dma_start3A_104 : memref<640x128xf32, #tpu.memory_space<hbm>>) target_semaphore(%run_scoped3A : memref<!tpu.dma_semaphore, #tpu.memory_space<semaphore_mem>>)
        %dma_wait3A_107 = arith.constant 0 : i32
        %dma_wait3A_108 = tpu.memref_slice %arg5[%arg0, %mul3A_2, %dma_wait3A_107] : memref<2x10000x128xf32, #tpu.memory_space<hbm>> -> memref<1x640x128xf32, #tpu.memory_space<hbm>>
        %dma_wait3A_109 = tpu.memref_squeeze %dma_wait3A_108 : memref<1x640x128xf32, #tpu.memory_space<hbm>> -> memref<640x128xf32, #tpu.memory_space<hbm>>
        %dma_wait3A_110 = arith.constant 0 : i32
        %dma_wait3A_111 = tpu.memref_slice %arg16[%mul3A_2, %dma_wait3A_110] : memref<10000x128xf32, #tpu.memory_space<vmem_shared>> -> memref<640x128xf32, #tpu.memory_space<vmem_shared>>
        tpu.wait_dma2 semaphore(%run_scoped3A : memref<!tpu.dma_semaphore, #tpu.memory_space<semaphore_mem>>) src(%dma_wait3A_111 : memref<640x128xf32, #tpu.memory_space<vmem_shared>>) dst(%dma_wait3A_109 : memref<640x128xf32, #tpu.memory_space<hbm>>)
        tpu.yield
      }) : () -> ()
    } else {
    }
    %eq3A_97 = arith.constant 15 : i32
    %eq3A_98 = arith.cmpi eq, %arg1, %eq3A_97 : i32
    %convert_element_type3A_99 = arith.extui %eq3A_98 : i1 to i32
    %cond3A_100 = arith.constant 0 : i32
    %cond3A_101 = arith.cmpi ne, %convert_element_type3A_99, %cond3A_100 : i32
    scf.if %cond3A_101 {
      "tpu.region"() ({
        %run_scoped3A = tpu.sem_alloc : memref<!tpu.dma_semaphore, #tpu.memory_space<semaphore_mem>>
        %dma_start3A_102 = arith.constant 0 : i32
        %dma_start3A_103 = tpu.memref_slice %arg5[%arg0, %mul3A_2, %dma_start3A_102] : memref<2x10000x128xf32, #tpu.memory_space<hbm>> -> memref<1x400x128xf32, #tpu.memory_space<hbm>>
        %dma_start3A_104 = tpu.memref_squeeze %dma_start3A_103 : memref<1x400x128xf32, #tpu.memory_space<hbm>> -> memref<400x128xf32, #tpu.memory_space<hbm>>
        %dma_start3A_105 = arith.constant 0 : i32
        %dma_start3A_106 = tpu.memref_slice %arg16[%mul3A_2, %dma_start3A_105] : memref<10000x128xf32, #tpu.memory_space<vmem_shared>> -> memref<400x128xf32, #tpu.memory_space<vmem_shared>>
        tpu.enqueue_dma source(%dma_start3A_106 : memref<400x128xf32, #tpu.memory_space<vmem_shared>>) target(%dma_start3A_104 : memref<400x128xf32, #tpu.memory_space<hbm>>) target_semaphore(%run_scoped3A : memref<!tpu.dma_semaphore, #tpu.memory_space<semaphore_mem>>)
        %dma_wait3A_107 = arith.constant 0 : i32
        %dma_wait3A_108 = tpu.memref_slice %arg5[%arg0, %mul3A_2, %dma_wait3A_107] : memref<2x10000x128xf32, #tpu.memory_space<hbm>> -> memref<1x400x128xf32, #tpu.memory_space<hbm>>
        %dma_wait3A_109 = tpu.memref_squeeze %dma_wait3A_108 : memref<1x400x128xf32, #tpu.memory_space<hbm>> -> memref<400x128xf32, #tpu.memory_space<hbm>>
        %dma_wait3A_110 = arith.constant 0 : i32
        %dma_wait3A_111 = tpu.memref_slice %arg16[%mul3A_2, %dma_wait3A_110] : memref<10000x128xf32, #tpu.memory_space<vmem_shared>> -> memref<400x128xf32, #tpu.memory_space<vmem_shared>>
        tpu.wait_dma2 semaphore(%run_scoped3A : memref<!tpu.dma_semaphore, #tpu.memory_space<semaphore_mem>>) src(%dma_wait3A_111 : memref<400x128xf32, #tpu.memory_space<vmem_shared>>) dst(%dma_wait3A_109 : memref<400x128xf32, #tpu.memory_space<hbm>>)
        tpu.yield
      }) : () -> ()
    } else {
    }
    return
  }
}

module attributes {stable_mosaic.version = 14 : i64} {
  func.func @_embed_tc_body(%arg0: i32, %arg1: memref<1000x1xi32, #tpu.memory_space<vmem>>, %arg2: memref<10x128xf32, #tpu.memory_space<vmem>>, %arg3: memref<1000x128xf32, #tpu.memory_space<vmem>>) attributes {dimension_semantics = [#tpu.dimension_semantics<arbitrary>], iteration_bounds = array<i64: 10>, scalar_prefetch = 0 : i64, scratch_operands = 0 : i64, tpu.core_type = #tpu.core_type<tc>, window_params = [{transform_indices = @transform_0, window_bounds = array<i64: 1000, 1>}, {pipeline_mode = #tpu.pipeline_mode<synchronous>, transform_indices = @transform_1, window_bounds = array<i64: 10, 128>}, {transform_indices = @transform_2, window_bounds = array<i64: 1000, 128>}]} {
    %get3A = arith.constant 0 : index
    %get3A_0 = arith.constant 0 : index
    %get3A_1 = vector.load %arg1[%get3A, %get3A_0] : memref<1000x1xi32, #tpu.memory_space<vmem>>, vector<1000x1xi32>
    %iota3A = tpu.iota {dimensions = array<i32: 1>} : vector<1000x10xi32>
    %eq3A = vector.broadcast %get3A_1 : vector<1000x1xi32> to vector<1000x10xi32>
    %eq3A_2 = arith.cmpi eq, %eq3A, %iota3A : vector<1000x10xi32>
    %convert_element_type3A = arith.extui %eq3A_2 : vector<1000x10xi1> to vector<1000x10xi32>
    %convert_element_type3A_3 = arith.sitofp %convert_element_type3A : vector<1000x10xi32> to vector<1000x10xf32>
    %get3A_4 = arith.constant 0 : index
    %get3A_5 = arith.constant 0 : index
    %get3A_6 = vector.load %arg2[%get3A_4, %get3A_5] : memref<10x128xf32, #tpu.memory_space<vmem>>, vector<10x128xf32>
    %dot_general3A = arith.constant dense<0.000000e+00> : vector<1000x128xf32>
    %dot_general3A_7 = tpu.matmul %convert_element_type3A_3, %get3A_6, %dot_general3A {dimension_numbers = #tpu.dot_dimension_numbers<[1], [0], [0], [1], [0, 0, 1, 1], [], []>, transpose_lhs_hint = false} : vector<1000x10xf32>, vector<10x128xf32>, vector<1000x128xf32> -> vector<1000x128xf32>
    %swap3A = arith.constant 0 : index
    %swap3A_8 = arith.constant 0 : index
    %swap3A_9 = vector.load %arg3[%swap3A, %swap3A_8] : memref<1000x128xf32, #tpu.memory_space<vmem>>, vector<1000x128xf32>
    tpu.vector_store %arg3[%swap3A, %swap3A_8], %dot_general3A_7 {strides = array<i32>} : memref<1000x128xf32, #tpu.memory_space<vmem>>, vector<1000x128xf32>,
    return
  }
  func.func @transform_0(%arg0: i32) -> (i32, i32) {
    %c0_i32 = arith.constant 0 : i32
    %c0_i32_0 = arith.constant 0 : i32
    return %arg0, %c0_i32 : i32, i32
  }
  func.func @transform_1(%arg0: i32) -> (i32, i32) {
    %c0_i32 = arith.constant 0 : i32
    %c0_i32_0 = arith.constant 0 : i32
    %c0_i32_1 = arith.constant 0 : i32
    return %c0_i32, %c0_i32_0 : i32, i32
  }
  func.func @transform_2(%arg0: i32) -> (i32, i32) {
    %c0_i32 = arith.constant 0 : i32
    %c0_i32_0 = arith.constant 0 : i32
    return %arg0, %c0_i32 : i32, i32
  }
}

module attributes {stable_mosaic.version = 14 : i64} {
  func.func @_edge_tc_body(%arg0: i32, %arg1: memref<3x3200xf32, #tpu.memory_space<vmem>>, %arg2: memref<8x64xf32, #tpu.memory_space<vmem>>, %arg3: memref<8x64xf32, #tpu.memory_space<vmem>>, %arg4: memref<3200x64xi32, #tpu.memory_space<vmem>>) attributes {dimension_semantics = [#tpu.dimension_semantics<arbitrary>], iteration_bounds = array<i64: 100>, scalar_prefetch = 0 : i64, scratch_operands = 0 : i64, tpu.core_type = #tpu.core_type<tc>, window_params = [{transform_indices = @transform_0, window_bounds = array<i64: 3, 3200>}, {pipeline_mode = #tpu.pipeline_mode<synchronous>, transform_indices = @transform_1, window_bounds = array<i64: 8, 64>}, {pipeline_mode = #tpu.pipeline_mode<synchronous>, transform_indices = @transform_2, window_bounds = array<i64: 8, 64>}, {transform_indices = @transform_3, window_bounds = array<i64: 3200, 64>}]} {
    %get3A = arith.constant 0 : index
    %get3A_0 = arith.constant 0 : index
    %get3A_1 = vector.load %arg1[%get3A, %get3A_0] : memref<3x3200xf32, #tpu.memory_space<vmem>>, vector<3x3200xf32>
    %mul3A = arith.mulf %get3A_1, %get3A_1 : vector<3x3200xf32>
    %reduce_sum3A = arith.constant dense<0.000000e+00> : vector<3200xf32>
    %reduce_sum3A_2 = vector.multi_reduction <add>, %mul3A, %reduce_sum3A [0] : vector<3x3200xf32> to vector<3200xf32>
    %broadcast_in_dim3A = vector.shape_cast %reduce_sum3A_2 : vector<3200xf32> to vector<1x3200xf32>
    %add3A = arith.constant 9.99999996E-13 : f32
    %add3A_3 = vector.broadcast %add3A : f32 to vector<1x3200xf32>
    %add3A_4 = arith.addf %broadcast_in_dim3A, %add3A_3 : vector<1x3200xf32>
    %sqrt3A = math.sqrt %add3A_4 : vector<1x3200xf32>
    %jit3A = arith.constant 9.99999997E-7 : f32
    %max3A = vector.broadcast %jit3A : f32 to vector<1x3200xf32>
    %max3A_5 = arith.maximumf %max3A, %sqrt3A : vector<1x3200xf32>
    %iota3A = tpu.iota {dimensions = array<i32: 0>} : vector<8x3200xi32>
    %add3A_6 = arith.constant 1 : i32
    %add3A_7 = vector.broadcast %add3A_6 : i32 to vector<8x3200xi32>
    %add3A_8 = arith.addi %iota3A, %add3A_7 : vector<8x3200xi32>
    %convert_element_type3A = arith.sitofp %add3A_8 : vector<8x3200xi32> to vector<8x3200xf32>
    %mul3A_9 = arith.constant 3.14159274 : f32
    %mul3A_10 = vector.broadcast %mul3A_9 : f32 to vector<8x3200xf32>
    %mul3A_11 = arith.mulf %convert_element_type3A, %mul3A_10 : vector<8x3200xf32>
    %mul3A_12 = vector.broadcast %max3A_5 : vector<1x3200xf32> to vector<8x3200xf32>
    %mul3A_13 = arith.mulf %mul3A_11, %mul3A_12 : vector<8x3200xf32>
    %sin3A = math.sin %mul3A_13 : vector<8x3200xf32>
    %sqrt3A_14 = arith.constant 2.000000e+00 : f32
    %sqrt3A_15 = math.sqrt %sqrt3A_14 : f32
    %mul3A_16 = vector.broadcast %sqrt3A_15 : f32 to vector<8x3200xf32>
    %mul3A_17 = arith.mulf %mul3A_16, %sin3A : vector<8x3200xf32>
    %div3A = vector.broadcast %max3A_5 : vector<1x3200xf32> to vector<8x3200xf32>
    %div3A_18 = arith.divf %mul3A_17, %div3A : vector<8x3200xf32>
    %div3A_19 = arith.constant 1.000000e+00 : f32
    %div3A_20 = vector.broadcast %div3A_19 : f32 to vector<1x3200xf32>
    %div3A_21 = arith.divf %sqrt3A, %div3A_20 : vector<1x3200xf32>
    %integer_pow3A = arith.mulf %div3A_21, %div3A_21 : vector<1x3200xf32>
    %integer_pow3A_22 = arith.mulf %integer_pow3A, %integer_pow3A : vector<1x3200xf32>
    %integer_pow3A_23 = arith.mulf %integer_pow3A, %integer_pow3A_22 : vector<1x3200xf32>
    %mul3A_24 = arith.constant 2.800000e+01 : f32
    %mul3A_25 = vector.broadcast %mul3A_24 : f32 to vector<1x3200xf32>
    %mul3A_26 = arith.mulf %mul3A_25, %integer_pow3A_23 : vector<1x3200xf32>
    %sub3A = arith.constant 1.000000e+00 : f32
    %sub3A_27 = vector.broadcast %sub3A : f32 to vector<1x3200xf32>
    %sub3A_28 = arith.subf %sub3A_27, %mul3A_26 : vector<1x3200xf32>
    %integer_pow3A_29 = arith.mulf %div3A_21, %div3A_21 : vector<1x3200xf32>
    %integer_pow3A_30 = arith.mulf %div3A_21, %integer_pow3A_29 : vector<1x3200xf32>
    %integer_pow3A_31 = arith.mulf %integer_pow3A_29, %integer_pow3A_29 : vector<1x3200xf32>
    %integer_pow3A_32 = arith.mulf %integer_pow3A_30, %integer_pow3A_31 : vector<1x3200xf32>
    %mul3A_33 = arith.constant 4.800000e+01 : f32
    %mul3A_34 = vector.broadcast %mul3A_33 : f32 to vector<1x3200xf32>
    %mul3A_35 = arith.mulf %mul3A_34, %integer_pow3A_32 : vector<1x3200xf32>
    %add3A_36 = arith.addf %sub3A_28, %mul3A_35 : vector<1x3200xf32>
    %integer_pow3A_37 = arith.mulf %div3A_21, %div3A_21 : vector<1x3200xf32>
    %integer_pow3A_38 = arith.mulf %integer_pow3A_37, %integer_pow3A_37 : vector<1x3200xf32>
    %integer_pow3A_39 = arith.mulf %integer_pow3A_38, %integer_pow3A_38 : vector<1x3200xf32>
    %mul3A_40 = arith.constant 2.100000e+01 : f32
    %mul3A_41 = vector.broadcast %mul3A_40 : f32 to vector<1x3200xf32>
    %mul3A_42 = arith.mulf %mul3A_41, %integer_pow3A_39 : vector<1x3200xf32>
    %sub3A_43 = arith.subf %add3A_36, %mul3A_42 : vector<1x3200xf32>
    %lt3A = arith.constant 1.000000e+00 : f32
    %lt3A_44 = vector.broadcast %lt3A : f32 to vector<1x3200xf32>
    %lt3A_45 = arith.cmpf olt, %div3A_21, %lt3A_44 : vector<1x3200xf32>
    %jit3A_46 = arith.constant 0.000000e+00 : f32
    %broadcast_in_dim3A_47 = vector.broadcast %jit3A_46 : f32 to vector<1x3200xf32>
    %select_n3A = arith.select %lt3A_45, %sub3A_43, %broadcast_in_dim3A_47 : vector<1x3200xi1>, vector<1x3200xf32>
    %mul3A_48 = vector.broadcast %select_n3A : vector<1x3200xf32> to vector<8x3200xf32>
    %mul3A_49 = arith.mulf %div3A_18, %mul3A_48 : vector<8x3200xf32>
    %get3A_50 = arith.constant 0 : index
    %get3A_51 = arith.constant 0 : index
    %get3A_52 = vector.load %arg2[%get3A_50, %get3A_51] : memref<8x64xf32, #tpu.memory_space<vmem>>, vector<8x64xf32>
    %dot_general3A = arith.constant dense<0.000000e+00> : vector<3200x64xf32>
    %dot_general3A_53 = tpu.matmul %mul3A_49, %get3A_52, %dot_general3A {dimension_numbers = #tpu.dot_dimension_numbers<[0], [0], [1], [1], [0, 1, 1, 1], [], []>, transpose_lhs_hint = false} : vector<8x3200xf32>, vector<8x64xf32>, vector<3200x64xf32> -> vector<3200x64xf32>
    %get3A_54 = arith.constant 0 : index
    %get3A_55 = arith.constant 0 : index
    %get3A_56 = vector.load %arg3[%get3A_54, %get3A_55] : memref<8x64xf32, #tpu.memory_space<vmem>>, vector<8x64xf32>
    %dot_general3A_57 = arith.constant dense<0.000000e+00> : vector<3200x64xf32>
    %dot_general3A_58 = tpu.matmul %mul3A_49, %get3A_56, %dot_general3A_57 {dimension_numbers = #tpu.dot_dimension_numbers<[0], [0], [1], [1], [0, 1, 1, 1], [], []>, transpose_lhs_hint = false} : vector<8x3200xf32>, vector<8x64xf32>, vector<3200x64xf32> -> vector<3200x64xf32>
    %convert_element_type3A_59 = arith.truncf %dot_general3A_53 : vector<3200x64xf32> to vector<3200x64xbf16>
    %bitcast_convert_type3A = tpu.bitcast %convert_element_type3A_59 : vector<3200x64xbf16> -> vector<3200x64xi16>
    %convert_element_type3A_60 = arith.extui %bitcast_convert_type3A : vector<3200x64xi16> to vector<3200x64xi32>
    %convert_element_type3A_61 = arith.truncf %dot_general3A_58 : vector<3200x64xf32> to vector<3200x64xbf16>
    %bitcast_convert_type3A_62 = tpu.bitcast %convert_element_type3A_61 : vector<3200x64xbf16> -> vector<3200x64xi16>
    %convert_element_type3A_63 = arith.extui %bitcast_convert_type3A_62 : vector<3200x64xi16> to vector<3200x64xi32>
    %shift_left3A = arith.constant 16 : i32
    %shift_left3A_64 = vector.broadcast %shift_left3A : i32 to vector<3200x64xi32>
    %shift_left3A_65 = arith.shli %convert_element_type3A_63, %shift_left3A_64 : vector<3200x64xi32>
    %or3A = arith.ori %convert_element_type3A_60, %shift_left3A_65 : vector<3200x64xi32>
    %swap3A = arith.constant 0 : index
    %swap3A_66 = arith.constant 0 : index
    %swap3A_67 = vector.load %arg4[%swap3A, %swap3A_66] : memref<3200x64xi32, #tpu.memory_space<vmem>>, vector<3200x64xi32>
    tpu.vector_store %arg4[%swap3A, %swap3A_66], %or3A {strides = array<i32>} : memref<3200x64xi32, #tpu.memory_space<vmem>>, vector<3200x64xi32>,
    return
  }
  func.func @transform_0(%arg0: i32) -> (i32, i32) {
    %c0_i32 = arith.constant 0 : i32
    %c0_i32_0 = arith.constant 0 : i32
    return %c0_i32, %arg0 : i32, i32
  }
  func.func @transform_1(%arg0: i32) -> (i32, i32) {
    %c0_i32 = arith.constant 0 : i32
    %c0_i32_0 = arith.constant 0 : i32
    %c0_i32_1 = arith.constant 0 : i32
    return %c0_i32, %c0_i32_0 : i32, i32
  }
  func.func @transform_2(%arg0: i32) -> (i32, i32) {
    %c0_i32 = arith.constant 0 : i32
    %c0_i32_0 = arith.constant 0 : i32
    %c0_i32_1 = arith.constant 0 : i32
    return %c0_i32, %c0_i32_0 : i32, i32
  }
  func.func @transform_3(%arg0: i32) -> (i32, i32) {
    %c0_i32 = arith.constant 0 : i32
    %c0_i32_0 = arith.constant 0 : i32
    return %arg0, %c0_i32 : i32, i32
  }
}

module attributes {stable_mosaic.version = 14 : i64} {
  func.func @_mid_tc_body(%arg0: i32, %arg1: memref<2x1000x128xf32, #tpu.memory_space<vmem>>, %arg2: memref<128x128xf32, #tpu.memory_space<vmem>>, %arg3: memref<128x128xf32, #tpu.memory_space<vmem>>, %arg4: memref<1000x128xf32, #tpu.memory_space<vmem>>) attributes {dimension_semantics = [#tpu.dimension_semantics<arbitrary>], iteration_bounds = array<i64: 10>, scalar_prefetch = 0 : i64, scratch_operands = 0 : i64, tpu.core_type = #tpu.core_type<tc>, window_params = [{transform_indices = @transform_0, window_bounds = array<i64: 2, 1000, 128>}, {pipeline_mode = #tpu.pipeline_mode<synchronous>, transform_indices = @transform_1, window_bounds = array<i64: 128, 128>}, {pipeline_mode = #tpu.pipeline_mode<synchronous>, transform_indices = @transform_2, window_bounds = array<i64: 128, 128>}, {transform_indices = @transform_3, window_bounds = array<i64: 1000, 128>}]} {
    %get3A = arith.constant 0 : index
    %get3A_0 = arith.constant 0 : index
    %get3A_1 = arith.constant 0 : index
    %get3A_2 = vector.load %arg1[%get3A, %get3A_0, %get3A_1] : memref<2x1000x128xf32, #tpu.memory_space<vmem>>, vector<2x1000x128xf32>
    %slice3A = vector.extract_strided_slice %get3A_2 {offsets = [0, 0, 0], sizes = [1, 1000, 128], strides = [1, 1, 1]} : vector<2x1000x128xf32> to vector<1x1000x128xf32>
    %squeeze3A = vector.shape_cast %slice3A : vector<1x1000x128xf32> to vector<1000x128xf32>
    %slice3A_3 = vector.extract_strided_slice %get3A_2 {offsets = [1, 0, 0], sizes = [1, 1000, 128], strides = [1, 1, 1]} : vector<2x1000x128xf32> to vector<1x1000x128xf32>
    %squeeze3A_4 = vector.shape_cast %slice3A_3 : vector<1x1000x128xf32> to vector<1000x128xf32>
    %add3A = arith.addf %squeeze3A, %squeeze3A_4 : vector<1000x128xf32>
    %mul3A = arith.constant 0.17407766 : f32
    %mul3A_5 = vector.broadcast %mul3A : f32 to vector<1000x128xf32>
    %mul3A_6 = arith.mulf %add3A, %mul3A_5 : vector<1000x128xf32>
    %get3A_7 = arith.constant 0 : index
    %get3A_8 = arith.constant 0 : index
    %get3A_9 = vector.load %arg2[%get3A_7, %get3A_8] : memref<128x128xf32, #tpu.memory_space<vmem>>, vector<128x128xf32>
    %dot_general3A = arith.constant dense<0.000000e+00> : vector<1000x128xf32>
    %dot_general3A_10 = tpu.matmul %mul3A_6, %get3A_9, %dot_general3A {dimension_numbers = #tpu.dot_dimension_numbers<[1], [0], [0], [1], [0, 0, 1, 1], [], []>, transpose_lhs_hint = false} : vector<1000x128xf32>, vector<128x128xf32>, vector<1000x128xf32> -> vector<1000x128xf32>
    %neg3A = arith.constant 0.000000e+00 : f32
    %neg3A_11 = vector.broadcast %neg3A : f32 to vector<1000x128xf32>
    %neg3A_12 = arith.subf %neg3A_11, %dot_general3A_10 : vector<1000x128xf32>
    %exp3A = math.exp %neg3A_12 : vector<1000x128xf32>
    %add3A_13 = arith.constant 1.000000e+00 : f32
    %add3A_14 = vector.broadcast %add3A_13 : f32 to vector<1000x128xf32>
    %add3A_15 = arith.addf %add3A_14, %exp3A : vector<1000x128xf32>
    %div3A = arith.constant 1.000000e+00 : f32
    %div3A_16 = vector.broadcast %div3A : f32 to vector<1000x128xf32>
    %div3A_17 = arith.divf %div3A_16, %add3A_15 : vector<1000x128xf32>
    %mul3A_18 = arith.mulf %dot_general3A_10, %div3A_17 : vector<1000x128xf32>
    %mul3A_19 = arith.constant 0.17407766 : f32
    %mul3A_20 = vector.broadcast %mul3A_19 : f32 to vector<1000x128xf32>
    %mul3A_21 = arith.mulf %mul3A_18, %mul3A_20 : vector<1000x128xf32>
    %mul3A_22 = arith.mulf %mul3A_21, %mul3A_21 : vector<1000x128xf32>
    %add3A_23 = arith.addf %mul3A_21, %mul3A_22 : vector<1000x128xf32>
    %mul3A_24 = arith.mulf %mul3A_21, %mul3A_21 : vector<1000x128xf32>
    %mul3A_25 = arith.mulf %mul3A_24, %mul3A_21 : vector<1000x128xf32>
    %add3A_26 = arith.addf %add3A_23, %mul3A_25 : vector<1000x128xf32>
    %get3A_27 = arith.constant 0 : index
    %get3A_28 = arith.constant 0 : index
    %get3A_29 = vector.load %arg3[%get3A_27, %get3A_28] : memref<128x128xf32, #tpu.memory_space<vmem>>, vector<128x128xf32>
    %dot_general3A_30 = arith.constant dense<0.000000e+00> : vector<1000x128xf32>
    %dot_general3A_31 = tpu.matmul %add3A_26, %get3A_29, %dot_general3A_30 {dimension_numbers = #tpu.dot_dimension_numbers<[1], [0], [0], [1], [0, 0, 1, 1], [], []>, transpose_lhs_hint = false} : vector<1000x128xf32>, vector<128x128xf32>, vector<1000x128xf32> -> vector<1000x128xf32>
    %swap3A = arith.constant 0 : index
    %swap3A_32 = arith.constant 0 : index
    %swap3A_33 = vector.load %arg4[%swap3A, %swap3A_32] : memref<1000x128xf32, #tpu.memory_space<vmem>>, vector<1000x128xf32>
    tpu.vector_store %arg4[%swap3A, %swap3A_32], %dot_general3A_31 {strides = array<i32>} : memref<1000x128xf32, #tpu.memory_space<vmem>>, vector<1000x128xf32>,
    return
  }
  func.func @transform_0(%arg0: i32) -> (i32, i32, i32) {
    %c0_i32 = arith.constant 0 : i32
    %c0_i32_0 = arith.constant 0 : i32
    %c0_i32_1 = arith.constant 0 : i32
    return %c0_i32, %arg0, %c0_i32_0 : i32, i32, i32
  }
  func.func @transform_1(%arg0: i32) -> (i32, i32) {
    %c0_i32 = arith.constant 0 : i32
    %c0_i32_0 = arith.constant 0 : i32
    %c0_i32_1 = arith.constant 0 : i32
    return %c0_i32, %c0_i32_0 : i32, i32
  }
  func.func @transform_2(%arg0: i32) -> (i32, i32) {
    %c0_i32 = arith.constant 0 : i32
    %c0_i32_0 = arith.constant 0 : i32
    %c0_i32_1 = arith.constant 0 : i32
    return %c0_i32, %c0_i32_0 : i32, i32
  }
  func.func @transform_3(%arg0: i32) -> (i32, i32) {
    %c0_i32 = arith.constant 0 : i32
    %c0_i32_0 = arith.constant 0 : i32
    return %arg0, %c0_i32 : i32, i32
  }
}

module attributes {stable_mosaic.version = 14 : i64} {
  func.func @_final_tc_body(%arg0: i32, %arg1: memref<2x1000x128xf32, #tpu.memory_space<vmem>>, %arg2: memref<1000x128xf32, #tpu.memory_space<vmem>>, %arg3: memref<1000x1xi32, #tpu.memory_space<vmem>>, %arg4: memref<128x128xf32, #tpu.memory_space<vmem>>, %arg5: memref<128x128xf32, #tpu.memory_space<vmem>>, %arg6: memref<10x128x128xf32, #tpu.memory_space<vmem>>, %arg7: memref<128x1xf32, #tpu.memory_space<vmem>>, %arg8: memref<128x1xf32, #tpu.memory_space<vmem>>, %arg9: memref<1000x1xf32, #tpu.memory_space<vmem>>) attributes {dimension_semantics = [#tpu.dimension_semantics<arbitrary>], iteration_bounds = array<i64: 10>, scalar_prefetch = 0 : i64, scratch_operands = 0 : i64, tpu.core_type = #tpu.core_type<tc>, window_params = [{transform_indices = @transform_0, window_bounds = array<i64: 2, 1000, 128>}, {transform_indices = @transform_1, window_bounds = array<i64: 1000, 128>}, {transform_indices = @transform_2, window_bounds = array<i64: 1000, 1>}, {pipeline_mode = #tpu.pipeline_mode<synchronous>, transform_indices = @transform_3, window_bounds = array<i64: 128, 128>}, {pipeline_mode = #tpu.pipeline_mode<synchronous>, transform_indices = @transform_4, window_bounds = array<i64: 128, 128>}, {pipeline_mode = #tpu.pipeline_mode<synchronous>, transform_indices = @transform_5, window_bounds = array<i64: 10, 128, 128>}, {pipeline_mode = #tpu.pipeline_mode<synchronous>, transform_indices = @transform_6, window_bounds = array<i64: 128, 1>}, {pipeline_mode = #tpu.pipeline_mode<synchronous>, transform_indices = @transform_7, window_bounds = array<i64: 128, 1>}, {transform_indices = @transform_8, window_bounds = array<i64: 1000, 1>}]} {
    %get3A = arith.constant 0 : index
    %get3A_0 = arith.constant 0 : index
    %get3A_1 = arith.constant 0 : index
    %get3A_2 = vector.load %arg1[%get3A, %get3A_0, %get3A_1] : memref<2x1000x128xf32, #tpu.memory_space<vmem>>, vector<2x1000x128xf32>
    %slice3A = vector.extract_strided_slice %get3A_2 {offsets = [0, 0, 0], sizes = [1, 1000, 128], strides = [1, 1, 1]} : vector<2x1000x128xf32> to vector<1x1000x128xf32>
    %squeeze3A = vector.shape_cast %slice3A : vector<1x1000x128xf32> to vector<1000x128xf32>
    %slice3A_3 = vector.extract_strided_slice %get3A_2 {offsets = [1, 0, 0], sizes = [1, 1000, 128], strides = [1, 1, 1]} : vector<2x1000x128xf32> to vector<1x1000x128xf32>
    %squeeze3A_4 = vector.shape_cast %slice3A_3 : vector<1x1000x128xf32> to vector<1000x128xf32>
    %add3A = arith.addf %squeeze3A, %squeeze3A_4 : vector<1000x128xf32>
    %mul3A = arith.constant 0.17407766 : f32
    %mul3A_5 = vector.broadcast %mul3A : f32 to vector<1000x128xf32>
    %mul3A_6 = arith.mulf %add3A, %mul3A_5 : vector<1000x128xf32>
    %get3A_7 = arith.constant 0 : index
    %get3A_8 = arith.constant 0 : index
    %get3A_9 = vector.load %arg4[%get3A_7, %get3A_8] : memref<128x128xf32, #tpu.memory_space<vmem>>, vector<128x128xf32>
    %dot_general3A = arith.constant dense<0.000000e+00> : vector<1000x128xf32>
    %dot_general3A_10 = tpu.matmul %mul3A_6, %get3A_9, %dot_general3A {dimension_numbers = #tpu.dot_dimension_numbers<[1], [0], [0], [1], [0, 0, 1, 1], [], []>, transpose_lhs_hint = false} : vector<1000x128xf32>, vector<128x128xf32>, vector<1000x128xf32> -> vector<1000x128xf32>
    %neg3A = arith.constant 0.000000e+00 : f32
    %neg3A_11 = vector.broadcast %neg3A : f32 to vector<1000x128xf32>
    %neg3A_12 = arith.subf %neg3A_11, %dot_general3A_10 : vector<1000x128xf32>
    %exp3A = math.exp %neg3A_12 : vector<1000x128xf32>
    %add3A_13 = arith.constant 1.000000e+00 : f32
    %add3A_14 = vector.broadcast %add3A_13 : f32 to vector<1000x128xf32>
    %add3A_15 = arith.addf %add3A_14, %exp3A : vector<1000x128xf32>
    %div3A = arith.constant 1.000000e+00 : f32
    %div3A_16 = vector.broadcast %div3A : f32 to vector<1000x128xf32>
    %div3A_17 = arith.divf %div3A_16, %add3A_15 : vector<1000x128xf32>
    %mul3A_18 = arith.mulf %dot_general3A_10, %div3A_17 : vector<1000x128xf32>
    %mul3A_19 = arith.constant 0.17407766 : f32
    %mul3A_20 = vector.broadcast %mul3A_19 : f32 to vector<1000x128xf32>
    %mul3A_21 = arith.mulf %mul3A_18, %mul3A_20 : vector<1000x128xf32>
    %mul3A_22 = arith.mulf %mul3A_21, %mul3A_21 : vector<1000x128xf32>
    %add3A_23 = arith.addf %mul3A_21, %mul3A_22 : vector<1000x128xf32>
    %mul3A_24 = arith.mulf %mul3A_21, %mul3A_21 : vector<1000x128xf32>
    %mul3A_25 = arith.mulf %mul3A_24, %mul3A_21 : vector<1000x128xf32>
    %add3A_26 = arith.addf %add3A_23, %mul3A_25 : vector<1000x128xf32>
    %get3A_27 = arith.constant 0 : index
    %get3A_28 = arith.constant 0 : index
    %get3A_29 = vector.load %arg5[%get3A_27, %get3A_28] : memref<128x128xf32, #tpu.memory_space<vmem>>, vector<128x128xf32>
    %dot_general3A_30 = arith.constant dense<0.000000e+00> : vector<1000x128xf32>
    %dot_general3A_31 = tpu.matmul %add3A_26, %get3A_29, %dot_general3A_30 {dimension_numbers = #tpu.dot_dimension_numbers<[1], [0], [0], [1], [0, 0, 1, 1], [], []>, transpose_lhs_hint = false} : vector<1000x128xf32>, vector<128x128xf32>, vector<1000x128xf32> -> vector<1000x128xf32>
    %get3A_32 = arith.constant 0 : index
    %get3A_33 = arith.constant 0 : index
    %get3A_34 = vector.load %arg2[%get3A_32, %get3A_33] : memref<1000x128xf32, #tpu.memory_space<vmem>>, vector<1000x128xf32>
    %get3A_35 = arith.constant 0 : index
    %get3A_36 = arith.constant 0 : index
    %get3A_37 = vector.load %arg3[%get3A_35, %get3A_36] : memref<1000x1xi32, #tpu.memory_space<vmem>>, vector<1000x1xi32>
    %broadcast_in_dim3A = arith.constant 0.000000e+00 : f32
    %broadcast_in_dim3A_38 = vector.broadcast %broadcast_in_dim3A : f32 to vector<1000x128xf32>
    %get3A_39 = arith.constant 0 : index
    %get3A_40 = arith.constant 0 : index
    %get3A_41 = arith.constant 0 : index
    %get3A_42 = vector.load %arg6[%get3A_39, %get3A_40, %get3A_41] : memref<10x128x128xf32, #tpu.memory_space<vmem>>, vector<1x128x128xf32>
    %get3A_43 = vector.shape_cast %get3A_42 : vector<1x128x128xf32> to vector<128x128xf32>
    %dot_general3A_44 = arith.constant dense<0.000000e+00> : vector<1000x128xf32>
    %dot_general3A_45 = tpu.matmul %get3A_34, %get3A_43, %dot_general3A_44 {dimension_numbers = #tpu.dot_dimension_numbers<[1], [0], [0], [1], [0, 0, 1, 1], [], []>, transpose_lhs_hint = false} : vector<1000x128xf32>, vector<128x128xf32>, vector<1000x128xf32> -> vector<1000x128xf32>
    %eq3A = arith.constant 0 : i32
    %eq3A_46 = vector.broadcast %eq3A : i32 to vector<1000x1xi32>
    %eq3A_47 = arith.cmpi eq, %get3A_37, %eq3A_46 : vector<1000x1xi32>
    %jit3A = arith.constant 0.000000e+00 : f32
    %broadcast_in_dim3A_48 = vector.shape_cast %eq3A_47 : vector<1000x1xi1> to vector<1000x1xi1>
    %broadcast_in_dim3A_49 = vector.broadcast %broadcast_in_dim3A_48 : vector<1000x1xi1> to vector<1000x128xi1>
    %broadcast_in_dim3A_50 = vector.broadcast %jit3A : f32 to vector<1000x128xf32>
    %select_n3A = arith.select %broadcast_in_dim3A_49, %dot_general3A_45, %broadcast_in_dim3A_50 : vector<1000x128xi1>, vector<1000x128xf32>
    %add3A_51 = arith.addf %broadcast_in_dim3A_38, %select_n3A : vector<1000x128xf32>
    %get3A_52 = arith.constant 1 : index
    %get3A_53 = arith.constant 0 : index
    %get3A_54 = arith.constant 0 : index
    %get3A_55 = vector.load %arg6[%get3A_52, %get3A_53, %get3A_54] : memref<10x128x128xf32, #tpu.memory_space<vmem>>, vector<1x128x128xf32>
    %get3A_56 = vector.shape_cast %get3A_55 : vector<1x128x128xf32> to vector<128x128xf32>
    %dot_general3A_57 = arith.constant dense<0.000000e+00> : vector<1000x128xf32>
    %dot_general3A_58 = tpu.matmul %get3A_34, %get3A_56, %dot_general3A_57 {dimension_numbers = #tpu.dot_dimension_numbers<[1], [0], [0], [1], [0, 0, 1, 1], [], []>, transpose_lhs_hint = false} : vector<1000x128xf32>, vector<128x128xf32>, vector<1000x128xf32> -> vector<1000x128xf32>
    %eq3A_59 = arith.constant 1 : i32
    %eq3A_60 = vector.broadcast %eq3A_59 : i32 to vector<1000x1xi32>
    %eq3A_61 = arith.cmpi eq, %get3A_37, %eq3A_60 : vector<1000x1xi32>
    %jit3A_62 = arith.constant 0.000000e+00 : f32
    %broadcast_in_dim3A_63 = vector.shape_cast %eq3A_61 : vector<1000x1xi1> to vector<1000x1xi1>
    %broadcast_in_dim3A_64 = vector.broadcast %broadcast_in_dim3A_63 : vector<1000x1xi1> to vector<1000x128xi1>
    %broadcast_in_dim3A_65 = vector.broadcast %jit3A_62 : f32 to vector<1000x128xf32>
    %select_n3A_66 = arith.select %broadcast_in_dim3A_64, %dot_general3A_58, %broadcast_in_dim3A_65 : vector<1000x128xi1>, vector<1000x128xf32>
    %add3A_67 = arith.addf %add3A_51, %select_n3A_66 : vector<1000x128xf32>
    %get3A_68 = arith.constant 2 : index
    %get3A_69 = arith.constant 0 : index
    %get3A_70 = arith.constant 0 : index
    %get3A_71 = vector.load %arg6[%get3A_68, %get3A_69, %get3A_70] : memref<10x128x128xf32, #tpu.memory_space<vmem>>, vector<1x128x128xf32>
    %get3A_72 = vector.shape_cast %get3A_71 : vector<1x128x128xf32> to vector<128x128xf32>
    %dot_general3A_73 = arith.constant dense<0.000000e+00> : vector<1000x128xf32>
    %dot_general3A_74 = tpu.matmul %get3A_34, %get3A_72, %dot_general3A_73 {dimension_numbers = #tpu.dot_dimension_numbers<[1], [0], [0], [1], [0, 0, 1, 1], [], []>, transpose_lhs_hint = false} : vector<1000x128xf32>, vector<128x128xf32>, vector<1000x128xf32> -> vector<1000x128xf32>
    %eq3A_75 = arith.constant 2 : i32
    %eq3A_76 = vector.broadcast %eq3A_75 : i32 to vector<1000x1xi32>
    %eq3A_77 = arith.cmpi eq, %get3A_37, %eq3A_76 : vector<1000x1xi32>
    %jit3A_78 = arith.constant 0.000000e+00 : f32
    %broadcast_in_dim3A_79 = vector.shape_cast %eq3A_77 : vector<1000x1xi1> to vector<1000x1xi1>
    %broadcast_in_dim3A_80 = vector.broadcast %broadcast_in_dim3A_79 : vector<1000x1xi1> to vector<1000x128xi1>
    %broadcast_in_dim3A_81 = vector.broadcast %jit3A_78 : f32 to vector<1000x128xf32>
    %select_n3A_82 = arith.select %broadcast_in_dim3A_80, %dot_general3A_74, %broadcast_in_dim3A_81 : vector<1000x128xi1>, vector<1000x128xf32>
    %add3A_83 = arith.addf %add3A_67, %select_n3A_82 : vector<1000x128xf32>
    %get3A_84 = arith.constant 3 : index
    %get3A_85 = arith.constant 0 : index
    %get3A_86 = arith.constant 0 : index
    %get3A_87 = vector.load %arg6[%get3A_84, %get3A_85, %get3A_86] : memref<10x128x128xf32, #tpu.memory_space<vmem>>, vector<1x128x128xf32>
    %get3A_88 = vector.shape_cast %get3A_87 : vector<1x128x128xf32> to vector<128x128xf32>
    %dot_general3A_89 = arith.constant dense<0.000000e+00> : vector<1000x128xf32>
    %dot_general3A_90 = tpu.matmul %get3A_34, %get3A_88, %dot_general3A_89 {dimension_numbers = #tpu.dot_dimension_numbers<[1], [0], [0], [1], [0, 0, 1, 1], [], []>, transpose_lhs_hint = false} : vector<1000x128xf32>, vector<128x128xf32>, vector<1000x128xf32> -> vector<1000x128xf32>
    %eq3A_91 = arith.constant 3 : i32
    %eq3A_92 = vector.broadcast %eq3A_91 : i32 to vector<1000x1xi32>
    %eq3A_93 = arith.cmpi eq, %get3A_37, %eq3A_92 : vector<1000x1xi32>
    %jit3A_94 = arith.constant 0.000000e+00 : f32
    %broadcast_in_dim3A_95 = vector.shape_cast %eq3A_93 : vector<1000x1xi1> to vector<1000x1xi1>
    %broadcast_in_dim3A_96 = vector.broadcast %broadcast_in_dim3A_95 : vector<1000x1xi1> to vector<1000x128xi1>
    %broadcast_in_dim3A_97 = vector.broadcast %jit3A_94 : f32 to vector<1000x128xf32>
    %select_n3A_98 = arith.select %broadcast_in_dim3A_96, %dot_general3A_90, %broadcast_in_dim3A_97 : vector<1000x128xi1>, vector<1000x128xf32>
    %add3A_99 = arith.addf %add3A_83, %select_n3A_98 : vector<1000x128xf32>
    %get3A_100 = arith.constant 4 : index
    %get3A_101 = arith.constant 0 : index
    %get3A_102 = arith.constant 0 : index
    %get3A_103 = vector.load %arg6[%get3A_100, %get3A_101, %get3A_102] : memref<10x128x128xf32, #tpu.memory_space<vmem>>, vector<1x128x128xf32>
    %get3A_104 = vector.shape_cast %get3A_103 : vector<1x128x128xf32> to vector<128x128xf32>
    %dot_general3A_105 = arith.constant dense<0.000000e+00> : vector<1000x128xf32>
    %dot_general3A_106 = tpu.matmul %get3A_34, %get3A_104, %dot_general3A_105 {dimension_numbers = #tpu.dot_dimension_numbers<[1], [0], [0], [1], [0, 0, 1, 1], [], []>, transpose_lhs_hint = false} : vector<1000x128xf32>, vector<128x128xf32>, vector<1000x128xf32> -> vector<1000x128xf32>
    %eq3A_107 = arith.constant 4 : i32
    %eq3A_108 = vector.broadcast %eq3A_107 : i32 to vector<1000x1xi32>
    %eq3A_109 = arith.cmpi eq, %get3A_37, %eq3A_108 : vector<1000x1xi32>
    %jit3A_110 = arith.constant 0.000000e+00 : f32
    %broadcast_in_dim3A_111 = vector.shape_cast %eq3A_109 : vector<1000x1xi1> to vector<1000x1xi1>
    %broadcast_in_dim3A_112 = vector.broadcast %broadcast_in_dim3A_111 : vector<1000x1xi1> to vector<1000x128xi1>
    %broadcast_in_dim3A_113 = vector.broadcast %jit3A_110 : f32 to vector<1000x128xf32>
    %select_n3A_114 = arith.select %broadcast_in_dim3A_112, %dot_general3A_106, %broadcast_in_dim3A_113 : vector<1000x128xi1>, vector<1000x128xf32>
    %add3A_115 = arith.addf %add3A_99, %select_n3A_114 : vector<1000x128xf32>
    %get3A_116 = arith.constant 5 : index
    %get3A_117 = arith.constant 0 : index
    %get3A_118 = arith.constant 0 : index
    %get3A_119 = vector.load %arg6[%get3A_116, %get3A_117, %get3A_118] : memref<10x128x128xf32, #tpu.memory_space<vmem>>, vector<1x128x128xf32>
    %get3A_120 = vector.shape_cast %get3A_119 : vector<1x128x128xf32> to vector<128x128xf32>
    %dot_general3A_121 = arith.constant dense<0.000000e+00> : vector<1000x128xf32>
    %dot_general3A_122 = tpu.matmul %get3A_34, %get3A_120, %dot_general3A_121 {dimension_numbers = #tpu.dot_dimension_numbers<[1], [0], [0], [1], [0, 0, 1, 1], [], []>, transpose_lhs_hint = false} : vector<1000x128xf32>, vector<128x128xf32>, vector<1000x128xf32> -> vector<1000x128xf32>
    %eq3A_123 = arith.constant 5 : i32
    %eq3A_124 = vector.broadcast %eq3A_123 : i32 to vector<1000x1xi32>
    %eq3A_125 = arith.cmpi eq, %get3A_37, %eq3A_124 : vector<1000x1xi32>
    %jit3A_126 = arith.constant 0.000000e+00 : f32
    %broadcast_in_dim3A_127 = vector.shape_cast %eq3A_125 : vector<1000x1xi1> to vector<1000x1xi1>
    %broadcast_in_dim3A_128 = vector.broadcast %broadcast_in_dim3A_127 : vector<1000x1xi1> to vector<1000x128xi1>
    %broadcast_in_dim3A_129 = vector.broadcast %jit3A_126 : f32 to vector<1000x128xf32>
    %select_n3A_130 = arith.select %broadcast_in_dim3A_128, %dot_general3A_122, %broadcast_in_dim3A_129 : vector<1000x128xi1>, vector<1000x128xf32>
    %add3A_131 = arith.addf %add3A_115, %select_n3A_130 : vector<1000x128xf32>
    %get3A_132 = arith.constant 6 : index
    %get3A_133 = arith.constant 0 : index
    %get3A_134 = arith.constant 0 : index
    %get3A_135 = vector.load %arg6[%get3A_132, %get3A_133, %get3A_134] : memref<10x128x128xf32, #tpu.memory_space<vmem>>, vector<1x128x128xf32>
    %get3A_136 = vector.shape_cast %get3A_135 : vector<1x128x128xf32> to vector<128x128xf32>
    %dot_general3A_137 = arith.constant dense<0.000000e+00> : vector<1000x128xf32>
    %dot_general3A_138 = tpu.matmul %get3A_34, %get3A_136, %dot_general3A_137 {dimension_numbers = #tpu.dot_dimension_numbers<[1], [0], [0], [1], [0, 0, 1, 1], [], []>, transpose_lhs_hint = false} : vector<1000x128xf32>, vector<128x128xf32>, vector<1000x128xf32> -> vector<1000x128xf32>
    %eq3A_139 = arith.constant 6 : i32
    %eq3A_140 = vector.broadcast %eq3A_139 : i32 to vector<1000x1xi32>
    %eq3A_141 = arith.cmpi eq, %get3A_37, %eq3A_140 : vector<1000x1xi32>
    %jit3A_142 = arith.constant 0.000000e+00 : f32
    %broadcast_in_dim3A_143 = vector.shape_cast %eq3A_141 : vector<1000x1xi1> to vector<1000x1xi1>
    %broadcast_in_dim3A_144 = vector.broadcast %broadcast_in_dim3A_143 : vector<1000x1xi1> to vector<1000x128xi1>
    %broadcast_in_dim3A_145 = vector.broadcast %jit3A_142 : f32 to vector<1000x128xf32>
    %select_n3A_146 = arith.select %broadcast_in_dim3A_144, %dot_general3A_138, %broadcast_in_dim3A_145 : vector<1000x128xi1>, vector<1000x128xf32>
    %add3A_147 = arith.addf %add3A_131, %select_n3A_146 : vector<1000x128xf32>
    %get3A_148 = arith.constant 7 : index
    %get3A_149 = arith.constant 0 : index
    %get3A_150 = arith.constant 0 : index
    %get3A_151 = vector.load %arg6[%get3A_148, %get3A_149, %get3A_150] : memref<10x128x128xf32, #tpu.memory_space<vmem>>, vector<1x128x128xf32>
    %get3A_152 = vector.shape_cast %get3A_151 : vector<1x128x128xf32> to vector<128x128xf32>
    %dot_general3A_153 = arith.constant dense<0.000000e+00> : vector<1000x128xf32>
    %dot_general3A_154 = tpu.matmul %get3A_34, %get3A_152, %dot_general3A_153 {dimension_numbers = #tpu.dot_dimension_numbers<[1], [0], [0], [1], [0, 0, 1, 1], [], []>, transpose_lhs_hint = false} : vector<1000x128xf32>, vector<128x128xf32>, vector<1000x128xf32> -> vector<1000x128xf32>
    %eq3A_155 = arith.constant 7 : i32
    %eq3A_156 = vector.broadcast %eq3A_155 : i32 to vector<1000x1xi32>
    %eq3A_157 = arith.cmpi eq, %get3A_37, %eq3A_156 : vector<1000x1xi32>
    %jit3A_158 = arith.constant 0.000000e+00 : f32
    %broadcast_in_dim3A_159 = vector.shape_cast %eq3A_157 : vector<1000x1xi1> to vector<1000x1xi1>
    %broadcast_in_dim3A_160 = vector.broadcast %broadcast_in_dim3A_159 : vector<1000x1xi1> to vector<1000x128xi1>
    %broadcast_in_dim3A_161 = vector.broadcast %jit3A_158 : f32 to vector<1000x128xf32>
    %select_n3A_162 = arith.select %broadcast_in_dim3A_160, %dot_general3A_154, %broadcast_in_dim3A_161 : vector<1000x128xi1>, vector<1000x128xf32>
    %add3A_163 = arith.addf %add3A_147, %select_n3A_162 : vector<1000x128xf32>
    %get3A_164 = arith.constant 8 : index
    %get3A_165 = arith.constant 0 : index
    %get3A_166 = arith.constant 0 : index
    %get3A_167 = vector.load %arg6[%get3A_164, %get3A_165, %get3A_166] : memref<10x128x128xf32, #tpu.memory_space<vmem>>, vector<1x128x128xf32>
    %get3A_168 = vector.shape_cast %get3A_167 : vector<1x128x128xf32> to vector<128x128xf32>
    %dot_general3A_169 = arith.constant dense<0.000000e+00> : vector<1000x128xf32>
    %dot_general3A_170 = tpu.matmul %get3A_34, %get3A_168, %dot_general3A_169 {dimension_numbers = #tpu.dot_dimension_numbers<[1], [0], [0], [1], [0, 0, 1, 1], [], []>, transpose_lhs_hint = false} : vector<1000x128xf32>, vector<128x128xf32>, vector<1000x128xf32> -> vector<1000x128xf32>
    %eq3A_171 = arith.constant 8 : i32
    %eq3A_172 = vector.broadcast %eq3A_171 : i32 to vector<1000x1xi32>
    %eq3A_173 = arith.cmpi eq, %get3A_37, %eq3A_172 : vector<1000x1xi32>
    %jit3A_174 = arith.constant 0.000000e+00 : f32
    %broadcast_in_dim3A_175 = vector.shape_cast %eq3A_173 : vector<1000x1xi1> to vector<1000x1xi1>
    %broadcast_in_dim3A_176 = vector.broadcast %broadcast_in_dim3A_175 : vector<1000x1xi1> to vector<1000x128xi1>
    %broadcast_in_dim3A_177 = vector.broadcast %jit3A_174 : f32 to vector<1000x128xf32>
    %select_n3A_178 = arith.select %broadcast_in_dim3A_176, %dot_general3A_170, %broadcast_in_dim3A_177 : vector<1000x128xi1>, vector<1000x128xf32>
    %add3A_179 = arith.addf %add3A_163, %select_n3A_178 : vector<1000x128xf32>
    %get3A_180 = arith.constant 9 : index
    %get3A_181 = arith.constant 0 : index
    %get3A_182 = arith.constant 0 : index
    %get3A_183 = vector.load %arg6[%get3A_180, %get3A_181, %get3A_182] : memref<10x128x128xf32, #tpu.memory_space<vmem>>, vector<1x128x128xf32>
    %get3A_184 = vector.shape_cast %get3A_183 : vector<1x128x128xf32> to vector<128x128xf32>
    %dot_general3A_185 = arith.constant dense<0.000000e+00> : vector<1000x128xf32>
    %dot_general3A_186 = tpu.matmul %get3A_34, %get3A_184, %dot_general3A_185 {dimension_numbers = #tpu.dot_dimension_numbers<[1], [0], [0], [1], [0, 0, 1, 1], [], []>, transpose_lhs_hint = false} : vector<1000x128xf32>, vector<128x128xf32>, vector<1000x128xf32> -> vector<1000x128xf32>
    %eq3A_187 = arith.constant 9 : i32
    %eq3A_188 = vector.broadcast %eq3A_187 : i32 to vector<1000x1xi32>
    %eq3A_189 = arith.cmpi eq, %get3A_37, %eq3A_188 : vector<1000x1xi32>
    %jit3A_190 = arith.constant 0.000000e+00 : f32
    %broadcast_in_dim3A_191 = vector.shape_cast %eq3A_189 : vector<1000x1xi1> to vector<1000x1xi1>
    %broadcast_in_dim3A_192 = vector.broadcast %broadcast_in_dim3A_191 : vector<1000x1xi1> to vector<1000x128xi1>
    %broadcast_in_dim3A_193 = vector.broadcast %jit3A_190 : f32 to vector<1000x128xf32>
    %select_n3A_194 = arith.select %broadcast_in_dim3A_192, %dot_general3A_186, %broadcast_in_dim3A_193 : vector<1000x128xi1>, vector<1000x128xf32>
    %add3A_195 = arith.addf %add3A_179, %select_n3A_194 : vector<1000x128xf32>
    %add3A_196 = arith.addf %dot_general3A_31, %add3A_195 : vector<1000x128xf32>
    %get3A_197 = arith.constant 0 : index
    %get3A_198 = arith.constant 0 : index
    %get3A_199 = vector.load %arg7[%get3A_197, %get3A_198] : memref<128x1xf32, #tpu.memory_space<vmem>>, vector<128x1xf32>
    %dot_general3A_200 = arith.constant dense<0.000000e+00> : vector<1000x1xf32>
    %dot_general3A_201 = tpu.matmul %get3A_34, %get3A_199, %dot_general3A_200 {dimension_numbers = #tpu.dot_dimension_numbers<[1], [0], [0], [1], [0, 0, 1, 1], [], []>, transpose_lhs_hint = false} : vector<1000x128xf32>, vector<128x1xf32>, vector<1000x1xf32> -> vector<1000x1xf32>
    %get3A_202 = arith.constant 0 : index
    %get3A_203 = arith.constant 0 : index
    %get3A_204 = vector.load %arg8[%get3A_202, %get3A_203] : memref<128x1xf32, #tpu.memory_space<vmem>>, vector<128x1xf32>
    %dot_general3A_205 = arith.constant dense<0.000000e+00> : vector<1000x1xf32>
    %dot_general3A_206 = tpu.matmul %add3A_196, %get3A_204, %dot_general3A_205 {dimension_numbers = #tpu.dot_dimension_numbers<[1], [0], [0], [1], [0, 0, 1, 1], [], []>, transpose_lhs_hint = false} : vector<1000x128xf32>, vector<128x1xf32>, vector<1000x1xf32> -> vector<1000x1xf32>
    %add3A_207 = arith.addf %dot_general3A_201, %dot_general3A_206 : vector<1000x1xf32>
    %swap3A = arith.constant 0 : index
    %swap3A_208 = arith.constant 0 : index
    %swap3A_209 = vector.load %arg9[%swap3A, %swap3A_208] : memref<1000x1xf32, #tpu.memory_space<vmem>>, vector<1000x1xf32>
    tpu.vector_store %arg9[%swap3A, %swap3A_208], %add3A_207 {strides = array<i32>} : memref<1000x1xf32, #tpu.memory_space<vmem>>, vector<1000x1xf32>,
    return
  }
  func.func @transform_0(%arg0: i32) -> (i32, i32, i32) {
    %c0_i32 = arith.constant 0 : i32
    %c0_i32_0 = arith.constant 0 : i32
    %c0_i32_1 = arith.constant 0 : i32
    return %c0_i32, %arg0, %c0_i32_0 : i32, i32, i32
  }
  func.func @transform_1(%arg0: i32) -> (i32, i32) {
    %c0_i32 = arith.constant 0 : i32
    %c0_i32_0 = arith.constant 0 : i32
    return %arg0, %c0_i32 : i32, i32
  }
  func.func @transform_2(%arg0: i32) -> (i32, i32) {
    %c0_i32 = arith.constant 0 : i32
    %c0_i32_0 = arith.constant 0 : i32
    return %arg0, %c0_i32 : i32, i32
  }
  func.func @transform_3(%arg0: i32) -> (i32, i32) {
    %c0_i32 = arith.constant 0 : i32
    %c0_i32_0 = arith.constant 0 : i32
    %c0_i32_1 = arith.constant 0 : i32
    return %c0_i32, %c0_i32_0 : i32, i32
  }
  func.func @transform_4(%arg0: i32) -> (i32, i32) {
    %c0_i32 = arith.constant 0 : i32
    %c0_i32_0 = arith.constant 0 : i32
    %c0_i32_1 = arith.constant 0 : i32
    return %c0_i32, %c0_i32_0 : i32, i32
  }
  func.func @transform_5(%arg0: i32) -> (i32, i32, i32) {
    %c0_i32 = arith.constant 0 : i32
    %c0_i32_0 = arith.constant 0 : i32
    %c0_i32_1 = arith.constant 0 : i32
    %c0_i32_2 = arith.constant 0 : i32
    return %c0_i32, %c0_i32_0, %c0_i32_1 : i32, i32, i32
  }
  func.func @transform_6(%arg0: i32) -> (i32, i32) {
    %c0_i32 = arith.constant 0 : i32
    %c0_i32_0 = arith.constant 0 : i32
    %c0_i32_1 = arith.constant 0 : i32
    return %c0_i32, %c0_i32_0 : i32, i32
  }
  func.func @transform_7(%arg0: i32) -> (i32, i32) {
    %c0_i32 = arith.constant 0 : i32
    %c0_i32_0 = arith.constant 0 : i32
    %c0_i32_1 = arith.constant 0 : i32
    return %c0_i32, %c0_i32_0 : i32, i32
  }
  func.func @transform_8(%arg0: i32) -> (i32, i32) {
    %c0_i32 = arith.constant 0 : i32
    %c0_i32_0 = arith.constant 0 : i32
    return %arg0, %c0_i32 : i32, i32
  }
}

</mosaic_0001>

<sc_bundles>
// kernel: kernel.12.cloned.1.call-start
scs
__scs_entry_jumppad:
0x0: {  	(pc) =	sbr.rel $0x88, $3  }
0x1: {  	(tag) =	ssettag $0x0;
	lr =	simm.s32 $0x1  }
0x2: {  	[smem:$0x3F97] =	sst lr;
	_ =	strace $0xD0000000  }
0x3: {  	_ = 	snop  }
0x4: {  	_ = 	snop  }
0x5: {  	_ = 	snop  }
0x6: {  	_ = 	snop  }
0x7: {  	_ = 	snop  }
__scs_overlays_trampoline_lowered:
0x8: {  	[smem:$0x3FA6] =	sst s0  }
0x9: {  	[smem:$0x3FA7] =	sst s1  }
0xa: {  	[smem:$0x3FA8] =	sst s2  }
0xb: {  	[smem:$0x3FA9] =	sst s3  }
0xc: {  	[smem:$0x3FAA] =	sst s4  }
0xd: {  	[smem:$0x3FAB] =	sst s5  }
0xe: {  	[smem:$0x3FAC] =	sst s6  }
0xf: {  	[smem:$0x3FAD] =	sst s7  }
0x10: {  	[smem:$0x3FAE] =	sst s8  }
0x11: {  	[smem:$0x3FAF] =	sst s9;
	s0 =	simm.s32 @!p0 $0x0  }
0x12: {  	s1 =	sld [smem:$0x3F95];
	s0 =	simm.s32 @p0 $0x1  }
0x13: {  	[smem:$0x3FB0] =	sst s0;
	s0 =	simm.s32 @!p1 $0x0  }
0x14: {  	s2 =	sld [smem:$0x3F94];
	s0 =	simm.s32 @p1 $0x1  }
0x15: {  	[smem:$0x3FB1] =	sst s0;
	s0 =	simm.s32 @!p2 $0x0  }
0x16: {  	s3 =	sld [smem:$0x3FDB];
	s0 =	simm.s32 @p2 $0x1  }
0x17: {  	s4 =	simm.s32 $0x1BF5;
	[smem:$0x3FB3] =	sst s0  }
0x18: {  	s0 =	sld [smem:$0x3F96];
	_ =	swait.ge [sflag:s4], $0x0  }
0x19: {  	s7 =	sld [smem:$0x3F97]  }
0x1a: {  	s8 =	sadd.s32 $0xFFFFE003, lr  }
0x1b: {  	s9 =	sadd.s32 $0xFFFFFEF7, lr;
	s5 =	simm.s32 $0xFFFFFFFF;
	p2 =	slt.u32 s8, $0xFFFFF086  }
0x1c: {  	p1 =	slt.u32 s9, $0xF7A;
	s5 =	simm.s32 @!p2 $0x0  }
0x1d: {  	s5 =	simm.s32 @p1 $0x1;
	p0 =	seq.s32 s7, s2  }
0x1e: {  	s7 =	smul.u32 @!p0 $0xF7A, s2;
	p2 =	seq.s32 @!p0 s5, $0x0  }
0x1f: {  	s9 =	smul.u32 $0xF7A, s1;
	s8 =	simm.s32 @!p0 $0x1BF5;
	p2 =	por !p2, p0  }
0x20: {  	[sflag:s8] =	ssyncset.s32 @!p0 $0xFFFFF086;
	s6 =	sadd.s32 @!p0 s3, s7;
	s7 =	simm.s32 @!p0 $0x108  }
0x21: {  	s3 =	sadd.s32 s3, s9;
	s6 =	sadd.s32 @!p0 $0x88, s6;
	s7 =	simm.s32 @p2 $0x1082  }
0x22: {  	[simem:s7], [sflag:s8] =	dma.local @!p0 [hbm:s6], $0xF7A  }
0x23: {  	s9 =	sor.u32 $0xD0000000, s2;
	s6 =	simm.s32 $0x108;
	_ =	swait.ge @!p0 [sflag:s8], $0x0  }
0x24: {  	s3 =	sadd.s32 $0x88, s3;
	s6 =	simm.s32 @!p1 $0x1082;
	[sflag:s4] =	ssyncset.s32 $0xFFFFF086  }
0x25: {  	[simem:s6], [sflag:s4] =	dma.local [hbm:s3], $0xF7A  }
0x26: {  	[smem:$0x3F97] =	sst s1;
	(tag) =	ssettag s2;
	_ =	strace s9  }
0x27: {  	s1 =	sld [smem:$0x3FA7]  }
0x28: {  	s2 =	sld [smem:$0x3FA8]  }
0x29: {  	s4 =	sld [smem:$0x3FAA]  }
0x2a: {  	p0 =	seq.s32 s5, $0x0;
	s5 =	sld [smem:$0x3FAB]  }
0x2b: {  	s6 =	sld [smem:$0x3FAC]  }
0x2c: {  	s7 =	sld [smem:$0x3FAD]  }
0x2d: {  	s3 =	simm.s32 $0x108;
	s8 =	sld [smem:$0x3FAE]  }
0x2e: {  	s3 =	simm.s32 @!p0 $0x1082;
	s9 =	sld [smem:$0x3FAF]  }
0x2f: {  	lr =	sadd.s32 s0, s3;
	s0 =	sld [smem:$0x3FA6]  }
0x30: {  	s3 =	sld [smem:$0x3FA9]  }
0x31: {  	[smem:$0x3FB2] =	sst s10  }
0x32: {  	s10 =	sld [smem:$0x3FB0];
	_ =	sdelay $0x3  }
0x33: {  	p0 =	seq.s32 s10, $0x1;
	s10 =	sld [smem:$0x3FB2];
	_ =	sdelay $0x3  }
0x34: {  	[smem:$0x3FB2] =	sst s10  }
0x35: {  	s10 =	sld [smem:$0x3FB1];
	_ =	sdelay $0x3  }
0x36: {  	p1 =	seq.s32 s10, $0x1;
	s10 =	sld [smem:$0x3FB2];
	_ =	sdelay $0x3  }
0x37: {  	[smem:$0x3FB2] =	sst s10  }
0x38: {  	s10 =	sld [smem:$0x3FB3]  }
0x39: {  	_ = 	snop;
	(pc) =	sbr.ind lr, $3  }
0x3a: {  	_ = 	snop  }
0x3b: {  	_ = 	snop  }
0x3c: {  	p2 =	seq.s32 s10, $0x1;
	s10 =	sld [smem:$0x3FB2]  }
0x3d: {  	_ =	shalt  }
0x3e: {  	_ =	shalt  }
0x3f: {  	_ =	shalt  }
0x40: {  	_ =	shalt  }
0x41: {  	_ =	shalt  }
0x42: {  	_ =	shalt  }
0x43: {  	_ =	shalt  }
0x44: {  	_ =	shalt  }
0x45: {  	_ =	shalt  }
0x46: {  	_ =	shalt  }
0x47: {  	_ =	shalt  }
0x48: {  	_ =	shalt  }
0x49: {  	_ =	shalt  }
0x4a: {  	_ =	shalt  }
0x4b: {  	_ =	shalt  }
0x4c: {  	_ =	shalt  }
0x4d: {  	_ =	shalt  }
0x4e: {  	_ =	shalt  }
0x4f: {  	_ =	shalt  }
0x50: {  	_ =	shalt  }
0x51: {  	_ =	shalt  }
0x52: {  	_ =	shalt  }
0x53: {  	_ =	shalt  }
0x54: {  	_ =	shalt  }
0x55: {  	_ =	shalt  }
0x56: {  	_ =	shalt  }
0x57: {  	_ =	shalt  }
0x58: {  	_ =	shalt  }
0x59: {  	_ =	shalt  }
0x5a: {  	_ =	shalt  }
0x5b: {  	_ =	shalt  }
0x5c: {  	_ =	shalt  }
0x5d: {  	_ =	shalt  }
0x5e: {  	_ =	shalt  }
0x5f: {  	_ =	shalt  }
0x60: {  	_ =	shalt  }
0x61: {  	_ =	shalt  }
0x62: {  	_ =	shalt  }
0x63: {  	_ =	shalt  }
0x64: {  	_ =	shalt  }
0x65: {  	_ =	shalt  }
0x66: {  	_ =	shalt  }
0x67: {  	_ =	shalt  }
0x68: {  	_ =	shalt  }
0x69: {  	_ =	shalt  }
0x6a: {  	_ =	shalt  }
0x6b: {  	_ =	shalt  }
0x6c: {  	_ =	shalt  }
0x6d: {  	_ =	shalt  }
0x6e: {  	_ =	shalt  }
0x6f: {  	_ =	shalt  }
0x70: {  	_ =	shalt  }
0x71: {  	_ =	shalt  }
0x72: {  	_ =	shalt  }
0x73: {  	_ =	shalt  }
0x74: {  	_ =	shalt  }
0x75: {  	_ =	shalt  }
0x76: {  	_ =	shalt  }
0x77: {  	_ =	shalt  }
0x78: {  	_ =	shalt  }
0x79: {  	_ =	shalt  }
0x7a: {  	_ =	shalt  }
0x7b: {  	_ =	shalt  }
0x7c: {  	_ =	shalt  }
0x7d: {  	_ =	shalt  }
0x7e: {  	_ =	shalt  }
0x7f: {  	_ =	shalt  }
0x80: {  	_ =	shalt  }
0x81: {  	_ =	shalt  }
0x82: {  	_ =	shalt  }
0x83: {  	_ =	shalt  }
0x84: {  	_ =	shalt  }
0x85: {  	_ =	shalt  }
0x86: {  	_ =	shalt  }
0x87: {  	_ =	shalt  }
.Lfunc_end0:
.L_simem_size_0:
called_computation.1_lowered:
.L_overlay_start_0:
0x88: {  	s2 =	sld [smem:$0x3FD9]  }
0x89: {  	s3 =	sld [smem:$0x3FFE];
	_ =	sdelay $0x1  }
0x8a: {  	s1 =	srdreg.scid  }
0x8b: {  	s0 =	sand.u32 $0x1, s1  }
0x8c: {  	s16 =	sshll.u32 s0, $0xA;
	s2 =	sadd.s32 s3, s2  }
0x8d: {  	s2 =	sadd.s32 s2, s16  }
0x8e: {  	[smem:$0x3FBE] =	sst s2  }
0x8f: {  	_ = 	snop  }
0x90: {  	(tm) =	ssettm $0x1  }
0x91: {  	s17 =	sld [smem:$0x3FFB];
	_ =	sdelay $0x3  }
0x92: {  	_ =	strace s17  }
0x93: {  	s2 =	sld [smem:$0x3FFC];
	_ =	sdelay $0x3  }
0x94: {  	_ =	strace s2  }
0x95: {  	s2 =	sld [smem:$0x3FFD];
	_ =	sdelay $0x3  }
0x96: {  	_ =	strace s2  }
0x97: {  	_ =	strace $0x8FFFFFFF  }
0x98: {  	s18 =	sld [smem:$0x3FDB];
	_ =	sdelay $0x1  }
0x99: {  	s19 =	simm.s32 $_scs_section_size  }
0x9a: {  	s4 =	simm.s32 $_size__tile_overlayer_lowered;
	s5 =	simm.s32 $_tile_overlayer_lowered  }
0x9b: {  	s22 =	simm.s32 $0x1BFF;
	s21 =	sshll.u32 s5, $0x1;
	s2 =	sadd.s32 s19, s18  }
0x9c: {  	s6 =	simm.s32 $0x0;
	s20 =	sshll.u32 s4, $0x1;
	s4 =	sadd.s32 s21, s2  }
0x9d: {  	[timem:s6], [sflag:s22] =	dma.local [hbm:s4], s20  }
0x9e: {  	_ =	swait.ge [sflag:s22], s20  }
0x9f: {  	s3 =	ssub.s32 $0x0, s20;
	[sflag:s22] =	ssyncset.done $0x0  }
0xa0: {  	[sflag:s22] =	ssyncadd.s32 s3;
	_ =	sdelay $0x1  }
0xa1: {  	s23 =	simm.s32 $0x1B8B  }
0xa2: {  	_ =	swait.ge [sflag:s23], $0x1  }
0xa3: {  	[sflag:s23] =	ssyncset.done $0x0  }
0xa4: {  	s25 =	simm.s32 $0x1B8E;
	s24 =	sld [smem:$0x3FFE];
	[sflag:s23] =	ssyncadd.s32 $0xFFFFFFFF  }
0xa5: {  	s26 =	simm.s32 $execute0_lowered;
	[smem:$0x3FD2] =	sst s25  }
0xa6: {  	s4 =	sshll.u32 s26, $0x1;
	_ =	strace $0x80000049;
	[dreg:$0x1] =	wrdreg $0xFFFFFFFF  }
0xa7: {  	s28 =	simm.s32 $_size_execute0_lowered;
	s2 =	sadd.s32 s2, s4;
	[dreg:$0x0] =	wrdreg $0x0  }
0xa8: {  	s4 =	sshll.u32 s28, $0x1;
	[dreg:$0x2] =	wrdreg s2  }
0xa9: {  	[dreg:$0x3] =	wrdreg s4  }
0xaa: {  	[dreg:$0x4] =	wrdreg $0xC0  }
0xab: {  	_ =	task [dreg:s6], $0x5FFFF  }
0xac: {  	[dreg:$0x1] =	wrdreg $0xFFFFFFFF  }
0xad: {  	[dreg:$0x0] =	wrdreg $0x60  }
0xae: {  	[dreg:$0x2] =	wrdreg s24  }
0xaf: {  	[dreg:$0x3] =	wrdreg $0xA3000  }
0xb0: {  	[dreg:$0x4] =	wrdreg $0x9  }
0xb1: {  	_ =	task.clear_ibuf [dreg:s6], $0x5FFFF;
	_ =	strace $0x90000049  }
0xb2: {  	s29 =	simm.s32 $0x9;
	_ =	strace $0x8000004B  }
0xb3: {  	_ =	swait.ge [sflag:s29], $0x1  }
0xb4: {  	[sflag:s29] =	ssyncadd.s32 $0xFFFFFFFF  }
0xb5: {  	_ =	strace $0x9000004B  }
0xb6: {  	_ =	sfence  }
0xb7: {  	s30 =	sld [smem:$0x0];
	_ =	sdelay $0x2  }
0xb8: {  	s31 =	sshll.u32 s1, $0xD;
	s1 =	sshrl.u32 s1, $0x2  }
0xb9: {  	s3 =	sand.u32 $0x4000, s31;
	s1 =	sadd.s32 s1, s30  }
0xba: {  	s0 =	sor.u32 s3, s0;
	s1 =	sshll.u32 s1, $0x11  }
0xbb: {  	s0 =	sor.u32 s1, s0  }
0xbc: {  	s0 =	sadd.s32 $0x8F2B, s0  }
0xbd: {  	[sflag:s0] =	ssyncadd.remote.s32 $0x1  }
0xbe: {  	_ =	sfence.sel $0xFFFF  }
0xbf: {  	[dreg:$0x0] =	wrdreg $0xFFFFFFFF;
	(pc) =	sbr.abs _section_cstart, $3  }
0xc0: {  	[dreg:$0x1] =	wrdreg $0xFFFFFFFF  }
0xc1: {  	_ =	task.clear_ibuf [dreg:s6], $0x2FFFF;
	_ =	strace $0x9FFFFFFF  }
0xc2: {  	(tm) =	ssettm $0x7FFFFFFF  }
0xc3: {  	_ =	shalt  }
tec
execute0_lowered:
.L_overlay_start_1:
0x0: {  	(tag) =	ssettag $0x1  }
0x1: {  	s0 =	rddreg [dreg:$0x0]  }
0x2: {  	s1 =	rddreg [dreg:$0x1]  }
0x3: {  	s2 =	simm.s32 $0x0;
	s3 =	srdreg.scid;
	s14 =	stileid.u32  }
0x4: {  	s28 =	simm.s32 $0x1;
	s29 =	simm.s32 $0x50;
	s30 =	simm.s32 $0x100  }
0x5: {  	s31 =	simm.s32 $0x5300;
	[smem:$0x7FF] =	sst s2;
	s4 =	sadd.s32 $0x2B200, s0  }
0x6: {  	s5 =	sadd.s32 $0x58C400, s0;
	s6 =	sadd.s32 $0x52400, s0;
	s3 =	sand.u32 $0x1, s3  }
0x7: {  	s7 =	smul.u32 $0x50000, s14;
	s0 =	sadd.s32 $0x5C200, s0;
	s9 =	sshll.u32 s14, $0x1  }
0x8: {  	s24 =	smul.u32 $0x14000, s14;
	s12 =	sadd.s32 $0x12E800, s1;
	s13 =	sadd.s32 $0x131000, s1  }
0x9: {  	s16 =	sadd.s32 $0x133800, s1;
	s17 =	sadd.s32 $0x136000, s1;
	p0 =	seq.s32 s14, $0xF  }
0xa: {  	_ =	strace $0x8000004A;
	s8 =	ssub.s32 $0x2, s3;
	s9 =	sor.u32 s3, s9  }
0xb: {  	s3 =	smul.u32 $0x138800, s3;
	s10 =	sshrl.u32 s8, $0x1;
	s11 =	sshrl.u32 s7, $0x2  }
0xc: {  	s7 =	smul.u32 $0x2710, s9;
	s10 =	ssub.s32 s8, s10;
	s8 =	sadd.s32 s11, s1  }
0xd: {  	s9 =	smul.u32 $0x27100, s9;
	s11 =	sadd.s32 $0x2800, s8;
	s23 =	sadd.s32 $0x5000, s8  }
0xe: {  	s18 =	sadd.s32 $0x7800, s8;
	s19 =	sadd.s32 $0xA000, s8;
	s20 =	sadd.s32 $0xC800, s8  }
0xf: {  	s22 =	sadd.s32 $0xF000, s8;
	s15 =	sadd.s32 $0x11800, s8;
	s25 =	sshrl.u32 s7, $0x3  }
0x10: {  	s9 =	sadd.s32 s5, s9;
	s21 =	sadd.s32 $0xA0, s7;
	[dreg:$0x3] =	wrdreg s11  }
0x11: {  	s26 =	smax.u32 s10, $0x1;
	s10 =	simm.s32 $0x2B00;
	[dreg:$0x4] =	wrdreg s23  }
0x12: {  	s23 =	sadd.s32 $0x12C000, s1;
	s11 =	sadd.s32 s24, s3;
	s3 =	sshrl.u32 s3, $0x3  }
0x13: {  	[dreg:$0xc] =	wrdreg s9;
	s19 =	smov.u32 @p0 s12;
	s20 =	smov.u32 @p0 s13  }
0x14: {  	s22 =	smov.u32 @p0 s16;
	[dreg:$0xf] =	wrdreg s26;
	s15 =	smov.u32 @p0 s17  }
0x15: {  	s26 =	simm.s32 $0x7;
	s9 =	simm.s32 $0x180;
	[dreg:$0x6] =	wrdreg s19  }
0x16: {  	s17 =	simm.s32 $0x7B00;
	s24 =	simm.s32 $0x4;
	[dreg:$0x7] =	wrdreg s20  }
0x17: {  	s16 =	simm.s32 $0x280;
	s11 =	sshrl.u32 s11, $0x3;
	[dreg:$0x8] =	wrdreg s22  }
0x18: {  	s22 =	sadd.s32 $0xF0, s7;
	[dreg:$0x9] =	wrdreg s23;
	s18 =	smov.u32 @p0 s23  }
0x19: {  	s19 =	simm.s32 $0x3;
	s20 =	simm.s32 $0x200;
	s23 =	simm.s32 $0x5  }
.Ltmp0:
0x1a: {  	s11 =	sadd.s32 s0, s11;
	[dreg:$0x5] =	wrdreg s18;
	(pc) =	sbr.rel .LBB2_1-.Ltmp0, $4  }
0x1b: {  	s0 =	sadd.s32 s0, s3;
	s3 =	sadd.s32 s6, s25;
	[dreg:$0xa] =	wrdreg s11  }
0x1c: {  	s25 =	simm.s32 $0x300;
	[dreg:$0xb] =	wrdreg s3;
	s3 =	sadd.s32 $0xA, s3  }
0x1d: {  	s18 =	simm.s32 $0x0;
	s0 =	sadd.s32 $0x25800, s0;
	[dreg:$0xd] =	wrdreg s3  }
0x1e: {  	v0 =	vimm.f32 $0.0e+00;
	[dreg:$0xe] =	wrdreg s0;
	s0 =	simm.s32 $0x80;
	s3 =	simm.s32 $0x2  }
.LBB2_18:
0x1f: {  	_ =	swait.ge [sflag:s23], $0x2800  }
0x20: {  	[sflag:s23] =	ssyncset.done $0x0  }
0x21: {  	[sflag:s23] =	ssyncadd.s32 $0xFFFFD800  }
0x22: {  	[bflag:$0x0] =	sbarrier.arrive $0xFFFF  }
0x23: {  	s11 =	rddreg [dreg:$0x9]  }
0x24: {  	s12 =	simm.s32 @p0 $0x1FC7;
	s13 =	rddreg [dreg:$0xe];
	s11 =	sshrl.u32 @p0 s11, $0x3  }
0x25: {  	[hbm:s13], [sflag:s12] =	dma.local @p0 [spmem:s11], $0x1900  }
0x26: {  	s11 =	simm.s32 @p0 $0x7  }
0x27: {  	s12 =	stileid.u32;
	_ =	swait.ge @p0 [sflag:s11], $0x1900  }
0x28: {  	s12 =	sshll.u32 @!p0 s12, $0x6;
	[sflag:s11] =	ssyncset.done @p0 $0x0;
	s13 =	rddreg [dreg:$0xa]  }
0x29: {  	[sflag:s11] =	ssyncadd.s32 @p0 $0xFFFFE700;
	s11 =	sor.u32 @!p0 $0x1C07, s12;
	s12 =	sshrl.u32 @!p0 s8, $0x3  }
0x2a: {  	[hbm:s13], [sflag:s11] =	dma.local @!p0 [spmem:s12], $0x2800  }
0x2b: {  	s11 =	simm.s32 @!p0 $0x7  }
0x2c: {  	_ =	swait.ge @!p0 [sflag:s11], $0x2800  }
0x2d: {  	s18 =	sadd.s32 $0x1, s18;
	s14 =	rddreg [dreg:$0xf]  }
0x2e: {  	p1 =	sne.s32 s18, s14  }
.Ltmp1:
0x2f: {  	_ = 	snop;
	(pc) =	sbr.rel @!p1 .LBB2_19-.Ltmp1, $3  }
0x30: {  	_ =	sdelay $0x1  }
0x31: {  	[sflag:s11] =	ssyncset.done @!p0 $0x0  }
0x32: {  	[sflag:s11] =	ssyncadd.s32 @!p0 $0xFFFFD800  }
.LBB2_1:
0x33: {  	s11 =	simm.s32 $0x0;
	s12 =	simm.s32 $0x200  }
.LBB2_2:
0x34: {  	p1 =	sne.s32 s12, $0x9E00;
	[tilespmem:s11+$0x370] =	vst v0  }
0x35: {  	[tilespmem:s11+$0x300] =	vst v0  }
0x36: {  	[tilespmem:s11+$0x310] =	vst v0  }
.Ltmp2:
0x37: {  	[tilespmem:s11+$0x320] =	vst v0;
	(pc) =	sbr.rel @p1 .LBB2_2-.Ltmp2, $4  }
0x38: {  	[tilespmem:s11+$0x330] =	vst v0  }
0x39: {  	[tilespmem:s11+$0x340] =	vst v0  }
0x3a: {  	[tilespmem:s11+$0x350] =	vst v0  }
0x3b: {  	[tilespmem:s11+$0x360] =	vst v0;
	s11 =	sshra.s32 s12, $0x2;
	s12 =	sadd.s32 $0x200, s12  }
0x3c: {  	[tilespmem:s11+$0x370] =	vst v0  }
0x3d: {  	[tilespmem:s11+$0x300] =	vst v0  }
0x3e: {  	[tilespmem:s11+$0x310] =	vst v0  }
0x3f: {  	[tilespmem:s11+$0x320] =	vst v0  }
0x40: {  	[tilespmem:s11+$0x330] =	vst v0  }
0x41: {  	[tilespmem:s11+$0x340] =	vst v0  }
0x42: {  	[tilespmem:s11+$0x350] =	vst v0  }
0x43: {  	[tilespmem:s11+$0x360] =	vst v0;
	s11 =	simm.s32 @!p0 $0x300;
	s12 =	simm.s32 @!p0 $0x7  }
0x44: {  	[spmem:s8] =	stream.linear.scatter @!p0 [tilespmem:s11], [sflag:$0x7], $0x2800, $0x38;
	[tilespmem:$0x1DB80] =	vst v63  }
0x45: {  	_ =	swait.ge @!p0 [sflag:s12], $0x2800  }
0x46: {  	[sflag:s12] =	ssyncset.done @!p0 $0x0  }
0x47: {  	s13 =	rddreg [dreg:$0x3];
	[sflag:s12] =	ssyncadd.s32 @!p0 $0xFFFFD800  }
0x48: {  	[spmem:s13] =	stream.linear.scatter @!p0 [tilespmem:s11], [sflag:$0x7], $0x2800, $0x38;
	[tilespmem:$0x1DB80] =	vst v63  }
0x49: {  	_ =	swait.ge @!p0 [sflag:s12], $0x2800  }
0x4a: {  	[sflag:s12] =	ssyncset.done @!p0 $0x0  }
0x4b: {  	s13 =	rddreg [dreg:$0x4];
	[sflag:s12] =	ssyncadd.s32 @!p0 $0xFFFFD800  }
0x4c: {  	[spmem:s13] =	stream.linear.scatter @!p0 [tilespmem:s11], [sflag:$0x7], $0x2800, $0x38;
	[tilespmem:$0x1DB80] =	vst v63  }
0x4d: {  	_ =	swait.ge @!p0 [sflag:s12], $0x2800  }
0x4e: {  	[sflag:s12] =	ssyncset.done @!p0 $0x0  }
0x4f: {  	s13 =	rddreg [dreg:$0x5];
	[sflag:s12] =	ssyncadd.s32 @!p0 $0xFFFFD800  }
0x50: {  	[spmem:s13] =	stream.linear.scatter [tilespmem:s25], [sflag:$0x7], $0x2800, $0x38;
	[tilespmem:$0x1DB80] =	vst v63  }
0x51: {  	_ =	swait.ge [sflag:s26], $0x2800  }
0x52: {  	[sflag:s26] =	ssyncset.done $0x0  }
0x53: {  	s14 =	rddreg [dreg:$0x6];
	[sflag:s26] =	ssyncadd.s32 $0xFFFFD800  }
0x54: {  	[spmem:s14] =	stream.linear.scatter [tilespmem:s25], [sflag:$0x7], $0x2800, $0x38;
	[tilespmem:$0x1DB80] =	vst v63  }
0x55: {  	_ =	swait.ge [sflag:s26], $0x2800  }
0x56: {  	[sflag:s26] =	ssyncset.done $0x0  }
0x57: {  	s12 =	rddreg [dreg:$0x7];
	[sflag:s26] =	ssyncadd.s32 $0xFFFFD800  }
0x58: {  	[spmem:s12] =	stream.linear.scatter [tilespmem:s25], [sflag:$0x7], $0x2800, $0x38;
	[tilespmem:$0x1DB80] =	vst v63  }
0x59: {  	_ =	swait.ge [sflag:s26], $0x2800  }
0x5a: {  	[sflag:s26] =	ssyncset.done $0x0  }
0x5b: {  	s13 =	rddreg [dreg:$0x8];
	[sflag:s26] =	ssyncadd.s32 $0xFFFFD800  }
0x5c: {  	[spmem:s13] =	stream.linear.scatter [tilespmem:s25], [sflag:$0x7], $0x2800, $0x38;
	[tilespmem:$0x1DB80] =	vst v63  }
0x5d: {  	_ =	swait.ge [sflag:s26], $0x2800  }
0x5e: {  	[sflag:s26] =	ssyncset.done $0x0  }
0x5f: {  	[sflag:s26] =	ssyncadd.s32 $0xFFFFD800  }
0x60: {  	[spmem:s15] =	stream.linear.scatter [tilespmem:s25], [sflag:$0x7], $0x2800, $0x38;
	[tilespmem:$0x1DB80] =	vst v63  }
0x61: {  	_ =	swait.ge [sflag:s26], $0x2800  }
0x62: {  	[sflag:s26] =	ssyncset.done $0x0  }
0x63: {  	[sflag:s26] =	ssyncadd.s32 $0xFFFFD800  }
0x64: {  	[bflag:$0x0] =	sbarrier.arrive $0xFFFF  }
0x65: {  	s11 =	simm.s32 $0x0;
	s14 =	rddreg [dreg:$0xb]  }
0x66: {  	[tilespmem:s11], [sflag:$0x1] =	stream.linear.gather [hbm4b:s14+s11], $0x50, $0x38;
	[tilespmem:$0x1DB80] =	vst v63  }
0x67: {  	_ =	swait.ge [sflag:s28], $0x50  }
0x68: {  	[sflag:s28] =	ssyncset.done $0x0  }
0x69: {  	[sflag:s28] =	ssyncadd.s32 $0xFFFFFFB0  }
0x6a: {  	v1 =	vld [tilespmem:$0x0];
	_ =	sdelay $0x1  }
0x6b: {  	v2 =	vld [tilespmem:$0x10];
	_ =	sdelay $0x1  }
0x6c: {  	v3 =	vld [tilespmem:$0x20]  }
0x6d: {  	v4 =	vand.u32 $0x3FFF, v1  }
0x6e: {  	v63 =	vld [tilespmem:$0x30];
	v1 =	vshrl.u32 v1, $0xE;
	[tilespmem:$0x100] =	vst v4  }
0x6f: {  	[tilespmem:$0x200] =	vst v1;
	v1 =	vand.u32 $0x3FFF, v2  }
0x70: {  	[tilespmem:$0x110] =	vst v1;
	v1 =	vshrl.u32 v2, $0xE;
	v2 =	vld [tilespmem:$0x40]  }
0x71: {  	[tilespmem:$0x210] =	vst v1;
	v1 =	vand.u32 $0x3FFF, v3  }
0x72: {  	[tilespmem:$0x120] =	vst v1;
	v1 =	vshrl.u32 v3, $0xE  }
0x73: {  	[tilespmem:$0x220] =	vst v1;
	v1 =	vand.u32 $0x3FFF, v63  }
0x74: {  	[tilespmem:$0x130] =	vst v1;
	v1 =	vshrl.u32 v63, $0xE  }
0x75: {  	[tilespmem:$0x230] =	vst v1;
	v1 =	vand.u32 $0x3FFF, v2  }
0x76: {  	[tilespmem:$0x140] =	vst v1;
	v1 =	vshrl.u32 v2, $0xE  }
0x77: {  	[tilespmem:$0x240] =	vst v1  }
0x78: {  	[tilespmem:s25], [sflag:$0x3] =	stream.indirect.gather [hbm4b:s4+s29], $0x80, s30, s29, $0xb8;
	[tilespmem:$0x1DB80] =	vst v63  }
.Ltmp3:
0x79: {  	_ = 	snop;
	(pc) =	sbr.rel .LBB2_4-.Ltmp3, $4  }
0x7a: {  	s13 =	rddreg [dreg:$0xc]  }
0x7b: {  	[tilespmem:s31], [sflag:$0x3] =	stream.linear.gather [hbm4b:s13+s11], $0x2800, $0x38;
	[tilespmem:$0x1DB80] =	vst v63  }
0x7c: {  	s14 =	rddreg [dreg:$0xd]  }
0x7d: {  	[tilespmem:s0], [sflag:$0x2] =	stream.linear.gather [hbm4b:s14+s11], $0x50, $0x38;
	[tilespmem:$0x1DB80] =	vst v63  }
.LBB2_17:
0x7e: {  	s11 =	sadd.s32 $0x1, s11  }
0x7f: {  	p1 =	sne.s32 s11, $0x3F  }
.Ltmp4:
0x80: {  	_ = 	snop;
	(pc) =	sbr.rel @!p1 .LBB2_18-.Ltmp4, $1  }
0x81: {  	_ =	sdelay $0x3  }
.LBB2_4:
0x82: {  	p1 =	seq.s32 s11, $0x3E  }
0x83: {  	s12 =	smul.u32 @!p1 $0xA0, s11;
	_ =	sdelay $0x1  }
0x84: {  	s12 =	sadd.s32 @!p1 s12, s21  }
0x85: {  	s12 =	sshrl.u32 @!p1 s12, $0x3  }
0x86: {  	s13 =	simm.s32 @!p1 $0x0;
	p2 =	seq.s32 @!p1 s11, $0x0;
	s12 =	sadd.s32 @!p1 s6, s12  }
0x87: {  	[tilespmem:s13], [sflag:$0x1] =	stream.linear.gather @!p1 [hbm4b:s12+s13], $0x50, $0x38;
	[tilespmem:$0x1DB80] =	vst v63  }
0x88: {  	p3 =	por p1, !p2;
	s12 =	sshll.u32 s11, $0x1  }
0x89: {  	s12 =	sor.u32 @p3 $0x1, s12  }
0x8a: {  	p2 =	sgt.u32 @p3 s12, $0x7C  }
0x8b: {  	p4 =	por !p3, !p2  }
.Ltmp5:
0x8c: {  	_ = 	snop;
	(pc) =	sbr.rel @!p4 .LBB2_6-.Ltmp5, $4  }
0x8d: {  	s13 =	simm.s32 @p3 $0x6  }
0x8e: {  	_ =	swait.ge @p3 [sflag:s13], $0x2800  }
0x8f: {  	[sflag:s13] =	ssyncset.done @p3 $0x0  }
0x90: {  	[sflag:s13] =	ssyncadd.s32 @p3 $0xFFFFD800;
	p2 =	por @p3 $0x0, $0x0  }
0x91: {  	_ =	swait.ge [sflag:s3], $0x50  }
0x92: {  	[sflag:s3] =	ssyncset.done $0x0  }
0x93: {  	[sflag:s3] =	ssyncadd.s32 $0xFFFFFFB0  }
0x94: {  	v1 =	vld [tilespmem:$0x80];
	_ =	sdelay $0x1  }
0x95: {  	v2 =	vld [tilespmem:$0x90];
	_ =	sdelay $0x1  }
0x96: {  	v3 =	vld [tilespmem:$0xA0]  }
0x97: {  	v4 =	vand.u32 $0x3FFF, v1  }
0x98: {  	v63 =	vld [tilespmem:$0xB0];
	v1 =	vshrl.u32 v1, $0xE;
	[tilespmem:$0x180] =	vst v4  }
0x99: {  	[tilespmem:$0x280] =	vst v1;
	v1 =	vand.u32 $0x3FFF, v2  }
0x9a: {  	[tilespmem:$0x190] =	vst v1;
	v1 =	vshrl.u32 v2, $0xE;
	v2 =	vld [tilespmem:$0xC0]  }
0x9b: {  	[tilespmem:$0x290] =	vst v1;
	v1 =	vand.u32 $0x3FFF, v3  }
0x9c: {  	[tilespmem:$0x1A0] =	vst v1;
	v1 =	vshrl.u32 v3, $0xE  }
0x9d: {  	s12 =	simm.s32 @!p3 $0x1;
	[tilespmem:$0x2A0] =	vst v1;
	v1 =	vand.u32 $0x3FFF, v63  }
0x9e: {  	s12 =	smul.u32 $0x50, s12;
	[tilespmem:$0x1B0] =	vst v1;
	v1 =	vshrl.u32 v63, $0xE  }
0x9f: {  	[tilespmem:$0x2B0] =	vst v1;
	v1 =	vand.u32 $0x3FFF, v2  }
0xa0: {  	s12 =	sadd.s32 s7, s12;
	[tilespmem:$0x1C0] =	vst v1;
	v1 =	vshrl.u32 v2, $0xE  }
0xa1: {  	s12 =	sshll.u32 s12, $0x4;
	[tilespmem:$0x2C0] =	vst v1  }
0xa2: {  	[tilespmem:s10], [sflag:$0x4] =	stream.indirect.gather [hbm4b:s4+s29], $0x80, s9, s29, $0xb8;
	[tilespmem:$0x1DB80] =	vst v63  }
0xa3: {  	p2 =	por $0x1, $0x1;
	s12 =	sadd.s32 s5, s12  }
0xa4: {  	[tilespmem:s17], [sflag:$0x4] =	stream.linear.gather [hbm4b:s12+s2], $0x2800, $0x38;
	[tilespmem:$0x1DB80] =	vst v63  }
.LBB2_6:
0xa5: {  	_ =	swait.ge [sflag:s19], $0x2800  }
0xa6: {  	[sflag:s19] =	ssyncset.done $0x0  }
0xa7: {  	[sflag:s19] =	ssyncadd.s32 $0xFFFFD800  }
0xa8: {  	_ =	swait.ge [sflag:s19], $0x2800  }
0xa9: {  	[sflag:s19] =	ssyncset.done $0x0  }
0xaa: {  	s12 =	simm.s32 $0x0;
	[sflag:s19] =	ssyncadd.s32 $0xFFFFD800  }
0xab: {  	v4 =	vld [tilespmem:s12+$0x5300]  }
0xac: {  	v5 =	vld [tilespmem:s12+$0x5310]  }
0xad: {  	v6 =	vld [tilespmem:s12+$0x5320]  }
0xae: {  	v7 =	vld [tilespmem:s12+$0x5330]  }
0xaf: {  	v8 =	vld [tilespmem:s12+$0x5380]  }
0xb0: {  	v9 =	vld [tilespmem:s12+$0x5390]  }
0xb1: {  	v18 =	vld [tilespmem:s12+$0x310]  }
0xb2: {  	v10 =	vld [tilespmem:s12+$0x53A0]  }
0xb3: {  	v11 =	vld [tilespmem:s12+$0x53B0]  }
0xb4: {  	v20 =	vld [tilespmem:s12+$0x330]  }
0xb5: {  	v12 =	vld [tilespmem:s12+$0x5400];
	v21 =	vshll.u32 v4, $0x10;
	v4 =	vand.u32 $0xFFFF0000, v4  }
0xb6: {  	v13 =	vld [tilespmem:s12+$0x5410];
	v4 =	vmul.f32 v4, v18  }
0xb7: {  	v50 =	vld [tilespmem:s12+$0x350]  }
0xb8: {  	v14 =	vld [tilespmem:s12+$0x5420];
	[tilespmem:s12+$0x310] =	vst v4;
	v4 =	vand.u32 $0xFFFF0000, v5  }
0xb9: {  	v15 =	vld [tilespmem:s12+$0x5430];
	v4 =	vmul.f32 v4, v20  }
0xba: {  	v52 =	vld [tilespmem:s12+$0x370]  }
0xbb: {  	v51 =	vshll.u32 v5, $0x10;
	v5 =	vld [tilespmem:s12+$0x380];
	[tilespmem:s12+$0x330] =	vst v4;
	v4 =	vand.u32 $0xFFFF0000, v6  }
0xbc: {  	v16 =	vld [tilespmem:s12+$0x5480];
	v4 =	vmul.f32 v4, v50  }
0xbd: {  	v54 =	vld [tilespmem:s12+$0x390]  }
0xbe: {  	v53 =	vshll.u32 v6, $0x10;
	v6 =	vld [tilespmem:s12+$0x3A0];
	[tilespmem:s12+$0x350] =	vst v4;
	v4 =	vand.u32 $0xFFFF0000, v7  }
0xbf: {  	v3 =	vld [tilespmem:s12+$0x5490];
	v57 =	vshll.u32 v8, $0x10;
	v4 =	vmul.f32 v4, v52  }
0xc0: {  	v56 =	vld [tilespmem:s12+$0x3B0];
	v5 =	vmul.f32 v57, v5  }
0xc1: {  	v55 =	vshll.u32 v7, $0x10;
	v7 =	vld [tilespmem:s12+$0x3C0];
	[tilespmem:s12+$0x370] =	vst v4;
	v4 =	vand.u32 $0xFFFF0000, v8  }
0xc2: {  	v2 =	vld [tilespmem:s12+$0x54A0];
	[tilespmem:s12+$0x380] =	vst v5;
	v5 =	vshll.u32 v9, $0x10;
	v4 =	vmul.f32 v4, v54  }
0xc3: {  	v58 =	vld [tilespmem:s12+$0x3D0];
	v5 =	vmul.f32 v5, v6  }
0xc4: {  	v8 =	vld [tilespmem:s12+$0x3E0];
	[tilespmem:s12+$0x390] =	vst v4;
	v4 =	vand.u32 $0xFFFF0000, v9  }
0xc5: {  	v1 =	vld [tilespmem:s12+$0x54B0];
	[tilespmem:s12+$0x3A0] =	vst v5;
	v5 =	vshll.u32 v10, $0x10;
	v4 =	vmul.f32 v4, v56  }
0xc6: {  	v59 =	vld [tilespmem:s12+$0x3F0];
	v5 =	vmul.f32 v5, v7  }
0xc7: {  	v6 =	vld [tilespmem:s12+$0x400];
	[tilespmem:s12+$0x3B0] =	vst v4;
	v4 =	vand.u32 $0xFFFF0000, v10  }
0xc8: {  	v17 =	vld [tilespmem:s12+$0x300];
	[tilespmem:s12+$0x3C0] =	vst v5;
	v5 =	vshll.u32 v11, $0x10;
	v4 =	vmul.f32 v4, v58  }
0xc9: {  	v9 =	vld [tilespmem:s12+$0x410];
	v5 =	vmul.f32 v5, v8  }
0xca: {  	v7 =	vld [tilespmem:s12+$0x420];
	[tilespmem:s12+$0x3D0] =	vst v4;
	v4 =	vand.u32 $0xFFFF0000, v11  }
0xcb: {  	v19 =	vld [tilespmem:s12+$0x320];
	[tilespmem:s12+$0x3E0] =	vst v5;
	v5 =	vshll.u32 v12, $0x10;
	v4 =	vmul.f32 v4, v59  }
0xcc: {  	v10 =	vld [tilespmem:s12+$0x430];
	v5 =	vmul.f32 v5, v6  }
0xcd: {  	v17 =	vmul.f32 v21, v17;
	v11 =	vld [tilespmem:s12+$0x440];
	[tilespmem:s12+$0x3F0] =	vst v4;
	v4 =	vand.u32 $0xFFFF0000, v12  }
0xce: {  	v22 =	vld [tilespmem:s12+$0x340];
	[tilespmem:s12+$0x400] =	vst v5;
	v5 =	vshll.u32 v13, $0x10;
	v4 =	vmul.f32 v4, v9  }
0xcf: {  	v60 =	vld [tilespmem:s12+$0x450];
	[tilespmem:s12+$0x300] =	vst v17;
	v5 =	vmul.f32 v5, v7  }
0xd0: {  	v61 =	vld [tilespmem:s12+$0x460];
	v17 =	vmul.f32 v51, v19;
	[tilespmem:s12+$0x410] =	vst v4;
	v4 =	vand.u32 $0xFFFF0000, v13  }
0xd1: {  	v23 =	vld [tilespmem:s12+$0x360];
	[tilespmem:s12+$0x420] =	vst v5;
	v5 =	vshll.u32 v14, $0x10;
	v4 =	vmul.f32 v4, v10  }
0xd2: {  	[tilespmem:s12+$0x320] =	vst v17;
	v9 =	vld [tilespmem:s12+$0x470];
	v5 =	vmul.f32 v5, v11  }
0xd3: {  	v62 =	vld [tilespmem:s12+$0x480];
	v17 =	vmul.f32 v53, v22;
	[tilespmem:s12+$0x430] =	vst v4;
	v4 =	vand.u32 $0xFFFF0000, v14  }
0xd4: {  	v8 =	vld [tilespmem:s12+$0x490];
	[tilespmem:s12+$0x440] =	vst v5;
	v5 =	vshll.u32 v15, $0x10;
	v4 =	vmul.f32 v4, v60  }
0xd5: {  	[tilespmem:s12+$0x340] =	vst v17;
	v6 =	vld [tilespmem:s12+$0x4A0];
	v10 =	vmul.f32 v5, v61  }
0xd6: {  	v17 =	vmul.f32 v55, v23;
	v7 =	vld [tilespmem:s12+$0x4B0];
	[tilespmem:s12+$0x450] =	vst v4;
	v4 =	vand.u32 $0xFFFF0000, v15  }
0xd7: {  	v63 =	vshll.u32 v16, $0x10;
	v5 =	vld [tilespmem:s12+$0x4C0];
	[tilespmem:s12+$0x460] =	vst v10;
	v10 =	vmul.f32 v4, v9  }
0xd8: {  	s13 =	simm.s32 $0x800;
	[tilespmem:s12+$0x360] =	vst v17;
	v11 =	vand.u32 $0xFFFF0000, v16;
	v9 =	vmul.f32 v63, v62;
	v4 =	vld [tilespmem:s12+$0x4D0]  }
.LBB2_7:
0xd9: {  	p3 =	sne.s32 s13, $0x9800;
	[tilespmem:s12+$0x470] =	vst v10;
	v8 =	vmul.f32 v11, v8;
	v10 =	vshll.u32 v3, $0x10;
	v11 =	vld [tilespmem:s12+$0x4E0]  }
0xda: {  	s14 =	sshra.s32 s13, $0x2;
	v3 =	vand.u32 $0xFFFF0000, v3;
	[tilespmem:s12+$0x480] =	vst v9;
	v6 =	vmul.f32 v10, v6;
	v9 =	vld [tilespmem:s12+$0x4F0]  }
0xdb: {  	v10 =	vld [tilespmem:s14+$0x5300];
	[tilespmem:s12+$0x490] =	vst v8;
	v3 =	vmul.f32 v3, v7;
	v7 =	vshll.u32 v2, $0x10  }
0xdc: {  	v2 =	vand.u32 $0xFFFF0000, v2;
	v8 =	vld [tilespmem:s14+$0x5310];
	[tilespmem:s12+$0x4A0] =	vst v6;
	v5 =	vmul.f32 v7, v5  }
0xdd: {  	v6 =	vld [tilespmem:s14+$0x5320];
	[tilespmem:s12+$0x4B0] =	vst v3;
	v2 =	vmul.f32 v2, v4;
	v3 =	vshll.u32 v1, $0x10  }
0xde: {  	v1 =	vand.u32 $0xFFFF0000, v1;
	v7 =	vld [tilespmem:s14+$0x5330];
	[tilespmem:s12+$0x4C0] =	vst v5;
	v3 =	vmul.f32 v3, v11  }
0xdf: {  	v11 =	vld [tilespmem:s14+$0x5380];
	[tilespmem:s12+$0x4D0] =	vst v2;
	v1 =	vmul.f32 v1, v9  }
0xe0: {  	v9 =	vld [tilespmem:s14+$0x5390];
	[tilespmem:s12+$0x4E0] =	vst v3  }
0xe1: {  	v12 =	vld [tilespmem:s14+$0x53A0];
	[tilespmem:s12+$0x4F0] =	vst v1;
	s12 =	smov.u32 s14  }
0xe2: {  	v13 =	vld [tilespmem:s12+$0x53B0]  }
0xe3: {  	v14 =	vld [tilespmem:s12+$0x5400]  }
0xe4: {  	v15 =	vld [tilespmem:s12+$0x5410]  }
0xe5: {  	v16 =	vld [tilespmem:s12+$0x5420]  }
0xe6: {  	v5 =	vld [tilespmem:s12+$0x5430]  }
0xe7: {  	v4 =	vld [tilespmem:s12+$0x5480]  }
0xe8: {  	v3 =	vld [tilespmem:s12+$0x5490]  }
0xe9: {  	v2 =	vld [tilespmem:s12+$0x54A0]  }
0xea: {  	v1 =	vld [tilespmem:s12+$0x54B0]  }
0xeb: {  	v17 =	vld [tilespmem:s12+$0x300]  }
0xec: {  	v18 =	vld [tilespmem:s12+$0x310]  }
0xed: {  	v19 =	vld [tilespmem:s12+$0x320]  }
0xee: {  	v20 =	vld [tilespmem:s12+$0x330]  }
0xef: {  	v21 =	vshll.u32 v10, $0x10;
	v22 =	vld [tilespmem:s12+$0x340]  }
0xf0: {  	v10 =	vand.u32 $0xFFFF0000, v10;
	v17 =	vmul.f32 v21, v17;
	v21 =	vld [tilespmem:s12+$0x350]  }
0xf1: {  	v10 =	vmul.f32 v10, v18;
	v18 =	vshll.u32 v8, $0x10;
	v23 =	vld [tilespmem:s12+$0x360]  }
0xf2: {  	v8 =	vand.u32 $0xFFFF0000, v8;
	[tilespmem:s12+$0x300] =	vst v17;
	v17 =	vmul.f32 v18, v19;
	v18 =	vld [tilespmem:s12+$0x370]  }
0xf3: {  	[tilespmem:s12+$0x310] =	vst v10;
	v8 =	vmul.f32 v8, v20;
	v10 =	vshll.u32 v6, $0x10;
	v19 =	vld [tilespmem:s12+$0x380]  }
0xf4: {  	v6 =	vand.u32 $0xFFFF0000, v6;
	[tilespmem:s12+$0x320] =	vst v17;
	v10 =	vmul.f32 v10, v22;
	v17 =	vld [tilespmem:s12+$0x390]  }
0xf5: {  	[tilespmem:s12+$0x330] =	vst v8;
	v6 =	vmul.f32 v6, v21;
	v8 =	vshll.u32 v7, $0x10;
	v20 =	vld [tilespmem:s12+$0x3A0]  }
0xf6: {  	v7 =	vand.u32 $0xFFFF0000, v7;
	[tilespmem:s12+$0x340] =	vst v10;
	v8 =	vmul.f32 v8, v23;
	v10 =	vld [tilespmem:s12+$0x3B0]  }
0xf7: {  	[tilespmem:s12+$0x350] =	vst v6;
	v6 =	vmul.f32 v7, v18;
	v7 =	vshll.u32 v11, $0x10;
	v18 =	vld [tilespmem:s12+$0x3C0]  }
0xf8: {  	[tilespmem:s12+$0x360] =	vst v8;
	v8 =	vand.u32 $0xFFFF0000, v11;
	v7 =	vmul.f32 v7, v19;
	v11 =	vld [tilespmem:s12+$0x3D0]  }
0xf9: {  	[tilespmem:s12+$0x370] =	vst v6;
	v6 =	vmul.f32 v8, v17;
	v8 =	vshll.u32 v9, $0x10;
	v17 =	vld [tilespmem:s12+$0x3E0]  }
0xfa: {  	[tilespmem:s12+$0x380] =	vst v7;
	v7 =	vand.u32 $0xFFFF0000, v9;
	v8 =	vmul.f32 v8, v20;
	v9 =	vld [tilespmem:s12+$0x3F0]  }
0xfb: {  	[tilespmem:s12+$0x390] =	vst v6;
	v6 =	vmul.f32 v7, v10;
	v7 =	vshll.u32 v12, $0x10;
	v10 =	vld [tilespmem:s12+$0x400]  }
0xfc: {  	[tilespmem:s12+$0x3A0] =	vst v8;
	v8 =	vand.u32 $0xFFFF0000, v12;
	v7 =	vmul.f32 v7, v18;
	v12 =	vld [tilespmem:s12+$0x410]  }
0xfd: {  	[tilespmem:s12+$0x3B0] =	vst v6;
	v6 =	vmul.f32 v8, v11;
	v8 =	vshll.u32 v13, $0x10;
	v11 =	vld [tilespmem:s12+$0x420]  }
0xfe: {  	[tilespmem:s12+$0x3C0] =	vst v7;
	v7 =	vand.u32 $0xFFFF0000, v13;
	v8 =	vmul.f32 v8, v17;
	v13 =	vld [tilespmem:s12+$0x430]  }
0xff: {  	[tilespmem:s12+$0x3D0] =	vst v6;
	v6 =	vmul.f32 v7, v9;
	v7 =	vshll.u32 v14, $0x10;
	v9 =	vld [tilespmem:s12+$0x440]  }
0x100: {  	[tilespmem:s12+$0x3E0] =	vst v8;
	v8 =	vand.u32 $0xFFFF0000, v14;
	v7 =	vmul.f32 v7, v10;
	v10 =	vld [tilespmem:s12+$0x450]  }
0x101: {  	[tilespmem:s12+$0x3F0] =	vst v6;
	v6 =	vmul.f32 v8, v12;
	v8 =	vshll.u32 v15, $0x10;
	v12 =	vld [tilespmem:s12+$0x460]  }
0x102: {  	[tilespmem:s12+$0x400] =	vst v7;
	v7 =	vand.u32 $0xFFFF0000, v15;
	v8 =	vmul.f32 v8, v11;
	v11 =	vld [tilespmem:s12+$0x470]  }
0x103: {  	[tilespmem:s12+$0x410] =	vst v6;
	v6 =	vmul.f32 v7, v13;
	v7 =	vshll.u32 v16, $0x10;
	v13 =	vld [tilespmem:s12+$0x480]  }
.Ltmp6:
0x104: {  	v14 =	vand.u32 $0xFFFF0000, v16;
	[tilespmem:s12+$0x420] =	vst v8;
	v7 =	vmul.f32 v7, v9;
	v8 =	vld [tilespmem:s12+$0x490];
	(pc) =	sbr.rel @p3 .LBB2_7-.Ltmp6, $4  }
0x105: {  	[tilespmem:s12+$0x430] =	vst v6;
	v9 =	vmul.f32 v14, v10;
	v10 =	vshll.u32 v5, $0x10;
	v6 =	vld [tilespmem:s12+$0x4A0]  }
0x106: {  	v5 =	vand.u32 $0xFFFF0000, v5;
	[tilespmem:s12+$0x440] =	vst v7;
	v12 =	vmul.f32 v10, v12;
	v7 =	vld [tilespmem:s12+$0x4B0]  }
0x107: {  	[tilespmem:s12+$0x450] =	vst v9;
	v10 =	vmul.f32 v5, v11;
	v9 =	vshll.u32 v4, $0x10;
	v5 =	vld [tilespmem:s12+$0x4C0]  }
0x108: {  	s13 =	sadd.s32 $0x800, s13;
	v11 =	vand.u32 $0xFFFF0000, v4;
	[tilespmem:s12+$0x460] =	vst v12;
	v9 =	vmul.f32 v9, v13;
	v4 =	vld [tilespmem:s12+$0x4D0]  }
0x109: {  	[tilespmem:s12+$0x470] =	vst v10;
	v60 =	vld [tilespmem:s12+$0x4E0];
	v8 =	vmul.f32 v11, v8;
	v61 =	vshll.u32 v3, $0x10  }
0x10a: {  	v3 =	vand.u32 $0xFFFF0000, v3;
	v62 =	vld [tilespmem:s12+$0x4F0];
	[tilespmem:s12+$0x480] =	vst v9;
	v6 =	vmul.f32 v61, v6  }
0x10b: {  	v63 =	vshll.u32 v2, $0x10;
	[tilespmem:s12+$0x490] =	vst v8;
	v3 =	vmul.f32 v3, v7  }
0x10c: {  	v2 =	vand.u32 $0xFFFF0000, v2;
	[tilespmem:s12+$0x4A0] =	vst v6;
	v5 =	vmul.f32 v63, v5  }
0x10d: {  	[tilespmem:s12+$0x4B0] =	vst v3;
	v2 =	vmul.f32 v2, v4;
	v3 =	vshll.u32 v1, $0x10  }
.Ltmp7:
0x10e: {  	v1 =	vand.u32 $0xFFFF0000, v1;
	[tilespmem:s12+$0x4C0] =	vst v5;
	v3 =	vmul.f32 v3, v60;
	(pc) =	sbr.rel @!p2 .LBB2_17-.Ltmp7, $4  }
0x10f: {  	v1 =	vmul.f32 v1, v62;
	[tilespmem:s12+$0x4D0] =	vst v2  }
0x110: {  	[tilespmem:s12+$0x4E0] =	vst v3  }
0x111: {  	[tilespmem:s12+$0x4F0] =	vst v1  }
0x112: {  	[spmem:s1] =	stream.indirect.scatter.add.f32 [tilespmem:s25], [sflag:$0x5], $0x80, s20, s29, $0xb8;
	[tilespmem:$0x1DB80] =	vst v63  }
0x113: {  	p2 =	sgt.u32 s11, $0x3C  }
.Ltmp8:
0x114: {  	_ = 	snop;
	(pc) =	sbr.rel @p2 .LBB2_11-.Ltmp8, $1  }
0x115: {  	_ =	sdelay $0x3  }
0x116: {  	s12 =	smul.u32 $0xA0, s11;
	_ =	sdelay $0x1  }
0x117: {  	s13 =	sadd.s32 s12, s22  }
0x118: {  	s13 =	sshrl.u32 s13, $0x3  }
.Ltmp9:
0x119: {  	s13 =	sadd.s32 s6, s13;
	(pc) =	sbr.rel .LBB2_13-.Ltmp9, $4  }
0x11a: {  	[tilespmem:s0], [sflag:$0x2] =	stream.linear.gather [hbm4b:s13+s2], $0x50, $0x38;
	[tilespmem:$0x1DB80] =	vst v63  }
0x11b: {  	_ =	swait.ge [sflag:s23], $0x2800  }
0x11c: {  	[sflag:s23] =	ssyncset.done $0x0  }
0x11d: {  	[sflag:s23] =	ssyncadd.s32 $0xFFFFD800  }
.LBB2_11:
.Ltmp10:
0x11e: {  	(pc) =	sbr.rel @p1 .LBB2_14-.Ltmp10, $4  }
0x11f: {  	_ = 	snop  }
0x120: {  	_ =	swait.ge [sflag:s23], $0x2800  }
0x121: {  	[sflag:s23] =	ssyncset.done $0x0  }
0x122: {  	[sflag:s23] =	ssyncadd.s32 $0xFFFFD800  }
0x123: {  	s12 =	smul.u32 $0xA0, s11  }
.LBB2_13:
0x124: {  	_ =	swait.ge [sflag:s28], $0x50  }
0x125: {  	[sflag:s28] =	ssyncset.done $0x0  }
0x126: {  	[sflag:s28] =	ssyncadd.s32 $0xFFFFFFB0  }
0x127: {  	v1 =	vld [tilespmem:$0x0];
	_ =	sdelay $0x1  }
0x128: {  	v2 =	vld [tilespmem:$0x10];
	_ =	sdelay $0x1  }
0x129: {  	v3 =	vld [tilespmem:$0x20]  }
0x12a: {  	v4 =	vand.u32 $0x3FFF, v1  }
0x12b: {  	v63 =	vld [tilespmem:$0x30];
	v1 =	vshrl.u32 v1, $0xE;
	[tilespmem:$0x100] =	vst v4  }
0x12c: {  	[tilespmem:$0x200] =	vst v1;
	v1 =	vand.u32 $0x3FFF, v2  }
0x12d: {  	[tilespmem:$0x110] =	vst v1;
	v1 =	vshrl.u32 v2, $0xE;
	v2 =	vld [tilespmem:$0x40]  }
0x12e: {  	[tilespmem:$0x210] =	vst v1;
	v1 =	vand.u32 $0x3FFF, v3  }
0x12f: {  	[tilespmem:$0x120] =	vst v1;
	v1 =	vshrl.u32 v3, $0xE  }
0x130: {  	[tilespmem:$0x220] =	vst v1;
	v1 =	vand.u32 $0x3FFF, v63  }
0x131: {  	[tilespmem:$0x130] =	vst v1;
	v1 =	vshrl.u32 v63, $0xE  }
0x132: {  	[tilespmem:$0x230] =	vst v1;
	v1 =	vand.u32 $0x3FFF, v2  }
0x133: {  	s12 =	sadd.s32 s12, s21;
	[tilespmem:$0x140] =	vst v1;
	v1 =	vshrl.u32 v2, $0xE  }
0x134: {  	s12 =	sshll.u32 s12, $0x4;
	[tilespmem:$0x240] =	vst v1  }
0x135: {  	[tilespmem:s25], [sflag:$0x3] =	stream.indirect.gather [hbm4b:s4+s29], $0x80, s30, s29, $0xb8;
	[tilespmem:$0x1DB80] =	vst v63  }
0x136: {  	s12 =	sadd.s32 s5, s12  }
0x137: {  	[tilespmem:s31], [sflag:$0x3] =	stream.linear.gather [hbm4b:s12+s2], $0x2800, $0x38;
	[tilespmem:$0x1DB80] =	vst v63  }
.LBB2_14:
0x138: {  	_ =	swait.ge [sflag:s24], $0x2800  }
0x139: {  	[sflag:s24] =	ssyncset.done $0x0  }
0x13a: {  	[sflag:s24] =	ssyncadd.s32 $0xFFFFD800  }
0x13b: {  	_ =	swait.ge [sflag:s24], $0x2800  }
0x13c: {  	[sflag:s24] =	ssyncset.done $0x0  }
0x13d: {  	s12 =	simm.s32 $0x0;
	[sflag:s24] =	ssyncadd.s32 $0xFFFFD800  }
0x13e: {  	v4 =	vld [tilespmem:s12+$0x7B00]  }
0x13f: {  	v5 =	vld [tilespmem:s12+$0x7B10]  }
0x140: {  	v6 =	vld [tilespmem:s12+$0x7B20]  }
0x141: {  	v7 =	vld [tilespmem:s12+$0x7B30]  }
0x142: {  	v8 =	vld [tilespmem:s12+$0x7B80]  }
0x143: {  	v9 =	vld [tilespmem:s12+$0x7B90]  }
0x144: {  	v18 =	vld [tilespmem:s12+$0x2B10]  }
0x145: {  	v10 =	vld [tilespmem:s12+$0x7BA0]  }
0x146: {  	v11 =	vld [tilespmem:s12+$0x7BB0]  }
0x147: {  	v20 =	vld [tilespmem:s12+$0x2B30]  }
0x148: {  	v12 =	vld [tilespmem:s12+$0x7C00];
	v21 =	vshll.u32 v4, $0x10;
	v4 =	vand.u32 $0xFFFF0000, v4  }
0x149: {  	v13 =	vld [tilespmem:s12+$0x7C10];
	v4 =	vmul.f32 v4, v18  }
0x14a: {  	v50 =	vld [tilespmem:s12+$0x2B50]  }
0x14b: {  	v14 =	vld [tilespmem:s12+$0x7C20];
	[tilespmem:s12+$0x2B10] =	vst v4;
	v4 =	vand.u32 $0xFFFF0000, v5  }
0x14c: {  	v15 =	vld [tilespmem:s12+$0x7C30];
	v4 =	vmul.f32 v4, v20  }
0x14d: {  	v52 =	vld [tilespmem:s12+$0x2B70]  }
0x14e: {  	v51 =	vshll.u32 v5, $0x10;
	v5 =	vld [tilespmem:s12+$0x2B80];
	[tilespmem:s12+$0x2B30] =	vst v4;
	v4 =	vand.u32 $0xFFFF0000, v6  }
0x14f: {  	v16 =	vld [tilespmem:s12+$0x7C80];
	v4 =	vmul.f32 v4, v50  }
0x150: {  	v54 =	vld [tilespmem:s12+$0x2B90]  }
0x151: {  	v53 =	vshll.u32 v6, $0x10;
	v6 =	vld [tilespmem:s12+$0x2BA0];
	[tilespmem:s12+$0x2B50] =	vst v4;
	v4 =	vand.u32 $0xFFFF0000, v7  }
0x152: {  	v3 =	vld [tilespmem:s12+$0x7C90];
	v57 =	vshll.u32 v8, $0x10;
	v4 =	vmul.f32 v4, v52  }
0x153: {  	v56 =	vld [tilespmem:s12+$0x2BB0];
	v5 =	vmul.f32 v57, v5  }
0x154: {  	v55 =	vshll.u32 v7, $0x10;
	v7 =	vld [tilespmem:s12+$0x2BC0];
	[tilespmem:s12+$0x2B70] =	vst v4;
	v4 =	vand.u32 $0xFFFF0000, v8  }
0x155: {  	v2 =	vld [tilespmem:s12+$0x7CA0];
	[tilespmem:s12+$0x2B80] =	vst v5;
	v5 =	vshll.u32 v9, $0x10;
	v4 =	vmul.f32 v4, v54  }
0x156: {  	v58 =	vld [tilespmem:s12+$0x2BD0];
	v5 =	vmul.f32 v5, v6  }
0x157: {  	v8 =	vld [tilespmem:s12+$0x2BE0];
	[tilespmem:s12+$0x2B90] =	vst v4;
	v4 =	vand.u32 $0xFFFF0000, v9  }
0x158: {  	v1 =	vld [tilespmem:s12+$0x7CB0];
	[tilespmem:s12+$0x2BA0] =	vst v5;
	v5 =	vshll.u32 v10, $0x10;
	v4 =	vmul.f32 v4, v56  }
0x159: {  	v59 =	vld [tilespmem:s12+$0x2BF0];
	v5 =	vmul.f32 v5, v7  }
0x15a: {  	v6 =	vld [tilespmem:s12+$0x2C00];
	[tilespmem:s12+$0x2BB0] =	vst v4;
	v4 =	vand.u32 $0xFFFF0000, v10  }
0x15b: {  	v17 =	vld [tilespmem:s12+$0x2B00];
	[tilespmem:s12+$0x2BC0] =	vst v5;
	v5 =	vshll.u32 v11, $0x10;
	v4 =	vmul.f32 v4, v58  }
0x15c: {  	v9 =	vld [tilespmem:s12+$0x2C10];
	v5 =	vmul.f32 v5, v8  }
0x15d: {  	v7 =	vld [tilespmem:s12+$0x2C20];
	[tilespmem:s12+$0x2BD0] =	vst v4;
	v4 =	vand.u32 $0xFFFF0000, v11  }
0x15e: {  	v19 =	vld [tilespmem:s12+$0x2B20];
	[tilespmem:s12+$0x2BE0] =	vst v5;
	v5 =	vshll.u32 v12, $0x10;
	v4 =	vmul.f32 v4, v59  }
0x15f: {  	v10 =	vld [tilespmem:s12+$0x2C30];
	v5 =	vmul.f32 v5, v6  }
0x160: {  	v17 =	vmul.f32 v21, v17;
	v11 =	vld [tilespmem:s12+$0x2C40];
	[tilespmem:s12+$0x2BF0] =	vst v4;
	v4 =	vand.u32 $0xFFFF0000, v12  }
0x161: {  	v22 =	vld [tilespmem:s12+$0x2B40];
	[tilespmem:s12+$0x2C00] =	vst v5;
	v5 =	vshll.u32 v13, $0x10;
	v4 =	vmul.f32 v4, v9  }
0x162: {  	v60 =	vld [tilespmem:s12+$0x2C50];
	[tilespmem:s12+$0x2B00] =	vst v17;
	v5 =	vmul.f32 v5, v7  }
0x163: {  	v61 =	vld [tilespmem:s12+$0x2C60];
	v17 =	vmul.f32 v51, v19;
	[tilespmem:s12+$0x2C10] =	vst v4;
	v4 =	vand.u32 $0xFFFF0000, v13  }
0x164: {  	v23 =	vld [tilespmem:s12+$0x2B60];
	[tilespmem:s12+$0x2C20] =	vst v5;
	v5 =	vshll.u32 v14, $0x10;
	v4 =	vmul.f32 v4, v10  }
0x165: {  	[tilespmem:s12+$0x2B20] =	vst v17;
	v9 =	vld [tilespmem:s12+$0x2C70];
	v5 =	vmul.f32 v5, v11  }
0x166: {  	v62 =	vld [tilespmem:s12+$0x2C80];
	v17 =	vmul.f32 v53, v22;
	[tilespmem:s12+$0x2C30] =	vst v4;
	v4 =	vand.u32 $0xFFFF0000, v14  }
0x167: {  	v8 =	vld [tilespmem:s12+$0x2C90];
	[tilespmem:s12+$0x2C40] =	vst v5;
	v5 =	vshll.u32 v15, $0x10;
	v4 =	vmul.f32 v4, v60  }
0x168: {  	[tilespmem:s12+$0x2B40] =	vst v17;
	v6 =	vld [tilespmem:s12+$0x2CA0];
	v10 =	vmul.f32 v5, v61  }
0x169: {  	v17 =	vmul.f32 v55, v23;
	v7 =	vld [tilespmem:s12+$0x2CB0];
	[tilespmem:s12+$0x2C50] =	vst v4;
	v4 =	vand.u32 $0xFFFF0000, v15  }
0x16a: {  	v63 =	vshll.u32 v16, $0x10;
	v5 =	vld [tilespmem:s12+$0x2CC0];
	[tilespmem:s12+$0x2C60] =	vst v10;
	v10 =	vmul.f32 v4, v9  }
0x16b: {  	s13 =	simm.s32 $0x800;
	[tilespmem:s12+$0x2B60] =	vst v17;
	v11 =	vand.u32 $0xFFFF0000, v16;
	v9 =	vmul.f32 v63, v62;
	v4 =	vld [tilespmem:s12+$0x2CD0]  }
.LBB2_15:
0x16c: {  	p1 =	sne.s32 s13, $0x9800;
	[tilespmem:s12+$0x2C70] =	vst v10;
	v8 =	vmul.f32 v11, v8;
	v10 =	vshll.u32 v3, $0x10;
	v11 =	vld [tilespmem:s12+$0x2CE0]  }
0x16d: {  	s14 =	sshra.s32 s13, $0x2;
	v3 =	vand.u32 $0xFFFF0000, v3;
	[tilespmem:s12+$0x2C80] =	vst v9;
	v6 =	vmul.f32 v10, v6;
	v9 =	vld [tilespmem:s12+$0x2CF0]  }
0x16e: {  	v10 =	vld [tilespmem:s14+$0x7B00];
	[tilespmem:s12+$0x2C90] =	vst v8;
	v3 =	vmul.f32 v3, v7;
	v7 =	vshll.u32 v2, $0x10  }
0x16f: {  	v2 =	vand.u32 $0xFFFF0000, v2;
	v8 =	vld [tilespmem:s14+$0x7B10];
	[tilespmem:s12+$0x2CA0] =	vst v6;
	v5 =	vmul.f32 v7, v5  }
0x170: {  	v6 =	vld [tilespmem:s14+$0x7B20];
	[tilespmem:s12+$0x2CB0] =	vst v3;
	v2 =	vmul.f32 v2, v4;
	v3 =	vshll.u32 v1, $0x10  }
0x171: {  	v1 =	vand.u32 $0xFFFF0000, v1;
	v7 =	vld [tilespmem:s14+$0x7B30];
	[tilespmem:s12+$0x2CC0] =	vst v5;
	v3 =	vmul.f32 v3, v11  }
0x172: {  	v11 =	vld [tilespmem:s14+$0x7B80];
	[tilespmem:s12+$0x2CD0] =	vst v2;
	v1 =	vmul.f32 v1, v9  }
0x173: {  	v9 =	vld [tilespmem:s14+$0x7B90];
	[tilespmem:s12+$0x2CE0] =	vst v3  }
0x174: {  	v12 =	vld [tilespmem:s14+$0x7BA0];
	[tilespmem:s12+$0x2CF0] =	vst v1;
	s12 =	smov.u32 s14  }
0x175: {  	v13 =	vld [tilespmem:s12+$0x7BB0]  }
0x176: {  	v14 =	vld [tilespmem:s12+$0x7C00]  }
0x177: {  	v15 =	vld [tilespmem:s12+$0x7C10]  }
0x178: {  	v16 =	vld [tilespmem:s12+$0x7C20]  }
0x179: {  	v5 =	vld [tilespmem:s12+$0x7C30]  }
0x17a: {  	v4 =	vld [tilespmem:s12+$0x7C80]  }
0x17b: {  	v3 =	vld [tilespmem:s12+$0x7C90]  }
0x17c: {  	v2 =	vld [tilespmem:s12+$0x7CA0]  }
0x17d: {  	v1 =	vld [tilespmem:s12+$0x7CB0]  }
0x17e: {  	v17 =	vld [tilespmem:s12+$0x2B00]  }
0x17f: {  	v18 =	vld [tilespmem:s12+$0x2B10]  }
0x180: {  	v19 =	vld [tilespmem:s12+$0x2B20]  }
0x181: {  	v20 =	vld [tilespmem:s12+$0x2B30]  }
0x182: {  	v21 =	vshll.u32 v10, $0x10;
	v22 =	vld [tilespmem:s12+$0x2B40]  }
0x183: {  	v10 =	vand.u32 $0xFFFF0000, v10;
	v17 =	vmul.f32 v21, v17;
	v21 =	vld [tilespmem:s12+$0x2B50]  }
0x184: {  	v10 =	vmul.f32 v10, v18;
	v18 =	vshll.u32 v8, $0x10;
	v23 =	vld [tilespmem:s12+$0x2B60]  }
0x185: {  	v8 =	vand.u32 $0xFFFF0000, v8;
	[tilespmem:s12+$0x2B00] =	vst v17;
	v17 =	vmul.f32 v18, v19;
	v18 =	vld [tilespmem:s12+$0x2B70]  }
0x186: {  	[tilespmem:s12+$0x2B10] =	vst v10;
	v8 =	vmul.f32 v8, v20;
	v10 =	vshll.u32 v6, $0x10;
	v19 =	vld [tilespmem:s12+$0x2B80]  }
0x187: {  	v6 =	vand.u32 $0xFFFF0000, v6;
	[tilespmem:s12+$0x2B20] =	vst v17;
	v10 =	vmul.f32 v10, v22;
	v17 =	vld [tilespmem:s12+$0x2B90]  }
0x188: {  	[tilespmem:s12+$0x2B30] =	vst v8;
	v6 =	vmul.f32 v6, v21;
	v8 =	vshll.u32 v7, $0x10;
	v20 =	vld [tilespmem:s12+$0x2BA0]  }
0x189: {  	v7 =	vand.u32 $0xFFFF0000, v7;
	[tilespmem:s12+$0x2B40] =	vst v10;
	v8 =	vmul.f32 v8, v23;
	v10 =	vld [tilespmem:s12+$0x2BB0]  }
0x18a: {  	[tilespmem:s12+$0x2B50] =	vst v6;
	v6 =	vmul.f32 v7, v18;
	v7 =	vshll.u32 v11, $0x10;
	v18 =	vld [tilespmem:s12+$0x2BC0]  }
0x18b: {  	[tilespmem:s12+$0x2B60] =	vst v8;
	v8 =	vand.u32 $0xFFFF0000, v11;
	v7 =	vmul.f32 v7, v19;
	v11 =	vld [tilespmem:s12+$0x2BD0]  }
0x18c: {  	[tilespmem:s12+$0x2B70] =	vst v6;
	v6 =	vmul.f32 v8, v17;
	v8 =	vshll.u32 v9, $0x10;
	v17 =	vld [tilespmem:s12+$0x2BE0]  }
0x18d: {  	[tilespmem:s12+$0x2B80] =	vst v7;
	v7 =	vand.u32 $0xFFFF0000, v9;
	v8 =	vmul.f32 v8, v20;
	v9 =	vld [tilespmem:s12+$0x2BF0]  }
0x18e: {  	[tilespmem:s12+$0x2B90] =	vst v6;
	v6 =	vmul.f32 v7, v10;
	v7 =	vshll.u32 v12, $0x10;
	v10 =	vld [tilespmem:s12+$0x2C00]  }
0x18f: {  	[tilespmem:s12+$0x2BA0] =	vst v8;
	v8 =	vand.u32 $0xFFFF0000, v12;
	v7 =	vmul.f32 v7, v18;
	v12 =	vld [tilespmem:s12+$0x2C10]  }
0x190: {  	[tilespmem:s12+$0x2BB0] =	vst v6;
	v6 =	vmul.f32 v8, v11;
	v8 =	vshll.u32 v13, $0x10;
	v11 =	vld [tilespmem:s12+$0x2C20]  }
0x191: {  	[tilespmem:s12+$0x2BC0] =	vst v7;
	v7 =	vand.u32 $0xFFFF0000, v13;
	v8 =	vmul.f32 v8, v17;
	v13 =	vld [tilespmem:s12+$0x2C30]  }
0x192: {  	[tilespmem:s12+$0x2BD0] =	vst v6;
	v6 =	vmul.f32 v7, v9;
	v7 =	vshll.u32 v14, $0x10;
	v9 =	vld [tilespmem:s12+$0x2C40]  }
0x193: {  	[tilespmem:s12+$0x2BE0] =	vst v8;
	v8 =	vand.u32 $0xFFFF0000, v14;
	v7 =	vmul.f32 v7, v10;
	v10 =	vld [tilespmem:s12+$0x2C50]  }
0x194: {  	[tilespmem:s12+$0x2BF0] =	vst v6;
	v6 =	vmul.f32 v8, v12;
	v8 =	vshll.u32 v15, $0x10;
	v12 =	vld [tilespmem:s12+$0x2C60]  }
0x195: {  	[tilespmem:s12+$0x2C00] =	vst v7;
	v7 =	vand.u32 $0xFFFF0000, v15;
	v8 =	vmul.f32 v8, v11;
	v11 =	vld [tilespmem:s12+$0x2C70]  }
0x196: {  	[tilespmem:s12+$0x2C10] =	vst v6;
	v6 =	vmul.f32 v7, v13;
	v7 =	vshll.u32 v16, $0x10;
	v13 =	vld [tilespmem:s12+$0x2C80]  }
.Ltmp11:
0x197: {  	v14 =	vand.u32 $0xFFFF0000, v16;
	[tilespmem:s12+$0x2C20] =	vst v8;
	v7 =	vmul.f32 v7, v9;
	v8 =	vld [tilespmem:s12+$0x2C90];
	(pc) =	sbr.rel @p1 .LBB2_15-.Ltmp11, $4  }
0x198: {  	[tilespmem:s12+$0x2C30] =	vst v6;
	v9 =	vmul.f32 v14, v10;
	v10 =	vshll.u32 v5, $0x10;
	v6 =	vld [tilespmem:s12+$0x2CA0]  }
0x199: {  	v5 =	vand.u32 $0xFFFF0000, v5;
	[tilespmem:s12+$0x2C40] =	vst v7;
	v12 =	vmul.f32 v10, v12;
	v7 =	vld [tilespmem:s12+$0x2CB0]  }
0x19a: {  	[tilespmem:s12+$0x2C50] =	vst v9;
	v10 =	vmul.f32 v5, v11;
	v9 =	vshll.u32 v4, $0x10;
	v5 =	vld [tilespmem:s12+$0x2CC0]  }
0x19b: {  	s13 =	sadd.s32 $0x800, s13;
	v11 =	vand.u32 $0xFFFF0000, v4;
	[tilespmem:s12+$0x2C60] =	vst v12;
	v9 =	vmul.f32 v9, v13;
	v4 =	vld [tilespmem:s12+$0x2CD0]  }
0x19c: {  	[tilespmem:s12+$0x2C70] =	vst v10;
	v60 =	vld [tilespmem:s12+$0x2CE0];
	v8 =	vmul.f32 v11, v8;
	v61 =	vshll.u32 v3, $0x10  }
0x19d: {  	v3 =	vand.u32 $0xFFFF0000, v3;
	v62 =	vld [tilespmem:s12+$0x2CF0];
	[tilespmem:s12+$0x2C80] =	vst v9;
	v6 =	vmul.f32 v61, v6  }
0x19e: {  	v63 =	vshll.u32 v2, $0x10;
	[tilespmem:s12+$0x2C90] =	vst v8;
	v3 =	vmul.f32 v3, v7  }
0x19f: {  	v2 =	vand.u32 $0xFFFF0000, v2;
	[tilespmem:s12+$0x2CA0] =	vst v6;
	v5 =	vmul.f32 v63, v5  }
0x1a0: {  	[tilespmem:s12+$0x2CB0] =	vst v3;
	v2 =	vmul.f32 v2, v4;
	v3 =	vshll.u32 v1, $0x10  }
.Ltmp12:
0x1a1: {  	v1 =	vand.u32 $0xFFFF0000, v1;
	[tilespmem:s12+$0x2CC0] =	vst v5;
	v3 =	vmul.f32 v3, v60;
	(pc) =	sbr.rel .LBB2_17-.Ltmp12, $4  }
0x1a2: {  	v1 =	vmul.f32 v1, v62;
	[tilespmem:s12+$0x2CD0] =	vst v2  }
0x1a3: {  	[tilespmem:s12+$0x2CE0] =	vst v3  }
0x1a4: {  	[tilespmem:s12+$0x2CF0] =	vst v1  }
0x1a5: {  	[spmem:s1] =	stream.indirect.scatter.add.f32 [tilespmem:s10], [sflag:$0x6], $0x80, s16, s29, $0xb8;
	[tilespmem:$0x1DB80] =	vst v63  }
.LBB2_19:
0x1a6: {  	_ =	sfence.sel $0x180000  }
0x1a7: {  	[bflag:$0x0] =	sbarrier.arrive $0xFFFF  }
0x1a8: {  	_ =	strace $0x9000004A  }
0x1a9: {  	s0 =	stileid.u32;
	[bflag:$0x2] =	sbarrier.arrive $0xFFFF  }
0x1aa: {  	p0 =	sne.s32 s0, $0x0;
	s0 =	rddreg [dreg:$0x2]  }
0x1ab: {  	s0 =	sadd.s32 @!p0 $0x100000, s0  }
0x1ac: {  	[sflag:s0] =	ssyncadd.tile.s32 @!p0 $0x1;
	_ =	shalt  }
.Lfunc_end2:
_tile_overlayer_lowered:
.L_overlay_start_2:
0x1ad: {  	(tag) =	ssettag $0x2  }
0x1ae: {  	s0 =	rddreg [dreg:$0x0];
	s2 =	stileid.u32  }
0x1af: {  	s1 =	rddreg [dreg:$0x1];
	p0 =	sne.s32 s2, $0x0  }
0x1b0: {  	s3 =	rddreg [dreg:$0x2];
	[bflag:$0x3] =	sbarrier.arrive $0xFFFF;
	s2 =	simm.s32 @!p0 $0x1C07  }
0x1b1: {  	[timem:s3], [sflag:s2] =	dma.local @!p0 [hbm:s0], s1  }
0x1b2: {  	s0 =	simm.s32 @!p0 $0x7  }
0x1b3: {  	_ =	swait.ge @!p0 [sflag:s0], s1  }
0x1b4: {  	s1 =	ssub.s32 @!p0 $0x0, s1;
	[sflag:s0] =	ssyncset.done @!p0 $0x0  }
0x1b5: {  	[sflag:s0] =	ssyncadd.s32 @!p0 s1  }
0x1b6: {  	[bflag:$0x3] =	sbarrier.arrive $0xFFFF  }
0x1b7: {  	_ =	shalt  }

// kernel: kernel.9.cloned.1.call-start
scs
__scs_entry_jumppad:
0x0: {  	(pc) =	sbr.rel $0x88, $3  }
0x1: {  	(tag) =	ssettag $0x0;
	lr =	simm.s32 $0x1  }
0x2: {  	[smem:$0x3F97] =	sst lr;
	_ =	strace $0xD0000000  }
0x3: {  	_ = 	snop  }
0x4: {  	_ = 	snop  }
0x5: {  	_ = 	snop  }
0x6: {  	_ = 	snop  }
0x7: {  	_ = 	snop  }
__scs_overlays_trampoline_lowered:
0x8: {  	[smem:$0x3FA6] =	sst s0  }
0x9: {  	[smem:$0x3FA7] =	sst s1  }
0xa: {  	[smem:$0x3FA8] =	sst s2  }
0xb: {  	[smem:$0x3FA9] =	sst s3  }
0xc: {  	[smem:$0x3FAA] =	sst s4  }
0xd: {  	[smem:$0x3FAB] =	sst s5  }
0xe: {  	[smem:$0x3FAC] =	sst s6  }
0xf: {  	[smem:$0x3FAD] =	sst s7  }
0x10: {  	[smem:$0x3FAE] =	sst s8  }
0x11: {  	[smem:$0x3FAF] =	sst s9;
	s0 =	simm.s32 @!p0 $0x0  }
0x12: {  	s1 =	sld [smem:$0x3F95];
	s0 =	simm.s32 @p0 $0x1  }
0x13: {  	[smem:$0x3FB0] =	sst s0;
	s0 =	simm.s32 @!p1 $0x0  }
0x14: {  	s2 =	sld [smem:$0x3F94];
	s0 =	simm.s32 @p1 $0x1  }
0x15: {  	[smem:$0x3FB1] =	sst s0;
	s0 =	simm.s32 @!p2 $0x0  }
0x16: {  	s3 =	sld [smem:$0x3FDB];
	s0 =	simm.s32 @p2 $0x1  }
0x17: {  	s4 =	simm.s32 $0x1BF5;
	[smem:$0x3FB3] =	sst s0  }
0x18: {  	s0 =	sld [smem:$0x3F96];
	_ =	swait.ge [sflag:s4], $0x0  }
0x19: {  	s7 =	sld [smem:$0x3F97]  }
0x1a: {  	s8 =	sadd.s32 $0xFFFFE003, lr  }
0x1b: {  	s9 =	sadd.s32 $0xFFFFFEF7, lr;
	s5 =	simm.s32 $0xFFFFFFFF;
	p2 =	slt.u32 s8, $0xFFFFF086  }
0x1c: {  	p1 =	slt.u32 s9, $0xF7A;
	s5 =	simm.s32 @!p2 $0x0  }
0x1d: {  	s5 =	simm.s32 @p1 $0x1;
	p0 =	seq.s32 s7, s2  }
0x1e: {  	s7 =	smul.u32 @!p0 $0xF7A, s2;
	p2 =	seq.s32 @!p0 s5, $0x0  }
0x1f: {  	s9 =	smul.u32 $0xF7A, s1;
	s8 =	simm.s32 @!p0 $0x1BF5;
	p2 =	por !p2, p0  }
0x20: {  	[sflag:s8] =	ssyncset.s32 @!p0 $0xFFFFF086;
	s6 =	sadd.s32 @!p0 s3, s7;
	s7 =	simm.s32 @!p0 $0x108  }
0x21: {  	s3 =	sadd.s32 s3, s9;
	s6 =	sadd.s32 @!p0 $0x88, s6;
	s7 =	simm.s32 @p2 $0x1082  }
0x22: {  	[simem:s7], [sflag:s8] =	dma.local @!p0 [hbm:s6], $0xF7A  }
0x23: {  	s9 =	sor.u32 $0xD0000000, s2;
	s6 =	simm.s32 $0x108;
	_ =	swait.ge @!p0 [sflag:s8], $0x0  }
0x24: {  	s3 =	sadd.s32 $0x88, s3;
	s6 =	simm.s32 @!p1 $0x1082;
	[sflag:s4] =	ssyncset.s32 $0xFFFFF086  }
0x25: {  	[simem:s6], [sflag:s4] =	dma.local [hbm:s3], $0xF7A  }
0x26: {  	[smem:$0x3F97] =	sst s1;
	(tag) =	ssettag s2;
	_ =	strace s9  }
0x27: {  	s1 =	sld [smem:$0x3FA7]  }
0x28: {  	s2 =	sld [smem:$0x3FA8]  }
0x29: {  	s4 =	sld [smem:$0x3FAA]  }
0x2a: {  	p0 =	seq.s32 s5, $0x0;
	s5 =	sld [smem:$0x3FAB]  }
0x2b: {  	s6 =	sld [smem:$0x3FAC]  }
0x2c: {  	s7 =	sld [smem:$0x3FAD]  }
0x2d: {  	s3 =	simm.s32 $0x108;
	s8 =	sld [smem:$0x3FAE]  }
0x2e: {  	s3 =	simm.s32 @!p0 $0x1082;
	s9 =	sld [smem:$0x3FAF]  }
0x2f: {  	lr =	sadd.s32 s0, s3;
	s0 =	sld [smem:$0x3FA6]  }
0x30: {  	s3 =	sld [smem:$0x3FA9]  }
0x31: {  	[smem:$0x3FB2] =	sst s10  }
0x32: {  	s10 =	sld [smem:$0x3FB0];
	_ =	sdelay $0x3  }
0x33: {  	p0 =	seq.s32 s10, $0x1;
	s10 =	sld [smem:$0x3FB2];
	_ =	sdelay $0x3  }
0x34: {  	[smem:$0x3FB2] =	sst s10  }
0x35: {  	s10 =	sld [smem:$0x3FB1];
	_ =	sdelay $0x3  }
0x36: {  	p1 =	seq.s32 s10, $0x1;
	s10 =	sld [smem:$0x3FB2];
	_ =	sdelay $0x3  }
0x37: {  	[smem:$0x3FB2] =	sst s10  }
0x38: {  	s10 =	sld [smem:$0x3FB3]  }
0x39: {  	_ = 	snop;
	(pc) =	sbr.ind lr, $3  }
0x3a: {  	_ = 	snop  }
0x3b: {  	_ = 	snop  }
0x3c: {  	p2 =	seq.s32 s10, $0x1;
	s10 =	sld [smem:$0x3FB2]  }
0x3d: {  	_ =	shalt  }
0x3e: {  	_ =	shalt  }
0x3f: {  	_ =	shalt  }
0x40: {  	_ =	shalt  }
0x41: {  	_ =	shalt  }
0x42: {  	_ =	shalt  }
0x43: {  	_ =	shalt  }
0x44: {  	_ =	shalt  }
0x45: {  	_ =	shalt  }
0x46: {  	_ =	shalt  }
0x47: {  	_ =	shalt  }
0x48: {  	_ =	shalt  }
0x49: {  	_ =	shalt  }
0x4a: {  	_ =	shalt  }
0x4b: {  	_ =	shalt  }
0x4c: {  	_ =	shalt  }
0x4d: {  	_ =	shalt  }
0x4e: {  	_ =	shalt  }
0x4f: {  	_ =	shalt  }
0x50: {  	_ =	shalt  }
0x51: {  	_ =	shalt  }
0x52: {  	_ =	shalt  }
0x53: {  	_ =	shalt  }
0x54: {  	_ =	shalt  }
0x55: {  	_ =	shalt  }
0x56: {  	_ =	shalt  }
0x57: {  	_ =	shalt  }
0x58: {  	_ =	shalt  }
0x59: {  	_ =	shalt  }
0x5a: {  	_ =	shalt  }
0x5b: {  	_ =	shalt  }
0x5c: {  	_ =	shalt  }
0x5d: {  	_ =	shalt  }
0x5e: {  	_ =	shalt  }
0x5f: {  	_ =	shalt  }
0x60: {  	_ =	shalt  }
0x61: {  	_ =	shalt  }
0x62: {  	_ =	shalt  }
0x63: {  	_ =	shalt  }
0x64: {  	_ =	shalt  }
0x65: {  	_ =	shalt  }
0x66: {  	_ =	shalt  }
0x67: {  	_ =	shalt  }
0x68: {  	_ =	shalt  }
0x69: {  	_ =	shalt  }
0x6a: {  	_ =	shalt  }
0x6b: {  	_ =	shalt  }
0x6c: {  	_ =	shalt  }
0x6d: {  	_ =	shalt  }
0x6e: {  	_ =	shalt  }
0x6f: {  	_ =	shalt  }
0x70: {  	_ =	shalt  }
0x71: {  	_ =	shalt  }
0x72: {  	_ =	shalt  }
0x73: {  	_ =	shalt  }
0x74: {  	_ =	shalt  }
0x75: {  	_ =	shalt  }
0x76: {  	_ =	shalt  }
0x77: {  	_ =	shalt  }
0x78: {  	_ =	shalt  }
0x79: {  	_ =	shalt  }
0x7a: {  	_ =	shalt  }
0x7b: {  	_ =	shalt  }
0x7c: {  	_ =	shalt  }
0x7d: {  	_ =	shalt  }
0x7e: {  	_ =	shalt  }
0x7f: {  	_ =	shalt  }
0x80: {  	_ =	shalt  }
0x81: {  	_ =	shalt  }
0x82: {  	_ =	shalt  }
0x83: {  	_ =	shalt  }
0x84: {  	_ =	shalt  }
0x85: {  	_ =	shalt  }
0x86: {  	_ =	shalt  }
0x87: {  	_ =	shalt  }
.Lfunc_end0:
.L_simem_size_0:
called_computation_lowered:
.L_overlay_start_0:
0x88: {  	s2 =	sld [smem:$0x3FD9]  }
0x89: {  	s3 =	sld [smem:$0x3FFE];
	_ =	sdelay $0x1  }
0x8a: {  	s1 =	srdreg.scid  }
0x8b: {  	s0 =	sand.u32 $0x1, s1  }
0x8c: {  	s16 =	sshll.u32 s0, $0xA;
	s2 =	sadd.s32 s3, s2  }
0x8d: {  	s2 =	sadd.s32 s2, s16  }
0x8e: {  	[smem:$0x3FBE] =	sst s2  }
0x8f: {  	_ = 	snop  }
0x90: {  	(tm) =	ssettm $0x1  }
0x91: {  	s17 =	sld [smem:$0x3FFB];
	_ =	sdelay $0x3  }
0x92: {  	_ =	strace s17  }
0x93: {  	s2 =	sld [smem:$0x3FFC];
	_ =	sdelay $0x3  }
0x94: {  	_ =	strace s2  }
0x95: {  	s2 =	sld [smem:$0x3FFD];
	_ =	sdelay $0x3  }
0x96: {  	_ =	strace s2  }
0x97: {  	_ =	strace $0x8FFFFFFF  }
0x98: {  	s18 =	sld [smem:$0x3FDB];
	_ =	sdelay $0x1  }
0x99: {  	s19 =	simm.s32 $_scs_section_size  }
0x9a: {  	s4 =	simm.s32 $_size__tile_overlayer_lowered;
	s5 =	simm.s32 $_tile_overlayer_lowered  }
0x9b: {  	s22 =	simm.s32 $0x1BFF;
	s21 =	sshll.u32 s5, $0x1;
	s2 =	sadd.s32 s19, s18  }
0x9c: {  	s6 =	simm.s32 $0x0;
	s20 =	sshll.u32 s4, $0x1;
	s4 =	sadd.s32 s21, s2  }
0x9d: {  	[timem:s6], [sflag:s22] =	dma.local [hbm:s4], s20  }
0x9e: {  	_ =	swait.ge [sflag:s22], s20  }
0x9f: {  	s3 =	ssub.s32 $0x0, s20;
	[sflag:s22] =	ssyncset.done $0x0  }
0xa0: {  	[sflag:s22] =	ssyncadd.s32 s3;
	_ =	sdelay $0x1  }
0xa1: {  	s23 =	simm.s32 $0x1B8B  }
0xa2: {  	_ =	swait.ge [sflag:s23], $0x1  }
0xa3: {  	[sflag:s23] =	ssyncset.done $0x0  }
0xa4: {  	s25 =	simm.s32 $0x1B8E;
	s24 =	sld [smem:$0x3FFE];
	[sflag:s23] =	ssyncadd.s32 $0xFFFFFFFF  }
0xa5: {  	s26 =	simm.s32 $execute0_lowered;
	[smem:$0x3FD2] =	sst s25  }
0xa6: {  	s4 =	sshll.u32 s26, $0x1;
	_ =	strace $0x80000046;
	[dreg:$0x1] =	wrdreg $0xFFFFFFFF  }
0xa7: {  	s28 =	simm.s32 $_size_execute0_lowered;
	s2 =	sadd.s32 s2, s4;
	[dreg:$0x0] =	wrdreg $0x0  }
0xa8: {  	s4 =	sshll.u32 s28, $0x1;
	[dreg:$0x2] =	wrdreg s2  }
0xa9: {  	[dreg:$0x3] =	wrdreg s4  }
0xaa: {  	[dreg:$0x4] =	wrdreg $0xC0  }
0xab: {  	_ =	task [dreg:s6], $0x5FFFF  }
0xac: {  	[dreg:$0x1] =	wrdreg $0xFFFFFFFF  }
0xad: {  	[dreg:$0x0] =	wrdreg $0x60  }
0xae: {  	[dreg:$0x2] =	wrdreg s24  }
0xaf: {  	[dreg:$0x3] =	wrdreg $0xA3000  }
0xb0: {  	[dreg:$0x4] =	wrdreg $0x9  }
0xb1: {  	_ =	task.clear_ibuf [dreg:s6], $0x5FFFF;
	_ =	strace $0x90000046  }
0xb2: {  	s29 =	simm.s32 $0x9;
	_ =	strace $0x80000048  }
0xb3: {  	_ =	swait.ge [sflag:s29], $0x1  }
0xb4: {  	[sflag:s29] =	ssyncadd.s32 $0xFFFFFFFF  }
0xb5: {  	_ =	strace $0x90000048  }
0xb6: {  	_ =	sfence  }
0xb7: {  	s30 =	sld [smem:$0x0];
	_ =	sdelay $0x2  }
0xb8: {  	s31 =	sshll.u32 s1, $0xD;
	s1 =	sshrl.u32 s1, $0x2  }
0xb9: {  	s3 =	sand.u32 $0x4000, s31;
	s1 =	sadd.s32 s1, s30  }
0xba: {  	s0 =	sor.u32 s3, s0;
	s1 =	sshll.u32 s1, $0x11  }
0xbb: {  	s0 =	sor.u32 s1, s0  }
0xbc: {  	s0 =	sadd.s32 $0x8F2B, s0  }
0xbd: {  	[sflag:s0] =	ssyncadd.remote.s32 $0x1  }
0xbe: {  	_ =	sfence.sel $0xFFFF  }
0xbf: {  	[dreg:$0x0] =	wrdreg $0xFFFFFFFF;
	(pc) =	sbr.abs _section_cstart, $3  }
0xc0: {  	[dreg:$0x1] =	wrdreg $0xFFFFFFFF  }
0xc1: {  	_ =	task.clear_ibuf [dreg:s6], $0x2FFFF;
	_ =	strace $0x9FFFFFFF  }
0xc2: {  	(tm) =	ssettm $0x7FFFFFFF  }
0xc3: {  	_ =	shalt  }
tec
execute0_lowered:
.L_overlay_start_1:
0x0: {  	(tag) =	ssettag $0x1  }
0x1: {  	s0 =	rddreg [dreg:$0x0]  }
0x2: {  	s1 =	rddreg [dreg:$0x1]  }
0x3: {  	s2 =	simm.s32 $0x0;
	s3 =	srdreg.scid;
	s14 =	stileid.u32  }
0x4: {  	s28 =	simm.s32 $0x1;
	s29 =	simm.s32 $0x50;
	s30 =	simm.s32 $0x100  }
0x5: {  	s31 =	simm.s32 $0x5300;
	[smem:$0x7FF] =	sst s2;
	s4 =	sadd.s32 $0x2B200, s0  }
0x6: {  	s5 =	sadd.s32 $0x5C200, s0;
	s6 =	sadd.s32 $0x52400, s0;
	s3 =	sand.u32 $0x1, s3  }
0x7: {  	s7 =	smul.u32 $0x50000, s14;
	s0 =	sadd.s32 $0x53E200, s0;
	s9 =	sshll.u32 s14, $0x1  }
0x8: {  	s24 =	smul.u32 $0x14000, s14;
	s12 =	sadd.s32 $0x12E800, s1;
	s13 =	sadd.s32 $0x131000, s1  }
0x9: {  	s16 =	sadd.s32 $0x133800, s1;
	s17 =	sadd.s32 $0x136000, s1;
	p0 =	seq.s32 s14, $0xF  }
0xa: {  	_ =	strace $0x80000047;
	s8 =	ssub.s32 $0x2, s3;
	s9 =	sor.u32 s3, s9  }
0xb: {  	s3 =	smul.u32 $0x138800, s3;
	s10 =	sshrl.u32 s8, $0x1;
	s11 =	sshrl.u32 s7, $0x2  }
0xc: {  	s7 =	smul.u32 $0x2710, s9;
	s10 =	ssub.s32 s8, s10;
	s8 =	sadd.s32 s11, s1  }
0xd: {  	s9 =	smul.u32 $0x27100, s9;
	s11 =	sadd.s32 $0x2800, s8;
	s23 =	sadd.s32 $0x5000, s8  }
0xe: {  	s18 =	sadd.s32 $0x7800, s8;
	s19 =	sadd.s32 $0xA000, s8;
	s20 =	sadd.s32 $0xC800, s8  }
0xf: {  	s22 =	sadd.s32 $0xF000, s8;
	s15 =	sadd.s32 $0x11800, s8;
	s25 =	sshrl.u32 s7, $0x3  }
0x10: {  	s9 =	sadd.s32 s5, s9;
	s21 =	sadd.s32 $0xA0, s7;
	[dreg:$0x3] =	wrdreg s11  }
0x11: {  	s26 =	smax.u32 s10, $0x1;
	s10 =	simm.s32 $0x2B00;
	[dreg:$0x4] =	wrdreg s23  }
0x12: {  	s23 =	sadd.s32 $0x12C000, s1;
	s11 =	sadd.s32 s24, s3;
	s3 =	sshrl.u32 s3, $0x3  }
0x13: {  	[dreg:$0xc] =	wrdreg s9;
	s19 =	smov.u32 @p0 s12;
	s20 =	smov.u32 @p0 s13  }
0x14: {  	s22 =	smov.u32 @p0 s16;
	[dreg:$0xf] =	wrdreg s26;
	s15 =	smov.u32 @p0 s17  }
0x15: {  	s26 =	simm.s32 $0x7;
	s9 =	simm.s32 $0x180;
	[dreg:$0x6] =	wrdreg s19  }
0x16: {  	s17 =	simm.s32 $0x7B00;
	s24 =	simm.s32 $0x4;
	[dreg:$0x7] =	wrdreg s20  }
0x17: {  	s16 =	simm.s32 $0x280;
	s11 =	sshrl.u32 s11, $0x3;
	[dreg:$0x8] =	wrdreg s22  }
0x18: {  	s22 =	sadd.s32 $0xF0, s7;
	[dreg:$0x9] =	wrdreg s23;
	s18 =	smov.u32 @p0 s23  }
0x19: {  	s19 =	simm.s32 $0x3;
	s20 =	simm.s32 $0x200;
	s23 =	simm.s32 $0x5  }
.Ltmp0:
0x1a: {  	s11 =	sadd.s32 s0, s11;
	[dreg:$0x5] =	wrdreg s18;
	(pc) =	sbr.rel .LBB2_1-.Ltmp0, $4  }
0x1b: {  	s0 =	sadd.s32 s0, s3;
	s3 =	sadd.s32 s6, s25;
	[dreg:$0xa] =	wrdreg s11  }
0x1c: {  	s25 =	simm.s32 $0x300;
	[dreg:$0xb] =	wrdreg s3;
	s3 =	sadd.s32 $0xA, s3  }
0x1d: {  	s18 =	simm.s32 $0x0;
	s0 =	sadd.s32 $0x25800, s0;
	[dreg:$0xd] =	wrdreg s3  }
0x1e: {  	v0 =	vimm.f32 $0.0e+00;
	[dreg:$0xe] =	wrdreg s0;
	s0 =	simm.s32 $0x80;
	s3 =	simm.s32 $0x2  }
.LBB2_18:
0x1f: {  	_ =	swait.ge [sflag:s23], $0x2800  }
0x20: {  	[sflag:s23] =	ssyncset.done $0x0  }
0x21: {  	[sflag:s23] =	ssyncadd.s32 $0xFFFFD800  }
0x22: {  	[bflag:$0x0] =	sbarrier.arrive $0xFFFF  }
0x23: {  	s11 =	rddreg [dreg:$0x9]  }
0x24: {  	s12 =	simm.s32 @p0 $0x1FC7;
	s13 =	rddreg [dreg:$0xe];
	s11 =	sshrl.u32 @p0 s11, $0x3  }
0x25: {  	[hbm:s13], [sflag:s12] =	dma.local @p0 [spmem:s11], $0x1900  }
0x26: {  	s11 =	simm.s32 @p0 $0x7  }
0x27: {  	s12 =	stileid.u32;
	_ =	swait.ge @p0 [sflag:s11], $0x1900  }
0x28: {  	s12 =	sshll.u32 @!p0 s12, $0x6;
	[sflag:s11] =	ssyncset.done @p0 $0x0;
	s13 =	rddreg [dreg:$0xa]  }
0x29: {  	[sflag:s11] =	ssyncadd.s32 @p0 $0xFFFFE700;
	s11 =	sor.u32 @!p0 $0x1C07, s12;
	s12 =	sshrl.u32 @!p0 s8, $0x3  }
0x2a: {  	[hbm:s13], [sflag:s11] =	dma.local @!p0 [spmem:s12], $0x2800  }
0x2b: {  	s11 =	simm.s32 @!p0 $0x7  }
0x2c: {  	_ =	swait.ge @!p0 [sflag:s11], $0x2800  }
0x2d: {  	s18 =	sadd.s32 $0x1, s18;
	s14 =	rddreg [dreg:$0xf]  }
0x2e: {  	p1 =	sne.s32 s18, s14  }
.Ltmp1:
0x2f: {  	_ = 	snop;
	(pc) =	sbr.rel @!p1 .LBB2_19-.Ltmp1, $3  }
0x30: {  	_ =	sdelay $0x1  }
0x31: {  	[sflag:s11] =	ssyncset.done @!p0 $0x0  }
0x32: {  	[sflag:s11] =	ssyncadd.s32 @!p0 $0xFFFFD800  }
.LBB2_1:
0x33: {  	s11 =	simm.s32 $0x0;
	s12 =	simm.s32 $0x200  }
.LBB2_2:
0x34: {  	p1 =	sne.s32 s12, $0x9E00;
	[tilespmem:s11+$0x370] =	vst v0  }
0x35: {  	[tilespmem:s11+$0x300] =	vst v0  }
0x36: {  	[tilespmem:s11+$0x310] =	vst v0  }
.Ltmp2:
0x37: {  	[tilespmem:s11+$0x320] =	vst v0;
	(pc) =	sbr.rel @p1 .LBB2_2-.Ltmp2, $4  }
0x38: {  	[tilespmem:s11+$0x330] =	vst v0  }
0x39: {  	[tilespmem:s11+$0x340] =	vst v0  }
0x3a: {  	[tilespmem:s11+$0x350] =	vst v0  }
0x3b: {  	[tilespmem:s11+$0x360] =	vst v0;
	s11 =	sshra.s32 s12, $0x2;
	s12 =	sadd.s32 $0x200, s12  }
0x3c: {  	[tilespmem:s11+$0x370] =	vst v0  }
0x3d: {  	[tilespmem:s11+$0x300] =	vst v0  }
0x3e: {  	[tilespmem:s11+$0x310] =	vst v0  }
0x3f: {  	[tilespmem:s11+$0x320] =	vst v0  }
0x40: {  	[tilespmem:s11+$0x330] =	vst v0  }
0x41: {  	[tilespmem:s11+$0x340] =	vst v0  }
0x42: {  	[tilespmem:s11+$0x350] =	vst v0  }
0x43: {  	[tilespmem:s11+$0x360] =	vst v0;
	s11 =	simm.s32 @!p0 $0x300;
	s12 =	simm.s32 @!p0 $0x7  }
0x44: {  	[spmem:s8] =	stream.linear.scatter @!p0 [tilespmem:s11], [sflag:$0x7], $0x2800, $0x38;
	[tilespmem:$0x1DB80] =	vst v63  }
0x45: {  	_ =	swait.ge @!p0 [sflag:s12], $0x2800  }
0x46: {  	[sflag:s12] =	ssyncset.done @!p0 $0x0  }
0x47: {  	s13 =	rddreg [dreg:$0x3];
	[sflag:s12] =	ssyncadd.s32 @!p0 $0xFFFFD800  }
0x48: {  	[spmem:s13] =	stream.linear.scatter @!p0 [tilespmem:s11], [sflag:$0x7], $0x2800, $0x38;
	[tilespmem:$0x1DB80] =	vst v63  }
0x49: {  	_ =	swait.ge @!p0 [sflag:s12], $0x2800  }
0x4a: {  	[sflag:s12] =	ssyncset.done @!p0 $0x0  }
0x4b: {  	s13 =	rddreg [dreg:$0x4];
	[sflag:s12] =	ssyncadd.s32 @!p0 $0xFFFFD800  }
0x4c: {  	[spmem:s13] =	stream.linear.scatter @!p0 [tilespmem:s11], [sflag:$0x7], $0x2800, $0x38;
	[tilespmem:$0x1DB80] =	vst v63  }
0x4d: {  	_ =	swait.ge @!p0 [sflag:s12], $0x2800  }
0x4e: {  	[sflag:s12] =	ssyncset.done @!p0 $0x0  }
0x4f: {  	s13 =	rddreg [dreg:$0x5];
	[sflag:s12] =	ssyncadd.s32 @!p0 $0xFFFFD800  }
0x50: {  	[spmem:s13] =	stream.linear.scatter [tilespmem:s25], [sflag:$0x7], $0x2800, $0x38;
	[tilespmem:$0x1DB80] =	vst v63  }
0x51: {  	_ =	swait.ge [sflag:s26], $0x2800  }
0x52: {  	[sflag:s26] =	ssyncset.done $0x0  }
0x53: {  	s14 =	rddreg [dreg:$0x6];
	[sflag:s26] =	ssyncadd.s32 $0xFFFFD800  }
0x54: {  	[spmem:s14] =	stream.linear.scatter [tilespmem:s25], [sflag:$0x7], $0x2800, $0x38;
	[tilespmem:$0x1DB80] =	vst v63  }
0x55: {  	_ =	swait.ge [sflag:s26], $0x2800  }
0x56: {  	[sflag:s26] =	ssyncset.done $0x0  }
0x57: {  	s12 =	rddreg [dreg:$0x7];
	[sflag:s26] =	ssyncadd.s32 $0xFFFFD800  }
0x58: {  	[spmem:s12] =	stream.linear.scatter [tilespmem:s25], [sflag:$0x7], $0x2800, $0x38;
	[tilespmem:$0x1DB80] =	vst v63  }
0x59: {  	_ =	swait.ge [sflag:s26], $0x2800  }
0x5a: {  	[sflag:s26] =	ssyncset.done $0x0  }
0x5b: {  	s13 =	rddreg [dreg:$0x8];
	[sflag:s26] =	ssyncadd.s32 $0xFFFFD800  }
0x5c: {  	[spmem:s13] =	stream.linear.scatter [tilespmem:s25], [sflag:$0x7], $0x2800, $0x38;
	[tilespmem:$0x1DB80] =	vst v63  }
0x5d: {  	_ =	swait.ge [sflag:s26], $0x2800  }
0x5e: {  	[sflag:s26] =	ssyncset.done $0x0  }
0x5f: {  	[sflag:s26] =	ssyncadd.s32 $0xFFFFD800  }
0x60: {  	[spmem:s15] =	stream.linear.scatter [tilespmem:s25], [sflag:$0x7], $0x2800, $0x38;
	[tilespmem:$0x1DB80] =	vst v63  }
0x61: {  	_ =	swait.ge [sflag:s26], $0x2800  }
0x62: {  	[sflag:s26] =	ssyncset.done $0x0  }
0x63: {  	[sflag:s26] =	ssyncadd.s32 $0xFFFFD800  }
0x64: {  	[bflag:$0x0] =	sbarrier.arrive $0xFFFF  }
0x65: {  	s11 =	simm.s32 $0x0;
	s14 =	rddreg [dreg:$0xb]  }
0x66: {  	[tilespmem:s11], [sflag:$0x1] =	stream.linear.gather [hbm4b:s14+s11], $0x50, $0x38;
	[tilespmem:$0x1DB80] =	vst v63  }
0x67: {  	_ =	swait.ge [sflag:s28], $0x50  }
0x68: {  	[sflag:s28] =	ssyncset.done $0x0  }
0x69: {  	[sflag:s28] =	ssyncadd.s32 $0xFFFFFFB0  }
0x6a: {  	v1 =	vld [tilespmem:$0x0];
	_ =	sdelay $0x1  }
0x6b: {  	v2 =	vld [tilespmem:$0x10];
	_ =	sdelay $0x1  }
0x6c: {  	v3 =	vld [tilespmem:$0x20]  }
0x6d: {  	v4 =	vand.u32 $0x3FFF, v1  }
0x6e: {  	v63 =	vld [tilespmem:$0x30];
	v1 =	vshrl.u32 v1, $0xE;
	[tilespmem:$0x100] =	vst v4  }
0x6f: {  	[tilespmem:$0x200] =	vst v1;
	v1 =	vand.u32 $0x3FFF, v2  }
0x70: {  	[tilespmem:$0x110] =	vst v1;
	v1 =	vshrl.u32 v2, $0xE;
	v2 =	vld [tilespmem:$0x40]  }
0x71: {  	[tilespmem:$0x210] =	vst v1;
	v1 =	vand.u32 $0x3FFF, v3  }
0x72: {  	[tilespmem:$0x120] =	vst v1;
	v1 =	vshrl.u32 v3, $0xE  }
0x73: {  	[tilespmem:$0x220] =	vst v1;
	v1 =	vand.u32 $0x3FFF, v63  }
0x74: {  	[tilespmem:$0x130] =	vst v1;
	v1 =	vshrl.u32 v63, $0xE  }
0x75: {  	[tilespmem:$0x230] =	vst v1;
	v1 =	vand.u32 $0x3FFF, v2  }
0x76: {  	[tilespmem:$0x140] =	vst v1;
	v1 =	vshrl.u32 v2, $0xE  }
0x77: {  	[tilespmem:$0x240] =	vst v1  }
0x78: {  	[tilespmem:s25], [sflag:$0x3] =	stream.indirect.gather [hbm4b:s4+s29], $0x80, s30, s29, $0xb8;
	[tilespmem:$0x1DB80] =	vst v63  }
.Ltmp3:
0x79: {  	_ = 	snop;
	(pc) =	sbr.rel .LBB2_4-.Ltmp3, $4  }
0x7a: {  	s13 =	rddreg [dreg:$0xc]  }
0x7b: {  	[tilespmem:s31], [sflag:$0x3] =	stream.linear.gather [hbm4b:s13+s11], $0x2800, $0x38;
	[tilespmem:$0x1DB80] =	vst v63  }
0x7c: {  	s14 =	rddreg [dreg:$0xd]  }
0x7d: {  	[tilespmem:s0], [sflag:$0x2] =	stream.linear.gather [hbm4b:s14+s11], $0x50, $0x38;
	[tilespmem:$0x1DB80] =	vst v63  }
.LBB2_17:
0x7e: {  	s11 =	sadd.s32 $0x1, s11  }
0x7f: {  	p1 =	sne.s32 s11, $0x3F  }
.Ltmp4:
0x80: {  	_ = 	snop;
	(pc) =	sbr.rel @!p1 .LBB2_18-.Ltmp4, $1  }
0x81: {  	_ =	sdelay $0x3  }
.LBB2_4:
0x82: {  	p1 =	seq.s32 s11, $0x3E  }
0x83: {  	s12 =	smul.u32 @!p1 $0xA0, s11;
	_ =	sdelay $0x1  }
0x84: {  	s12 =	sadd.s32 @!p1 s12, s21  }
0x85: {  	s12 =	sshrl.u32 @!p1 s12, $0x3  }
0x86: {  	s13 =	simm.s32 @!p1 $0x0;
	p2 =	seq.s32 @!p1 s11, $0x0;
	s12 =	sadd.s32 @!p1 s6, s12  }
0x87: {  	[tilespmem:s13], [sflag:$0x1] =	stream.linear.gather @!p1 [hbm4b:s12+s13], $0x50, $0x38;
	[tilespmem:$0x1DB80] =	vst v63  }
0x88: {  	p3 =	por p1, !p2;
	s12 =	sshll.u32 s11, $0x1  }
0x89: {  	s12 =	sor.u32 @p3 $0x1, s12  }
0x8a: {  	p2 =	sgt.u32 @p3 s12, $0x7C  }
0x8b: {  	p4 =	por !p3, !p2  }
.Ltmp5:
0x8c: {  	_ = 	snop;
	(pc) =	sbr.rel @!p4 .LBB2_6-.Ltmp5, $4  }
0x8d: {  	s13 =	simm.s32 @p3 $0x6  }
0x8e: {  	_ =	swait.ge @p3 [sflag:s13], $0x2800  }
0x8f: {  	[sflag:s13] =	ssyncset.done @p3 $0x0  }
0x90: {  	[sflag:s13] =	ssyncadd.s32 @p3 $0xFFFFD800;
	p2 =	por @p3 $0x0, $0x0  }
0x91: {  	_ =	swait.ge [sflag:s3], $0x50  }
0x92: {  	[sflag:s3] =	ssyncset.done $0x0  }
0x93: {  	[sflag:s3] =	ssyncadd.s32 $0xFFFFFFB0  }
0x94: {  	v1 =	vld [tilespmem:$0x80];
	_ =	sdelay $0x1  }
0x95: {  	v2 =	vld [tilespmem:$0x90];
	_ =	sdelay $0x1  }
0x96: {  	v3 =	vld [tilespmem:$0xA0]  }
0x97: {  	v4 =	vand.u32 $0x3FFF, v1  }
0x98: {  	v63 =	vld [tilespmem:$0xB0];
	v1 =	vshrl.u32 v1, $0xE;
	[tilespmem:$0x180] =	vst v4  }
0x99: {  	[tilespmem:$0x280] =	vst v1;
	v1 =	vand.u32 $0x3FFF, v2  }
0x9a: {  	[tilespmem:$0x190] =	vst v1;
	v1 =	vshrl.u32 v2, $0xE;
	v2 =	vld [tilespmem:$0xC0]  }
0x9b: {  	[tilespmem:$0x290] =	vst v1;
	v1 =	vand.u32 $0x3FFF, v3  }
0x9c: {  	[tilespmem:$0x1A0] =	vst v1;
	v1 =	vshrl.u32 v3, $0xE  }
0x9d: {  	s12 =	simm.s32 @!p3 $0x1;
	[tilespmem:$0x2A0] =	vst v1;
	v1 =	vand.u32 $0x3FFF, v63  }
0x9e: {  	s12 =	smul.u32 $0x50, s12;
	[tilespmem:$0x1B0] =	vst v1;
	v1 =	vshrl.u32 v63, $0xE  }
0x9f: {  	[tilespmem:$0x2B0] =	vst v1;
	v1 =	vand.u32 $0x3FFF, v2  }
0xa0: {  	s12 =	sadd.s32 s7, s12;
	[tilespmem:$0x1C0] =	vst v1;
	v1 =	vshrl.u32 v2, $0xE  }
0xa1: {  	s12 =	sshll.u32 s12, $0x4;
	[tilespmem:$0x2C0] =	vst v1  }
0xa2: {  	[tilespmem:s10], [sflag:$0x4] =	stream.indirect.gather [hbm4b:s4+s29], $0x80, s9, s29, $0xb8;
	[tilespmem:$0x1DB80] =	vst v63  }
0xa3: {  	p2 =	por $0x1, $0x1;
	s12 =	sadd.s32 s5, s12  }
0xa4: {  	[tilespmem:s17], [sflag:$0x4] =	stream.linear.gather [hbm4b:s12+s2], $0x2800, $0x38;
	[tilespmem:$0x1DB80] =	vst v63  }
.LBB2_6:
0xa5: {  	_ =	swait.ge [sflag:s19], $0x2800  }
0xa6: {  	[sflag:s19] =	ssyncset.done $0x0  }
0xa7: {  	[sflag:s19] =	ssyncadd.s32 $0xFFFFD800  }
0xa8: {  	_ =	swait.ge [sflag:s19], $0x2800  }
0xa9: {  	[sflag:s19] =	ssyncset.done $0x0  }
0xaa: {  	s12 =	simm.s32 $0x0;
	[sflag:s19] =	ssyncadd.s32 $0xFFFFD800  }
0xab: {  	v4 =	vld [tilespmem:s12+$0x5300]  }
0xac: {  	v5 =	vld [tilespmem:s12+$0x5310]  }
0xad: {  	v6 =	vld [tilespmem:s12+$0x5320]  }
0xae: {  	v7 =	vld [tilespmem:s12+$0x5330]  }
0xaf: {  	v8 =	vld [tilespmem:s12+$0x5380]  }
0xb0: {  	v9 =	vld [tilespmem:s12+$0x5390]  }
0xb1: {  	v18 =	vld [tilespmem:s12+$0x310]  }
0xb2: {  	v10 =	vld [tilespmem:s12+$0x53A0]  }
0xb3: {  	v11 =	vld [tilespmem:s12+$0x53B0]  }
0xb4: {  	v20 =	vld [tilespmem:s12+$0x330]  }
0xb5: {  	v12 =	vld [tilespmem:s12+$0x5400];
	v21 =	vshll.u32 v4, $0x10;
	v4 =	vand.u32 $0xFFFF0000, v4  }
0xb6: {  	v13 =	vld [tilespmem:s12+$0x5410];
	v4 =	vmul.f32 v4, v18  }
0xb7: {  	v50 =	vld [tilespmem:s12+$0x350]  }
0xb8: {  	v14 =	vld [tilespmem:s12+$0x5420];
	[tilespmem:s12+$0x310] =	vst v4;
	v4 =	vand.u32 $0xFFFF0000, v5  }
0xb9: {  	v15 =	vld [tilespmem:s12+$0x5430];
	v4 =	vmul.f32 v4, v20  }
0xba: {  	v52 =	vld [tilespmem:s12+$0x370]  }
0xbb: {  	v51 =	vshll.u32 v5, $0x10;
	v5 =	vld [tilespmem:s12+$0x380];
	[tilespmem:s12+$0x330] =	vst v4;
	v4 =	vand.u32 $0xFFFF0000, v6  }
0xbc: {  	v16 =	vld [tilespmem:s12+$0x5480];
	v4 =	vmul.f32 v4, v50  }
0xbd: {  	v54 =	vld [tilespmem:s12+$0x390]  }
0xbe: {  	v53 =	vshll.u32 v6, $0x10;
	v6 =	vld [tilespmem:s12+$0x3A0];
	[tilespmem:s12+$0x350] =	vst v4;
	v4 =	vand.u32 $0xFFFF0000, v7  }
0xbf: {  	v3 =	vld [tilespmem:s12+$0x5490];
	v57 =	vshll.u32 v8, $0x10;
	v4 =	vmul.f32 v4, v52  }
0xc0: {  	v56 =	vld [tilespmem:s12+$0x3B0];
	v5 =	vmul.f32 v57, v5  }
0xc1: {  	v55 =	vshll.u32 v7, $0x10;
	v7 =	vld [tilespmem:s12+$0x3C0];
	[tilespmem:s12+$0x370] =	vst v4;
	v4 =	vand.u32 $0xFFFF0000, v8  }
0xc2: {  	v2 =	vld [tilespmem:s12+$0x54A0];
	[tilespmem:s12+$0x380] =	vst v5;
	v5 =	vshll.u32 v9, $0x10;
	v4 =	vmul.f32 v4, v54  }
0xc3: {  	v58 =	vld [tilespmem:s12+$0x3D0];
	v5 =	vmul.f32 v5, v6  }
0xc4: {  	v8 =	vld [tilespmem:s12+$0x3E0];
	[tilespmem:s12+$0x390] =	vst v4;
	v4 =	vand.u32 $0xFFFF0000, v9  }
0xc5: {  	v1 =	vld [tilespmem:s12+$0x54B0];
	[tilespmem:s12+$0x3A0] =	vst v5;
	v5 =	vshll.u32 v10, $0x10;
	v4 =	vmul.f32 v4, v56  }
0xc6: {  	v59 =	vld [tilespmem:s12+$0x3F0];
	v5 =	vmul.f32 v5, v7  }
0xc7: {  	v6 =	vld [tilespmem:s12+$0x400];
	[tilespmem:s12+$0x3B0] =	vst v4;
	v4 =	vand.u32 $0xFFFF0000, v10  }
0xc8: {  	v17 =	vld [tilespmem:s12+$0x300];
	[tilespmem:s12+$0x3C0] =	vst v5;
	v5 =	vshll.u32 v11, $0x10;
	v4 =	vmul.f32 v4, v58  }
0xc9: {  	v9 =	vld [tilespmem:s12+$0x410];
	v5 =	vmul.f32 v5, v8  }
0xca: {  	v7 =	vld [tilespmem:s12+$0x420];
	[tilespmem:s12+$0x3D0] =	vst v4;
	v4 =	vand.u32 $0xFFFF0000, v11  }
0xcb: {  	v19 =	vld [tilespmem:s12+$0x320];
	[tilespmem:s12+$0x3E0] =	vst v5;
	v5 =	vshll.u32 v12, $0x10;
	v4 =	vmul.f32 v4, v59  }
0xcc: {  	v10 =	vld [tilespmem:s12+$0x430];
	v5 =	vmul.f32 v5, v6  }
0xcd: {  	v17 =	vmul.f32 v21, v17;
	v11 =	vld [tilespmem:s12+$0x440];
	[tilespmem:s12+$0x3F0] =	vst v4;
	v4 =	vand.u32 $0xFFFF0000, v12  }
0xce: {  	v22 =	vld [tilespmem:s12+$0x340];
	[tilespmem:s12+$0x400] =	vst v5;
	v5 =	vshll.u32 v13, $0x10;
	v4 =	vmul.f32 v4, v9  }
0xcf: {  	v60 =	vld [tilespmem:s12+$0x450];
	[tilespmem:s12+$0x300] =	vst v17;
	v5 =	vmul.f32 v5, v7  }
0xd0: {  	v61 =	vld [tilespmem:s12+$0x460];
	v17 =	vmul.f32 v51, v19;
	[tilespmem:s12+$0x410] =	vst v4;
	v4 =	vand.u32 $0xFFFF0000, v13  }
0xd1: {  	v23 =	vld [tilespmem:s12+$0x360];
	[tilespmem:s12+$0x420] =	vst v5;
	v5 =	vshll.u32 v14, $0x10;
	v4 =	vmul.f32 v4, v10  }
0xd2: {  	[tilespmem:s12+$0x320] =	vst v17;
	v9 =	vld [tilespmem:s12+$0x470];
	v5 =	vmul.f32 v5, v11  }
0xd3: {  	v62 =	vld [tilespmem:s12+$0x480];
	v17 =	vmul.f32 v53, v22;
	[tilespmem:s12+$0x430] =	vst v4;
	v4 =	vand.u32 $0xFFFF0000, v14  }
0xd4: {  	v8 =	vld [tilespmem:s12+$0x490];
	[tilespmem:s12+$0x440] =	vst v5;
	v5 =	vshll.u32 v15, $0x10;
	v4 =	vmul.f32 v4, v60  }
0xd5: {  	[tilespmem:s12+$0x340] =	vst v17;
	v6 =	vld [tilespmem:s12+$0x4A0];
	v10 =	vmul.f32 v5, v61  }
0xd6: {  	v17 =	vmul.f32 v55, v23;
	v7 =	vld [tilespmem:s12+$0x4B0];
	[tilespmem:s12+$0x450] =	vst v4;
	v4 =	vand.u32 $0xFFFF0000, v15  }
0xd7: {  	v63 =	vshll.u32 v16, $0x10;
	v5 =	vld [tilespmem:s12+$0x4C0];
	[tilespmem:s12+$0x460] =	vst v10;
	v10 =	vmul.f32 v4, v9  }
0xd8: {  	s13 =	simm.s32 $0x800;
	[tilespmem:s12+$0x360] =	vst v17;
	v11 =	vand.u32 $0xFFFF0000, v16;
	v9 =	vmul.f32 v63, v62;
	v4 =	vld [tilespmem:s12+$0x4D0]  }
.LBB2_7:
0xd9: {  	p3 =	sne.s32 s13, $0x9800;
	[tilespmem:s12+$0x470] =	vst v10;
	v8 =	vmul.f32 v11, v8;
	v10 =	vshll.u32 v3, $0x10;
	v11 =	vld [tilespmem:s12+$0x4E0]  }
0xda: {  	s14 =	sshra.s32 s13, $0x2;
	v3 =	vand.u32 $0xFFFF0000, v3;
	[tilespmem:s12+$0x480] =	vst v9;
	v6 =	vmul.f32 v10, v6;
	v9 =	vld [tilespmem:s12+$0x4F0]  }
0xdb: {  	v10 =	vld [tilespmem:s14+$0x5300];
	[tilespmem:s12+$0x490] =	vst v8;
	v3 =	vmul.f32 v3, v7;
	v7 =	vshll.u32 v2, $0x10  }
0xdc: {  	v2 =	vand.u32 $0xFFFF0000, v2;
	v8 =	vld [tilespmem:s14+$0x5310];
	[tilespmem:s12+$0x4A0] =	vst v6;
	v5 =	vmul.f32 v7, v5  }
0xdd: {  	v6 =	vld [tilespmem:s14+$0x5320];
	[tilespmem:s12+$0x4B0] =	vst v3;
	v2 =	vmul.f32 v2, v4;
	v3 =	vshll.u32 v1, $0x10  }
0xde: {  	v1 =	vand.u32 $0xFFFF0000, v1;
	v7 =	vld [tilespmem:s14+$0x5330];
	[tilespmem:s12+$0x4C0] =	vst v5;
	v3 =	vmul.f32 v3, v11  }
0xdf: {  	v11 =	vld [tilespmem:s14+$0x5380];
	[tilespmem:s12+$0x4D0] =	vst v2;
	v1 =	vmul.f32 v1, v9  }
0xe0: {  	v9 =	vld [tilespmem:s14+$0x5390];
	[tilespmem:s12+$0x4E0] =	vst v3  }
0xe1: {  	v12 =	vld [tilespmem:s14+$0x53A0];
	[tilespmem:s12+$0x4F0] =	vst v1;
	s12 =	smov.u32 s14  }
0xe2: {  	v13 =	vld [tilespmem:s12+$0x53B0]  }
0xe3: {  	v14 =	vld [tilespmem:s12+$0x5400]  }
0xe4: {  	v15 =	vld [tilespmem:s12+$0x5410]  }
0xe5: {  	v16 =	vld [tilespmem:s12+$0x5420]  }
0xe6: {  	v5 =	vld [tilespmem:s12+$0x5430]  }
0xe7: {  	v4 =	vld [tilespmem:s12+$0x5480]  }
0xe8: {  	v3 =	vld [tilespmem:s12+$0x5490]  }
0xe9: {  	v2 =	vld [tilespmem:s12+$0x54A0]  }
0xea: {  	v1 =	vld [tilespmem:s12+$0x54B0]  }
0xeb: {  	v17 =	vld [tilespmem:s12+$0x300]  }
0xec: {  	v18 =	vld [tilespmem:s12+$0x310]  }
0xed: {  	v19 =	vld [tilespmem:s12+$0x320]  }
0xee: {  	v20 =	vld [tilespmem:s12+$0x330]  }
0xef: {  	v21 =	vshll.u32 v10, $0x10;
	v22 =	vld [tilespmem:s12+$0x340]  }
0xf0: {  	v10 =	vand.u32 $0xFFFF0000, v10;
	v17 =	vmul.f32 v21, v17;
	v21 =	vld [tilespmem:s12+$0x350]  }
0xf1: {  	v10 =	vmul.f32 v10, v18;
	v18 =	vshll.u32 v8, $0x10;
	v23 =	vld [tilespmem:s12+$0x360]  }
0xf2: {  	v8 =	vand.u32 $0xFFFF0000, v8;
	[tilespmem:s12+$0x300] =	vst v17;
	v17 =	vmul.f32 v18, v19;
	v18 =	vld [tilespmem:s12+$0x370]  }
0xf3: {  	[tilespmem:s12+$0x310] =	vst v10;
	v8 =	vmul.f32 v8, v20;
	v10 =	vshll.u32 v6, $0x10;
	v19 =	vld [tilespmem:s12+$0x380]  }
0xf4: {  	v6 =	vand.u32 $0xFFFF0000, v6;
	[tilespmem:s12+$0x320] =	vst v17;
	v10 =	vmul.f32 v10, v22;
	v17 =	vld [tilespmem:s12+$0x390]  }
0xf5: {  	[tilespmem:s12+$0x330] =	vst v8;
	v6 =	vmul.f32 v6, v21;
	v8 =	vshll.u32 v7, $0x10;
	v20 =	vld [tilespmem:s12+$0x3A0]  }
0xf6: {  	v7 =	vand.u32 $0xFFFF0000, v7;
	[tilespmem:s12+$0x340] =	vst v10;
	v8 =	vmul.f32 v8, v23;
	v10 =	vld [tilespmem:s12+$0x3B0]  }
0xf7: {  	[tilespmem:s12+$0x350] =	vst v6;
	v6 =	vmul.f32 v7, v18;
	v7 =	vshll.u32 v11, $0x10;
	v18 =	vld [tilespmem:s12+$0x3C0]  }
0xf8: {  	[tilespmem:s12+$0x360] =	vst v8;
	v8 =	vand.u32 $0xFFFF0000, v11;
	v7 =	vmul.f32 v7, v19;
	v11 =	vld [tilespmem:s12+$0x3D0]  }
0xf9: {  	[tilespmem:s12+$0x370] =	vst v6;
	v6 =	vmul.f32 v8, v17;
	v8 =	vshll.u32 v9, $0x10;
	v17 =	vld [tilespmem:s12+$0x3E0]  }
0xfa: {  	[tilespmem:s12+$0x380] =	vst v7;
	v7 =	vand.u32 $0xFFFF0000, v9;
	v8 =	vmul.f32 v8, v20;
	v9 =	vld [tilespmem:s12+$0x3F0]  }
0xfb: {  	[tilespmem:s12+$0x390] =	vst v6;
	v6 =	vmul.f32 v7, v10;
	v7 =	vshll.u32 v12, $0x10;
	v10 =	vld [tilespmem:s12+$0x400]  }
0xfc: {  	[tilespmem:s12+$0x3A0] =	vst v8;
	v8 =	vand.u32 $0xFFFF0000, v12;
	v7 =	vmul.f32 v7, v18;
	v12 =	vld [tilespmem:s12+$0x410]  }
0xfd: {  	[tilespmem:s12+$0x3B0] =	vst v6;
	v6 =	vmul.f32 v8, v11;
	v8 =	vshll.u32 v13, $0x10;
	v11 =	vld [tilespmem:s12+$0x420]  }
0xfe: {  	[tilespmem:s12+$0x3C0] =	vst v7;
	v7 =	vand.u32 $0xFFFF0000, v13;
	v8 =	vmul.f32 v8, v17;
	v13 =	vld [tilespmem:s12+$0x430]  }
0xff: {  	[tilespmem:s12+$0x3D0] =	vst v6;
	v6 =	vmul.f32 v7, v9;
	v7 =	vshll.u32 v14, $0x10;
	v9 =	vld [tilespmem:s12+$0x440]  }
0x100: {  	[tilespmem:s12+$0x3E0] =	vst v8;
	v8 =	vand.u32 $0xFFFF0000, v14;
	v7 =	vmul.f32 v7, v10;
	v10 =	vld [tilespmem:s12+$0x450]  }
0x101: {  	[tilespmem:s12+$0x3F0] =	vst v6;
	v6 =	vmul.f32 v8, v12;
	v8 =	vshll.u32 v15, $0x10;
	v12 =	vld [tilespmem:s12+$0x460]  }
0x102: {  	[tilespmem:s12+$0x400] =	vst v7;
	v7 =	vand.u32 $0xFFFF0000, v15;
	v8 =	vmul.f32 v8, v11;
	v11 =	vld [tilespmem:s12+$0x470]  }
0x103: {  	[tilespmem:s12+$0x410] =	vst v6;
	v6 =	vmul.f32 v7, v13;
	v7 =	vshll.u32 v16, $0x10;
	v13 =	vld [tilespmem:s12+$0x480]  }
.Ltmp6:
0x104: {  	v14 =	vand.u32 $0xFFFF0000, v16;
	[tilespmem:s12+$0x420] =	vst v8;
	v7 =	vmul.f32 v7, v9;
	v8 =	vld [tilespmem:s12+$0x490];
	(pc) =	sbr.rel @p3 .LBB2_7-.Ltmp6, $4  }
0x105: {  	[tilespmem:s12+$0x430] =	vst v6;
	v9 =	vmul.f32 v14, v10;
	v10 =	vshll.u32 v5, $0x10;
	v6 =	vld [tilespmem:s12+$0x4A0]  }
0x106: {  	v5 =	vand.u32 $0xFFFF0000, v5;
	[tilespmem:s12+$0x440] =	vst v7;
	v12 =	vmul.f32 v10, v12;
	v7 =	vld [tilespmem:s12+$0x4B0]  }
0x107: {  	[tilespmem:s12+$0x450] =	vst v9;
	v10 =	vmul.f32 v5, v11;
	v9 =	vshll.u32 v4, $0x10;
	v5 =	vld [tilespmem:s12+$0x4C0]  }
0x108: {  	s13 =	sadd.s32 $0x800, s13;
	v11 =	vand.u32 $0xFFFF0000, v4;
	[tilespmem:s12+$0x460] =	vst v12;
	v9 =	vmul.f32 v9, v13;
	v4 =	vld [tilespmem:s12+$0x4D0]  }
0x109: {  	[tilespmem:s12+$0x470] =	vst v10;
	v60 =	vld [tilespmem:s12+$0x4E0];
	v8 =	vmul.f32 v11, v8;
	v61 =	vshll.u32 v3, $0x10  }
0x10a: {  	v3 =	vand.u32 $0xFFFF0000, v3;
	v62 =	vld [tilespmem:s12+$0x4F0];
	[tilespmem:s12+$0x480] =	vst v9;
	v6 =	vmul.f32 v61, v6  }
0x10b: {  	v63 =	vshll.u32 v2, $0x10;
	[tilespmem:s12+$0x490] =	vst v8;
	v3 =	vmul.f32 v3, v7  }
0x10c: {  	v2 =	vand.u32 $0xFFFF0000, v2;
	[tilespmem:s12+$0x4A0] =	vst v6;
	v5 =	vmul.f32 v63, v5  }
0x10d: {  	[tilespmem:s12+$0x4B0] =	vst v3;
	v2 =	vmul.f32 v2, v4;
	v3 =	vshll.u32 v1, $0x10  }
.Ltmp7:
0x10e: {  	v1 =	vand.u32 $0xFFFF0000, v1;
	[tilespmem:s12+$0x4C0] =	vst v5;
	v3 =	vmul.f32 v3, v60;
	(pc) =	sbr.rel @!p2 .LBB2_17-.Ltmp7, $4  }
0x10f: {  	v1 =	vmul.f32 v1, v62;
	[tilespmem:s12+$0x4D0] =	vst v2  }
0x110: {  	[tilespmem:s12+$0x4E0] =	vst v3  }
0x111: {  	[tilespmem:s12+$0x4F0] =	vst v1  }
0x112: {  	[spmem:s1] =	stream.indirect.scatter.add.f32 [tilespmem:s25], [sflag:$0x5], $0x80, s20, s29, $0xb8;
	[tilespmem:$0x1DB80] =	vst v63  }
0x113: {  	p2 =	sgt.u32 s11, $0x3C  }
.Ltmp8:
0x114: {  	_ = 	snop;
	(pc) =	sbr.rel @p2 .LBB2_11-.Ltmp8, $1  }
0x115: {  	_ =	sdelay $0x3  }
0x116: {  	s12 =	smul.u32 $0xA0, s11;
	_ =	sdelay $0x1  }
0x117: {  	s13 =	sadd.s32 s12, s22  }
0x118: {  	s13 =	sshrl.u32 s13, $0x3  }
.Ltmp9:
0x119: {  	s13 =	sadd.s32 s6, s13;
	(pc) =	sbr.rel .LBB2_13-.Ltmp9, $4  }
0x11a: {  	[tilespmem:s0], [sflag:$0x2] =	stream.linear.gather [hbm4b:s13+s2], $0x50, $0x38;
	[tilespmem:$0x1DB80] =	vst v63  }
0x11b: {  	_ =	swait.ge [sflag:s23], $0x2800  }
0x11c: {  	[sflag:s23] =	ssyncset.done $0x0  }
0x11d: {  	[sflag:s23] =	ssyncadd.s32 $0xFFFFD800  }
.LBB2_11:
.Ltmp10:
0x11e: {  	(pc) =	sbr.rel @p1 .LBB2_14-.Ltmp10, $4  }
0x11f: {  	_ = 	snop  }
0x120: {  	_ =	swait.ge [sflag:s23], $0x2800  }
0x121: {  	[sflag:s23] =	ssyncset.done $0x0  }
0x122: {  	[sflag:s23] =	ssyncadd.s32 $0xFFFFD800  }
0x123: {  	s12 =	smul.u32 $0xA0, s11  }
.LBB2_13:
0x124: {  	_ =	swait.ge [sflag:s28], $0x50  }
0x125: {  	[sflag:s28] =	ssyncset.done $0x0  }
0x126: {  	[sflag:s28] =	ssyncadd.s32 $0xFFFFFFB0  }
0x127: {  	v1 =	vld [tilespmem:$0x0];
	_ =	sdelay $0x1  }
0x128: {  	v2 =	vld [tilespmem:$0x10];
	_ =	sdelay $0x1  }
0x129: {  	v3 =	vld [tilespmem:$0x20]  }
0x12a: {  	v4 =	vand.u32 $0x3FFF, v1  }
0x12b: {  	v63 =	vld [tilespmem:$0x30];
	v1 =	vshrl.u32 v1, $0xE;
	[tilespmem:$0x100] =	vst v4  }
0x12c: {  	[tilespmem:$0x200] =	vst v1;
	v1 =	vand.u32 $0x3FFF, v2  }
0x12d: {  	[tilespmem:$0x110] =	vst v1;
	v1 =	vshrl.u32 v2, $0xE;
	v2 =	vld [tilespmem:$0x40]  }
0x12e: {  	[tilespmem:$0x210] =	vst v1;
	v1 =	vand.u32 $0x3FFF, v3  }
0x12f: {  	[tilespmem:$0x120] =	vst v1;
	v1 =	vshrl.u32 v3, $0xE  }
0x130: {  	[tilespmem:$0x220] =	vst v1;
	v1 =	vand.u32 $0x3FFF, v63  }
0x131: {  	[tilespmem:$0x130] =	vst v1;
	v1 =	vshrl.u32 v63, $0xE  }
0x132: {  	[tilespmem:$0x230] =	vst v1;
	v1 =	vand.u32 $0x3FFF, v2  }
0x133: {  	s12 =	sadd.s32 s12, s21;
	[tilespmem:$0x140] =	vst v1;
	v1 =	vshrl.u32 v2, $0xE  }
0x134: {  	s12 =	sshll.u32 s12, $0x4;
	[tilespmem:$0x240] =	vst v1  }
0x135: {  	[tilespmem:s25], [sflag:$0x3] =	stream.indirect.gather [hbm4b:s4+s29], $0x80, s30, s29, $0xb8;
	[tilespmem:$0x1DB80] =	vst v63  }
0x136: {  	s12 =	sadd.s32 s5, s12  }
0x137: {  	[tilespmem:s31], [sflag:$0x3] =	stream.linear.gather [hbm4b:s12+s2], $0x2800, $0x38;
	[tilespmem:$0x1DB80] =	vst v63  }
.LBB2_14:
0x138: {  	_ =	swait.ge [sflag:s24], $0x2800  }
0x139: {  	[sflag:s24] =	ssyncset.done $0x0  }
0x13a: {  	[sflag:s24] =	ssyncadd.s32 $0xFFFFD800  }
0x13b: {  	_ =	swait.ge [sflag:s24], $0x2800  }
0x13c: {  	[sflag:s24] =	ssyncset.done $0x0  }
0x13d: {  	s12 =	simm.s32 $0x0;
	[sflag:s24] =	ssyncadd.s32 $0xFFFFD800  }
0x13e: {  	v4 =	vld [tilespmem:s12+$0x7B00]  }
0x13f: {  	v5 =	vld [tilespmem:s12+$0x7B10]  }
0x140: {  	v6 =	vld [tilespmem:s12+$0x7B20]  }
0x141: {  	v7 =	vld [tilespmem:s12+$0x7B30]  }
0x142: {  	v8 =	vld [tilespmem:s12+$0x7B80]  }
0x143: {  	v9 =	vld [tilespmem:s12+$0x7B90]  }
0x144: {  	v18 =	vld [tilespmem:s12+$0x2B10]  }
0x145: {  	v10 =	vld [tilespmem:s12+$0x7BA0]  }
0x146: {  	v11 =	vld [tilespmem:s12+$0x7BB0]  }
0x147: {  	v20 =	vld [tilespmem:s12+$0x2B30]  }
0x148: {  	v12 =	vld [tilespmem:s12+$0x7C00];
	v21 =	vshll.u32 v4, $0x10;
	v4 =	vand.u32 $0xFFFF0000, v4  }
0x149: {  	v13 =	vld [tilespmem:s12+$0x7C10];
	v4 =	vmul.f32 v4, v18  }
0x14a: {  	v50 =	vld [tilespmem:s12+$0x2B50]  }
0x14b: {  	v14 =	vld [tilespmem:s12+$0x7C20];
	[tilespmem:s12+$0x2B10] =	vst v4;
	v4 =	vand.u32 $0xFFFF0000, v5  }
0x14c: {  	v15 =	vld [tilespmem:s12+$0x7C30];
	v4 =	vmul.f32 v4, v20  }
0x14d: {  	v52 =	vld [tilespmem:s12+$0x2B70]  }
0x14e: {  	v51 =	vshll.u32 v5, $0x10;
	v5 =	vld [tilespmem:s12+$0x2B80];
	[tilespmem:s12+$0x2B30] =	vst v4;
	v4 =	vand.u32 $0xFFFF0000, v6  }
0x14f: {  	v16 =	vld [tilespmem:s12+$0x7C80];
	v4 =	vmul.f32 v4, v50  }
0x150: {  	v54 =	vld [tilespmem:s12+$0x2B90]  }
0x151: {  	v53 =	vshll.u32 v6, $0x10;
	v6 =	vld [tilespmem:s12+$0x2BA0];
	[tilespmem:s12+$0x2B50] =	vst v4;
	v4 =	vand.u32 $0xFFFF0000, v7  }
0x152: {  	v3 =	vld [tilespmem:s12+$0x7C90];
	v57 =	vshll.u32 v8, $0x10;
	v4 =	vmul.f32 v4, v52  }
0x153: {  	v56 =	vld [tilespmem:s12+$0x2BB0];
	v5 =	vmul.f32 v57, v5  }
0x154: {  	v55 =	vshll.u32 v7, $0x10;
	v7 =	vld [tilespmem:s12+$0x2BC0];
	[tilespmem:s12+$0x2B70] =	vst v4;
	v4 =	vand.u32 $0xFFFF0000, v8  }
0x155: {  	v2 =	vld [tilespmem:s12+$0x7CA0];
	[tilespmem:s12+$0x2B80] =	vst v5;
	v5 =	vshll.u32 v9, $0x10;
	v4 =	vmul.f32 v4, v54  }
0x156: {  	v58 =	vld [tilespmem:s12+$0x2BD0];
	v5 =	vmul.f32 v5, v6  }
0x157: {  	v8 =	vld [tilespmem:s12+$0x2BE0];
	[tilespmem:s12+$0x2B90] =	vst v4;
	v4 =	vand.u32 $0xFFFF0000, v9  }
0x158: {  	v1 =	vld [tilespmem:s12+$0x7CB0];
	[tilespmem:s12+$0x2BA0] =	vst v5;
	v5 =	vshll.u32 v10, $0x10;
	v4 =	vmul.f32 v4, v56  }
0x159: {  	v59 =	vld [tilespmem:s12+$0x2BF0];
	v5 =	vmul.f32 v5, v7  }
0x15a: {  	v6 =	vld [tilespmem:s12+$0x2C00];
	[tilespmem:s12+$0x2BB0] =	vst v4;
	v4 =	vand.u32 $0xFFFF0000, v10  }
0x15b: {  	v17 =	vld [tilespmem:s12+$0x2B00];
	[tilespmem:s12+$0x2BC0] =	vst v5;
	v5 =	vshll.u32 v11, $0x10;
	v4 =	vmul.f32 v4, v58  }
0x15c: {  	v9 =	vld [tilespmem:s12+$0x2C10];
	v5 =	vmul.f32 v5, v8  }
0x15d: {  	v7 =	vld [tilespmem:s12+$0x2C20];
	[tilespmem:s12+$0x2BD0] =	vst v4;
	v4 =	vand.u32 $0xFFFF0000, v11  }
0x15e: {  	v19 =	vld [tilespmem:s12+$0x2B20];
	[tilespmem:s12+$0x2BE0] =	vst v5;
	v5 =	vshll.u32 v12, $0x10;
	v4 =	vmul.f32 v4, v59  }
0x15f: {  	v10 =	vld [tilespmem:s12+$0x2C30];
	v5 =	vmul.f32 v5, v6  }
0x160: {  	v17 =	vmul.f32 v21, v17;
	v11 =	vld [tilespmem:s12+$0x2C40];
	[tilespmem:s12+$0x2BF0] =	vst v4;
	v4 =	vand.u32 $0xFFFF0000, v12  }
0x161: {  	v22 =	vld [tilespmem:s12+$0x2B40];
	[tilespmem:s12+$0x2C00] =	vst v5;
	v5 =	vshll.u32 v13, $0x10;
	v4 =	vmul.f32 v4, v9  }
0x162: {  	v60 =	vld [tilespmem:s12+$0x2C50];
	[tilespmem:s12+$0x2B00] =	vst v17;
	v5 =	vmul.f32 v5, v7  }
0x163: {  	v61 =	vld [tilespmem:s12+$0x2C60];
	v17 =	vmul.f32 v51, v19;
	[tilespmem:s12+$0x2C10] =	vst v4;
	v4 =	vand.u32 $0xFFFF0000, v13  }
0x164: {  	v23 =	vld [tilespmem:s12+$0x2B60];
	[tilespmem:s12+$0x2C20] =	vst v5;
	v5 =	vshll.u32 v14, $0x10;
	v4 =	vmul.f32 v4, v10  }
0x165: {  	[tilespmem:s12+$0x2B20] =	vst v17;
	v9 =	vld [tilespmem:s12+$0x2C70];
	v5 =	vmul.f32 v5, v11  }
0x166: {  	v62 =	vld [tilespmem:s12+$0x2C80];
	v17 =	vmul.f32 v53, v22;
	[tilespmem:s12+$0x2C30] =	vst v4;
	v4 =	vand.u32 $0xFFFF0000, v14  }
0x167: {  	v8 =	vld [tilespmem:s12+$0x2C90];
	[tilespmem:s12+$0x2C40] =	vst v5;
	v5 =	vshll.u32 v15, $0x10;
	v4 =	vmul.f32 v4, v60  }
0x168: {  	[tilespmem:s12+$0x2B40] =	vst v17;
	v6 =	vld [tilespmem:s12+$0x2CA0];
	v10 =	vmul.f32 v5, v61  }
0x169: {  	v17 =	vmul.f32 v55, v23;
	v7 =	vld [tilespmem:s12+$0x2CB0];
	[tilespmem:s12+$0x2C50] =	vst v4;
	v4 =	vand.u32 $0xFFFF0000, v15  }
0x16a: {  	v63 =	vshll.u32 v16, $0x10;
	v5 =	vld [tilespmem:s12+$0x2CC0];
	[tilespmem:s12+$0x2C60] =	vst v10;
	v10 =	vmul.f32 v4, v9  }
0x16b: {  	s13 =	simm.s32 $0x800;
	[tilespmem:s12+$0x2B60] =	vst v17;
	v11 =	vand.u32 $0xFFFF0000, v16;
	v9 =	vmul.f32 v63, v62;
	v4 =	vld [tilespmem:s12+$0x2CD0]  }
.LBB2_15:
0x16c: {  	p1 =	sne.s32 s13, $0x9800;
	[tilespmem:s12+$0x2C70] =	vst v10;
	v8 =	vmul.f32 v11, v8;
	v10 =	vshll.u32 v3, $0x10;
	v11 =	vld [tilespmem:s12+$0x2CE0]  }
0x16d: {  	s14 =	sshra.s32 s13, $0x2;
	v3 =	vand.u32 $0xFFFF0000, v3;
	[tilespmem:s12+$0x2C80] =	vst v9;
	v6 =	vmul.f32 v10, v6;
	v9 =	vld [tilespmem:s12+$0x2CF0]  }
0x16e: {  	v10 =	vld [tilespmem:s14+$0x7B00];
	[tilespmem:s12+$0x2C90] =	vst v8;
	v3 =	vmul.f32 v3, v7;
	v7 =	vshll.u32 v2, $0x10  }
0x16f: {  	v2 =	vand.u32 $0xFFFF0000, v2;
	v8 =	vld [tilespmem:s14+$0x7B10];
	[tilespmem:s12+$0x2CA0] =	vst v6;
	v5 =	vmul.f32 v7, v5  }
0x170: {  	v6 =	vld [tilespmem:s14+$0x7B20];
	[tilespmem:s12+$0x2CB0] =	vst v3;
	v2 =	vmul.f32 v2, v4;
	v3 =	vshll.u32 v1, $0x10  }
0x171: {  	v1 =	vand.u32 $0xFFFF0000, v1;
	v7 =	vld [tilespmem:s14+$0x7B30];
	[tilespmem:s12+$0x2CC0] =	vst v5;
	v3 =	vmul.f32 v3, v11  }
0x172: {  	v11 =	vld [tilespmem:s14+$0x7B80];
	[tilespmem:s12+$0x2CD0] =	vst v2;
	v1 =	vmul.f32 v1, v9  }
0x173: {  	v9 =	vld [tilespmem:s14+$0x7B90];
	[tilespmem:s12+$0x2CE0] =	vst v3  }
0x174: {  	v12 =	vld [tilespmem:s14+$0x7BA0];
	[tilespmem:s12+$0x2CF0] =	vst v1;
	s12 =	smov.u32 s14  }
0x175: {  	v13 =	vld [tilespmem:s12+$0x7BB0]  }
0x176: {  	v14 =	vld [tilespmem:s12+$0x7C00]  }
0x177: {  	v15 =	vld [tilespmem:s12+$0x7C10]  }
0x178: {  	v16 =	vld [tilespmem:s12+$0x7C20]  }
0x179: {  	v5 =	vld [tilespmem:s12+$0x7C30]  }
0x17a: {  	v4 =	vld [tilespmem:s12+$0x7C80]  }
0x17b: {  	v3 =	vld [tilespmem:s12+$0x7C90]  }
0x17c: {  	v2 =	vld [tilespmem:s12+$0x7CA0]  }
0x17d: {  	v1 =	vld [tilespmem:s12+$0x7CB0]  }
0x17e: {  	v17 =	vld [tilespmem:s12+$0x2B00]  }
0x17f: {  	v18 =	vld [tilespmem:s12+$0x2B10]  }
0x180: {  	v19 =	vld [tilespmem:s12+$0x2B20]  }
0x181: {  	v20 =	vld [tilespmem:s12+$0x2B30]  }
0x182: {  	v21 =	vshll.u32 v10, $0x10;
	v22 =	vld [tilespmem:s12+$0x2B40]  }
0x183: {  	v10 =	vand.u32 $0xFFFF0000, v10;
	v17 =	vmul.f32 v21, v17;
	v21 =	vld [tilespmem:s12+$0x2B50]  }
0x184: {  	v10 =	vmul.f32 v10, v18;
	v18 =	vshll.u32 v8, $0x10;
	v23 =	vld [tilespmem:s12+$0x2B60]  }
0x185: {  	v8 =	vand.u32 $0xFFFF0000, v8;
	[tilespmem:s12+$0x2B00] =	vst v17;
	v17 =	vmul.f32 v18, v19;
	v18 =	vld [tilespmem:s12+$0x2B70]  }
0x186: {  	[tilespmem:s12+$0x2B10] =	vst v10;
	v8 =	vmul.f32 v8, v20;
	v10 =	vshll.u32 v6, $0x10;
	v19 =	vld [tilespmem:s12+$0x2B80]  }
0x187: {  	v6 =	vand.u32 $0xFFFF0000, v6;
	[tilespmem:s12+$0x2B20] =	vst v17;
	v10 =	vmul.f32 v10, v22;
	v17 =	vld [tilespmem:s12+$0x2B90]  }
0x188: {  	[tilespmem:s12+$0x2B30] =	vst v8;
	v6 =	vmul.f32 v6, v21;
	v8 =	vshll.u32 v7, $0x10;
	v20 =	vld [tilespmem:s12+$0x2BA0]  }
0x189: {  	v7 =	vand.u32 $0xFFFF0000, v7;
	[tilespmem:s12+$0x2B40] =	vst v10;
	v8 =	vmul.f32 v8, v23;
	v10 =	vld [tilespmem:s12+$0x2BB0]  }
0x18a: {  	[tilespmem:s12+$0x2B50] =	vst v6;
	v6 =	vmul.f32 v7, v18;
	v7 =	vshll.u32 v11, $0x10;
	v18 =	vld [tilespmem:s12+$0x2BC0]  }
0x18b: {  	[tilespmem:s12+$0x2B60] =	vst v8;
	v8 =	vand.u32 $0xFFFF0000, v11;
	v7 =	vmul.f32 v7, v19;
	v11 =	vld [tilespmem:s12+$0x2BD0]  }
0x18c: {  	[tilespmem:s12+$0x2B70] =	vst v6;
	v6 =	vmul.f32 v8, v17;
	v8 =	vshll.u32 v9, $0x10;
	v17 =	vld [tilespmem:s12+$0x2BE0]  }
0x18d: {  	[tilespmem:s12+$0x2B80] =	vst v7;
	v7 =	vand.u32 $0xFFFF0000, v9;
	v8 =	vmul.f32 v8, v20;
	v9 =	vld [tilespmem:s12+$0x2BF0]  }
0x18e: {  	[tilespmem:s12+$0x2B90] =	vst v6;
	v6 =	vmul.f32 v7, v10;
	v7 =	vshll.u32 v12, $0x10;
	v10 =	vld [tilespmem:s12+$0x2C00]  }
0x18f: {  	[tilespmem:s12+$0x2BA0] =	vst v8;
	v8 =	vand.u32 $0xFFFF0000, v12;
	v7 =	vmul.f32 v7, v18;
	v12 =	vld [tilespmem:s12+$0x2C10]  }
0x190: {  	[tilespmem:s12+$0x2BB0] =	vst v6;
	v6 =	vmul.f32 v8, v11;
	v8 =	vshll.u32 v13, $0x10;
	v11 =	vld [tilespmem:s12+$0x2C20]  }
0x191: {  	[tilespmem:s12+$0x2BC0] =	vst v7;
	v7 =	vand.u32 $0xFFFF0000, v13;
	v8 =	vmul.f32 v8, v17;
	v13 =	vld [tilespmem:s12+$0x2C30]  }
0x192: {  	[tilespmem:s12+$0x2BD0] =	vst v6;
	v6 =	vmul.f32 v7, v9;
	v7 =	vshll.u32 v14, $0x10;
	v9 =	vld [tilespmem:s12+$0x2C40]  }
0x193: {  	[tilespmem:s12+$0x2BE0] =	vst v8;
	v8 =	vand.u32 $0xFFFF0000, v14;
	v7 =	vmul.f32 v7, v10;
	v10 =	vld [tilespmem:s12+$0x2C50]  }
0x194: {  	[tilespmem:s12+$0x2BF0] =	vst v6;
	v6 =	vmul.f32 v8, v12;
	v8 =	vshll.u32 v15, $0x10;
	v12 =	vld [tilespmem:s12+$0x2C60]  }
0x195: {  	[tilespmem:s12+$0x2C00] =	vst v7;
	v7 =	vand.u32 $0xFFFF0000, v15;
	v8 =	vmul.f32 v8, v11;
	v11 =	vld [tilespmem:s12+$0x2C70]  }
0x196: {  	[tilespmem:s12+$0x2C10] =	vst v6;
	v6 =	vmul.f32 v7, v13;
	v7 =	vshll.u32 v16, $0x10;
	v13 =	vld [tilespmem:s12+$0x2C80]  }
.Ltmp11:
0x197: {  	v14 =	vand.u32 $0xFFFF0000, v16;
	[tilespmem:s12+$0x2C20] =	vst v8;
	v7 =	vmul.f32 v7, v9;
	v8 =	vld [tilespmem:s12+$0x2C90];
	(pc) =	sbr.rel @p1 .LBB2_15-.Ltmp11, $4  }
0x198: {  	[tilespmem:s12+$0x2C30] =	vst v6;
	v9 =	vmul.f32 v14, v10;
	v10 =	vshll.u32 v5, $0x10;
	v6 =	vld [tilespmem:s12+$0x2CA0]  }
0x199: {  	v5 =	vand.u32 $0xFFFF0000, v5;
	[tilespmem:s12+$0x2C40] =	vst v7;
	v12 =	vmul.f32 v10, v12;
	v7 =	vld [tilespmem:s12+$0x2CB0]  }
0x19a: {  	[tilespmem:s12+$0x2C50] =	vst v9;
	v10 =	vmul.f32 v5, v11;
	v9 =	vshll.u32 v4, $0x10;
	v5 =	vld [tilespmem:s12+$0x2CC0]  }
0x19b: {  	s13 =	sadd.s32 $0x800, s13;
	v11 =	vand.u32 $0xFFFF0000, v4;
	[tilespmem:s12+$0x2C60] =	vst v12;
	v9 =	vmul.f32 v9, v13;
	v4 =	vld [tilespmem:s12+$0x2CD0]  }
0x19c: {  	[tilespmem:s12+$0x2C70] =	vst v10;
	v60 =	vld [tilespmem:s12+$0x2CE0];
	v8 =	vmul.f32 v11, v8;
	v61 =	vshll.u32 v3, $0x10  }
0x19d: {  	v3 =	vand.u32 $0xFFFF0000, v3;
	v62 =	vld [tilespmem:s12+$0x2CF0];
	[tilespmem:s12+$0x2C80] =	vst v9;
	v6 =	vmul.f32 v61, v6  }
0x19e: {  	v63 =	vshll.u32 v2, $0x10;
	[tilespmem:s12+$0x2C90] =	vst v8;
	v3 =	vmul.f32 v3, v7  }
0x19f: {  	v2 =	vand.u32 $0xFFFF0000, v2;
	[tilespmem:s12+$0x2CA0] =	vst v6;
	v5 =	vmul.f32 v63, v5  }
0x1a0: {  	[tilespmem:s12+$0x2CB0] =	vst v3;
	v2 =	vmul.f32 v2, v4;
	v3 =	vshll.u32 v1, $0x10  }
.Ltmp12:
0x1a1: {  	v1 =	vand.u32 $0xFFFF0000, v1;
	[tilespmem:s12+$0x2CC0] =	vst v5;
	v3 =	vmul.f32 v3, v60;
	(pc) =	sbr.rel .LBB2_17-.Ltmp12, $4  }
0x1a2: {  	v1 =	vmul.f32 v1, v62;
	[tilespmem:s12+$0x2CD0] =	vst v2  }
0x1a3: {  	[tilespmem:s12+$0x2CE0] =	vst v3  }
0x1a4: {  	[tilespmem:s12+$0x2CF0] =	vst v1  }
0x1a5: {  	[spmem:s1] =	stream.indirect.scatter.add.f32 [tilespmem:s10], [sflag:$0x6], $0x80, s16, s29, $0xb8;
	[tilespmem:$0x1DB80] =	vst v63  }
.LBB2_19:
0x1a6: {  	_ =	sfence.sel $0x180000  }
0x1a7: {  	[bflag:$0x0] =	sbarrier.arrive $0xFFFF  }
0x1a8: {  	_ =	strace $0x90000047  }
0x1a9: {  	s0 =	stileid.u32;
	[bflag:$0x2] =	sbarrier.arrive $0xFFFF  }
0x1aa: {  	p0 =	sne.s32 s0, $0x0;
	s0 =	rddreg [dreg:$0x2]  }
0x1ab: {  	s0 =	sadd.s32 @!p0 $0x100000, s0  }
0x1ac: {  	[sflag:s0] =	ssyncadd.tile.s32 @!p0 $0x1;
	_ =	shalt  }
.Lfunc_end2:
_tile_overlayer_lowered:
.L_overlay_start_2:
0x1ad: {  	(tag) =	ssettag $0x2  }
0x1ae: {  	s0 =	rddreg [dreg:$0x0];
	s2 =	stileid.u32  }
0x1af: {  	s1 =	rddreg [dreg:$0x1];
	p0 =	sne.s32 s2, $0x0  }
0x1b0: {  	s3 =	rddreg [dreg:$0x2];
	[bflag:$0x3] =	sbarrier.arrive $0xFFFF;
	s2 =	simm.s32 @!p0 $0x1C07  }
0x1b1: {  	[timem:s3], [sflag:s2] =	dma.local @!p0 [hbm:s0], s1  }
0x1b2: {  	s0 =	simm.s32 @!p0 $0x7  }
0x1b3: {  	_ =	swait.ge @!p0 [sflag:s0], s1  }
0x1b4: {  	s1 =	ssub.s32 @!p0 $0x0, s1;
	[sflag:s0] =	ssyncset.done @!p0 $0x0  }
0x1b5: {  	[sflag:s0] =	ssyncadd.s32 @!p0 s1  }
0x1b6: {  	[bflag:$0x3] =	sbarrier.arrive $0xFFFF  }
0x1b7: {  	_ =	shalt  }

</sc_bundles>
